<compile_context>
chip_gen: v7x
topology: tpu7x:2x2x1
jax: 0.10.2.dev20260603
libtpu: 0.0.44.dev20260713+nightly
codegen_flags: <defaults>
</compile_context>

<pallas_src>
import jax
import jax.numpy as jnp
from jax import lax
from jax.experimental import pallas as pl
from jax.experimental.pallas import tpu as pltpu
from jax.experimental.pallas import tpu_sc as plsc

N_NODES = 10000
D = 128
DH = D // 2

NC = 2
NS = 16

LANES = 128
G_TOTAL = 2560
G0_PER_TILE = 80
G1_PER_TILE = 80
G_STAGE = 80
NBUF = 8

N_PAD = 10240
ROWS_PER_TILE = N_PAD // NS
WB_CHUNKS = ROWS_PER_TILE // LANES
IDX_ROWS = NS * G0_PER_TILE + (NS - 1) * G1_PER_TILE + G_STAGE


def _mm1_body(x_ref, w_ref, olo_ref, ohi_ref):
    r = jnp.dot(x_ref[...], w_ref[...], preferred_element_type=jnp.float32)
    olo_ref[...] = r[:, :DH]
    ohi_ref[...] = r[:, DH:]


def _mm1(x, W):
    BM = 400
    return pl.pallas_call(
        _mm1_body,
        grid=(N_NODES // BM,),
        in_specs=[
            pl.BlockSpec((BM, D), lambda i: (i, 0)),
            pl.BlockSpec((D, D), lambda i: (0, 0)),
        ],
        out_specs=[
            pl.BlockSpec((BM, DH), lambda i: (i, 0)),
            pl.BlockSpec((BM, DH), lambda i: (i, 0)),
        ],
        out_shape=[
            jax.ShapeDtypeStruct((N_NODES, DH), jnp.float32),
            jax.ShapeDtypeStruct((N_NODES, DH), jnp.float32),
        ],
    )(x, W)


def _mm2_body(p0lo_ref, p1lo_ref, p0hi_ref, p1hi_ref, b_ref, w_ref,
              olo_ref, ohi_ref):
    h = jnp.concatenate(
        [p0lo_ref[...] + p1lo_ref[...], p0hi_ref[...] + p1hi_ref[...]],
        axis=1)
    h = jnp.maximum(h + b_ref[...], 0.0)
    r = jnp.dot(h, w_ref[...], preferred_element_type=jnp.float32)
    olo_ref[...] = r[:, :DH]
    ohi_ref[...] = r[:, DH:]


def _mm2(plo, phi, b, W):
    BM = 512
    nblk = N_PAD // BM
    return pl.pallas_call(
        _mm2_body,
        grid=(nblk,),
        in_specs=[
            pl.BlockSpec((BM, DH), lambda i: (i, 0)),
            pl.BlockSpec((BM, DH), lambda i: (i + nblk, 0)),
            pl.BlockSpec((BM, DH), lambda i: (i, 0)),
            pl.BlockSpec((BM, DH), lambda i: (i + nblk, 0)),
            pl.BlockSpec((1, D), lambda i: (0, 0)),
            pl.BlockSpec((D, D), lambda i: (0, 0)),
        ],
        out_specs=[
            pl.BlockSpec((BM, DH), lambda i: (i, 0)),
            pl.BlockSpec((BM, DH), lambda i: (i, 0)),
        ],
        out_shape=[
            jax.ShapeDtypeStruct((N_PAD, DH), jnp.float32),
            jax.ShapeDtypeStruct((N_PAD, DH), jnp.float32),
        ],
    )(plo, plo, phi, phi, b.reshape(1, D), W)


def _final_body(q0lo_ref, q1lo_ref, q0hi_ref, q1hi_ref, b_ref, o_ref):
    o_ref[...] = jnp.concatenate(
        [q0lo_ref[...] + q1lo_ref[...], q0hi_ref[...] + q1hi_ref[...]],
        axis=1) + b_ref[...]


def _final(qlo, qhi, b):
    BM = 80
    return pl.pallas_call(
        _final_body,
        grid=(N_NODES // BM,),
        in_specs=[
            pl.BlockSpec((BM, DH), lambda i: (i, 0)),
            pl.BlockSpec((BM, DH), lambda i: (i + N_PAD // BM, 0)),
            pl.BlockSpec((BM, DH), lambda i: (i, 0)),
            pl.BlockSpec((BM, DH), lambda i: (i + N_PAD // BM, 0)),
            pl.BlockSpec((1, D), lambda i: (0, 0)),
        ],
        out_specs=pl.BlockSpec((BM, D), lambda i: (i, 0)),
        out_shape=jax.ShapeDtypeStruct((N_NODES, D), jnp.float32),
    )(qlo, qlo, qhi, qhi, b.reshape(1, D))


def _sc_agg_body(suplo_hbm, suphi_hbm, src_hbm, dst_hbm,
                 outlo_hbm, outhi_hbm,
                 src_v, dst_v,
                 rows0, rows1, rows2, rows3, rows4, rows5, rows6, rows7,
                 acc_sh,
                 sem0, sem1, sem2, sem3, sem4, sem5, sem6, sem7):
    cid = lax.axis_index("c")
    sid = lax.axis_index("s")
    bufs = [(rows0, sem0), (rows1, sem1), (rows2, sem2), (rows3, sem3),
            (rows4, sem4), (rows5, sem5), (rows6, sem6), (rows7, sem7)]
    row0 = sid * ROWS_PER_TILE
    out_base = cid * N_PAD + row0

    gbase = jnp.where(cid == 0, sid * G0_PER_TILE,
                      NS * G0_PER_TILE + sid * G1_PER_TILE)
    n_rounds = jnp.where(cid == 0, G0_PER_TILE // NBUF,
                         G1_PER_TILE // NBUF)
    n_groups = n_rounds * NBUF

    with jax.named_scope("ph_stage"):
        pltpu.sync_copy(src_hbm.at[pl.ds(gbase, G_STAGE)], src_v)
        pltpu.sync_copy(dst_hbm.at[pl.ds(gbase, G_STAGE)], dst_v)

    zero16 = jnp.zeros((16,), jnp.float32)

    for hf, (sup_hbm, out_hbm) in enumerate(
            ((suplo_hbm, outlo_hbm), (suphi_hbm, outhi_hbm))):
        with jax.named_scope(f"ph_fill{hf}"):
            def _zrow(r, carry):
                def _zcol(c, carry2):
                    rows0[r, pl.ds(c * 16, 16)] = zero16
                    return carry2
                return lax.fori_loop(0, DH // 16, _zcol, carry)

            lax.fori_loop(0, LANES, _zrow, 0)

        with jax.named_scope(f"ph_zero{hf}"):
            def _zcp(m, carry):
                pltpu.sync_copy(rows0,
                                acc_sh.at[pl.ds(row0 + m * LANES, LANES)])
                return carry

            lax.fori_loop(0, WB_CHUNKS, _zcp, 0)
            plsc.subcore_barrier()

        with jax.named_scope(f"ph_edges{hf}"):
            @pl.when(n_groups > 0)
            def _(sup_hbm=sup_hbm):
                for j, (rb, sb) in enumerate(bufs):
                    pltpu.async_copy(sup_hbm.at[src_v.at[j]], rb, sb)

            def _round(t, carry):
                g0 = t * NBUF
                for j, (rb, sb) in enumerate(bufs):
                    g = g0 + j
                    pltpu.make_async_copy(sup_hbm.at[src_v.at[g]], rb,
                                          sb).wait()
                    pltpu.sync_copy(rb, acc_sh.at[dst_v.at[g]], add=True)

                    @pl.when(g + NBUF < n_groups)
                    def _(rb=rb, sb=sb, g=g, sup_hbm=sup_hbm):
                        pltpu.async_copy(sup_hbm.at[src_v.at[g + NBUF]],
                                         rb, sb)
                return carry

            lax.fori_loop(0, n_rounds, _round, 0)
            plsc.subcore_barrier()

        with jax.named_scope(f"ph_wb{hf}"):
            def _wb(m, carry):
                pltpu.sync_copy(acc_sh.at[pl.ds(row0 + m * LANES, LANES)],
                                rows0)
                pltpu.sync_copy(
                    rows0, out_hbm.at[pl.ds(out_base + m * LANES, LANES)])
                return carry

            lax.fori_loop(0, WB_CHUNKS, _wb, 0)
            plsc.subcore_barrier()


def _sc_agg(sup_lo, sup_hi, src2d, dst2d):
    mesh = plsc.VectorSubcoreMesh(core_axis_name="c", subcore_axis_name="s",
                                  num_cores=NC, num_subcores=NS)
    kern = pl.kernel(
        _sc_agg_body,
        out_type=[
            jax.ShapeDtypeStruct((NC * N_PAD, DH), jnp.float32),
            jax.ShapeDtypeStruct((NC * N_PAD, DH), jnp.float32),
        ],
        mesh=mesh,
        compiler_params=pltpu.CompilerParams(use_tc_tiling_on_sc=False),
        scratch_types=(
            [pltpu.VMEM((G_STAGE, LANES), jnp.int32)] * 2
            + [pltpu.VMEM((LANES, DH), jnp.float32)] * NBUF
            + [pltpu.VMEM_SHARED((N_PAD, DH), jnp.float32)]
            + [pltpu.SemaphoreType.DMA] * NBUF
        ),
    )
    return kern(sup_lo, sup_hi, src2d, dst2d)


def kernel(x, adj, W1, b1, W2, b2):
    src = adj[0].astype(jnp.int32)
    dst = adj[1].astype(jnp.int32)
    n_edges = src.shape[0]
    pad = IDX_ROWS * LANES - n_edges
    pad_idx = jnp.arange(pad, dtype=jnp.int32)
    src_p = jnp.concatenate(
        [src, pad_idx % N_NODES]).reshape(IDX_ROWS, LANES)
    dst_p = jnp.concatenate(
        [dst, N_NODES + pad_idx % (N_PAD - N_NODES)]).reshape(
            IDX_ROWS, LANES)

    s1lo, s1hi = _mm1(x, W1)
    p1lo, p1hi = _sc_agg(s1lo, s1hi, src_p, dst_p)
    s2lo, s2hi = _mm2(p1lo, p1hi, b1, W2)
    p2lo, p2hi = _sc_agg(s2lo, s2hi, src_p, dst_p)
    return _final(p2lo, p2hi, b2)

# --- scband reference (transcript-rebuilt; emitter-appended) ---
"""Pipeline reference for scband-gcn-40690520162672 (READ-ONLY COPY).

The authoritative reference and input builder live on the scoring server;
editing this copy changes nothing except your own understanding.
"""

import jax, jax.numpy as jnp
import numpy as np

N_NODES = 10000
N_EDGES = 320000
D_IN = 128
D_HID = 128
D_OUT = 128


def setup_inputs(seed: int = 0) -> dict:
    key = jax.random.key(seed)
    k1, k2, k3, k4, k5, k6 = jax.random.split(key, 6)
    x = jax.random.normal(k1, (N_NODES, D_IN), dtype=jnp.float32)
    adj = jax.random.randint(k2, (2, N_EDGES), 0, N_NODES, dtype=jnp.int64)
    # GraphConvolution params (Kipf-style): W [in, out], b [out]
    W1 = jax.random.normal(k3, (D_IN, D_HID), dtype=jnp.float32) * (1.0 / np.sqrt(D_IN))
    b1 = jax.random.normal(k4, (D_HID,), dtype=jnp.float32) * 0.01
    W2 = jax.random.normal(k5, (D_HID, D_OUT), dtype=jnp.float32) * (1.0 / np.sqrt(D_HID))
    b2 = jax.random.normal(k6, (D_OUT,), dtype=jnp.float32) * 0.01
    return {"x": x, "adj": adj, "W1": W1, "b1": b1, "W2": W2, "b2": b2}


def _graph_conv(h, adj, W, b):
    # support = h @ W ; out = A @ support + b, with A given as edge list (src, dst)
    support = h @ W
    src = adj[0]
    dst = adj[1]
    gathered = jnp.take(support, src, axis=0)  # gather per-edge source features
    agg = jax.ops.segment_sum(gathered, dst, num_segments=N_NODES)  # scatter-add to dst
    return agg + b


def reference(x, adj, W1, b1, W2, b2):
    h = _graph_conv(x, adj, W1, b1)
    h = jax.nn.relu(h)
    # dropout is identity in eval mode (training=False)
    out = _graph_conv(h, adj, W2, b2)
    return out

if __name__ == "__main__":
    import jax
    _d = setup_inputs()
    print(jax.jit(kernel)(*tuple(_d.values())))

</pallas_src>

<mosaic_0001>
#map = affine_map<(d0, d1) -> (0, 0)>
module attributes {stable_mosaic.version = 14 : i64} {
  func.func @_sc_agg_body(%arg0: i32, %arg1: i32, %arg2: memref<10240x64xf32, #tpu.memory_space<hbm>>, %arg3: memref<10240x64xf32, #tpu.memory_space<hbm>>, %arg4: memref<2560x128xi32, #tpu.memory_space<hbm>>, %arg5: memref<2560x128xi32, #tpu.memory_space<hbm>>, %arg6: memref<20480x64xf32, #tpu.memory_space<hbm>>, %arg7: memref<20480x64xf32, #tpu.memory_space<hbm>>, %arg8: memref<80x128xi32, #tpu.memory_space<vmem>>, %arg9: memref<80x128xi32, #tpu.memory_space<vmem>>, %arg10: memref<128x64xf32, #tpu.memory_space<vmem>>, %arg11: memref<128x64xf32, #tpu.memory_space<vmem>>, %arg12: memref<128x64xf32, #tpu.memory_space<vmem>>, %arg13: memref<128x64xf32, #tpu.memory_space<vmem>>, %arg14: memref<128x64xf32, #tpu.memory_space<vmem>>, %arg15: memref<128x64xf32, #tpu.memory_space<vmem>>, %arg16: memref<128x64xf32, #tpu.memory_space<vmem>>, %arg17: memref<128x64xf32, #tpu.memory_space<vmem>>, %arg18: memref<10240x64xf32, #tpu.memory_space<vmem_shared>>, %arg19: memref<!tpu.dma_semaphore, #tpu.memory_space<semaphore_mem>>, %arg20: memref<!tpu.dma_semaphore, #tpu.memory_space<semaphore_mem>>, %arg21: memref<!tpu.dma_semaphore, #tpu.memory_space<semaphore_mem>>, %arg22: memref<!tpu.dma_semaphore, #tpu.memory_space<semaphore_mem>>, %arg23: memref<!tpu.dma_semaphore, #tpu.memory_space<semaphore_mem>>, %arg24: memref<!tpu.dma_semaphore, #tpu.memory_space<semaphore_mem>>, %arg25: memref<!tpu.dma_semaphore, #tpu.memory_space<semaphore_mem>>, %arg26: memref<!tpu.dma_semaphore, #tpu.memory_space<semaphore_mem>>) attributes {dimension_semantics = [#tpu.dimension_semantics<core_parallel>, #tpu.dimension_semantics<subcore_parallel>], iteration_bounds = array<i64: 2, 16>, scalar_prefetch = 0 : i64, scratch_operands = 19 : i64, tpu.core_type = #tpu.core_type<sc_vector_subcore>, window_params = [{transform_indices = #map}, {transform_indices = #map}, {transform_indices = #map}, {transform_indices = #map}, {transform_indices = #map}, {transform_indices = #map}]} {
    %mul3A = arith.constant 640 : i32
    %mul3A_0 = arith.muli %arg1, %mul3A : i32
    %mul3A_1 = arith.constant 10240 : i32
    %mul3A_2 = arith.muli %arg0, %mul3A_1 : i32
    %add3A = arith.addi %mul3A_2, %mul3A_0 : i32
    %eq3A = arith.constant 0 : i32
    %eq3A_3 = arith.cmpi eq, %arg0, %eq3A : i32
    %mul3A_4 = arith.constant 80 : i32
    %mul3A_5 = arith.muli %arg1, %mul3A_4 : i32
    %mul3A_6 = arith.constant 80 : i32
    %mul3A_7 = arith.muli %arg1, %mul3A_6 : i32
    %add3A_8 = arith.constant 1280 : i32
    %add3A_9 = arith.addi %add3A_8, %mul3A_7 : i32
    %select_n3A = arith.select %eq3A_3, %mul3A_5, %add3A_9 : i32
    %eq3A_10 = arith.constant 0 : i32
    %eq3A_11 = arith.cmpi eq, %arg0, %eq3A_10 : i32
    %jit3A = arith.constant 10 : i32
    %jit3A_12 = arith.constant 10 : i32
    %select_n3A_13 = arith.select %eq3A_11, %jit3A, %jit3A_12 : i32
    %mul3A_14 = arith.constant 8 : i32
    %mul3A_15 = arith.muli %select_n3A_13, %mul3A_14 : i32
    "tpu.trace_start"() <{level = 10 : i32, message = "ph_stage"}> : () -> ()
    "tpu.region"() ({
      %run_scoped3A = tpu.sem_alloc : memref<!tpu.dma_semaphore, #tpu.memory_space<semaphore_mem>>
      %dma_start3A = arith.constant 0 : i32
      %dma_start3A_83 = tpu.memref_slice %arg4[%select_n3A, %dma_start3A] : memref<2560x128xi32, #tpu.memory_space<hbm>> -> memref<80x128xi32, #tpu.memory_space<hbm>>
      %dma_start3A_84 = arith.constant 0 : i32
      %dma_start3A_85 = tpu.memref_slice %arg4[%select_n3A, %dma_start3A_84] : memref<2560x128xi32, #tpu.memory_space<hbm>> -> memref<80x128xi32, #tpu.memory_space<hbm>>
      tpu.enqueue_dma source(%dma_start3A_85 : memref<80x128xi32, #tpu.memory_space<hbm>>) target(%arg8 : memref<80x128xi32, #tpu.memory_space<vmem>>) target_semaphore(%run_scoped3A : memref<!tpu.dma_semaphore, #tpu.memory_space<semaphore_mem>>)
      %dma_wait3A = arith.constant 0 : i32
      %dma_wait3A_86 = tpu.memref_slice %arg4[%select_n3A, %dma_wait3A] : memref<2560x128xi32, #tpu.memory_space<hbm>> -> memref<80x128xi32, #tpu.memory_space<hbm>>
      %dma_wait3A_87 = arith.constant 0 : i32
      %dma_wait3A_88 = tpu.memref_slice %arg4[%select_n3A, %dma_wait3A_87] : memref<2560x128xi32, #tpu.memory_space<hbm>> -> memref<80x128xi32, #tpu.memory_space<hbm>>
      tpu.wait_dma2 semaphore(%run_scoped3A : memref<!tpu.dma_semaphore, #tpu.memory_space<semaphore_mem>>) src(%dma_wait3A_88 : memref<80x128xi32, #tpu.memory_space<hbm>>) dst(%arg8 : memref<80x128xi32, #tpu.memory_space<vmem>>)
      tpu.yield
    }) : () -> ()
    "tpu.region"() ({
      %run_scoped3A = tpu.sem_alloc : memref<!tpu.dma_semaphore, #tpu.memory_space<semaphore_mem>>
      %dma_start3A = arith.constant 0 : i32
      %dma_start3A_83 = tpu.memref_slice %arg5[%select_n3A, %dma_start3A] : memref<2560x128xi32, #tpu.memory_space<hbm>> -> memref<80x128xi32, #tpu.memory_space<hbm>>
      %dma_start3A_84 = arith.constant 0 : i32
      %dma_start3A_85 = tpu.memref_slice %arg5[%select_n3A, %dma_start3A_84] : memref<2560x128xi32, #tpu.memory_space<hbm>> -> memref<80x128xi32, #tpu.memory_space<hbm>>
      tpu.enqueue_dma source(%dma_start3A_85 : memref<80x128xi32, #tpu.memory_space<hbm>>) target(%arg9 : memref<80x128xi32, #tpu.memory_space<vmem>>) target_semaphore(%run_scoped3A : memref<!tpu.dma_semaphore, #tpu.memory_space<semaphore_mem>>)
      %dma_wait3A = arith.constant 0 : i32
      %dma_wait3A_86 = tpu.memref_slice %arg5[%select_n3A, %dma_wait3A] : memref<2560x128xi32, #tpu.memory_space<hbm>> -> memref<80x128xi32, #tpu.memory_space<hbm>>
      %dma_wait3A_87 = arith.constant 0 : i32
      %dma_wait3A_88 = tpu.memref_slice %arg5[%select_n3A, %dma_wait3A_87] : memref<2560x128xi32, #tpu.memory_space<hbm>> -> memref<80x128xi32, #tpu.memory_space<hbm>>
      tpu.wait_dma2 semaphore(%run_scoped3A : memref<!tpu.dma_semaphore, #tpu.memory_space<semaphore_mem>>) src(%dma_wait3A_88 : memref<80x128xi32, #tpu.memory_space<hbm>>) dst(%arg9 : memref<80x128xi32, #tpu.memory_space<vmem>>)
      tpu.yield
    }) : () -> ()
    %broadcast_in_dim3A = arith.constant 0.000000e+00 : f32
    "tpu.trace_stop"() : () -> ()
    %broadcast_in_dim3A_16 = vector.broadcast %broadcast_in_dim3A : f32 to vector<16xf32>
    "tpu.trace_start"() <{level = 10 : i32, message = "ph_fill0"}> : () -> ()
    %scan3A = arith.constant 0 : i32
    %scan3A_17 = arith.constant 0 : i32
    %scan3A_18 = arith.constant 128 : i32
    %scan3A_19 = arith.addi %scan3A_17, %scan3A_18 : i32
    %scan3A_20 = arith.constant 1 : i32
    scf.for %scan3A_83 = %scan3A_17 to %scan3A_19 step %scan3A_20  : i32 {
      %scan3A_84 = arith.constant 0 : i32
      %scan3A_85 = arith.constant 4 : i32
      %scan3A_86 = arith.addi %scan3A_84, %scan3A_85 : i32
      %scan3A_87 = arith.constant 1 : i32
      scf.for %scan3A_89 = %scan3A_84 to %scan3A_86 step %scan3A_87  : i32 {
        %mul3A_90 = arith.constant 16 : i32
        %mul3A_91 = arith.muli %scan3A_89, %mul3A_90 : i32
        %swap3A = arith.index_cast %scan3A_83 : i32 to index
        %swap3A_92 = arith.index_cast %mul3A_91 : i32 to index
        %swap3A_93 = tpu.vector_load %arg10[%swap3A, %swap3A_92] {strides = array<i32>} : memref<128x64xf32, #tpu.memory_space<vmem>>, vector<1x16xf32>,
        %swap3A_94 = vector.shape_cast %swap3A_93 : vector<1x16xf32> to vector<16xf32>
        %swap3A_95 = vector.shape_cast %broadcast_in_dim3A_16 : vector<16xf32> to vector<1x16xf32>
        tpu.vector_store %arg10[%swap3A, %swap3A_92], %swap3A_95 {strides = array<i32>} : memref<128x64xf32, #tpu.memory_space<vmem>>, vector<1x16xf32>,
      }
      %scan3A_88 = arith.constant 4 : i32
    }
    %scan3A_21 = arith.constant 128 : i32
    "tpu.trace_stop"() : () -> ()
    "tpu.trace_start"() <{level = 10 : i32, message = "ph_zero0"}> : () -> ()
    %scan3A_22 = arith.constant 0 : i32
    %scan3A_23 = arith.constant 0 : i32
    %scan3A_24 = arith.constant 5 : i32
    %scan3A_25 = arith.addi %scan3A_23, %scan3A_24 : i32
    %scan3A_26 = arith.constant 1 : i32
    scf.for %scan3A_83 = %scan3A_23 to %scan3A_25 step %scan3A_26  : i32 {
      %mul3A_84 = arith.constant 128 : i32
      %mul3A_85 = arith.muli %scan3A_83, %mul3A_84 : i32
      %add3A_86 = arith.addi %mul3A_0, %mul3A_85 : i32
      "tpu.region"() ({
        %run_scoped3A = tpu.sem_alloc : memref<!tpu.dma_semaphore, #tpu.memory_space<semaphore_mem>>
        %dma_start3A = arith.constant 0 : i32
        %dma_start3A_87 = tpu.memref_slice %arg18[%add3A_86, %dma_start3A] : memref<10240x64xf32, #tpu.memory_space<vmem_shared>> -> memref<128x64xf32, #tpu.memory_space<vmem_shared>>
        %dma_start3A_88 = arith.constant 0 : i32
        %dma_start3A_89 = tpu.memref_slice %arg18[%add3A_86, %dma_start3A_88] : memref<10240x64xf32, #tpu.memory_space<vmem_shared>> -> memref<128x64xf32, #tpu.memory_space<vmem_shared>>
        tpu.enqueue_dma source(%arg10 : memref<128x64xf32, #tpu.memory_space<vmem>>) target(%dma_start3A_89 : memref<128x64xf32, #tpu.memory_space<vmem_shared>>) target_semaphore(%run_scoped3A : memref<!tpu.dma_semaphore, #tpu.memory_space<semaphore_mem>>)
        %dma_wait3A = arith.constant 0 : i32
        %dma_wait3A_90 = tpu.memref_slice %arg18[%add3A_86, %dma_wait3A] : memref<10240x64xf32, #tpu.memory_space<vmem_shared>> -> memref<128x64xf32, #tpu.memory_space<vmem_shared>>
        %dma_wait3A_91 = arith.constant 0 : i32
        %dma_wait3A_92 = tpu.memref_slice %arg18[%add3A_86, %dma_wait3A_91] : memref<10240x64xf32, #tpu.memory_space<vmem_shared>> -> memref<128x64xf32, #tpu.memory_space<vmem_shared>>
        tpu.wait_dma2 semaphore(%run_scoped3A : memref<!tpu.dma_semaphore, #tpu.memory_space<semaphore_mem>>) src(%arg10 : memref<128x64xf32, #tpu.memory_space<vmem>>) dst(%dma_wait3A_92 : memref<128x64xf32, #tpu.memory_space<vmem_shared>>)
        tpu.yield
      }) : () -> ()
    }
    %scan3A_27 = arith.constant 5 : i32
    %barrier3A = arith.constant 0 : index
    tpu.barrier barrier_id(%barrier3A)
    %gt3A = arith.constant 0 : i32
    "tpu.trace_stop"() : () -> ()
    "tpu.trace_start"() <{level = 10 : i32, message = "ph_edges0"}> : () -> ()
    %gt3A_28 = arith.cmpi sgt, %mul3A_15, %gt3A : i32
    %convert_element_type3A = arith.extui %gt3A_28 : i1 to i32
    %cond3A = arith.constant 0 : i32
    %cond3A_29 = arith.cmpi ne, %convert_element_type3A, %cond3A : i32
    scf.if %cond3A_29 {
      %dma_start3A = arith.constant 0 : i32
      %dma_start3A_83 = arith.constant 0 : i32
      %dma_start3A_84 = tpu.memref_slice %arg8[%dma_start3A, %dma_start3A_83] : memref<80x128xi32, #tpu.memory_space<vmem>> -> memref<1x128xi32, #tpu.memory_space<vmem>>
      %dma_start3A_85 = tpu.memref_squeeze %dma_start3A_84 : memref<1x128xi32, #tpu.memory_space<vmem>> -> memref<128xi32, #tpu.memory_space<vmem>>
      %dma_start3A_86 = arith.constant 0 : i32
      %dma_start3A_87 = arith.constant 0 : i32
      %dma_start3A_88 = tpu.memref_slice %arg2[%dma_start3A_86, %dma_start3A_87] : memref<10240x64xf32, #tpu.memory_space<hbm>> -> memref<10240x64xf32, #tpu.memory_space<hbm>>
      tpu.enqueue_indirect_dma source(%dma_start3A_88 : memref<10240x64xf32, #tpu.memory_space<hbm>>) target(%arg10 : memref<128x64xf32, #tpu.memory_space<vmem>>) offsets(%dma_start3A_85 : memref<128xi32, #tpu.memory_space<vmem>>) semaphore(%arg19 : memref<!tpu.dma_semaphore, #tpu.memory_space<semaphore_mem>>)
      %dma_start3A_89 = arith.constant 1 : i32
      %dma_start3A_90 = arith.constant 0 : i32
      %dma_start3A_91 = tpu.memref_slice %arg8[%dma_start3A_89, %dma_start3A_90] : memref<80x128xi32, #tpu.memory_space<vmem>> -> memref<1x128xi32, #tpu.memory_space<vmem>>
      %dma_start3A_92 = tpu.memref_squeeze %dma_start3A_91 : memref<1x128xi32, #tpu.memory_space<vmem>> -> memref<128xi32, #tpu.memory_space<vmem>>
      %dma_start3A_93 = arith.constant 0 : i32
      %dma_start3A_94 = arith.constant 0 : i32
      %dma_start3A_95 = tpu.memref_slice %arg2[%dma_start3A_93, %dma_start3A_94] : memref<10240x64xf32, #tpu.memory_space<hbm>> -> memref<10240x64xf32, #tpu.memory_space<hbm>>
      tpu.enqueue_indirect_dma source(%dma_start3A_95 : memref<10240x64xf32, #tpu.memory_space<hbm>>) target(%arg11 : memref<128x64xf32, #tpu.memory_space<vmem>>) offsets(%dma_start3A_92 : memref<128xi32, #tpu.memory_space<vmem>>) semaphore(%arg20 : memref<!tpu.dma_semaphore, #tpu.memory_space<semaphore_mem>>)
      %dma_start3A_96 = arith.constant 2 : i32
      %dma_start3A_97 = arith.constant 0 : i32
      %dma_start3A_98 = tpu.memref_slice %arg8[%dma_start3A_96, %dma_start3A_97] : memref<80x128xi32, #tpu.memory_space<vmem>> -> memref<1x128xi32, #tpu.memory_space<vmem>>
      %dma_start3A_99 = tpu.memref_squeeze %dma_start3A_98 : memref<1x128xi32, #tpu.memory_space<vmem>> -> memref<128xi32, #tpu.memory_space<vmem>>
      %dma_start3A_100 = arith.constant 0 : i32
      %dma_start3A_101 = arith.constant 0 : i32
      %dma_start3A_102 = tpu.memref_slice %arg2[%dma_start3A_100, %dma_start3A_101] : memref<10240x64xf32, #tpu.memory_space<hbm>> -> memref<10240x64xf32, #tpu.memory_space<hbm>>
      tpu.enqueue_indirect_dma source(%dma_start3A_102 : memref<10240x64xf32, #tpu.memory_space<hbm>>) target(%arg12 : memref<128x64xf32, #tpu.memory_space<vmem>>) offsets(%dma_start3A_99 : memref<128xi32, #tpu.memory_space<vmem>>) semaphore(%arg21 : memref<!tpu.dma_semaphore, #tpu.memory_space<semaphore_mem>>)
      %dma_start3A_103 = arith.constant 3 : i32
      %dma_start3A_104 = arith.constant 0 : i32
      %dma_start3A_105 = tpu.memref_slice %arg8[%dma_start3A_103, %dma_start3A_104] : memref<80x128xi32, #tpu.memory_space<vmem>> -> memref<1x128xi32, #tpu.memory_space<vmem>>
      %dma_start3A_106 = tpu.memref_squeeze %dma_start3A_105 : memref<1x128xi32, #tpu.memory_space<vmem>> -> memref<128xi32, #tpu.memory_space<vmem>>
      %dma_start3A_107 = arith.constant 0 : i32
      %dma_start3A_108 = arith.constant 0 : i32
      %dma_start3A_109 = tpu.memref_slice %arg2[%dma_start3A_107, %dma_start3A_108] : memref<10240x64xf32, #tpu.memory_space<hbm>> -> memref<10240x64xf32, #tpu.memory_space<hbm>>
      tpu.enqueue_indirect_dma source(%dma_start3A_109 : memref<10240x64xf32, #tpu.memory_space<hbm>>) target(%arg13 : memref<128x64xf32, #tpu.memory_space<vmem>>) offsets(%dma_start3A_106 : memref<128xi32, #tpu.memory_space<vmem>>) semaphore(%arg22 : memref<!tpu.dma_semaphore, #tpu.memory_space<semaphore_mem>>)
      %dma_start3A_110 = arith.constant 4 : i32
      %dma_start3A_111 = arith.constant 0 : i32
      %dma_start3A_112 = tpu.memref_slice %arg8[%dma_start3A_110, %dma_start3A_111] : memref<80x128xi32, #tpu.memory_space<vmem>> -> memref<1x128xi32, #tpu.memory_space<vmem>>
      %dma_start3A_113 = tpu.memref_squeeze %dma_start3A_112 : memref<1x128xi32, #tpu.memory_space<vmem>> -> memref<128xi32, #tpu.memory_space<vmem>>
      %dma_start3A_114 = arith.constant 0 : i32
      %dma_start3A_115 = arith.constant 0 : i32
      %dma_start3A_116 = tpu.memref_slice %arg2[%dma_start3A_114, %dma_start3A_115] : memref<10240x64xf32, #tpu.memory_space<hbm>> -> memref<10240x64xf32, #tpu.memory_space<hbm>>
      tpu.enqueue_indirect_dma source(%dma_start3A_116 : memref<10240x64xf32, #tpu.memory_space<hbm>>) target(%arg14 : memref<128x64xf32, #tpu.memory_space<vmem>>) offsets(%dma_start3A_113 : memref<128xi32, #tpu.memory_space<vmem>>) semaphore(%arg23 : memref<!tpu.dma_semaphore, #tpu.memory_space<semaphore_mem>>)
      %dma_start3A_117 = arith.constant 5 : i32
      %dma_start3A_118 = arith.constant 0 : i32
      %dma_start3A_119 = tpu.memref_slice %arg8[%dma_start3A_117, %dma_start3A_118] : memref<80x128xi32, #tpu.memory_space<vmem>> -> memref<1x128xi32, #tpu.memory_space<vmem>>
      %dma_start3A_120 = tpu.memref_squeeze %dma_start3A_119 : memref<1x128xi32, #tpu.memory_space<vmem>> -> memref<128xi32, #tpu.memory_space<vmem>>
      %dma_start3A_121 = arith.constant 0 : i32
      %dma_start3A_122 = arith.constant 0 : i32
      %dma_start3A_123 = tpu.memref_slice %arg2[%dma_start3A_121, %dma_start3A_122] : memref<10240x64xf32, #tpu.memory_space<hbm>> -> memref<10240x64xf32, #tpu.memory_space<hbm>>
      tpu.enqueue_indirect_dma source(%dma_start3A_123 : memref<10240x64xf32, #tpu.memory_space<hbm>>) target(%arg15 : memref<128x64xf32, #tpu.memory_space<vmem>>) offsets(%dma_start3A_120 : memref<128xi32, #tpu.memory_space<vmem>>) semaphore(%arg24 : memref<!tpu.dma_semaphore, #tpu.memory_space<semaphore_mem>>)
      %dma_start3A_124 = arith.constant 6 : i32
      %dma_start3A_125 = arith.constant 0 : i32
      %dma_start3A_126 = tpu.memref_slice %arg8[%dma_start3A_124, %dma_start3A_125] : memref<80x128xi32, #tpu.memory_space<vmem>> -> memref<1x128xi32, #tpu.memory_space<vmem>>
      %dma_start3A_127 = tpu.memref_squeeze %dma_start3A_126 : memref<1x128xi32, #tpu.memory_space<vmem>> -> memref<128xi32, #tpu.memory_space<vmem>>
      %dma_start3A_128 = arith.constant 0 : i32
      %dma_start3A_129 = arith.constant 0 : i32
      %dma_start3A_130 = tpu.memref_slice %arg2[%dma_start3A_128, %dma_start3A_129] : memref<10240x64xf32, #tpu.memory_space<hbm>> -> memref<10240x64xf32, #tpu.memory_space<hbm>>
      tpu.enqueue_indirect_dma source(%dma_start3A_130 : memref<10240x64xf32, #tpu.memory_space<hbm>>) target(%arg16 : memref<128x64xf32, #tpu.memory_space<vmem>>) offsets(%dma_start3A_127 : memref<128xi32, #tpu.memory_space<vmem>>) semaphore(%arg25 : memref<!tpu.dma_semaphore, #tpu.memory_space<semaphore_mem>>)
      %dma_start3A_131 = arith.constant 7 : i32
      %dma_start3A_132 = arith.constant 0 : i32
      %dma_start3A_133 = tpu.memref_slice %arg8[%dma_start3A_131, %dma_start3A_132] : memref<80x128xi32, #tpu.memory_space<vmem>> -> memref<1x128xi32, #tpu.memory_space<vmem>>
      %dma_start3A_134 = tpu.memref_squeeze %dma_start3A_133 : memref<1x128xi32, #tpu.memory_space<vmem>> -> memref<128xi32, #tpu.memory_space<vmem>>
      %dma_start3A_135 = arith.constant 0 : i32
      %dma_start3A_136 = arith.constant 0 : i32
      %dma_start3A_137 = tpu.memref_slice %arg2[%dma_start3A_135, %dma_start3A_136] : memref<10240x64xf32, #tpu.memory_space<hbm>> -> memref<10240x64xf32, #tpu.memory_space<hbm>>
      tpu.enqueue_indirect_dma source(%dma_start3A_137 : memref<10240x64xf32, #tpu.memory_space<hbm>>) target(%arg17 : memref<128x64xf32, #tpu.memory_space<vmem>>) offsets(%dma_start3A_134 : memref<128xi32, #tpu.memory_space<vmem>>) semaphore(%arg26 : memref<!tpu.dma_semaphore, #tpu.memory_space<semaphore_mem>>)
    } else {
    }
    %while3A = arith.constant 0 : i32
    %while3A_30 = arith.constant 0 : i32
    %while3A_31 = arith.subi %select_n3A_13, %while3A_30 : i32
    %while3A_32 = arith.addi %while3A_30, %while3A_31 : i32
    %while3A_33 = arith.constant 1 : i32
    %while3A_34 = arith.divsi %while3A_31, %while3A_33 : i32
    %while3A_35 = arith.muli %while3A_34, %while3A_33 : i32
    %while3A_36 = arith.addi %while3A_30, %while3A_35 : i32
    %while3A_37 = arith.constant 1 : i32
    scf.for %while3A_83 = %while3A_30 to %while3A_36 step %while3A_37  : i32 {
      %mul3A_84 = arith.constant 8 : i32
      %mul3A_85 = arith.muli %while3A_83, %mul3A_84 : i32
      %add3A_86 = arith.constant 0 : i32
      %add3A_87 = arith.addi %mul3A_85, %add3A_86 : i32
      %dma_wait3A = arith.constant 0 : i32
      %dma_wait3A_88 = tpu.memref_slice %arg8[%add3A_87, %dma_wait3A] : memref<80x128xi32, #tpu.memory_space<vmem>> -> memref<1x128xi32, #tpu.memory_space<vmem>>
      %dma_wait3A_89 = tpu.memref_squeeze %dma_wait3A_88 : memref<1x128xi32, #tpu.memory_space<vmem>> -> memref<128xi32, #tpu.memory_space<vmem>>
      %dma_wait3A_90 = arith.constant 0 : i32
      %dma_wait3A_91 = arith.constant 0 : i32
      %dma_wait3A_92 = tpu.memref_slice %arg2[%dma_wait3A_90, %dma_wait3A_91] : memref<10240x64xf32, #tpu.memory_space<hbm>> -> memref<10240x64xf32, #tpu.memory_space<hbm>>
      tpu.wait_indirect_dma semaphore(%arg19 : memref<!tpu.dma_semaphore, #tpu.memory_space<semaphore_mem>>) src(%dma_wait3A_92 : memref<10240x64xf32, #tpu.memory_space<hbm>>) dst(%arg10 : memref<128x64xf32, #tpu.memory_space<vmem>>)
      "tpu.region"() ({
        %run_scoped3A = tpu.sem_alloc : memref<!tpu.dma_semaphore, #tpu.memory_space<semaphore_mem>>
        %dma_start3A = arith.constant 0 : i32
        %dma_start3A_196 = tpu.memref_slice %arg9[%add3A_87, %dma_start3A] : memref<80x128xi32, #tpu.memory_space<vmem>> -> memref<1x128xi32, #tpu.memory_space<vmem>>
        %dma_start3A_197 = tpu.memref_squeeze %dma_start3A_196 : memref<1x128xi32, #tpu.memory_space<vmem>> -> memref<128xi32, #tpu.memory_space<vmem>>
        %dma_start3A_198 = arith.constant 0 : i32
        %dma_start3A_199 = arith.constant 0 : i32
        %dma_start3A_200 = tpu.memref_slice %arg18[%dma_start3A_198, %dma_start3A_199] : memref<10240x64xf32, #tpu.memory_space<vmem_shared>> -> memref<10240x64xf32, #tpu.memory_space<vmem_shared>>
        tpu.enqueue_indirect_dma source(%arg10 : memref<128x64xf32, #tpu.memory_space<vmem>>) target(%dma_start3A_200 : memref<10240x64xf32, #tpu.memory_space<vmem_shared>>) offsets(%dma_start3A_197 : memref<128xi32, #tpu.memory_space<vmem>>) semaphore(%run_scoped3A : memref<!tpu.dma_semaphore, #tpu.memory_space<semaphore_mem>>) {add = true}
        %dma_wait3A_201 = arith.constant 0 : i32
        %dma_wait3A_202 = tpu.memref_slice %arg9[%add3A_87, %dma_wait3A_201] : memref<80x128xi32, #tpu.memory_space<vmem>> -> memref<1x128xi32, #tpu.memory_space<vmem>>
        %dma_wait3A_203 = tpu.memref_squeeze %dma_wait3A_202 : memref<1x128xi32, #tpu.memory_space<vmem>> -> memref<128xi32, #tpu.memory_space<vmem>>
        %dma_wait3A_204 = arith.constant 0 : i32
        %dma_wait3A_205 = arith.constant 0 : i32
        %dma_wait3A_206 = tpu.memref_slice %arg18[%dma_wait3A_204, %dma_wait3A_205] : memref<10240x64xf32, #tpu.memory_space<vmem_shared>> -> memref<10240x64xf32, #tpu.memory_space<vmem_shared>>
        tpu.wait_indirect_dma semaphore(%run_scoped3A : memref<!tpu.dma_semaphore, #tpu.memory_space<semaphore_mem>>) src(%arg10 : memref<128x64xf32, #tpu.memory_space<vmem>>) dst(%dma_wait3A_206 : memref<10240x64xf32, #tpu.memory_space<vmem_shared>>)
        tpu.yield
      }) : () -> ()
      %add3A_93 = arith.constant 8 : i32
      %add3A_94 = arith.addi %add3A_87, %add3A_93 : i32
      %lt3A = arith.cmpi slt, %add3A_94, %mul3A_15 : i32
      %convert_element_type3A_95 = arith.extui %lt3A : i1 to i32
      %cond3A_96 = arith.constant 0 : i32
      %cond3A_97 = arith.cmpi ne, %convert_element_type3A_95, %cond3A_96 : i32
      scf.if %cond3A_97 {
        %add3A_196 = arith.constant 8 : i32
        %add3A_197 = arith.addi %add3A_87, %add3A_196 : i32
        %dma_start3A = arith.constant 0 : i32
        %dma_start3A_198 = tpu.memref_slice %arg8[%add3A_197, %dma_start3A] : memref<80x128xi32, #tpu.memory_space<vmem>> -> memref<1x128xi32, #tpu.memory_space<vmem>>
        %dma_start3A_199 = tpu.memref_squeeze %dma_start3A_198 : memref<1x128xi32, #tpu.memory_space<vmem>> -> memref<128xi32, #tpu.memory_space<vmem>>
        %dma_start3A_200 = arith.constant 0 : i32
        %dma_start3A_201 = arith.constant 0 : i32
        %dma_start3A_202 = tpu.memref_slice %arg2[%dma_start3A_200, %dma_start3A_201] : memref<10240x64xf32, #tpu.memory_space<hbm>> -> memref<10240x64xf32, #tpu.memory_space<hbm>>
        tpu.enqueue_indirect_dma source(%dma_start3A_202 : memref<10240x64xf32, #tpu.memory_space<hbm>>) target(%arg10 : memref<128x64xf32, #tpu.memory_space<vmem>>) offsets(%dma_start3A_199 : memref<128xi32, #tpu.memory_space<vmem>>) semaphore(%arg19 : memref<!tpu.dma_semaphore, #tpu.memory_space<semaphore_mem>>)
      } else {
      }
      %add3A_98 = arith.constant 1 : i32
      %add3A_99 = arith.addi %mul3A_85, %add3A_98 : i32
      %dma_wait3A_100 = arith.constant 0 : i32
      %dma_wait3A_101 = tpu.memref_slice %arg8[%add3A_99, %dma_wait3A_100] : memref<80x128xi32, #tpu.memory_space<vmem>> -> memref<1x128xi32, #tpu.memory_space<vmem>>
      %dma_wait3A_102 = tpu.memref_squeeze %dma_wait3A_101 : memref<1x128xi32, #tpu.memory_space<vmem>> -> memref<128xi32, #tpu.memory_space<vmem>>
      %dma_wait3A_103 = arith.constant 0 : i32
      %dma_wait3A_104 = arith.constant 0 : i32
      %dma_wait3A_105 = tpu.memref_slice %arg2[%dma_wait3A_103, %dma_wait3A_104] : memref<10240x64xf32, #tpu.memory_space<hbm>> -> memref<10240x64xf32, #tpu.memory_space<hbm>>
      tpu.wait_indirect_dma semaphore(%arg20 : memref<!tpu.dma_semaphore, #tpu.memory_space<semaphore_mem>>) src(%dma_wait3A_105 : memref<10240x64xf32, #tpu.memory_space<hbm>>) dst(%arg11 : memref<128x64xf32, #tpu.memory_space<vmem>>)
      "tpu.region"() ({
        %run_scoped3A = tpu.sem_alloc : memref<!tpu.dma_semaphore, #tpu.memory_space<semaphore_mem>>
        %dma_start3A = arith.constant 0 : i32
        %dma_start3A_196 = tpu.memref_slice %arg9[%add3A_99, %dma_start3A] : memref<80x128xi32, #tpu.memory_space<vmem>> -> memref<1x128xi32, #tpu.memory_space<vmem>>
        %dma_start3A_197 = tpu.memref_squeeze %dma_start3A_196 : memref<1x128xi32, #tpu.memory_space<vmem>> -> memref<128xi32, #tpu.memory_space<vmem>>
        %dma_start3A_198 = arith.constant 0 : i32
        %dma_start3A_199 = arith.constant 0 : i32
        %dma_start3A_200 = tpu.memref_slice %arg18[%dma_start3A_198, %dma_start3A_199] : memref<10240x64xf32, #tpu.memory_space<vmem_shared>> -> memref<10240x64xf32, #tpu.memory_space<vmem_shared>>
        tpu.enqueue_indirect_dma source(%arg11 : memref<128x64xf32, #tpu.memory_space<vmem>>) target(%dma_start3A_200 : memref<10240x64xf32, #tpu.memory_space<vmem_shared>>) offsets(%dma_start3A_197 : memref<128xi32, #tpu.memory_space<vmem>>) semaphore(%run_scoped3A : memref<!tpu.dma_semaphore, #tpu.memory_space<semaphore_mem>>) {add = true}
        %dma_wait3A_201 = arith.constant 0 : i32
        %dma_wait3A_202 = tpu.memref_slice %arg9[%add3A_99, %dma_wait3A_201] : memref<80x128xi32, #tpu.memory_space<vmem>> -> memref<1x128xi32, #tpu.memory_space<vmem>>
        %dma_wait3A_203 = tpu.memref_squeeze %dma_wait3A_202 : memref<1x128xi32, #tpu.memory_space<vmem>> -> memref<128xi32, #tpu.memory_space<vmem>>
        %dma_wait3A_204 = arith.constant 0 : i32
        %dma_wait3A_205 = arith.constant 0 : i32
        %dma_wait3A_206 = tpu.memref_slice %arg18[%dma_wait3A_204, %dma_wait3A_205] : memref<10240x64xf32, #tpu.memory_space<vmem_shared>> -> memref<10240x64xf32, #tpu.memory_space<vmem_shared>>
        tpu.wait_indirect_dma semaphore(%run_scoped3A : memref<!tpu.dma_semaphore, #tpu.memory_space<semaphore_mem>>) src(%arg11 : memref<128x64xf32, #tpu.memory_space<vmem>>) dst(%dma_wait3A_206 : memref<10240x64xf32, #tpu.memory_space<vmem_shared>>)
        tpu.yield
      }) : () -> ()
      %add3A_106 = arith.constant 8 : i32
      %add3A_107 = arith.addi %add3A_99, %add3A_106 : i32
      %lt3A_108 = arith.cmpi slt, %add3A_107, %mul3A_15 : i32
      %convert_element_type3A_109 = arith.extui %lt3A_108 : i1 to i32
      %cond3A_110 = arith.constant 0 : i32
      %cond3A_111 = arith.cmpi ne, %convert_element_type3A_109, %cond3A_110 : i32
      scf.if %cond3A_111 {
        %add3A_196 = arith.constant 8 : i32
        %add3A_197 = arith.addi %add3A_99, %add3A_196 : i32
        %dma_start3A = arith.constant 0 : i32
        %dma_start3A_198 = tpu.memref_slice %arg8[%add3A_197, %dma_start3A] : memref<80x128xi32, #tpu.memory_space<vmem>> -> memref<1x128xi32, #tpu.memory_space<vmem>>
        %dma_start3A_199 = tpu.memref_squeeze %dma_start3A_198 : memref<1x128xi32, #tpu.memory_space<vmem>> -> memref<128xi32, #tpu.memory_space<vmem>>
        %dma_start3A_200 = arith.constant 0 : i32
        %dma_start3A_201 = arith.constant 0 : i32
        %dma_start3A_202 = tpu.memref_slice %arg2[%dma_start3A_200, %dma_start3A_201] : memref<10240x64xf32, #tpu.memory_space<hbm>> -> memref<10240x64xf32, #tpu.memory_space<hbm>>
        tpu.enqueue_indirect_dma source(%dma_start3A_202 : memref<10240x64xf32, #tpu.memory_space<hbm>>) target(%arg11 : memref<128x64xf32, #tpu.memory_space<vmem>>) offsets(%dma_start3A_199 : memref<128xi32, #tpu.memory_space<vmem>>) semaphore(%arg20 : memref<!tpu.dma_semaphore, #tpu.memory_space<semaphore_mem>>)
      } else {
      }
      %add3A_112 = arith.constant 2 : i32
      %add3A_113 = arith.addi %mul3A_85, %add3A_112 : i32
      %dma_wait3A_114 = arith.constant 0 : i32
      %dma_wait3A_115 = tpu.memref_slice %arg8[%add3A_113, %dma_wait3A_114] : memref<80x128xi32, #tpu.memory_space<vmem>> -> memref<1x128xi32, #tpu.memory_space<vmem>>
      %dma_wait3A_116 = tpu.memref_squeeze %dma_wait3A_115 : memref<1x128xi32, #tpu.memory_space<vmem>> -> memref<128xi32, #tpu.memory_space<vmem>>
      %dma_wait3A_117 = arith.constant 0 : i32
      %dma_wait3A_118 = arith.constant 0 : i32
      %dma_wait3A_119 = tpu.memref_slice %arg2[%dma_wait3A_117, %dma_wait3A_118] : memref<10240x64xf32, #tpu.memory_space<hbm>> -> memref<10240x64xf32, #tpu.memory_space<hbm>>
      tpu.wait_indirect_dma semaphore(%arg21 : memref<!tpu.dma_semaphore, #tpu.memory_space<semaphore_mem>>) src(%dma_wait3A_119 : memref<10240x64xf32, #tpu.memory_space<hbm>>) dst(%arg12 : memref<128x64xf32, #tpu.memory_space<vmem>>)
      "tpu.region"() ({
        %run_scoped3A = tpu.sem_alloc : memref<!tpu.dma_semaphore, #tpu.memory_space<semaphore_mem>>
        %dma_start3A = arith.constant 0 : i32
        %dma_start3A_196 = tpu.memref_slice %arg9[%add3A_113, %dma_start3A] : memref<80x128xi32, #tpu.memory_space<vmem>> -> memref<1x128xi32, #tpu.memory_space<vmem>>
        %dma_start3A_197 = tpu.memref_squeeze %dma_start3A_196 : memref<1x128xi32, #tpu.memory_space<vmem>> -> memref<128xi32, #tpu.memory_space<vmem>>
        %dma_start3A_198 = arith.constant 0 : i32
        %dma_start3A_199 = arith.constant 0 : i32
        %dma_start3A_200 = tpu.memref_slice %arg18[%dma_start3A_198, %dma_start3A_199] : memref<10240x64xf32, #tpu.memory_space<vmem_shared>> -> memref<10240x64xf32, #tpu.memory_space<vmem_shared>>
        tpu.enqueue_indirect_dma source(%arg12 : memref<128x64xf32, #tpu.memory_space<vmem>>) target(%dma_start3A_200 : memref<10240x64xf32, #tpu.memory_space<vmem_shared>>) offsets(%dma_start3A_197 : memref<128xi32, #tpu.memory_space<vmem>>) semaphore(%run_scoped3A : memref<!tpu.dma_semaphore, #tpu.memory_space<semaphore_mem>>) {add = true}
        %dma_wait3A_201 = arith.constant 0 : i32
        %dma_wait3A_202 = tpu.memref_slice %arg9[%add3A_113, %dma_wait3A_201] : memref<80x128xi32, #tpu.memory_space<vmem>> -> memref<1x128xi32, #tpu.memory_space<vmem>>
        %dma_wait3A_203 = tpu.memref_squeeze %dma_wait3A_202 : memref<1x128xi32, #tpu.memory_space<vmem>> -> memref<128xi32, #tpu.memory_space<vmem>>
        %dma_wait3A_204 = arith.constant 0 : i32
        %dma_wait3A_205 = arith.constant 0 : i32
        %dma_wait3A_206 = tpu.memref_slice %arg18[%dma_wait3A_204, %dma_wait3A_205] : memref<10240x64xf32, #tpu.memory_space<vmem_shared>> -> memref<10240x64xf32, #tpu.memory_space<vmem_shared>>
        tpu.wait_indirect_dma semaphore(%run_scoped3A : memref<!tpu.dma_semaphore, #tpu.memory_space<semaphore_mem>>) src(%arg12 : memref<128x64xf32, #tpu.memory_space<vmem>>) dst(%dma_wait3A_206 : memref<10240x64xf32, #tpu.memory_space<vmem_shared>>)
        tpu.yield
      }) : () -> ()
      %add3A_120 = arith.constant 8 : i32
      %add3A_121 = arith.addi %add3A_113, %add3A_120 : i32
      %lt3A_122 = arith.cmpi slt, %add3A_121, %mul3A_15 : i32
      %convert_element_type3A_123 = arith.extui %lt3A_122 : i1 to i32
      %cond3A_124 = arith.constant 0 : i32
      %cond3A_125 = arith.cmpi ne, %convert_element_type3A_123, %cond3A_124 : i32
      scf.if %cond3A_125 {
        %add3A_196 = arith.constant 8 : i32
        %add3A_197 = arith.addi %add3A_113, %add3A_196 : i32
        %dma_start3A = arith.constant 0 : i32
        %dma_start3A_198 = tpu.memref_slice %arg8[%add3A_197, %dma_start3A] : memref<80x128xi32, #tpu.memory_space<vmem>> -> memref<1x128xi32, #tpu.memory_space<vmem>>
        %dma_start3A_199 = tpu.memref_squeeze %dma_start3A_198 : memref<1x128xi32, #tpu.memory_space<vmem>> -> memref<128xi32, #tpu.memory_space<vmem>>
        %dma_start3A_200 = arith.constant 0 : i32
        %dma_start3A_201 = arith.constant 0 : i32
        %dma_start3A_202 = tpu.memref_slice %arg2[%dma_start3A_200, %dma_start3A_201] : memref<10240x64xf32, #tpu.memory_space<hbm>> -> memref<10240x64xf32, #tpu.memory_space<hbm>>
        tpu.enqueue_indirect_dma source(%dma_start3A_202 : memref<10240x64xf32, #tpu.memory_space<hbm>>) target(%arg12 : memref<128x64xf32, #tpu.memory_space<vmem>>) offsets(%dma_start3A_199 : memref<128xi32, #tpu.memory_space<vmem>>) semaphore(%arg21 : memref<!tpu.dma_semaphore, #tpu.memory_space<semaphore_mem>>)
      } else {
      }
      %add3A_126 = arith.constant 3 : i32
      %add3A_127 = arith.addi %mul3A_85, %add3A_126 : i32
      %dma_wait3A_128 = arith.constant 0 : i32
      %dma_wait3A_129 = tpu.memref_slice %arg8[%add3A_127, %dma_wait3A_128] : memref<80x128xi32, #tpu.memory_space<vmem>> -> memref<1x128xi32, #tpu.memory_space<vmem>>
      %dma_wait3A_130 = tpu.memref_squeeze %dma_wait3A_129 : memref<1x128xi32, #tpu.memory_space<vmem>> -> memref<128xi32, #tpu.memory_space<vmem>>
      %dma_wait3A_131 = arith.constant 0 : i32
      %dma_wait3A_132 = arith.constant 0 : i32
      %dma_wait3A_133 = tpu.memref_slice %arg2[%dma_wait3A_131, %dma_wait3A_132] : memref<10240x64xf32, #tpu.memory_space<hbm>> -> memref<10240x64xf32, #tpu.memory_space<hbm>>
      tpu.wait_indirect_dma semaphore(%arg22 : memref<!tpu.dma_semaphore, #tpu.memory_space<semaphore_mem>>) src(%dma_wait3A_133 : memref<10240x64xf32, #tpu.memory_space<hbm>>) dst(%arg13 : memref<128x64xf32, #tpu.memory_space<vmem>>)
      "tpu.region"() ({
        %run_scoped3A = tpu.sem_alloc : memref<!tpu.dma_semaphore, #tpu.memory_space<semaphore_mem>>
        %dma_start3A = arith.constant 0 : i32
        %dma_start3A_196 = tpu.memref_slice %arg9[%add3A_127, %dma_start3A] : memref<80x128xi32, #tpu.memory_space<vmem>> -> memref<1x128xi32, #tpu.memory_space<vmem>>
        %dma_start3A_197 = tpu.memref_squeeze %dma_start3A_196 : memref<1x128xi32, #tpu.memory_space<vmem>> -> memref<128xi32, #tpu.memory_space<vmem>>
        %dma_start3A_198 = arith.constant 0 : i32
        %dma_start3A_199 = arith.constant 0 : i32
        %dma_start3A_200 = tpu.memref_slice %arg18[%dma_start3A_198, %dma_start3A_199] : memref<10240x64xf32, #tpu.memory_space<vmem_shared>> -> memref<10240x64xf32, #tpu.memory_space<vmem_shared>>
        tpu.enqueue_indirect_dma source(%arg13 : memref<128x64xf32, #tpu.memory_space<vmem>>) target(%dma_start3A_200 : memref<10240x64xf32, #tpu.memory_space<vmem_shared>>) offsets(%dma_start3A_197 : memref<128xi32, #tpu.memory_space<vmem>>) semaphore(%run_scoped3A : memref<!tpu.dma_semaphore, #tpu.memory_space<semaphore_mem>>) {add = true}
        %dma_wait3A_201 = arith.constant 0 : i32
        %dma_wait3A_202 = tpu.memref_slice %arg9[%add3A_127, %dma_wait3A_201] : memref<80x128xi32, #tpu.memory_space<vmem>> -> memref<1x128xi32, #tpu.memory_space<vmem>>
        %dma_wait3A_203 = tpu.memref_squeeze %dma_wait3A_202 : memref<1x128xi32, #tpu.memory_space<vmem>> -> memref<128xi32, #tpu.memory_space<vmem>>
        %dma_wait3A_204 = arith.constant 0 : i32
        %dma_wait3A_205 = arith.constant 0 : i32
        %dma_wait3A_206 = tpu.memref_slice %arg18[%dma_wait3A_204, %dma_wait3A_205] : memref<10240x64xf32, #tpu.memory_space<vmem_shared>> -> memref<10240x64xf32, #tpu.memory_space<vmem_shared>>
        tpu.wait_indirect_dma semaphore(%run_scoped3A : memref<!tpu.dma_semaphore, #tpu.memory_space<semaphore_mem>>) src(%arg13 : memref<128x64xf32, #tpu.memory_space<vmem>>) dst(%dma_wait3A_206 : memref<10240x64xf32, #tpu.memory_space<vmem_shared>>)
        tpu.yield
      }) : () -> ()
      %add3A_134 = arith.constant 8 : i32
      %add3A_135 = arith.addi %add3A_127, %add3A_134 : i32
      %lt3A_136 = arith.cmpi slt, %add3A_135, %mul3A_15 : i32
      %convert_element_type3A_137 = arith.extui %lt3A_136 : i1 to i32
      %cond3A_138 = arith.constant 0 : i32
      %cond3A_139 = arith.cmpi ne, %convert_element_type3A_137, %cond3A_138 : i32
      scf.if %cond3A_139 {
        %add3A_196 = arith.constant 8 : i32
        %add3A_197 = arith.addi %add3A_127, %add3A_196 : i32
        %dma_start3A = arith.constant 0 : i32
        %dma_start3A_198 = tpu.memref_slice %arg8[%add3A_197, %dma_start3A] : memref<80x128xi32, #tpu.memory_space<vmem>> -> memref<1x128xi32, #tpu.memory_space<vmem>>
        %dma_start3A_199 = tpu.memref_squeeze %dma_start3A_198 : memref<1x128xi32, #tpu.memory_space<vmem>> -> memref<128xi32, #tpu.memory_space<vmem>>
        %dma_start3A_200 = arith.constant 0 : i32
        %dma_start3A_201 = arith.constant 0 : i32
        %dma_start3A_202 = tpu.memref_slice %arg2[%dma_start3A_200, %dma_start3A_201] : memref<10240x64xf32, #tpu.memory_space<hbm>> -> memref<10240x64xf32, #tpu.memory_space<hbm>>
        tpu.enqueue_indirect_dma source(%dma_start3A_202 : memref<10240x64xf32, #tpu.memory_space<hbm>>) target(%arg13 : memref<128x64xf32, #tpu.memory_space<vmem>>) offsets(%dma_start3A_199 : memref<128xi32, #tpu.memory_space<vmem>>) semaphore(%arg22 : memref<!tpu.dma_semaphore, #tpu.memory_space<semaphore_mem>>)
      } else {
      }
      %add3A_140 = arith.constant 4 : i32
      %add3A_141 = arith.addi %mul3A_85, %add3A_140 : i32
      %dma_wait3A_142 = arith.constant 0 : i32
      %dma_wait3A_143 = tpu.memref_slice %arg8[%add3A_141, %dma_wait3A_142] : memref<80x128xi32, #tpu.memory_space<vmem>> -> memref<1x128xi32, #tpu.memory_space<vmem>>
      %dma_wait3A_144 = tpu.memref_squeeze %dma_wait3A_143 : memref<1x128xi32, #tpu.memory_space<vmem>> -> memref<128xi32, #tpu.memory_space<vmem>>
      %dma_wait3A_145 = arith.constant 0 : i32
      %dma_wait3A_146 = arith.constant 0 : i32
      %dma_wait3A_147 = tpu.memref_slice %arg2[%dma_wait3A_145, %dma_wait3A_146] : memref<10240x64xf32, #tpu.memory_space<hbm>> -> memref<10240x64xf32, #tpu.memory_space<hbm>>
      tpu.wait_indirect_dma semaphore(%arg23 : memref<!tpu.dma_semaphore, #tpu.memory_space<semaphore_mem>>) src(%dma_wait3A_147 : memref<10240x64xf32, #tpu.memory_space<hbm>>) dst(%arg14 : memref<128x64xf32, #tpu.memory_space<vmem>>)
      "tpu.region"() ({
        %run_scoped3A = tpu.sem_alloc : memref<!tpu.dma_semaphore, #tpu.memory_space<semaphore_mem>>
        %dma_start3A = arith.constant 0 : i32
        %dma_start3A_196 = tpu.memref_slice %arg9[%add3A_141, %dma_start3A] : memref<80x128xi32, #tpu.memory_space<vmem>> -> memref<1x128xi32, #tpu.memory_space<vmem>>
        %dma_start3A_197 = tpu.memref_squeeze %dma_start3A_196 : memref<1x128xi32, #tpu.memory_space<vmem>> -> memref<128xi32, #tpu.memory_space<vmem>>
        %dma_start3A_198 = arith.constant 0 : i32
        %dma_start3A_199 = arith.constant 0 : i32
        %dma_start3A_200 = tpu.memref_slice %arg18[%dma_start3A_198, %dma_start3A_199] : memref<10240x64xf32, #tpu.memory_space<vmem_shared>> -> memref<10240x64xf32, #tpu.memory_space<vmem_shared>>
        tpu.enqueue_indirect_dma source(%arg14 : memref<128x64xf32, #tpu.memory_space<vmem>>) target(%dma_start3A_200 : memref<10240x64xf32, #tpu.memory_space<vmem_shared>>) offsets(%dma_start3A_197 : memref<128xi32, #tpu.memory_space<vmem>>) semaphore(%run_scoped3A : memref<!tpu.dma_semaphore, #tpu.memory_space<semaphore_mem>>) {add = true}
        %dma_wait3A_201 = arith.constant 0 : i32
        %dma_wait3A_202 = tpu.memref_slice %arg9[%add3A_141, %dma_wait3A_201] : memref<80x128xi32, #tpu.memory_space<vmem>> -> memref<1x128xi32, #tpu.memory_space<vmem>>
        %dma_wait3A_203 = tpu.memref_squeeze %dma_wait3A_202 : memref<1x128xi32, #tpu.memory_space<vmem>> -> memref<128xi32, #tpu.memory_space<vmem>>
        %dma_wait3A_204 = arith.constant 0 : i32
        %dma_wait3A_205 = arith.constant 0 : i32
        %dma_wait3A_206 = tpu.memref_slice %arg18[%dma_wait3A_204, %dma_wait3A_205] : memref<10240x64xf32, #tpu.memory_space<vmem_shared>> -> memref<10240x64xf32, #tpu.memory_space<vmem_shared>>
        tpu.wait_indirect_dma semaphore(%run_scoped3A : memref<!tpu.dma_semaphore, #tpu.memory_space<semaphore_mem>>) src(%arg14 : memref<128x64xf32, #tpu.memory_space<vmem>>) dst(%dma_wait3A_206 : memref<10240x64xf32, #tpu.memory_space<vmem_shared>>)
        tpu.yield
      }) : () -> ()
      %add3A_148 = arith.constant 8 : i32
      %add3A_149 = arith.addi %add3A_141, %add3A_148 : i32
      %lt3A_150 = arith.cmpi slt, %add3A_149, %mul3A_15 : i32
      %convert_element_type3A_151 = arith.extui %lt3A_150 : i1 to i32
      %cond3A_152 = arith.constant 0 : i32
      %cond3A_153 = arith.cmpi ne, %convert_element_type3A_151, %cond3A_152 : i32
      scf.if %cond3A_153 {
        %add3A_196 = arith.constant 8 : i32
        %add3A_197 = arith.addi %add3A_141, %add3A_196 : i32
        %dma_start3A = arith.constant 0 : i32
        %dma_start3A_198 = tpu.memref_slice %arg8[%add3A_197, %dma_start3A] : memref<80x128xi32, #tpu.memory_space<vmem>> -> memref<1x128xi32, #tpu.memory_space<vmem>>
        %dma_start3A_199 = tpu.memref_squeeze %dma_start3A_198 : memref<1x128xi32, #tpu.memory_space<vmem>> -> memref<128xi32, #tpu.memory_space<vmem>>
        %dma_start3A_200 = arith.constant 0 : i32
        %dma_start3A_201 = arith.constant 0 : i32
        %dma_start3A_202 = tpu.memref_slice %arg2[%dma_start3A_200, %dma_start3A_201] : memref<10240x64xf32, #tpu.memory_space<hbm>> -> memref<10240x64xf32, #tpu.memory_space<hbm>>
        tpu.enqueue_indirect_dma source(%dma_start3A_202 : memref<10240x64xf32, #tpu.memory_space<hbm>>) target(%arg14 : memref<128x64xf32, #tpu.memory_space<vmem>>) offsets(%dma_start3A_199 : memref<128xi32, #tpu.memory_space<vmem>>) semaphore(%arg23 : memref<!tpu.dma_semaphore, #tpu.memory_space<semaphore_mem>>)
      } else {
      }
      %add3A_154 = arith.constant 5 : i32
      %add3A_155 = arith.addi %mul3A_85, %add3A_154 : i32
      %dma_wait3A_156 = arith.constant 0 : i32
      %dma_wait3A_157 = tpu.memref_slice %arg8[%add3A_155, %dma_wait3A_156] : memref<80x128xi32, #tpu.memory_space<vmem>> -> memref<1x128xi32, #tpu.memory_space<vmem>>
      %dma_wait3A_158 = tpu.memref_squeeze %dma_wait3A_157 : memref<1x128xi32, #tpu.memory_space<vmem>> -> memref<128xi32, #tpu.memory_space<vmem>>
      %dma_wait3A_159 = arith.constant 0 : i32
      %dma_wait3A_160 = arith.constant 0 : i32
      %dma_wait3A_161 = tpu.memref_slice %arg2[%dma_wait3A_159, %dma_wait3A_160] : memref<10240x64xf32, #tpu.memory_space<hbm>> -> memref<10240x64xf32, #tpu.memory_space<hbm>>
      tpu.wait_indirect_dma semaphore(%arg24 : memref<!tpu.dma_semaphore, #tpu.memory_space<semaphore_mem>>) src(%dma_wait3A_161 : memref<10240x64xf32, #tpu.memory_space<hbm>>) dst(%arg15 : memref<128x64xf32, #tpu.memory_space<vmem>>)
      "tpu.region"() ({
        %run_scoped3A = tpu.sem_alloc : memref<!tpu.dma_semaphore, #tpu.memory_space<semaphore_mem>>
        %dma_start3A = arith.constant 0 : i32
        %dma_start3A_196 = tpu.memref_slice %arg9[%add3A_155, %dma_start3A] : memref<80x128xi32, #tpu.memory_space<vmem>> -> memref<1x128xi32, #tpu.memory_space<vmem>>
        %dma_start3A_197 = tpu.memref_squeeze %dma_start3A_196 : memref<1x128xi32, #tpu.memory_space<vmem>> -> memref<128xi32, #tpu.memory_space<vmem>>
        %dma_start3A_198 = arith.constant 0 : i32
        %dma_start3A_199 = arith.constant 0 : i32
        %dma_start3A_200 = tpu.memref_slice %arg18[%dma_start3A_198, %dma_start3A_199] : memref<10240x64xf32, #tpu.memory_space<vmem_shared>> -> memref<10240x64xf32, #tpu.memory_space<vmem_shared>>
        tpu.enqueue_indirect_dma source(%arg15 : memref<128x64xf32, #tpu.memory_space<vmem>>) target(%dma_start3A_200 : memref<10240x64xf32, #tpu.memory_space<vmem_shared>>) offsets(%dma_start3A_197 : memref<128xi32, #tpu.memory_space<vmem>>) semaphore(%run_scoped3A : memref<!tpu.dma_semaphore, #tpu.memory_space<semaphore_mem>>) {add = true}
        %dma_wait3A_201 = arith.constant 0 : i32
        %dma_wait3A_202 = tpu.memref_slice %arg9[%add3A_155, %dma_wait3A_201] : memref<80x128xi32, #tpu.memory_space<vmem>> -> memref<1x128xi32, #tpu.memory_space<vmem>>
        %dma_wait3A_203 = tpu.memref_squeeze %dma_wait3A_202 : memref<1x128xi32, #tpu.memory_space<vmem>> -> memref<128xi32, #tpu.memory_space<vmem>>
        %dma_wait3A_204 = arith.constant 0 : i32
        %dma_wait3A_205 = arith.constant 0 : i32
        %dma_wait3A_206 = tpu.memref_slice %arg18[%dma_wait3A_204, %dma_wait3A_205] : memref<10240x64xf32, #tpu.memory_space<vmem_shared>> -> memref<10240x64xf32, #tpu.memory_space<vmem_shared>>
        tpu.wait_indirect_dma semaphore(%run_scoped3A : memref<!tpu.dma_semaphore, #tpu.memory_space<semaphore_mem>>) src(%arg15 : memref<128x64xf32, #tpu.memory_space<vmem>>) dst(%dma_wait3A_206 : memref<10240x64xf32, #tpu.memory_space<vmem_shared>>)
        tpu.yield
      }) : () -> ()
      %add3A_162 = arith.constant 8 : i32
      %add3A_163 = arith.addi %add3A_155, %add3A_162 : i32
      %lt3A_164 = arith.cmpi slt, %add3A_163, %mul3A_15 : i32
      %convert_element_type3A_165 = arith.extui %lt3A_164 : i1 to i32
      %cond3A_166 = arith.constant 0 : i32
      %cond3A_167 = arith.cmpi ne, %convert_element_type3A_165, %cond3A_166 : i32
      scf.if %cond3A_167 {
        %add3A_196 = arith.constant 8 : i32
        %add3A_197 = arith.addi %add3A_155, %add3A_196 : i32
        %dma_start3A = arith.constant 0 : i32
        %dma_start3A_198 = tpu.memref_slice %arg8[%add3A_197, %dma_start3A] : memref<80x128xi32, #tpu.memory_space<vmem>> -> memref<1x128xi32, #tpu.memory_space<vmem>>
        %dma_start3A_199 = tpu.memref_squeeze %dma_start3A_198 : memref<1x128xi32, #tpu.memory_space<vmem>> -> memref<128xi32, #tpu.memory_space<vmem>>
        %dma_start3A_200 = arith.constant 0 : i32
        %dma_start3A_201 = arith.constant 0 : i32
        %dma_start3A_202 = tpu.memref_slice %arg2[%dma_start3A_200, %dma_start3A_201] : memref<10240x64xf32, #tpu.memory_space<hbm>> -> memref<10240x64xf32, #tpu.memory_space<hbm>>
        tpu.enqueue_indirect_dma source(%dma_start3A_202 : memref<10240x64xf32, #tpu.memory_space<hbm>>) target(%arg15 : memref<128x64xf32, #tpu.memory_space<vmem>>) offsets(%dma_start3A_199 : memref<128xi32, #tpu.memory_space<vmem>>) semaphore(%arg24 : memref<!tpu.dma_semaphore, #tpu.memory_space<semaphore_mem>>)
      } else {
      }
      %add3A_168 = arith.constant 6 : i32
      %add3A_169 = arith.addi %mul3A_85, %add3A_168 : i32
      %dma_wait3A_170 = arith.constant 0 : i32
      %dma_wait3A_171 = tpu.memref_slice %arg8[%add3A_169, %dma_wait3A_170] : memref<80x128xi32, #tpu.memory_space<vmem>> -> memref<1x128xi32, #tpu.memory_space<vmem>>
      %dma_wait3A_172 = tpu.memref_squeeze %dma_wait3A_171 : memref<1x128xi32, #tpu.memory_space<vmem>> -> memref<128xi32, #tpu.memory_space<vmem>>
      %dma_wait3A_173 = arith.constant 0 : i32
      %dma_wait3A_174 = arith.constant 0 : i32
      %dma_wait3A_175 = tpu.memref_slice %arg2[%dma_wait3A_173, %dma_wait3A_174] : memref<10240x64xf32, #tpu.memory_space<hbm>> -> memref<10240x64xf32, #tpu.memory_space<hbm>>
      tpu.wait_indirect_dma semaphore(%arg25 : memref<!tpu.dma_semaphore, #tpu.memory_space<semaphore_mem>>) src(%dma_wait3A_175 : memref<10240x64xf32, #tpu.memory_space<hbm>>) dst(%arg16 : memref<128x64xf32, #tpu.memory_space<vmem>>)
      "tpu.region"() ({
        %run_scoped3A = tpu.sem_alloc : memref<!tpu.dma_semaphore, #tpu.memory_space<semaphore_mem>>
        %dma_start3A = arith.constant 0 : i32
        %dma_start3A_196 = tpu.memref_slice %arg9[%add3A_169, %dma_start3A] : memref<80x128xi32, #tpu.memory_space<vmem>> -> memref<1x128xi32, #tpu.memory_space<vmem>>
        %dma_start3A_197 = tpu.memref_squeeze %dma_start3A_196 : memref<1x128xi32, #tpu.memory_space<vmem>> -> memref<128xi32, #tpu.memory_space<vmem>>
        %dma_start3A_198 = arith.constant 0 : i32
        %dma_start3A_199 = arith.constant 0 : i32
        %dma_start3A_200 = tpu.memref_slice %arg18[%dma_start3A_198, %dma_start3A_199] : memref<10240x64xf32, #tpu.memory_space<vmem_shared>> -> memref<10240x64xf32, #tpu.memory_space<vmem_shared>>
        tpu.enqueue_indirect_dma source(%arg16 : memref<128x64xf32, #tpu.memory_space<vmem>>) target(%dma_start3A_200 : memref<10240x64xf32, #tpu.memory_space<vmem_shared>>) offsets(%dma_start3A_197 : memref<128xi32, #tpu.memory_space<vmem>>) semaphore(%run_scoped3A : memref<!tpu.dma_semaphore, #tpu.memory_space<semaphore_mem>>) {add = true}
        %dma_wait3A_201 = arith.constant 0 : i32
        %dma_wait3A_202 = tpu.memref_slice %arg9[%add3A_169, %dma_wait3A_201] : memref<80x128xi32, #tpu.memory_space<vmem>> -> memref<1x128xi32, #tpu.memory_space<vmem>>
        %dma_wait3A_203 = tpu.memref_squeeze %dma_wait3A_202 : memref<1x128xi32, #tpu.memory_space<vmem>> -> memref<128xi32, #tpu.memory_space<vmem>>
        %dma_wait3A_204 = arith.constant 0 : i32
        %dma_wait3A_205 = arith.constant 0 : i32
        %dma_wait3A_206 = tpu.memref_slice %arg18[%dma_wait3A_204, %dma_wait3A_205] : memref<10240x64xf32, #tpu.memory_space<vmem_shared>> -> memref<10240x64xf32, #tpu.memory_space<vmem_shared>>
        tpu.wait_indirect_dma semaphore(%run_scoped3A : memref<!tpu.dma_semaphore, #tpu.memory_space<semaphore_mem>>) src(%arg16 : memref<128x64xf32, #tpu.memory_space<vmem>>) dst(%dma_wait3A_206 : memref<10240x64xf32, #tpu.memory_space<vmem_shared>>)
        tpu.yield
      }) : () -> ()
      %add3A_176 = arith.constant 8 : i32
      %add3A_177 = arith.addi %add3A_169, %add3A_176 : i32
      %lt3A_178 = arith.cmpi slt, %add3A_177, %mul3A_15 : i32
      %convert_element_type3A_179 = arith.extui %lt3A_178 : i1 to i32
      %cond3A_180 = arith.constant 0 : i32
      %cond3A_181 = arith.cmpi ne, %convert_element_type3A_179, %cond3A_180 : i32
      scf.if %cond3A_181 {
        %add3A_196 = arith.constant 8 : i32
        %add3A_197 = arith.addi %add3A_169, %add3A_196 : i32
        %dma_start3A = arith.constant 0 : i32
        %dma_start3A_198 = tpu.memref_slice %arg8[%add3A_197, %dma_start3A] : memref<80x128xi32, #tpu.memory_space<vmem>> -> memref<1x128xi32, #tpu.memory_space<vmem>>
        %dma_start3A_199 = tpu.memref_squeeze %dma_start3A_198 : memref<1x128xi32, #tpu.memory_space<vmem>> -> memref<128xi32, #tpu.memory_space<vmem>>
        %dma_start3A_200 = arith.constant 0 : i32
        %dma_start3A_201 = arith.constant 0 : i32
        %dma_start3A_202 = tpu.memref_slice %arg2[%dma_start3A_200, %dma_start3A_201] : memref<10240x64xf32, #tpu.memory_space<hbm>> -> memref<10240x64xf32, #tpu.memory_space<hbm>>
        tpu.enqueue_indirect_dma source(%dma_start3A_202 : memref<10240x64xf32, #tpu.memory_space<hbm>>) target(%arg16 : memref<128x64xf32, #tpu.memory_space<vmem>>) offsets(%dma_start3A_199 : memref<128xi32, #tpu.memory_space<vmem>>) semaphore(%arg25 : memref<!tpu.dma_semaphore, #tpu.memory_space<semaphore_mem>>)
      } else {
      }
      %add3A_182 = arith.constant 7 : i32
      %add3A_183 = arith.addi %mul3A_85, %add3A_182 : i32
      %dma_wait3A_184 = arith.constant 0 : i32
      %dma_wait3A_185 = tpu.memref_slice %arg8[%add3A_183, %dma_wait3A_184] : memref<80x128xi32, #tpu.memory_space<vmem>> -> memref<1x128xi32, #tpu.memory_space<vmem>>
      %dma_wait3A_186 = tpu.memref_squeeze %dma_wait3A_185 : memref<1x128xi32, #tpu.memory_space<vmem>> -> memref<128xi32, #tpu.memory_space<vmem>>
      %dma_wait3A_187 = arith.constant 0 : i32
      %dma_wait3A_188 = arith.constant 0 : i32
      %dma_wait3A_189 = tpu.memref_slice %arg2[%dma_wait3A_187, %dma_wait3A_188] : memref<10240x64xf32, #tpu.memory_space<hbm>> -> memref<10240x64xf32, #tpu.memory_space<hbm>>
      tpu.wait_indirect_dma semaphore(%arg26 : memref<!tpu.dma_semaphore, #tpu.memory_space<semaphore_mem>>) src(%dma_wait3A_189 : memref<10240x64xf32, #tpu.memory_space<hbm>>) dst(%arg17 : memref<128x64xf32, #tpu.memory_space<vmem>>)
      "tpu.region"() ({
        %run_scoped3A = tpu.sem_alloc : memref<!tpu.dma_semaphore, #tpu.memory_space<semaphore_mem>>
        %dma_start3A = arith.constant 0 : i32
        %dma_start3A_196 = tpu.memref_slice %arg9[%add3A_183, %dma_start3A] : memref<80x128xi32, #tpu.memory_space<vmem>> -> memref<1x128xi32, #tpu.memory_space<vmem>>
        %dma_start3A_197 = tpu.memref_squeeze %dma_start3A_196 : memref<1x128xi32, #tpu.memory_space<vmem>> -> memref<128xi32, #tpu.memory_space<vmem>>
        %dma_start3A_198 = arith.constant 0 : i32
        %dma_start3A_199 = arith.constant 0 : i32
        %dma_start3A_200 = tpu.memref_slice %arg18[%dma_start3A_198, %dma_start3A_199] : memref<10240x64xf32, #tpu.memory_space<vmem_shared>> -> memref<10240x64xf32, #tpu.memory_space<vmem_shared>>
        tpu.enqueue_indirect_dma source(%arg17 : memref<128x64xf32, #tpu.memory_space<vmem>>) target(%dma_start3A_200 : memref<10240x64xf32, #tpu.memory_space<vmem_shared>>) offsets(%dma_start3A_197 : memref<128xi32, #tpu.memory_space<vmem>>) semaphore(%run_scoped3A : memref<!tpu.dma_semaphore, #tpu.memory_space<semaphore_mem>>) {add = true}
        %dma_wait3A_201 = arith.constant 0 : i32
        %dma_wait3A_202 = tpu.memref_slice %arg9[%add3A_183, %dma_wait3A_201] : memref<80x128xi32, #tpu.memory_space<vmem>> -> memref<1x128xi32, #tpu.memory_space<vmem>>
        %dma_wait3A_203 = tpu.memref_squeeze %dma_wait3A_202 : memref<1x128xi32, #tpu.memory_space<vmem>> -> memref<128xi32, #tpu.memory_space<vmem>>
        %dma_wait3A_204 = arith.constant 0 : i32
        %dma_wait3A_205 = arith.constant 0 : i32
        %dma_wait3A_206 = tpu.memref_slice %arg18[%dma_wait3A_204, %dma_wait3A_205] : memref<10240x64xf32, #tpu.memory_space<vmem_shared>> -> memref<10240x64xf32, #tpu.memory_space<vmem_shared>>
        tpu.wait_indirect_dma semaphore(%run_scoped3A : memref<!tpu.dma_semaphore, #tpu.memory_space<semaphore_mem>>) src(%arg17 : memref<128x64xf32, #tpu.memory_space<vmem>>) dst(%dma_wait3A_206 : memref<10240x64xf32, #tpu.memory_space<vmem_shared>>)
        tpu.yield
      }) : () -> ()
      %add3A_190 = arith.constant 8 : i32
      %add3A_191 = arith.addi %add3A_183, %add3A_190 : i32
      %lt3A_192 = arith.cmpi slt, %add3A_191, %mul3A_15 : i32
      %convert_element_type3A_193 = arith.extui %lt3A_192 : i1 to i32
      %cond3A_194 = arith.constant 0 : i32
      %cond3A_195 = arith.cmpi ne, %convert_element_type3A_193, %cond3A_194 : i32
      scf.if %cond3A_195 {
        %add3A_196 = arith.constant 8 : i32
        %add3A_197 = arith.addi %add3A_183, %add3A_196 : i32
        %dma_start3A = arith.constant 0 : i32
        %dma_start3A_198 = tpu.memref_slice %arg8[%add3A_197, %dma_start3A] : memref<80x128xi32, #tpu.memory_space<vmem>> -> memref<1x128xi32, #tpu.memory_space<vmem>>
        %dma_start3A_199 = tpu.memref_squeeze %dma_start3A_198 : memref<1x128xi32, #tpu.memory_space<vmem>> -> memref<128xi32, #tpu.memory_space<vmem>>
        %dma_start3A_200 = arith.constant 0 : i32
        %dma_start3A_201 = arith.constant 0 : i32
        %dma_start3A_202 = tpu.memref_slice %arg2[%dma_start3A_200, %dma_start3A_201] : memref<10240x64xf32, #tpu.memory_space<hbm>> -> memref<10240x64xf32, #tpu.memory_space<hbm>>
        tpu.enqueue_indirect_dma source(%dma_start3A_202 : memref<10240x64xf32, #tpu.memory_space<hbm>>) target(%arg17 : memref<128x64xf32, #tpu.memory_space<vmem>>) offsets(%dma_start3A_199 : memref<128xi32, #tpu.memory_space<vmem>>) semaphore(%arg26 : memref<!tpu.dma_semaphore, #tpu.memory_space<semaphore_mem>>)
      } else {
      }
    }
    %while3A_38 = arith.constant 1 : i32
    scf.for %while3A_83 = %while3A_36 to %while3A_32 step %while3A_38  : i32 {
      %mul3A_84 = arith.constant 8 : i32
      %mul3A_85 = arith.muli %while3A_83, %mul3A_84 : i32
      %add3A_86 = arith.constant 0 : i32
      %add3A_87 = arith.addi %mul3A_85, %add3A_86 : i32
      %dma_wait3A = arith.constant 0 : i32
      %dma_wait3A_88 = tpu.memref_slice %arg8[%add3A_87, %dma_wait3A] : memref<80x128xi32, #tpu.memory_space<vmem>> -> memref<1x128xi32, #tpu.memory_space<vmem>>
      %dma_wait3A_89 = tpu.memref_squeeze %dma_wait3A_88 : memref<1x128xi32, #tpu.memory_space<vmem>> -> memref<128xi32, #tpu.memory_space<vmem>>
      %dma_wait3A_90 = arith.constant 0 : i32
      %dma_wait3A_91 = arith.constant 0 : i32
      %dma_wait3A_92 = tpu.memref_slice %arg2[%dma_wait3A_90, %dma_wait3A_91] : memref<10240x64xf32, #tpu.memory_space<hbm>> -> memref<10240x64xf32, #tpu.memory_space<hbm>>
      tpu.wait_indirect_dma semaphore(%arg19 : memref<!tpu.dma_semaphore, #tpu.memory_space<semaphore_mem>>) src(%dma_wait3A_92 : memref<10240x64xf32, #tpu.memory_space<hbm>>) dst(%arg10 : memref<128x64xf32, #tpu.memory_space<vmem>>)
      "tpu.region"() ({
        %run_scoped3A = tpu.sem_alloc : memref<!tpu.dma_semaphore, #tpu.memory_space<semaphore_mem>>
        %dma_start3A = arith.constant 0 : i32
        %dma_start3A_196 = tpu.memref_slice %arg9[%add3A_87, %dma_start3A] : memref<80x128xi32, #tpu.memory_space<vmem>> -> memref<1x128xi32, #tpu.memory_space<vmem>>
        %dma_start3A_197 = tpu.memref_squeeze %dma_start3A_196 : memref<1x128xi32, #tpu.memory_space<vmem>> -> memref<128xi32, #tpu.memory_space<vmem>>
        %dma_start3A_198 = arith.constant 0 : i32
        %dma_start3A_199 = arith.constant 0 : i32
        %dma_start3A_200 = tpu.memref_slice %arg18[%dma_start3A_198, %dma_start3A_199] : memref<10240x64xf32, #tpu.memory_space<vmem_shared>> -> memref<10240x64xf32, #tpu.memory_space<vmem_shared>>
        tpu.enqueue_indirect_dma source(%arg10 : memref<128x64xf32, #tpu.memory_space<vmem>>) target(%dma_start3A_200 : memref<10240x64xf32, #tpu.memory_space<vmem_shared>>) offsets(%dma_start3A_197 : memref<128xi32, #tpu.memory_space<vmem>>) semaphore(%run_scoped3A : memref<!tpu.dma_semaphore, #tpu.memory_space<semaphore_mem>>) {add = true}
        %dma_wait3A_201 = arith.constant 0 : i32
        %dma_wait3A_202 = tpu.memref_slice %arg9[%add3A_87, %dma_wait3A_201] : memref<80x128xi32, #tpu.memory_space<vmem>> -> memref<1x128xi32, #tpu.memory_space<vmem>>
        %dma_wait3A_203 = tpu.memref_squeeze %dma_wait3A_202 : memref<1x128xi32, #tpu.memory_space<vmem>> -> memref<128xi32, #tpu.memory_space<vmem>>
        %dma_wait3A_204 = arith.constant 0 : i32
        %dma_wait3A_205 = arith.constant 0 : i32
        %dma_wait3A_206 = tpu.memref_slice %arg18[%dma_wait3A_204, %dma_wait3A_205] : memref<10240x64xf32, #tpu.memory_space<vmem_shared>> -> memref<10240x64xf32, #tpu.memory_space<vmem_shared>>
        tpu.wait_indirect_dma semaphore(%run_scoped3A : memref<!tpu.dma_semaphore, #tpu.memory_space<semaphore_mem>>) src(%arg10 : memref<128x64xf32, #tpu.memory_space<vmem>>) dst(%dma_wait3A_206 : memref<10240x64xf32, #tpu.memory_space<vmem_shared>>)
        tpu.yield
      }) : () -> ()
      %add3A_93 = arith.constant 8 : i32
      %add3A_94 = arith.addi %add3A_87, %add3A_93 : i32
      %lt3A = arith.cmpi slt, %add3A_94, %mul3A_15 : i32
      %convert_element_type3A_95 = arith.extui %lt3A : i1 to i32
      %cond3A_96 = arith.constant 0 : i32
      %cond3A_97 = arith.cmpi ne, %convert_element_type3A_95, %cond3A_96 : i32
      scf.if %cond3A_97 {
        %add3A_196 = arith.constant 8 : i32
        %add3A_197 = arith.addi %add3A_87, %add3A_196 : i32
        %dma_start3A = arith.constant 0 : i32
        %dma_start3A_198 = tpu.memref_slice %arg8[%add3A_197, %dma_start3A] : memref<80x128xi32, #tpu.memory_space<vmem>> -> memref<1x128xi32, #tpu.memory_space<vmem>>
        %dma_start3A_199 = tpu.memref_squeeze %dma_start3A_198 : memref<1x128xi32, #tpu.memory_space<vmem>> -> memref<128xi32, #tpu.memory_space<vmem>>
        %dma_start3A_200 = arith.constant 0 : i32
        %dma_start3A_201 = arith.constant 0 : i32
        %dma_start3A_202 = tpu.memref_slice %arg2[%dma_start3A_200, %dma_start3A_201] : memref<10240x64xf32, #tpu.memory_space<hbm>> -> memref<10240x64xf32, #tpu.memory_space<hbm>>
        tpu.enqueue_indirect_dma source(%dma_start3A_202 : memref<10240x64xf32, #tpu.memory_space<hbm>>) target(%arg10 : memref<128x64xf32, #tpu.memory_space<vmem>>) offsets(%dma_start3A_199 : memref<128xi32, #tpu.memory_space<vmem>>) semaphore(%arg19 : memref<!tpu.dma_semaphore, #tpu.memory_space<semaphore_mem>>)
      } else {
      }
      %add3A_98 = arith.constant 1 : i32
      %add3A_99 = arith.addi %mul3A_85, %add3A_98 : i32
      %dma_wait3A_100 = arith.constant 0 : i32
      %dma_wait3A_101 = tpu.memref_slice %arg8[%add3A_99, %dma_wait3A_100] : memref<80x128xi32, #tpu.memory_space<vmem>> -> memref<1x128xi32, #tpu.memory_space<vmem>>
      %dma_wait3A_102 = tpu.memref_squeeze %dma_wait3A_101 : memref<1x128xi32, #tpu.memory_space<vmem>> -> memref<128xi32, #tpu.memory_space<vmem>>
      %dma_wait3A_103 = arith.constant 0 : i32
      %dma_wait3A_104 = arith.constant 0 : i32
      %dma_wait3A_105 = tpu.memref_slice %arg2[%dma_wait3A_103, %dma_wait3A_104] : memref<10240x64xf32, #tpu.memory_space<hbm>> -> memref<10240x64xf32, #tpu.memory_space<hbm>>
      tpu.wait_indirect_dma semaphore(%arg20 : memref<!tpu.dma_semaphore, #tpu.memory_space<semaphore_mem>>) src(%dma_wait3A_105 : memref<10240x64xf32, #tpu.memory_space<hbm>>) dst(%arg11 : memref<128x64xf32, #tpu.memory_space<vmem>>)
      "tpu.region"() ({
        %run_scoped3A = tpu.sem_alloc : memref<!tpu.dma_semaphore, #tpu.memory_space<semaphore_mem>>
        %dma_start3A = arith.constant 0 : i32
        %dma_start3A_196 = tpu.memref_slice %arg9[%add3A_99, %dma_start3A] : memref<80x128xi32, #tpu.memory_space<vmem>> -> memref<1x128xi32, #tpu.memory_space<vmem>>
        %dma_start3A_197 = tpu.memref_squeeze %dma_start3A_196 : memref<1x128xi32, #tpu.memory_space<vmem>> -> memref<128xi32, #tpu.memory_space<vmem>>
        %dma_start3A_198 = arith.constant 0 : i32
        %dma_start3A_199 = arith.constant 0 : i32
        %dma_start3A_200 = tpu.memref_slice %arg18[%dma_start3A_198, %dma_start3A_199] : memref<10240x64xf32, #tpu.memory_space<vmem_shared>> -> memref<10240x64xf32, #tpu.memory_space<vmem_shared>>
        tpu.enqueue_indirect_dma source(%arg11 : memref<128x64xf32, #tpu.memory_space<vmem>>) target(%dma_start3A_200 : memref<10240x64xf32, #tpu.memory_space<vmem_shared>>) offsets(%dma_start3A_197 : memref<128xi32, #tpu.memory_space<vmem>>) semaphore(%run_scoped3A : memref<!tpu.dma_semaphore, #tpu.memory_space<semaphore_mem>>) {add = true}
        %dma_wait3A_201 = arith.constant 0 : i32
        %dma_wait3A_202 = tpu.memref_slice %arg9[%add3A_99, %dma_wait3A_201] : memref<80x128xi32, #tpu.memory_space<vmem>> -> memref<1x128xi32, #tpu.memory_space<vmem>>
        %dma_wait3A_203 = tpu.memref_squeeze %dma_wait3A_202 : memref<1x128xi32, #tpu.memory_space<vmem>> -> memref<128xi32, #tpu.memory_space<vmem>>
        %dma_wait3A_204 = arith.constant 0 : i32
        %dma_wait3A_205 = arith.constant 0 : i32
        %dma_wait3A_206 = tpu.memref_slice %arg18[%dma_wait3A_204, %dma_wait3A_205] : memref<10240x64xf32, #tpu.memory_space<vmem_shared>> -> memref<10240x64xf32, #tpu.memory_space<vmem_shared>>
        tpu.wait_indirect_dma semaphore(%run_scoped3A : memref<!tpu.dma_semaphore, #tpu.memory_space<semaphore_mem>>) src(%arg11 : memref<128x64xf32, #tpu.memory_space<vmem>>) dst(%dma_wait3A_206 : memref<10240x64xf32, #tpu.memory_space<vmem_shared>>)
        tpu.yield
      }) : () -> ()
      %add3A_106 = arith.constant 8 : i32
      %add3A_107 = arith.addi %add3A_99, %add3A_106 : i32
      %lt3A_108 = arith.cmpi slt, %add3A_107, %mul3A_15 : i32
      %convert_element_type3A_109 = arith.extui %lt3A_108 : i1 to i32
      %cond3A_110 = arith.constant 0 : i32
      %cond3A_111 = arith.cmpi ne, %convert_element_type3A_109, %cond3A_110 : i32
      scf.if %cond3A_111 {
        %add3A_196 = arith.constant 8 : i32
        %add3A_197 = arith.addi %add3A_99, %add3A_196 : i32
        %dma_start3A = arith.constant 0 : i32
        %dma_start3A_198 = tpu.memref_slice %arg8[%add3A_197, %dma_start3A] : memref<80x128xi32, #tpu.memory_space<vmem>> -> memref<1x128xi32, #tpu.memory_space<vmem>>
        %dma_start3A_199 = tpu.memref_squeeze %dma_start3A_198 : memref<1x128xi32, #tpu.memory_space<vmem>> -> memref<128xi32, #tpu.memory_space<vmem>>
        %dma_start3A_200 = arith.constant 0 : i32
        %dma_start3A_201 = arith.constant 0 : i32
        %dma_start3A_202 = tpu.memref_slice %arg2[%dma_start3A_200, %dma_start3A_201] : memref<10240x64xf32, #tpu.memory_space<hbm>> -> memref<10240x64xf32, #tpu.memory_space<hbm>>
        tpu.enqueue_indirect_dma source(%dma_start3A_202 : memref<10240x64xf32, #tpu.memory_space<hbm>>) target(%arg11 : memref<128x64xf32, #tpu.memory_space<vmem>>) offsets(%dma_start3A_199 : memref<128xi32, #tpu.memory_space<vmem>>) semaphore(%arg20 : memref<!tpu.dma_semaphore, #tpu.memory_space<semaphore_mem>>)
      } else {
      }
      %add3A_112 = arith.constant 2 : i32
      %add3A_113 = arith.addi %mul3A_85, %add3A_112 : i32
      %dma_wait3A_114 = arith.constant 0 : i32
      %dma_wait3A_115 = tpu.memref_slice %arg8[%add3A_113, %dma_wait3A_114] : memref<80x128xi32, #tpu.memory_space<vmem>> -> memref<1x128xi32, #tpu.memory_space<vmem>>
      %dma_wait3A_116 = tpu.memref_squeeze %dma_wait3A_115 : memref<1x128xi32, #tpu.memory_space<vmem>> -> memref<128xi32, #tpu.memory_space<vmem>>
      %dma_wait3A_117 = arith.constant 0 : i32
      %dma_wait3A_118 = arith.constant 0 : i32
      %dma_wait3A_119 = tpu.memref_slice %arg2[%dma_wait3A_117, %dma_wait3A_118] : memref<10240x64xf32, #tpu.memory_space<hbm>> -> memref<10240x64xf32, #tpu.memory_space<hbm>>
      tpu.wait_indirect_dma semaphore(%arg21 : memref<!tpu.dma_semaphore, #tpu.memory_space<semaphore_mem>>) src(%dma_wait3A_119 : memref<10240x64xf32, #tpu.memory_space<hbm>>) dst(%arg12 : memref<128x64xf32, #tpu.memory_space<vmem>>)
      "tpu.region"() ({
        %run_scoped3A = tpu.sem_alloc : memref<!tpu.dma_semaphore, #tpu.memory_space<semaphore_mem>>
        %dma_start3A = arith.constant 0 : i32
        %dma_start3A_196 = tpu.memref_slice %arg9[%add3A_113, %dma_start3A] : memref<80x128xi32, #tpu.memory_space<vmem>> -> memref<1x128xi32, #tpu.memory_space<vmem>>
        %dma_start3A_197 = tpu.memref_squeeze %dma_start3A_196 : memref<1x128xi32, #tpu.memory_space<vmem>> -> memref<128xi32, #tpu.memory_space<vmem>>
        %dma_start3A_198 = arith.constant 0 : i32
        %dma_start3A_199 = arith.constant 0 : i32
        %dma_start3A_200 = tpu.memref_slice %arg18[%dma_start3A_198, %dma_start3A_199] : memref<10240x64xf32, #tpu.memory_space<vmem_shared>> -> memref<10240x64xf32, #tpu.memory_space<vmem_shared>>
        tpu.enqueue_indirect_dma source(%arg12 : memref<128x64xf32, #tpu.memory_space<vmem>>) target(%dma_start3A_200 : memref<10240x64xf32, #tpu.memory_space<vmem_shared>>) offsets(%dma_start3A_197 : memref<128xi32, #tpu.memory_space<vmem>>) semaphore(%run_scoped3A : memref<!tpu.dma_semaphore, #tpu.memory_space<semaphore_mem>>) {add = true}
        %dma_wait3A_201 = arith.constant 0 : i32
        %dma_wait3A_202 = tpu.memref_slice %arg9[%add3A_113, %dma_wait3A_201] : memref<80x128xi32, #tpu.memory_space<vmem>> -> memref<1x128xi32, #tpu.memory_space<vmem>>
        %dma_wait3A_203 = tpu.memref_squeeze %dma_wait3A_202 : memref<1x128xi32, #tpu.memory_space<vmem>> -> memref<128xi32, #tpu.memory_space<vmem>>
        %dma_wait3A_204 = arith.constant 0 : i32
        %dma_wait3A_205 = arith.constant 0 : i32
        %dma_wait3A_206 = tpu.memref_slice %arg18[%dma_wait3A_204, %dma_wait3A_205] : memref<10240x64xf32, #tpu.memory_space<vmem_shared>> -> memref<10240x64xf32, #tpu.memory_space<vmem_shared>>
        tpu.wait_indirect_dma semaphore(%run_scoped3A : memref<!tpu.dma_semaphore, #tpu.memory_space<semaphore_mem>>) src(%arg12 : memref<128x64xf32, #tpu.memory_space<vmem>>) dst(%dma_wait3A_206 : memref<10240x64xf32, #tpu.memory_space<vmem_shared>>)
        tpu.yield
      }) : () -> ()
      %add3A_120 = arith.constant 8 : i32
      %add3A_121 = arith.addi %add3A_113, %add3A_120 : i32
      %lt3A_122 = arith.cmpi slt, %add3A_121, %mul3A_15 : i32
      %convert_element_type3A_123 = arith.extui %lt3A_122 : i1 to i32
      %cond3A_124 = arith.constant 0 : i32
      %cond3A_125 = arith.cmpi ne, %convert_element_type3A_123, %cond3A_124 : i32
      scf.if %cond3A_125 {
        %add3A_196 = arith.constant 8 : i32
        %add3A_197 = arith.addi %add3A_113, %add3A_196 : i32
        %dma_start3A = arith.constant 0 : i32
        %dma_start3A_198 = tpu.memref_slice %arg8[%add3A_197, %dma_start3A] : memref<80x128xi32, #tpu.memory_space<vmem>> -> memref<1x128xi32, #tpu.memory_space<vmem>>
        %dma_start3A_199 = tpu.memref_squeeze %dma_start3A_198 : memref<1x128xi32, #tpu.memory_space<vmem>> -> memref<128xi32, #tpu.memory_space<vmem>>
        %dma_start3A_200 = arith.constant 0 : i32
        %dma_start3A_201 = arith.constant 0 : i32
        %dma_start3A_202 = tpu.memref_slice %arg2[%dma_start3A_200, %dma_start3A_201] : memref<10240x64xf32, #tpu.memory_space<hbm>> -> memref<10240x64xf32, #tpu.memory_space<hbm>>
        tpu.enqueue_indirect_dma source(%dma_start3A_202 : memref<10240x64xf32, #tpu.memory_space<hbm>>) target(%arg12 : memref<128x64xf32, #tpu.memory_space<vmem>>) offsets(%dma_start3A_199 : memref<128xi32, #tpu.memory_space<vmem>>) semaphore(%arg21 : memref<!tpu.dma_semaphore, #tpu.memory_space<semaphore_mem>>)
      } else {
      }
      %add3A_126 = arith.constant 3 : i32
      %add3A_127 = arith.addi %mul3A_85, %add3A_126 : i32
      %dma_wait3A_128 = arith.constant 0 : i32
      %dma_wait3A_129 = tpu.memref_slice %arg8[%add3A_127, %dma_wait3A_128] : memref<80x128xi32, #tpu.memory_space<vmem>> -> memref<1x128xi32, #tpu.memory_space<vmem>>
      %dma_wait3A_130 = tpu.memref_squeeze %dma_wait3A_129 : memref<1x128xi32, #tpu.memory_space<vmem>> -> memref<128xi32, #tpu.memory_space<vmem>>
      %dma_wait3A_131 = arith.constant 0 : i32
      %dma_wait3A_132 = arith.constant 0 : i32
      %dma_wait3A_133 = tpu.memref_slice %arg2[%dma_wait3A_131, %dma_wait3A_132] : memref<10240x64xf32, #tpu.memory_space<hbm>> -> memref<10240x64xf32, #tpu.memory_space<hbm>>
      tpu.wait_indirect_dma semaphore(%arg22 : memref<!tpu.dma_semaphore, #tpu.memory_space<semaphore_mem>>) src(%dma_wait3A_133 : memref<10240x64xf32, #tpu.memory_space<hbm>>) dst(%arg13 : memref<128x64xf32, #tpu.memory_space<vmem>>)
      "tpu.region"() ({
        %run_scoped3A = tpu.sem_alloc : memref<!tpu.dma_semaphore, #tpu.memory_space<semaphore_mem>>
        %dma_start3A = arith.constant 0 : i32
        %dma_start3A_196 = tpu.memref_slice %arg9[%add3A_127, %dma_start3A] : memref<80x128xi32, #tpu.memory_space<vmem>> -> memref<1x128xi32, #tpu.memory_space<vmem>>
        %dma_start3A_197 = tpu.memref_squeeze %dma_start3A_196 : memref<1x128xi32, #tpu.memory_space<vmem>> -> memref<128xi32, #tpu.memory_space<vmem>>
        %dma_start3A_198 = arith.constant 0 : i32
        %dma_start3A_199 = arith.constant 0 : i32
        %dma_start3A_200 = tpu.memref_slice %arg18[%dma_start3A_198, %dma_start3A_199] : memref<10240x64xf32, #tpu.memory_space<vmem_shared>> -> memref<10240x64xf32, #tpu.memory_space<vmem_shared>>
        tpu.enqueue_indirect_dma source(%arg13 : memref<128x64xf32, #tpu.memory_space<vmem>>) target(%dma_start3A_200 : memref<10240x64xf32, #tpu.memory_space<vmem_shared>>) offsets(%dma_start3A_197 : memref<128xi32, #tpu.memory_space<vmem>>) semaphore(%run_scoped3A : memref<!tpu.dma_semaphore, #tpu.memory_space<semaphore_mem>>) {add = true}
        %dma_wait3A_201 = arith.constant 0 : i32
        %dma_wait3A_202 = tpu.memref_slice %arg9[%add3A_127, %dma_wait3A_201] : memref<80x128xi32, #tpu.memory_space<vmem>> -> memref<1x128xi32, #tpu.memory_space<vmem>>
        %dma_wait3A_203 = tpu.memref_squeeze %dma_wait3A_202 : memref<1x128xi32, #tpu.memory_space<vmem>> -> memref<128xi32, #tpu.memory_space<vmem>>
        %dma_wait3A_204 = arith.constant 0 : i32
        %dma_wait3A_205 = arith.constant 0 : i32
        %dma_wait3A_206 = tpu.memref_slice %arg18[%dma_wait3A_204, %dma_wait3A_205] : memref<10240x64xf32, #tpu.memory_space<vmem_shared>> -> memref<10240x64xf32, #tpu.memory_space<vmem_shared>>
        tpu.wait_indirect_dma semaphore(%run_scoped3A : memref<!tpu.dma_semaphore, #tpu.memory_space<semaphore_mem>>) src(%arg13 : memref<128x64xf32, #tpu.memory_space<vmem>>) dst(%dma_wait3A_206 : memref<10240x64xf32, #tpu.memory_space<vmem_shared>>)
        tpu.yield
      }) : () -> ()
      %add3A_134 = arith.constant 8 : i32
      %add3A_135 = arith.addi %add3A_127, %add3A_134 : i32
      %lt3A_136 = arith.cmpi slt, %add3A_135, %mul3A_15 : i32
      %convert_element_type3A_137 = arith.extui %lt3A_136 : i1 to i32
      %cond3A_138 = arith.constant 0 : i32
      %cond3A_139 = arith.cmpi ne, %convert_element_type3A_137, %cond3A_138 : i32
      scf.if %cond3A_139 {
        %add3A_196 = arith.constant 8 : i32
        %add3A_197 = arith.addi %add3A_127, %add3A_196 : i32
        %dma_start3A = arith.constant 0 : i32
        %dma_start3A_198 = tpu.memref_slice %arg8[%add3A_197, %dma_start3A] : memref<80x128xi32, #tpu.memory_space<vmem>> -> memref<1x128xi32, #tpu.memory_space<vmem>>
        %dma_start3A_199 = tpu.memref_squeeze %dma_start3A_198 : memref<1x128xi32, #tpu.memory_space<vmem>> -> memref<128xi32, #tpu.memory_space<vmem>>
        %dma_start3A_200 = arith.constant 0 : i32
        %dma_start3A_201 = arith.constant 0 : i32
        %dma_start3A_202 = tpu.memref_slice %arg2[%dma_start3A_200, %dma_start3A_201] : memref<10240x64xf32, #tpu.memory_space<hbm>> -> memref<10240x64xf32, #tpu.memory_space<hbm>>
        tpu.enqueue_indirect_dma source(%dma_start3A_202 : memref<10240x64xf32, #tpu.memory_space<hbm>>) target(%arg13 : memref<128x64xf32, #tpu.memory_space<vmem>>) offsets(%dma_start3A_199 : memref<128xi32, #tpu.memory_space<vmem>>) semaphore(%arg22 : memref<!tpu.dma_semaphore, #tpu.memory_space<semaphore_mem>>)
      } else {
      }
      %add3A_140 = arith.constant 4 : i32
      %add3A_141 = arith.addi %mul3A_85, %add3A_140 : i32
      %dma_wait3A_142 = arith.constant 0 : i32
      %dma_wait3A_143 = tpu.memref_slice %arg8[%add3A_141, %dma_wait3A_142] : memref<80x128xi32, #tpu.memory_space<vmem>> -> memref<1x128xi32, #tpu.memory_space<vmem>>
      %dma_wait3A_144 = tpu.memref_squeeze %dma_wait3A_143 : memref<1x128xi32, #tpu.memory_space<vmem>> -> memref<128xi32, #tpu.memory_space<vmem>>
      %dma_wait3A_145 = arith.constant 0 : i32
      %dma_wait3A_146 = arith.constant 0 : i32
      %dma_wait3A_147 = tpu.memref_slice %arg2[%dma_wait3A_145, %dma_wait3A_146] : memref<10240x64xf32, #tpu.memory_space<hbm>> -> memref<10240x64xf32, #tpu.memory_space<hbm>>
      tpu.wait_indirect_dma semaphore(%arg23 : memref<!tpu.dma_semaphore, #tpu.memory_space<semaphore_mem>>) src(%dma_wait3A_147 : memref<10240x64xf32, #tpu.memory_space<hbm>>) dst(%arg14 : memref<128x64xf32, #tpu.memory_space<vmem>>)
      "tpu.region"() ({
        %run_scoped3A = tpu.sem_alloc : memref<!tpu.dma_semaphore, #tpu.memory_space<semaphore_mem>>
        %dma_start3A = arith.constant 0 : i32
        %dma_start3A_196 = tpu.memref_slice %arg9[%add3A_141, %dma_start3A] : memref<80x128xi32, #tpu.memory_space<vmem>> -> memref<1x128xi32, #tpu.memory_space<vmem>>
        %dma_start3A_197 = tpu.memref_squeeze %dma_start3A_196 : memref<1x128xi32, #tpu.memory_space<vmem>> -> memref<128xi32, #tpu.memory_space<vmem>>
        %dma_start3A_198 = arith.constant 0 : i32
        %dma_start3A_199 = arith.constant 0 : i32
        %dma_start3A_200 = tpu.memref_slice %arg18[%dma_start3A_198, %dma_start3A_199] : memref<10240x64xf32, #tpu.memory_space<vmem_shared>> -> memref<10240x64xf32, #tpu.memory_space<vmem_shared>>
        tpu.enqueue_indirect_dma source(%arg14 : memref<128x64xf32, #tpu.memory_space<vmem>>) target(%dma_start3A_200 : memref<10240x64xf32, #tpu.memory_space<vmem_shared>>) offsets(%dma_start3A_197 : memref<128xi32, #tpu.memory_space<vmem>>) semaphore(%run_scoped3A : memref<!tpu.dma_semaphore, #tpu.memory_space<semaphore_mem>>) {add = true}
        %dma_wait3A_201 = arith.constant 0 : i32
        %dma_wait3A_202 = tpu.memref_slice %arg9[%add3A_141, %dma_wait3A_201] : memref<80x128xi32, #tpu.memory_space<vmem>> -> memref<1x128xi32, #tpu.memory_space<vmem>>
        %dma_wait3A_203 = tpu.memref_squeeze %dma_wait3A_202 : memref<1x128xi32, #tpu.memory_space<vmem>> -> memref<128xi32, #tpu.memory_space<vmem>>
        %dma_wait3A_204 = arith.constant 0 : i32
        %dma_wait3A_205 = arith.constant 0 : i32
        %dma_wait3A_206 = tpu.memref_slice %arg18[%dma_wait3A_204, %dma_wait3A_205] : memref<10240x64xf32, #tpu.memory_space<vmem_shared>> -> memref<10240x64xf32, #tpu.memory_space<vmem_shared>>
        tpu.wait_indirect_dma semaphore(%run_scoped3A : memref<!tpu.dma_semaphore, #tpu.memory_space<semaphore_mem>>) src(%arg14 : memref<128x64xf32, #tpu.memory_space<vmem>>) dst(%dma_wait3A_206 : memref<10240x64xf32, #tpu.memory_space<vmem_shared>>)
        tpu.yield
      }) : () -> ()
      %add3A_148 = arith.constant 8 : i32
      %add3A_149 = arith.addi %add3A_141, %add3A_148 : i32
      %lt3A_150 = arith.cmpi slt, %add3A_149, %mul3A_15 : i32
      %convert_element_type3A_151 = arith.extui %lt3A_150 : i1 to i32
      %cond3A_152 = arith.constant 0 : i32
      %cond3A_153 = arith.cmpi ne, %convert_element_type3A_151, %cond3A_152 : i32
      scf.if %cond3A_153 {
        %add3A_196 = arith.constant 8 : i32
        %add3A_197 = arith.addi %add3A_141, %add3A_196 : i32
        %dma_start3A = arith.constant 0 : i32
        %dma_start3A_198 = tpu.memref_slice %arg8[%add3A_197, %dma_start3A] : memref<80x128xi32, #tpu.memory_space<vmem>> -> memref<1x128xi32, #tpu.memory_space<vmem>>
        %dma_start3A_199 = tpu.memref_squeeze %dma_start3A_198 : memref<1x128xi32, #tpu.memory_space<vmem>> -> memref<128xi32, #tpu.memory_space<vmem>>
        %dma_start3A_200 = arith.constant 0 : i32
        %dma_start3A_201 = arith.constant 0 : i32
        %dma_start3A_202 = tpu.memref_slice %arg2[%dma_start3A_200, %dma_start3A_201] : memref<10240x64xf32, #tpu.memory_space<hbm>> -> memref<10240x64xf32, #tpu.memory_space<hbm>>
        tpu.enqueue_indirect_dma source(%dma_start3A_202 : memref<10240x64xf32, #tpu.memory_space<hbm>>) target(%arg14 : memref<128x64xf32, #tpu.memory_space<vmem>>) offsets(%dma_start3A_199 : memref<128xi32, #tpu.memory_space<vmem>>) semaphore(%arg23 : memref<!tpu.dma_semaphore, #tpu.memory_space<semaphore_mem>>)
      } else {
      }
      %add3A_154 = arith.constant 5 : i32
      %add3A_155 = arith.addi %mul3A_85, %add3A_154 : i32
      %dma_wait3A_156 = arith.constant 0 : i32
      %dma_wait3A_157 = tpu.memref_slice %arg8[%add3A_155, %dma_wait3A_156] : memref<80x128xi32, #tpu.memory_space<vmem>> -> memref<1x128xi32, #tpu.memory_space<vmem>>
      %dma_wait3A_158 = tpu.memref_squeeze %dma_wait3A_157 : memref<1x128xi32, #tpu.memory_space<vmem>> -> memref<128xi32, #tpu.memory_space<vmem>>
      %dma_wait3A_159 = arith.constant 0 : i32
      %dma_wait3A_160 = arith.constant 0 : i32
      %dma_wait3A_161 = tpu.memref_slice %arg2[%dma_wait3A_159, %dma_wait3A_160] : memref<10240x64xf32, #tpu.memory_space<hbm>> -> memref<10240x64xf32, #tpu.memory_space<hbm>>
      tpu.wait_indirect_dma semaphore(%arg24 : memref<!tpu.dma_semaphore, #tpu.memory_space<semaphore_mem>>) src(%dma_wait3A_161 : memref<10240x64xf32, #tpu.memory_space<hbm>>) dst(%arg15 : memref<128x64xf32, #tpu.memory_space<vmem>>)
      "tpu.region"() ({
        %run_scoped3A = tpu.sem_alloc : memref<!tpu.dma_semaphore, #tpu.memory_space<semaphore_mem>>
        %dma_start3A = arith.constant 0 : i32
        %dma_start3A_196 = tpu.memref_slice %arg9[%add3A_155, %dma_start3A] : memref<80x128xi32, #tpu.memory_space<vmem>> -> memref<1x128xi32, #tpu.memory_space<vmem>>
        %dma_start3A_197 = tpu.memref_squeeze %dma_start3A_196 : memref<1x128xi32, #tpu.memory_space<vmem>> -> memref<128xi32, #tpu.memory_space<vmem>>
        %dma_start3A_198 = arith.constant 0 : i32
        %dma_start3A_199 = arith.constant 0 : i32
        %dma_start3A_200 = tpu.memref_slice %arg18[%dma_start3A_198, %dma_start3A_199] : memref<10240x64xf32, #tpu.memory_space<vmem_shared>> -> memref<10240x64xf32, #tpu.memory_space<vmem_shared>>
        tpu.enqueue_indirect_dma source(%arg15 : memref<128x64xf32, #tpu.memory_space<vmem>>) target(%dma_start3A_200 : memref<10240x64xf32, #tpu.memory_space<vmem_shared>>) offsets(%dma_start3A_197 : memref<128xi32, #tpu.memory_space<vmem>>) semaphore(%run_scoped3A : memref<!tpu.dma_semaphore, #tpu.memory_space<semaphore_mem>>) {add = true}
        %dma_wait3A_201 = arith.constant 0 : i32
        %dma_wait3A_202 = tpu.memref_slice %arg9[%add3A_155, %dma_wait3A_201] : memref<80x128xi32, #tpu.memory_space<vmem>> -> memref<1x128xi32, #tpu.memory_space<vmem>>
        %dma_wait3A_203 = tpu.memref_squeeze %dma_wait3A_202 : memref<1x128xi32, #tpu.memory_space<vmem>> -> memref<128xi32, #tpu.memory_space<vmem>>
        %dma_wait3A_204 = arith.constant 0 : i32
        %dma_wait3A_205 = arith.constant 0 : i32
        %dma_wait3A_206 = tpu.memref_slice %arg18[%dma_wait3A_204, %dma_wait3A_205] : memref<10240x64xf32, #tpu.memory_space<vmem_shared>> -> memref<10240x64xf32, #tpu.memory_space<vmem_shared>>
        tpu.wait_indirect_dma semaphore(%run_scoped3A : memref<!tpu.dma_semaphore, #tpu.memory_space<semaphore_mem>>) src(%arg15 : memref<128x64xf32, #tpu.memory_space<vmem>>) dst(%dma_wait3A_206 : memref<10240x64xf32, #tpu.memory_space<vmem_shared>>)
        tpu.yield
      }) : () -> ()
      %add3A_162 = arith.constant 8 : i32
      %add3A_163 = arith.addi %add3A_155, %add3A_162 : i32
      %lt3A_164 = arith.cmpi slt, %add3A_163, %mul3A_15 : i32
      %convert_element_type3A_165 = arith.extui %lt3A_164 : i1 to i32
      %cond3A_166 = arith.constant 0 : i32
      %cond3A_167 = arith.cmpi ne, %convert_element_type3A_165, %cond3A_166 : i32
      scf.if %cond3A_167 {
        %add3A_196 = arith.constant 8 : i32
        %add3A_197 = arith.addi %add3A_155, %add3A_196 : i32
        %dma_start3A = arith.constant 0 : i32
        %dma_start3A_198 = tpu.memref_slice %arg8[%add3A_197, %dma_start3A] : memref<80x128xi32, #tpu.memory_space<vmem>> -> memref<1x128xi32, #tpu.memory_space<vmem>>
        %dma_start3A_199 = tpu.memref_squeeze %dma_start3A_198 : memref<1x128xi32, #tpu.memory_space<vmem>> -> memref<128xi32, #tpu.memory_space<vmem>>
        %dma_start3A_200 = arith.constant 0 : i32
        %dma_start3A_201 = arith.constant 0 : i32
        %dma_start3A_202 = tpu.memref_slice %arg2[%dma_start3A_200, %dma_start3A_201] : memref<10240x64xf32, #tpu.memory_space<hbm>> -> memref<10240x64xf32, #tpu.memory_space<hbm>>
        tpu.enqueue_indirect_dma source(%dma_start3A_202 : memref<10240x64xf32, #tpu.memory_space<hbm>>) target(%arg15 : memref<128x64xf32, #tpu.memory_space<vmem>>) offsets(%dma_start3A_199 : memref<128xi32, #tpu.memory_space<vmem>>) semaphore(%arg24 : memref<!tpu.dma_semaphore, #tpu.memory_space<semaphore_mem>>)
      } else {
      }
      %add3A_168 = arith.constant 6 : i32
      %add3A_169 = arith.addi %mul3A_85, %add3A_168 : i32
      %dma_wait3A_170 = arith.constant 0 : i32
      %dma_wait3A_171 = tpu.memref_slice %arg8[%add3A_169, %dma_wait3A_170] : memref<80x128xi32, #tpu.memory_space<vmem>> -> memref<1x128xi32, #tpu.memory_space<vmem>>
      %dma_wait3A_172 = tpu.memref_squeeze %dma_wait3A_171 : memref<1x128xi32, #tpu.memory_space<vmem>> -> memref<128xi32, #tpu.memory_space<vmem>>
      %dma_wait3A_173 = arith.constant 0 : i32
      %dma_wait3A_174 = arith.constant 0 : i32
      %dma_wait3A_175 = tpu.memref_slice %arg2[%dma_wait3A_173, %dma_wait3A_174] : memref<10240x64xf32, #tpu.memory_space<hbm>> -> memref<10240x64xf32, #tpu.memory_space<hbm>>
      tpu.wait_indirect_dma semaphore(%arg25 : memref<!tpu.dma_semaphore, #tpu.memory_space<semaphore_mem>>) src(%dma_wait3A_175 : memref<10240x64xf32, #tpu.memory_space<hbm>>) dst(%arg16 : memref<128x64xf32, #tpu.memory_space<vmem>>)
      "tpu.region"() ({
        %run_scoped3A = tpu.sem_alloc : memref<!tpu.dma_semaphore, #tpu.memory_space<semaphore_mem>>
        %dma_start3A = arith.constant 0 : i32
        %dma_start3A_196 = tpu.memref_slice %arg9[%add3A_169, %dma_start3A] : memref<80x128xi32, #tpu.memory_space<vmem>> -> memref<1x128xi32, #tpu.memory_space<vmem>>
        %dma_start3A_197 = tpu.memref_squeeze %dma_start3A_196 : memref<1x128xi32, #tpu.memory_space<vmem>> -> memref<128xi32, #tpu.memory_space<vmem>>
        %dma_start3A_198 = arith.constant 0 : i32
        %dma_start3A_199 = arith.constant 0 : i32
        %dma_start3A_200 = tpu.memref_slice %arg18[%dma_start3A_198, %dma_start3A_199] : memref<10240x64xf32, #tpu.memory_space<vmem_shared>> -> memref<10240x64xf32, #tpu.memory_space<vmem_shared>>
        tpu.enqueue_indirect_dma source(%arg16 : memref<128x64xf32, #tpu.memory_space<vmem>>) target(%dma_start3A_200 : memref<10240x64xf32, #tpu.memory_space<vmem_shared>>) offsets(%dma_start3A_197 : memref<128xi32, #tpu.memory_space<vmem>>) semaphore(%run_scoped3A : memref<!tpu.dma_semaphore, #tpu.memory_space<semaphore_mem>>) {add = true}
        %dma_wait3A_201 = arith.constant 0 : i32
        %dma_wait3A_202 = tpu.memref_slice %arg9[%add3A_169, %dma_wait3A_201] : memref<80x128xi32, #tpu.memory_space<vmem>> -> memref<1x128xi32, #tpu.memory_space<vmem>>
        %dma_wait3A_203 = tpu.memref_squeeze %dma_wait3A_202 : memref<1x128xi32, #tpu.memory_space<vmem>> -> memref<128xi32, #tpu.memory_space<vmem>>
        %dma_wait3A_204 = arith.constant 0 : i32
        %dma_wait3A_205 = arith.constant 0 : i32
        %dma_wait3A_206 = tpu.memref_slice %arg18[%dma_wait3A_204, %dma_wait3A_205] : memref<10240x64xf32, #tpu.memory_space<vmem_shared>> -> memref<10240x64xf32, #tpu.memory_space<vmem_shared>>
        tpu.wait_indirect_dma semaphore(%run_scoped3A : memref<!tpu.dma_semaphore, #tpu.memory_space<semaphore_mem>>) src(%arg16 : memref<128x64xf32, #tpu.memory_space<vmem>>) dst(%dma_wait3A_206 : memref<10240x64xf32, #tpu.memory_space<vmem_shared>>)
        tpu.yield
      }) : () -> ()
      %add3A_176 = arith.constant 8 : i32
      %add3A_177 = arith.addi %add3A_169, %add3A_176 : i32
      %lt3A_178 = arith.cmpi slt, %add3A_177, %mul3A_15 : i32
      %convert_element_type3A_179 = arith.extui %lt3A_178 : i1 to i32
      %cond3A_180 = arith.constant 0 : i32
      %cond3A_181 = arith.cmpi ne, %convert_element_type3A_179, %cond3A_180 : i32
      scf.if %cond3A_181 {
        %add3A_196 = arith.constant 8 : i32
        %add3A_197 = arith.addi %add3A_169, %add3A_196 : i32
        %dma_start3A = arith.constant 0 : i32
        %dma_start3A_198 = tpu.memref_slice %arg8[%add3A_197, %dma_start3A] : memref<80x128xi32, #tpu.memory_space<vmem>> -> memref<1x128xi32, #tpu.memory_space<vmem>>
        %dma_start3A_199 = tpu.memref_squeeze %dma_start3A_198 : memref<1x128xi32, #tpu.memory_space<vmem>> -> memref<128xi32, #tpu.memory_space<vmem>>
        %dma_start3A_200 = arith.constant 0 : i32
        %dma_start3A_201 = arith.constant 0 : i32
        %dma_start3A_202 = tpu.memref_slice %arg2[%dma_start3A_200, %dma_start3A_201] : memref<10240x64xf32, #tpu.memory_space<hbm>> -> memref<10240x64xf32, #tpu.memory_space<hbm>>
        tpu.enqueue_indirect_dma source(%dma_start3A_202 : memref<10240x64xf32, #tpu.memory_space<hbm>>) target(%arg16 : memref<128x64xf32, #tpu.memory_space<vmem>>) offsets(%dma_start3A_199 : memref<128xi32, #tpu.memory_space<vmem>>) semaphore(%arg25 : memref<!tpu.dma_semaphore, #tpu.memory_space<semaphore_mem>>)
      } else {
      }
      %add3A_182 = arith.constant 7 : i32
      %add3A_183 = arith.addi %mul3A_85, %add3A_182 : i32
      %dma_wait3A_184 = arith.constant 0 : i32
      %dma_wait3A_185 = tpu.memref_slice %arg8[%add3A_183, %dma_wait3A_184] : memref<80x128xi32, #tpu.memory_space<vmem>> -> memref<1x128xi32, #tpu.memory_space<vmem>>
      %dma_wait3A_186 = tpu.memref_squeeze %dma_wait3A_185 : memref<1x128xi32, #tpu.memory_space<vmem>> -> memref<128xi32, #tpu.memory_space<vmem>>
      %dma_wait3A_187 = arith.constant 0 : i32
      %dma_wait3A_188 = arith.constant 0 : i32
      %dma_wait3A_189 = tpu.memref_slice %arg2[%dma_wait3A_187, %dma_wait3A_188] : memref<10240x64xf32, #tpu.memory_space<hbm>> -> memref<10240x64xf32, #tpu.memory_space<hbm>>
      tpu.wait_indirect_dma semaphore(%arg26 : memref<!tpu.dma_semaphore, #tpu.memory_space<semaphore_mem>>) src(%dma_wait3A_189 : memref<10240x64xf32, #tpu.memory_space<hbm>>) dst(%arg17 : memref<128x64xf32, #tpu.memory_space<vmem>>)
      "tpu.region"() ({
        %run_scoped3A = tpu.sem_alloc : memref<!tpu.dma_semaphore, #tpu.memory_space<semaphore_mem>>
        %dma_start3A = arith.constant 0 : i32
        %dma_start3A_196 = tpu.memref_slice %arg9[%add3A_183, %dma_start3A] : memref<80x128xi32, #tpu.memory_space<vmem>> -> memref<1x128xi32, #tpu.memory_space<vmem>>
        %dma_start3A_197 = tpu.memref_squeeze %dma_start3A_196 : memref<1x128xi32, #tpu.memory_space<vmem>> -> memref<128xi32, #tpu.memory_space<vmem>>
        %dma_start3A_198 = arith.constant 0 : i32
        %dma_start3A_199 = arith.constant 0 : i32
        %dma_start3A_200 = tpu.memref_slice %arg18[%dma_start3A_198, %dma_start3A_199] : memref<10240x64xf32, #tpu.memory_space<vmem_shared>> -> memref<10240x64xf32, #tpu.memory_space<vmem_shared>>
        tpu.enqueue_indirect_dma source(%arg17 : memref<128x64xf32, #tpu.memory_space<vmem>>) target(%dma_start3A_200 : memref<10240x64xf32, #tpu.memory_space<vmem_shared>>) offsets(%dma_start3A_197 : memref<128xi32, #tpu.memory_space<vmem>>) semaphore(%run_scoped3A : memref<!tpu.dma_semaphore, #tpu.memory_space<semaphore_mem>>) {add = true}
        %dma_wait3A_201 = arith.constant 0 : i32
        %dma_wait3A_202 = tpu.memref_slice %arg9[%add3A_183, %dma_wait3A_201] : memref<80x128xi32, #tpu.memory_space<vmem>> -> memref<1x128xi32, #tpu.memory_space<vmem>>
        %dma_wait3A_203 = tpu.memref_squeeze %dma_wait3A_202 : memref<1x128xi32, #tpu.memory_space<vmem>> -> memref<128xi32, #tpu.memory_space<vmem>>
        %dma_wait3A_204 = arith.constant 0 : i32
        %dma_wait3A_205 = arith.constant 0 : i32
        %dma_wait3A_206 = tpu.memref_slice %arg18[%dma_wait3A_204, %dma_wait3A_205] : memref<10240x64xf32, #tpu.memory_space<vmem_shared>> -> memref<10240x64xf32, #tpu.memory_space<vmem_shared>>
        tpu.wait_indirect_dma semaphore(%run_scoped3A : memref<!tpu.dma_semaphore, #tpu.memory_space<semaphore_mem>>) src(%arg17 : memref<128x64xf32, #tpu.memory_space<vmem>>) dst(%dma_wait3A_206 : memref<10240x64xf32, #tpu.memory_space<vmem_shared>>)
        tpu.yield
      }) : () -> ()
      %add3A_190 = arith.constant 8 : i32
      %add3A_191 = arith.addi %add3A_183, %add3A_190 : i32
      %lt3A_192 = arith.cmpi slt, %add3A_191, %mul3A_15 : i32
      %convert_element_type3A_193 = arith.extui %lt3A_192 : i1 to i32
      %cond3A_194 = arith.constant 0 : i32
      %cond3A_195 = arith.cmpi ne, %convert_element_type3A_193, %cond3A_194 : i32
      scf.if %cond3A_195 {
        %add3A_196 = arith.constant 8 : i32
        %add3A_197 = arith.addi %add3A_183, %add3A_196 : i32
        %dma_start3A = arith.constant 0 : i32
        %dma_start3A_198 = tpu.memref_slice %arg8[%add3A_197, %dma_start3A] : memref<80x128xi32, #tpu.memory_space<vmem>> -> memref<1x128xi32, #tpu.memory_space<vmem>>
        %dma_start3A_199 = tpu.memref_squeeze %dma_start3A_198 : memref<1x128xi32, #tpu.memory_space<vmem>> -> memref<128xi32, #tpu.memory_space<vmem>>
        %dma_start3A_200 = arith.constant 0 : i32
        %dma_start3A_201 = arith.constant 0 : i32
        %dma_start3A_202 = tpu.memref_slice %arg2[%dma_start3A_200, %dma_start3A_201] : memref<10240x64xf32, #tpu.memory_space<hbm>> -> memref<10240x64xf32, #tpu.memory_space<hbm>>
        tpu.enqueue_indirect_dma source(%dma_start3A_202 : memref<10240x64xf32, #tpu.memory_space<hbm>>) target(%arg17 : memref<128x64xf32, #tpu.memory_space<vmem>>) offsets(%dma_start3A_199 : memref<128xi32, #tpu.memory_space<vmem>>) semaphore(%arg26 : memref<!tpu.dma_semaphore, #tpu.memory_space<semaphore_mem>>)
      } else {
      }
    }
    %barrier3A_39 = arith.constant 0 : index
    tpu.barrier barrier_id(%barrier3A_39)
    "tpu.trace_stop"() : () -> ()
    "tpu.trace_start"() <{level = 10 : i32, message = "ph_wb0"}> : () -> ()
    %scan3A_40 = arith.constant 0 : i32
    %scan3A_41 = arith.constant 0 : i32
    %scan3A_42 = arith.constant 5 : i32
    %scan3A_43 = arith.addi %scan3A_41, %scan3A_42 : i32
    %scan3A_44 = arith.constant 1 : i32
    scf.for %scan3A_83 = %scan3A_41 to %scan3A_43 step %scan3A_44  : i32 {
      %mul3A_84 = arith.constant 128 : i32
      %mul3A_85 = arith.muli %scan3A_83, %mul3A_84 : i32
      %add3A_86 = arith.addi %mul3A_0, %mul3A_85 : i32
      "tpu.region"() ({
        %run_scoped3A = tpu.sem_alloc : memref<!tpu.dma_semaphore, #tpu.memory_space<semaphore_mem>>
        %dma_start3A = arith.constant 0 : i32
        %dma_start3A_90 = tpu.memref_slice %arg18[%add3A_86, %dma_start3A] : memref<10240x64xf32, #tpu.memory_space<vmem_shared>> -> memref<128x64xf32, #tpu.memory_space<vmem_shared>>
        %dma_start3A_91 = arith.constant 0 : i32
        %dma_start3A_92 = tpu.memref_slice %arg18[%add3A_86, %dma_start3A_91] : memref<10240x64xf32, #tpu.memory_space<vmem_shared>> -> memref<128x64xf32, #tpu.memory_space<vmem_shared>>
        tpu.enqueue_dma source(%dma_start3A_92 : memref<128x64xf32, #tpu.memory_space<vmem_shared>>) target(%arg10 : memref<128x64xf32, #tpu.memory_space<vmem>>) target_semaphore(%run_scoped3A : memref<!tpu.dma_semaphore, #tpu.memory_space<semaphore_mem>>)
        %dma_wait3A = arith.constant 0 : i32
        %dma_wait3A_93 = tpu.memref_slice %arg18[%add3A_86, %dma_wait3A] : memref<10240x64xf32, #tpu.memory_space<vmem_shared>> -> memref<128x64xf32, #tpu.memory_space<vmem_shared>>
        %dma_wait3A_94 = arith.constant 0 : i32
        %dma_wait3A_95 = tpu.memref_slice %arg18[%add3A_86, %dma_wait3A_94] : memref<10240x64xf32, #tpu.memory_space<vmem_shared>> -> memref<128x64xf32, #tpu.memory_space<vmem_shared>>
        tpu.wait_dma2 semaphore(%run_scoped3A : memref<!tpu.dma_semaphore, #tpu.memory_space<semaphore_mem>>) src(%dma_wait3A_95 : memref<128x64xf32, #tpu.memory_space<vmem_shared>>) dst(%arg10 : memref<128x64xf32, #tpu.memory_space<vmem>>)
        tpu.yield
      }) : () -> ()
      %mul3A_87 = arith.constant 128 : i32
      %mul3A_88 = arith.muli %scan3A_83, %mul3A_87 : i32
      %add3A_89 = arith.addi %add3A, %mul3A_88 : i32
      "tpu.region"() ({
        %run_scoped3A = tpu.sem_alloc : memref<!tpu.dma_semaphore, #tpu.memory_space<semaphore_mem>>
        %dma_start3A = arith.constant 0 : i32
        %dma_start3A_90 = tpu.memref_slice %arg6[%add3A_89, %dma_start3A] : memref<20480x64xf32, #tpu.memory_space<hbm>> -> memref<128x64xf32, #tpu.memory_space<hbm>>
        %dma_start3A_91 = arith.constant 0 : i32
        %dma_start3A_92 = tpu.memref_slice %arg6[%add3A_89, %dma_start3A_91] : memref<20480x64xf32, #tpu.memory_space<hbm>> -> memref<128x64xf32, #tpu.memory_space<hbm>>
        tpu.enqueue_dma source(%arg10 : memref<128x64xf32, #tpu.memory_space<vmem>>) target(%dma_start3A_92 : memref<128x64xf32, #tpu.memory_space<hbm>>) target_semaphore(%run_scoped3A : memref<!tpu.dma_semaphore, #tpu.memory_space<semaphore_mem>>)
        %dma_wait3A = arith.constant 0 : i32
        %dma_wait3A_93 = tpu.memref_slice %arg6[%add3A_89, %dma_wait3A] : memref<20480x64xf32, #tpu.memory_space<hbm>> -> memref<128x64xf32, #tpu.memory_space<hbm>>
        %dma_wait3A_94 = arith.constant 0 : i32
        %dma_wait3A_95 = tpu.memref_slice %arg6[%add3A_89, %dma_wait3A_94] : memref<20480x64xf32, #tpu.memory_space<hbm>> -> memref<128x64xf32, #tpu.memory_space<hbm>>
        tpu.wait_dma2 semaphore(%run_scoped3A : memref<!tpu.dma_semaphore, #tpu.memory_space<semaphore_mem>>) src(%arg10 : memref<128x64xf32, #tpu.memory_space<vmem>>) dst(%dma_wait3A_95 : memref<128x64xf32, #tpu.memory_space<hbm>>)
        tpu.yield
      }) : () -> ()
    }
    %scan3A_45 = arith.constant 5 : i32
    %barrier3A_46 = arith.constant 0 : index
    tpu.barrier barrier_id(%barrier3A_46)
    "tpu.trace_stop"() : () -> ()
    "tpu.trace_start"() <{level = 10 : i32, message = "ph_fill1"}> : () -> ()
    %scan3A_47 = arith.constant 0 : i32
    %scan3A_48 = arith.constant 0 : i32
    %scan3A_49 = arith.constant 128 : i32
    %scan3A_50 = arith.addi %scan3A_48, %scan3A_49 : i32
    %scan3A_51 = arith.constant 1 : i32
    scf.for %scan3A_83 = %scan3A_48 to %scan3A_50 step %scan3A_51  : i32 {
      %scan3A_84 = arith.constant 0 : i32
      %scan3A_85 = arith.constant 4 : i32
      %scan3A_86 = arith.addi %scan3A_84, %scan3A_85 : i32
      %scan3A_87 = arith.constant 1 : i32
      scf.for %scan3A_89 = %scan3A_84 to %scan3A_86 step %scan3A_87  : i32 {
        %mul3A_90 = arith.constant 16 : i32
        %mul3A_91 = arith.muli %scan3A_89, %mul3A_90 : i32
        %swap3A = arith.index_cast %scan3A_83 : i32 to index
        %swap3A_92 = arith.index_cast %mul3A_91 : i32 to index
        %swap3A_93 = tpu.vector_load %arg10[%swap3A, %swap3A_92] {strides = array<i32>} : memref<128x64xf32, #tpu.memory_space<vmem>>, vector<1x16xf32>,
        %swap3A_94 = vector.shape_cast %swap3A_93 : vector<1x16xf32> to vector<16xf32>
        %swap3A_95 = vector.shape_cast %broadcast_in_dim3A_16 : vector<16xf32> to vector<1x16xf32>
        tpu.vector_store %arg10[%swap3A, %swap3A_92], %swap3A_95 {strides = array<i32>} : memref<128x64xf32, #tpu.memory_space<vmem>>, vector<1x16xf32>,
      }
      %scan3A_88 = arith.constant 4 : i32
    }
    %scan3A_52 = arith.constant 128 : i32
    "tpu.trace_stop"() : () -> ()
    "tpu.trace_start"() <{level = 10 : i32, message = "ph_zero1"}> : () -> ()
    %scan3A_53 = arith.constant 0 : i32
    %scan3A_54 = arith.constant 0 : i32
    %scan3A_55 = arith.constant 5 : i32
    %scan3A_56 = arith.addi %scan3A_54, %scan3A_55 : i32
    %scan3A_57 = arith.constant 1 : i32
    scf.for %scan3A_83 = %scan3A_54 to %scan3A_56 step %scan3A_57  : i32 {
      %mul3A_84 = arith.constant 128 : i32
      %mul3A_85 = arith.muli %scan3A_83, %mul3A_84 : i32
      %add3A_86 = arith.addi %mul3A_0, %mul3A_85 : i32
      "tpu.region"() ({
        %run_scoped3A = tpu.sem_alloc : memref<!tpu.dma_semaphore, #tpu.memory_space<semaphore_mem>>
        %dma_start3A = arith.constant 0 : i32
        %dma_start3A_87 = tpu.memref_slice %arg18[%add3A_86, %dma_start3A] : memref<10240x64xf32, #tpu.memory_space<vmem_shared>> -> memref<128x64xf32, #tpu.memory_space<vmem_shared>>
        %dma_start3A_88 = arith.constant 0 : i32
        %dma_start3A_89 = tpu.memref_slice %arg18[%add3A_86, %dma_start3A_88] : memref<10240x64xf32, #tpu.memory_space<vmem_shared>> -> memref<128x64xf32, #tpu.memory_space<vmem_shared>>
        tpu.enqueue_dma source(%arg10 : memref<128x64xf32, #tpu.memory_space<vmem>>) target(%dma_start3A_89 : memref<128x64xf32, #tpu.memory_space<vmem_shared>>) target_semaphore(%run_scoped3A : memref<!tpu.dma_semaphore, #tpu.memory_space<semaphore_mem>>)
        %dma_wait3A = arith.constant 0 : i32
        %dma_wait3A_90 = tpu.memref_slice %arg18[%add3A_86, %dma_wait3A] : memref<10240x64xf32, #tpu.memory_space<vmem_shared>> -> memref<128x64xf32, #tpu.memory_space<vmem_shared>>
        %dma_wait3A_91 = arith.constant 0 : i32
        %dma_wait3A_92 = tpu.memref_slice %arg18[%add3A_86, %dma_wait3A_91] : memref<10240x64xf32, #tpu.memory_space<vmem_shared>> -> memref<128x64xf32, #tpu.memory_space<vmem_shared>>
        tpu.wait_dma2 semaphore(%run_scoped3A : memref<!tpu.dma_semaphore, #tpu.memory_space<semaphore_mem>>) src(%arg10 : memref<128x64xf32, #tpu.memory_space<vmem>>) dst(%dma_wait3A_92 : memref<128x64xf32, #tpu.memory_space<vmem_shared>>)
        tpu.yield
      }) : () -> ()
    }
    %scan3A_58 = arith.constant 5 : i32
    %barrier3A_59 = arith.constant 0 : index
    tpu.barrier barrier_id(%barrier3A_59)
    %gt3A_60 = arith.constant 0 : i32
    "tpu.trace_stop"() : () -> ()
    "tpu.trace_start"() <{level = 10 : i32, message = "ph_edges1"}> : () -> ()
    %gt3A_61 = arith.cmpi sgt, %mul3A_15, %gt3A_60 : i32
    %convert_element_type3A_62 = arith.extui %gt3A_61 : i1 to i32
    %cond3A_63 = arith.constant 0 : i32
    %cond3A_64 = arith.cmpi ne, %convert_element_type3A_62, %cond3A_63 : i32
    scf.if %cond3A_64 {
      %dma_start3A = arith.constant 0 : i32
      %dma_start3A_83 = arith.constant 0 : i32
      %dma_start3A_84 = tpu.memref_slice %arg8[%dma_start3A, %dma_start3A_83] : memref<80x128xi32, #tpu.memory_space<vmem>> -> memref<1x128xi32, #tpu.memory_space<vmem>>
      %dma_start3A_85 = tpu.memref_squeeze %dma_start3A_84 : memref<1x128xi32, #tpu.memory_space<vmem>> -> memref<128xi32, #tpu.memory_space<vmem>>
      %dma_start3A_86 = arith.constant 0 : i32
      %dma_start3A_87 = arith.constant 0 : i32
      %dma_start3A_88 = tpu.memref_slice %arg3[%dma_start3A_86, %dma_start3A_87] : memref<10240x64xf32, #tpu.memory_space<hbm>> -> memref<10240x64xf32, #tpu.memory_space<hbm>>
      tpu.enqueue_indirect_dma source(%dma_start3A_88 : memref<10240x64xf32, #tpu.memory_space<hbm>>) target(%arg10 : memref<128x64xf32, #tpu.memory_space<vmem>>) offsets(%dma_start3A_85 : memref<128xi32, #tpu.memory_space<vmem>>) semaphore(%arg19 : memref<!tpu.dma_semaphore, #tpu.memory_space<semaphore_mem>>)
      %dma_start3A_89 = arith.constant 1 : i32
      %dma_start3A_90 = arith.constant 0 : i32
      %dma_start3A_91 = tpu.memref_slice %arg8[%dma_start3A_89, %dma_start3A_90] : memref<80x128xi32, #tpu.memory_space<vmem>> -> memref<1x128xi32, #tpu.memory_space<vmem>>
      %dma_start3A_92 = tpu.memref_squeeze %dma_start3A_91 : memref<1x128xi32, #tpu.memory_space<vmem>> -> memref<128xi32, #tpu.memory_space<vmem>>
      %dma_start3A_93 = arith.constant 0 : i32
      %dma_start3A_94 = arith.constant 0 : i32
      %dma_start3A_95 = tpu.memref_slice %arg3[%dma_start3A_93, %dma_start3A_94] : memref<10240x64xf32, #tpu.memory_space<hbm>> -> memref<10240x64xf32, #tpu.memory_space<hbm>>
      tpu.enqueue_indirect_dma source(%dma_start3A_95 : memref<10240x64xf32, #tpu.memory_space<hbm>>) target(%arg11 : memref<128x64xf32, #tpu.memory_space<vmem>>) offsets(%dma_start3A_92 : memref<128xi32, #tpu.memory_space<vmem>>) semaphore(%arg20 : memref<!tpu.dma_semaphore, #tpu.memory_space<semaphore_mem>>)
      %dma_start3A_96 = arith.constant 2 : i32
      %dma_start3A_97 = arith.constant 0 : i32
      %dma_start3A_98 = tpu.memref_slice %arg8[%dma_start3A_96, %dma_start3A_97] : memref<80x128xi32, #tpu.memory_space<vmem>> -> memref<1x128xi32, #tpu.memory_space<vmem>>
      %dma_start3A_99 = tpu.memref_squeeze %dma_start3A_98 : memref<1x128xi32, #tpu.memory_space<vmem>> -> memref<128xi32, #tpu.memory_space<vmem>>
      %dma_start3A_100 = arith.constant 0 : i32
      %dma_start3A_101 = arith.constant 0 : i32
      %dma_start3A_102 = tpu.memref_slice %arg3[%dma_start3A_100, %dma_start3A_101] : memref<10240x64xf32, #tpu.memory_space<hbm>> -> memref<10240x64xf32, #tpu.memory_space<hbm>>
      tpu.enqueue_indirect_dma source(%dma_start3A_102 : memref<10240x64xf32, #tpu.memory_space<hbm>>) target(%arg12 : memref<128x64xf32, #tpu.memory_space<vmem>>) offsets(%dma_start3A_99 : memref<128xi32, #tpu.memory_space<vmem>>) semaphore(%arg21 : memref<!tpu.dma_semaphore, #tpu.memory_space<semaphore_mem>>)
      %dma_start3A_103 = arith.constant 3 : i32
      %dma_start3A_104 = arith.constant 0 : i32
      %dma_start3A_105 = tpu.memref_slice %arg8[%dma_start3A_103, %dma_start3A_104] : memref<80x128xi32, #tpu.memory_space<vmem>> -> memref<1x128xi32, #tpu.memory_space<vmem>>
      %dma_start3A_106 = tpu.memref_squeeze %dma_start3A_105 : memref<1x128xi32, #tpu.memory_space<vmem>> -> memref<128xi32, #tpu.memory_space<vmem>>
      %dma_start3A_107 = arith.constant 0 : i32
      %dma_start3A_108 = arith.constant 0 : i32
      %dma_start3A_109 = tpu.memref_slice %arg3[%dma_start3A_107, %dma_start3A_108] : memref<10240x64xf32, #tpu.memory_space<hbm>> -> memref<10240x64xf32, #tpu.memory_space<hbm>>
      tpu.enqueue_indirect_dma source(%dma_start3A_109 : memref<10240x64xf32, #tpu.memory_space<hbm>>) target(%arg13 : memref<128x64xf32, #tpu.memory_space<vmem>>) offsets(%dma_start3A_106 : memref<128xi32, #tpu.memory_space<vmem>>) semaphore(%arg22 : memref<!tpu.dma_semaphore, #tpu.memory_space<semaphore_mem>>)
      %dma_start3A_110 = arith.constant 4 : i32
      %dma_start3A_111 = arith.constant 0 : i32
      %dma_start3A_112 = tpu.memref_slice %arg8[%dma_start3A_110, %dma_start3A_111] : memref<80x128xi32, #tpu.memory_space<vmem>> -> memref<1x128xi32, #tpu.memory_space<vmem>>
      %dma_start3A_113 = tpu.memref_squeeze %dma_start3A_112 : memref<1x128xi32, #tpu.memory_space<vmem>> -> memref<128xi32, #tpu.memory_space<vmem>>
      %dma_start3A_114 = arith.constant 0 : i32
      %dma_start3A_115 = arith.constant 0 : i32
      %dma_start3A_116 = tpu.memref_slice %arg3[%dma_start3A_114, %dma_start3A_115] : memref<10240x64xf32, #tpu.memory_space<hbm>> -> memref<10240x64xf32, #tpu.memory_space<hbm>>
      tpu.enqueue_indirect_dma source(%dma_start3A_116 : memref<10240x64xf32, #tpu.memory_space<hbm>>) target(%arg14 : memref<128x64xf32, #tpu.memory_space<vmem>>) offsets(%dma_start3A_113 : memref<128xi32, #tpu.memory_space<vmem>>) semaphore(%arg23 : memref<!tpu.dma_semaphore, #tpu.memory_space<semaphore_mem>>)
      %dma_start3A_117 = arith.constant 5 : i32
      %dma_start3A_118 = arith.constant 0 : i32
      %dma_start3A_119 = tpu.memref_slice %arg8[%dma_start3A_117, %dma_start3A_118] : memref<80x128xi32, #tpu.memory_space<vmem>> -> memref<1x128xi32, #tpu.memory_space<vmem>>
      %dma_start3A_120 = tpu.memref_squeeze %dma_start3A_119 : memref<1x128xi32, #tpu.memory_space<vmem>> -> memref<128xi32, #tpu.memory_space<vmem>>
      %dma_start3A_121 = arith.constant 0 : i32
      %dma_start3A_122 = arith.constant 0 : i32
      %dma_start3A_123 = tpu.memref_slice %arg3[%dma_start3A_121, %dma_start3A_122] : memref<10240x64xf32, #tpu.memory_space<hbm>> -> memref<10240x64xf32, #tpu.memory_space<hbm>>
      tpu.enqueue_indirect_dma source(%dma_start3A_123 : memref<10240x64xf32, #tpu.memory_space<hbm>>) target(%arg15 : memref<128x64xf32, #tpu.memory_space<vmem>>) offsets(%dma_start3A_120 : memref<128xi32, #tpu.memory_space<vmem>>) semaphore(%arg24 : memref<!tpu.dma_semaphore, #tpu.memory_space<semaphore_mem>>)
      %dma_start3A_124 = arith.constant 6 : i32
      %dma_start3A_125 = arith.constant 0 : i32
      %dma_start3A_126 = tpu.memref_slice %arg8[%dma_start3A_124, %dma_start3A_125] : memref<80x128xi32, #tpu.memory_space<vmem>> -> memref<1x128xi32, #tpu.memory_space<vmem>>
      %dma_start3A_127 = tpu.memref_squeeze %dma_start3A_126 : memref<1x128xi32, #tpu.memory_space<vmem>> -> memref<128xi32, #tpu.memory_space<vmem>>
      %dma_start3A_128 = arith.constant 0 : i32
      %dma_start3A_129 = arith.constant 0 : i32
      %dma_start3A_130 = tpu.memref_slice %arg3[%dma_start3A_128, %dma_start3A_129] : memref<10240x64xf32, #tpu.memory_space<hbm>> -> memref<10240x64xf32, #tpu.memory_space<hbm>>
      tpu.enqueue_indirect_dma source(%dma_start3A_130 : memref<10240x64xf32, #tpu.memory_space<hbm>>) target(%arg16 : memref<128x64xf32, #tpu.memory_space<vmem>>) offsets(%dma_start3A_127 : memref<128xi32, #tpu.memory_space<vmem>>) semaphore(%arg25 : memref<!tpu.dma_semaphore, #tpu.memory_space<semaphore_mem>>)
      %dma_start3A_131 = arith.constant 7 : i32
      %dma_start3A_132 = arith.constant 0 : i32
      %dma_start3A_133 = tpu.memref_slice %arg8[%dma_start3A_131, %dma_start3A_132] : memref<80x128xi32, #tpu.memory_space<vmem>> -> memref<1x128xi32, #tpu.memory_space<vmem>>
      %dma_start3A_134 = tpu.memref_squeeze %dma_start3A_133 : memref<1x128xi32, #tpu.memory_space<vmem>> -> memref<128xi32, #tpu.memory_space<vmem>>
      %dma_start3A_135 = arith.constant 0 : i32
      %dma_start3A_136 = arith.constant 0 : i32
      %dma_start3A_137 = tpu.memref_slice %arg3[%dma_start3A_135, %dma_start3A_136] : memref<10240x64xf32, #tpu.memory_space<hbm>> -> memref<10240x64xf32, #tpu.memory_space<hbm>>
      tpu.enqueue_indirect_dma source(%dma_start3A_137 : memref<10240x64xf32, #tpu.memory_space<hbm>>) target(%arg17 : memref<128x64xf32, #tpu.memory_space<vmem>>) offsets(%dma_start3A_134 : memref<128xi32, #tpu.memory_space<vmem>>) semaphore(%arg26 : memref<!tpu.dma_semaphore, #tpu.memory_space<semaphore_mem>>)
    } else {
    }
    %while3A_65 = arith.constant 0 : i32
    %while3A_66 = arith.constant 0 : i32
    %while3A_67 = arith.subi %select_n3A_13, %while3A_66 : i32
    %while3A_68 = arith.addi %while3A_66, %while3A_67 : i32
    %while3A_69 = arith.constant 1 : i32
    %while3A_70 = arith.divsi %while3A_67, %while3A_69 : i32
    %while3A_71 = arith.muli %while3A_70, %while3A_69 : i32
    %while3A_72 = arith.addi %while3A_66, %while3A_71 : i32
    %while3A_73 = arith.constant 1 : i32
    scf.for %while3A_83 = %while3A_66 to %while3A_72 step %while3A_73  : i32 {
      %mul3A_84 = arith.constant 8 : i32
      %mul3A_85 = arith.muli %while3A_83, %mul3A_84 : i32
      %add3A_86 = arith.constant 0 : i32
      %add3A_87 = arith.addi %mul3A_85, %add3A_86 : i32
      %dma_wait3A = arith.constant 0 : i32
      %dma_wait3A_88 = tpu.memref_slice %arg8[%add3A_87, %dma_wait3A] : memref<80x128xi32, #tpu.memory_space<vmem>> -> memref<1x128xi32, #tpu.memory_space<vmem>>
      %dma_wait3A_89 = tpu.memref_squeeze %dma_wait3A_88 : memref<1x128xi32, #tpu.memory_space<vmem>> -> memref<128xi32, #tpu.memory_space<vmem>>
      %dma_wait3A_90 = arith.constant 0 : i32
      %dma_wait3A_91 = arith.constant 0 : i32
      %dma_wait3A_92 = tpu.memref_slice %arg3[%dma_wait3A_90, %dma_wait3A_91] : memref<10240x64xf32, #tpu.memory_space<hbm>> -> memref<10240x64xf32, #tpu.memory_space<hbm>>
      tpu.wait_indirect_dma semaphore(%arg19 : memref<!tpu.dma_semaphore, #tpu.memory_space<semaphore_mem>>) src(%dma_wait3A_92 : memref<10240x64xf32, #tpu.memory_space<hbm>>) dst(%arg10 : memref<128x64xf32, #tpu.memory_space<vmem>>)
      "tpu.region"() ({
        %run_scoped3A = tpu.sem_alloc : memref<!tpu.dma_semaphore, #tpu.memory_space<semaphore_mem>>
        %dma_start3A = arith.constant 0 : i32
        %dma_start3A_196 = tpu.memref_slice %arg9[%add3A_87, %dma_start3A] : memref<80x128xi32, #tpu.memory_space<vmem>> -> memref<1x128xi32, #tpu.memory_space<vmem>>
        %dma_start3A_197 = tpu.memref_squeeze %dma_start3A_196 : memref<1x128xi32, #tpu.memory_space<vmem>> -> memref<128xi32, #tpu.memory_space<vmem>>
        %dma_start3A_198 = arith.constant 0 : i32
        %dma_start3A_199 = arith.constant 0 : i32
        %dma_start3A_200 = tpu.memref_slice %arg18[%dma_start3A_198, %dma_start3A_199] : memref<10240x64xf32, #tpu.memory_space<vmem_shared>> -> memref<10240x64xf32, #tpu.memory_space<vmem_shared>>
        tpu.enqueue_indirect_dma source(%arg10 : memref<128x64xf32, #tpu.memory_space<vmem>>) target(%dma_start3A_200 : memref<10240x64xf32, #tpu.memory_space<vmem_shared>>) offsets(%dma_start3A_197 : memref<128xi32, #tpu.memory_space<vmem>>) semaphore(%run_scoped3A : memref<!tpu.dma_semaphore, #tpu.memory_space<semaphore_mem>>) {add = true}
        %dma_wait3A_201 = arith.constant 0 : i32
        %dma_wait3A_202 = tpu.memref_slice %arg9[%add3A_87, %dma_wait3A_201] : memref<80x128xi32, #tpu.memory_space<vmem>> -> memref<1x128xi32, #tpu.memory_space<vmem>>
        %dma_wait3A_203 = tpu.memref_squeeze %dma_wait3A_202 : memref<1x128xi32, #tpu.memory_space<vmem>> -> memref<128xi32, #tpu.memory_space<vmem>>
        %dma_wait3A_204 = arith.constant 0 : i32
        %dma_wait3A_205 = arith.constant 0 : i32
        %dma_wait3A_206 = tpu.memref_slice %arg18[%dma_wait3A_204, %dma_wait3A_205] : memref<10240x64xf32, #tpu.memory_space<vmem_shared>> -> memref<10240x64xf32, #tpu.memory_space<vmem_shared>>
        tpu.wait_indirect_dma semaphore(%run_scoped3A : memref<!tpu.dma_semaphore, #tpu.memory_space<semaphore_mem>>) src(%arg10 : memref<128x64xf32, #tpu.memory_space<vmem>>) dst(%dma_wait3A_206 : memref<10240x64xf32, #tpu.memory_space<vmem_shared>>)
        tpu.yield
      }) : () -> ()
      %add3A_93 = arith.constant 8 : i32
      %add3A_94 = arith.addi %add3A_87, %add3A_93 : i32
      %lt3A = arith.cmpi slt, %add3A_94, %mul3A_15 : i32
      %convert_element_type3A_95 = arith.extui %lt3A : i1 to i32
      %cond3A_96 = arith.constant 0 : i32
      %cond3A_97 = arith.cmpi ne, %convert_element_type3A_95, %cond3A_96 : i32
      scf.if %cond3A_97 {
        %add3A_196 = arith.constant 8 : i32
        %add3A_197 = arith.addi %add3A_87, %add3A_196 : i32
        %dma_start3A = arith.constant 0 : i32
        %dma_start3A_198 = tpu.memref_slice %arg8[%add3A_197, %dma_start3A] : memref<80x128xi32, #tpu.memory_space<vmem>> -> memref<1x128xi32, #tpu.memory_space<vmem>>
        %dma_start3A_199 = tpu.memref_squeeze %dma_start3A_198 : memref<1x128xi32, #tpu.memory_space<vmem>> -> memref<128xi32, #tpu.memory_space<vmem>>
        %dma_start3A_200 = arith.constant 0 : i32
        %dma_start3A_201 = arith.constant 0 : i32
        %dma_start3A_202 = tpu.memref_slice %arg3[%dma_start3A_200, %dma_start3A_201] : memref<10240x64xf32, #tpu.memory_space<hbm>> -> memref<10240x64xf32, #tpu.memory_space<hbm>>
        tpu.enqueue_indirect_dma source(%dma_start3A_202 : memref<10240x64xf32, #tpu.memory_space<hbm>>) target(%arg10 : memref<128x64xf32, #tpu.memory_space<vmem>>) offsets(%dma_start3A_199 : memref<128xi32, #tpu.memory_space<vmem>>) semaphore(%arg19 : memref<!tpu.dma_semaphore, #tpu.memory_space<semaphore_mem>>)
      } else {
      }
      %add3A_98 = arith.constant 1 : i32
      %add3A_99 = arith.addi %mul3A_85, %add3A_98 : i32
      %dma_wait3A_100 = arith.constant 0 : i32
      %dma_wait3A_101 = tpu.memref_slice %arg8[%add3A_99, %dma_wait3A_100] : memref<80x128xi32, #tpu.memory_space<vmem>> -> memref<1x128xi32, #tpu.memory_space<vmem>>
      %dma_wait3A_102 = tpu.memref_squeeze %dma_wait3A_101 : memref<1x128xi32, #tpu.memory_space<vmem>> -> memref<128xi32, #tpu.memory_space<vmem>>
      %dma_wait3A_103 = arith.constant 0 : i32
      %dma_wait3A_104 = arith.constant 0 : i32
      %dma_wait3A_105 = tpu.memref_slice %arg3[%dma_wait3A_103, %dma_wait3A_104] : memref<10240x64xf32, #tpu.memory_space<hbm>> -> memref<10240x64xf32, #tpu.memory_space<hbm>>
      tpu.wait_indirect_dma semaphore(%arg20 : memref<!tpu.dma_semaphore, #tpu.memory_space<semaphore_mem>>) src(%dma_wait3A_105 : memref<10240x64xf32, #tpu.memory_space<hbm>>) dst(%arg11 : memref<128x64xf32, #tpu.memory_space<vmem>>)
      "tpu.region"() ({
        %run_scoped3A = tpu.sem_alloc : memref<!tpu.dma_semaphore, #tpu.memory_space<semaphore_mem>>
        %dma_start3A = arith.constant 0 : i32
        %dma_start3A_196 = tpu.memref_slice %arg9[%add3A_99, %dma_start3A] : memref<80x128xi32, #tpu.memory_space<vmem>> -> memref<1x128xi32, #tpu.memory_space<vmem>>
        %dma_start3A_197 = tpu.memref_squeeze %dma_start3A_196 : memref<1x128xi32, #tpu.memory_space<vmem>> -> memref<128xi32, #tpu.memory_space<vmem>>
        %dma_start3A_198 = arith.constant 0 : i32
        %dma_start3A_199 = arith.constant 0 : i32
        %dma_start3A_200 = tpu.memref_slice %arg18[%dma_start3A_198, %dma_start3A_199] : memref<10240x64xf32, #tpu.memory_space<vmem_shared>> -> memref<10240x64xf32, #tpu.memory_space<vmem_shared>>
        tpu.enqueue_indirect_dma source(%arg11 : memref<128x64xf32, #tpu.memory_space<vmem>>) target(%dma_start3A_200 : memref<10240x64xf32, #tpu.memory_space<vmem_shared>>) offsets(%dma_start3A_197 : memref<128xi32, #tpu.memory_space<vmem>>) semaphore(%run_scoped3A : memref<!tpu.dma_semaphore, #tpu.memory_space<semaphore_mem>>) {add = true}
        %dma_wait3A_201 = arith.constant 0 : i32
        %dma_wait3A_202 = tpu.memref_slice %arg9[%add3A_99, %dma_wait3A_201] : memref<80x128xi32, #tpu.memory_space<vmem>> -> memref<1x128xi32, #tpu.memory_space<vmem>>
        %dma_wait3A_203 = tpu.memref_squeeze %dma_wait3A_202 : memref<1x128xi32, #tpu.memory_space<vmem>> -> memref<128xi32, #tpu.memory_space<vmem>>
        %dma_wait3A_204 = arith.constant 0 : i32
        %dma_wait3A_205 = arith.constant 0 : i32
        %dma_wait3A_206 = tpu.memref_slice %arg18[%dma_wait3A_204, %dma_wait3A_205] : memref<10240x64xf32, #tpu.memory_space<vmem_shared>> -> memref<10240x64xf32, #tpu.memory_space<vmem_shared>>
        tpu.wait_indirect_dma semaphore(%run_scoped3A : memref<!tpu.dma_semaphore, #tpu.memory_space<semaphore_mem>>) src(%arg11 : memref<128x64xf32, #tpu.memory_space<vmem>>) dst(%dma_wait3A_206 : memref<10240x64xf32, #tpu.memory_space<vmem_shared>>)
        tpu.yield
      }) : () -> ()
      %add3A_106 = arith.constant 8 : i32
      %add3A_107 = arith.addi %add3A_99, %add3A_106 : i32
      %lt3A_108 = arith.cmpi slt, %add3A_107, %mul3A_15 : i32
      %convert_element_type3A_109 = arith.extui %lt3A_108 : i1 to i32
      %cond3A_110 = arith.constant 0 : i32
      %cond3A_111 = arith.cmpi ne, %convert_element_type3A_109, %cond3A_110 : i32
      scf.if %cond3A_111 {
        %add3A_196 = arith.constant 8 : i32
        %add3A_197 = arith.addi %add3A_99, %add3A_196 : i32
        %dma_start3A = arith.constant 0 : i32
        %dma_start3A_198 = tpu.memref_slice %arg8[%add3A_197, %dma_start3A] : memref<80x128xi32, #tpu.memory_space<vmem>> -> memref<1x128xi32, #tpu.memory_space<vmem>>
        %dma_start3A_199 = tpu.memref_squeeze %dma_start3A_198 : memref<1x128xi32, #tpu.memory_space<vmem>> -> memref<128xi32, #tpu.memory_space<vmem>>
        %dma_start3A_200 = arith.constant 0 : i32
        %dma_start3A_201 = arith.constant 0 : i32
        %dma_start3A_202 = tpu.memref_slice %arg3[%dma_start3A_200, %dma_start3A_201] : memref<10240x64xf32, #tpu.memory_space<hbm>> -> memref<10240x64xf32, #tpu.memory_space<hbm>>
        tpu.enqueue_indirect_dma source(%dma_start3A_202 : memref<10240x64xf32, #tpu.memory_space<hbm>>) target(%arg11 : memref<128x64xf32, #tpu.memory_space<vmem>>) offsets(%dma_start3A_199 : memref<128xi32, #tpu.memory_space<vmem>>) semaphore(%arg20 : memref<!tpu.dma_semaphore, #tpu.memory_space<semaphore_mem>>)
      } else {
      }
      %add3A_112 = arith.constant 2 : i32
      %add3A_113 = arith.addi %mul3A_85, %add3A_112 : i32
      %dma_wait3A_114 = arith.constant 0 : i32
      %dma_wait3A_115 = tpu.memref_slice %arg8[%add3A_113, %dma_wait3A_114] : memref<80x128xi32, #tpu.memory_space<vmem>> -> memref<1x128xi32, #tpu.memory_space<vmem>>
      %dma_wait3A_116 = tpu.memref_squeeze %dma_wait3A_115 : memref<1x128xi32, #tpu.memory_space<vmem>> -> memref<128xi32, #tpu.memory_space<vmem>>
      %dma_wait3A_117 = arith.constant 0 : i32
      %dma_wait3A_118 = arith.constant 0 : i32
      %dma_wait3A_119 = tpu.memref_slice %arg3[%dma_wait3A_117, %dma_wait3A_118] : memref<10240x64xf32, #tpu.memory_space<hbm>> -> memref<10240x64xf32, #tpu.memory_space<hbm>>
      tpu.wait_indirect_dma semaphore(%arg21 : memref<!tpu.dma_semaphore, #tpu.memory_space<semaphore_mem>>) src(%dma_wait3A_119 : memref<10240x64xf32, #tpu.memory_space<hbm>>) dst(%arg12 : memref<128x64xf32, #tpu.memory_space<vmem>>)
      "tpu.region"() ({
        %run_scoped3A = tpu.sem_alloc : memref<!tpu.dma_semaphore, #tpu.memory_space<semaphore_mem>>
        %dma_start3A = arith.constant 0 : i32
        %dma_start3A_196 = tpu.memref_slice %arg9[%add3A_113, %dma_start3A] : memref<80x128xi32, #tpu.memory_space<vmem>> -> memref<1x128xi32, #tpu.memory_space<vmem>>
        %dma_start3A_197 = tpu.memref_squeeze %dma_start3A_196 : memref<1x128xi32, #tpu.memory_space<vmem>> -> memref<128xi32, #tpu.memory_space<vmem>>
        %dma_start3A_198 = arith.constant 0 : i32
        %dma_start3A_199 = arith.constant 0 : i32
        %dma_start3A_200 = tpu.memref_slice %arg18[%dma_start3A_198, %dma_start3A_199] : memref<10240x64xf32, #tpu.memory_space<vmem_shared>> -> memref<10240x64xf32, #tpu.memory_space<vmem_shared>>
        tpu.enqueue_indirect_dma source(%arg12 : memref<128x64xf32, #tpu.memory_space<vmem>>) target(%dma_start3A_200 : memref<10240x64xf32, #tpu.memory_space<vmem_shared>>) offsets(%dma_start3A_197 : memref<128xi32, #tpu.memory_space<vmem>>) semaphore(%run_scoped3A : memref<!tpu.dma_semaphore, #tpu.memory_space<semaphore_mem>>) {add = true}
        %dma_wait3A_201 = arith.constant 0 : i32
        %dma_wait3A_202 = tpu.memref_slice %arg9[%add3A_113, %dma_wait3A_201] : memref<80x128xi32, #tpu.memory_space<vmem>> -> memref<1x128xi32, #tpu.memory_space<vmem>>
        %dma_wait3A_203 = tpu.memref_squeeze %dma_wait3A_202 : memref<1x128xi32, #tpu.memory_space<vmem>> -> memref<128xi32, #tpu.memory_space<vmem>>
        %dma_wait3A_204 = arith.constant 0 : i32
        %dma_wait3A_205 = arith.constant 0 : i32
        %dma_wait3A_206 = tpu.memref_slice %arg18[%dma_wait3A_204, %dma_wait3A_205] : memref<10240x64xf32, #tpu.memory_space<vmem_shared>> -> memref<10240x64xf32, #tpu.memory_space<vmem_shared>>
        tpu.wait_indirect_dma semaphore(%run_scoped3A : memref<!tpu.dma_semaphore, #tpu.memory_space<semaphore_mem>>) src(%arg12 : memref<128x64xf32, #tpu.memory_space<vmem>>) dst(%dma_wait3A_206 : memref<10240x64xf32, #tpu.memory_space<vmem_shared>>)
        tpu.yield
      }) : () -> ()
      %add3A_120 = arith.constant 8 : i32
      %add3A_121 = arith.addi %add3A_113, %add3A_120 : i32
      %lt3A_122 = arith.cmpi slt, %add3A_121, %mul3A_15 : i32
      %convert_element_type3A_123 = arith.extui %lt3A_122 : i1 to i32
      %cond3A_124 = arith.constant 0 : i32
      %cond3A_125 = arith.cmpi ne, %convert_element_type3A_123, %cond3A_124 : i32
      scf.if %cond3A_125 {
        %add3A_196 = arith.constant 8 : i32
        %add3A_197 = arith.addi %add3A_113, %add3A_196 : i32
        %dma_start3A = arith.constant 0 : i32
        %dma_start3A_198 = tpu.memref_slice %arg8[%add3A_197, %dma_start3A] : memref<80x128xi32, #tpu.memory_space<vmem>> -> memref<1x128xi32, #tpu.memory_space<vmem>>
        %dma_start3A_199 = tpu.memref_squeeze %dma_start3A_198 : memref<1x128xi32, #tpu.memory_space<vmem>> -> memref<128xi32, #tpu.memory_space<vmem>>
        %dma_start3A_200 = arith.constant 0 : i32
        %dma_start3A_201 = arith.constant 0 : i32
        %dma_start3A_202 = tpu.memref_slice %arg3[%dma_start3A_200, %dma_start3A_201] : memref<10240x64xf32, #tpu.memory_space<hbm>> -> memref<10240x64xf32, #tpu.memory_space<hbm>>
        tpu.enqueue_indirect_dma source(%dma_start3A_202 : memref<10240x64xf32, #tpu.memory_space<hbm>>) target(%arg12 : memref<128x64xf32, #tpu.memory_space<vmem>>) offsets(%dma_start3A_199 : memref<128xi32, #tpu.memory_space<vmem>>) semaphore(%arg21 : memref<!tpu.dma_semaphore, #tpu.memory_space<semaphore_mem>>)
      } else {
      }
      %add3A_126 = arith.constant 3 : i32
      %add3A_127 = arith.addi %mul3A_85, %add3A_126 : i32
      %dma_wait3A_128 = arith.constant 0 : i32
      %dma_wait3A_129 = tpu.memref_slice %arg8[%add3A_127, %dma_wait3A_128] : memref<80x128xi32, #tpu.memory_space<vmem>> -> memref<1x128xi32, #tpu.memory_space<vmem>>
      %dma_wait3A_130 = tpu.memref_squeeze %dma_wait3A_129 : memref<1x128xi32, #tpu.memory_space<vmem>> -> memref<128xi32, #tpu.memory_space<vmem>>
      %dma_wait3A_131 = arith.constant 0 : i32
      %dma_wait3A_132 = arith.constant 0 : i32
      %dma_wait3A_133 = tpu.memref_slice %arg3[%dma_wait3A_131, %dma_wait3A_132] : memref<10240x64xf32, #tpu.memory_space<hbm>> -> memref<10240x64xf32, #tpu.memory_space<hbm>>
      tpu.wait_indirect_dma semaphore(%arg22 : memref<!tpu.dma_semaphore, #tpu.memory_space<semaphore_mem>>) src(%dma_wait3A_133 : memref<10240x64xf32, #tpu.memory_space<hbm>>) dst(%arg13 : memref<128x64xf32, #tpu.memory_space<vmem>>)
      "tpu.region"() ({
        %run_scoped3A = tpu.sem_alloc : memref<!tpu.dma_semaphore, #tpu.memory_space<semaphore_mem>>
        %dma_start3A = arith.constant 0 : i32
        %dma_start3A_196 = tpu.memref_slice %arg9[%add3A_127, %dma_start3A] : memref<80x128xi32, #tpu.memory_space<vmem>> -> memref<1x128xi32, #tpu.memory_space<vmem>>
        %dma_start3A_197 = tpu.memref_squeeze %dma_start3A_196 : memref<1x128xi32, #tpu.memory_space<vmem>> -> memref<128xi32, #tpu.memory_space<vmem>>
        %dma_start3A_198 = arith.constant 0 : i32
        %dma_start3A_199 = arith.constant 0 : i32
        %dma_start3A_200 = tpu.memref_slice %arg18[%dma_start3A_198, %dma_start3A_199] : memref<10240x64xf32, #tpu.memory_space<vmem_shared>> -> memref<10240x64xf32, #tpu.memory_space<vmem_shared>>
        tpu.enqueue_indirect_dma source(%arg13 : memref<128x64xf32, #tpu.memory_space<vmem>>) target(%dma_start3A_200 : memref<10240x64xf32, #tpu.memory_space<vmem_shared>>) offsets(%dma_start3A_197 : memref<128xi32, #tpu.memory_space<vmem>>) semaphore(%run_scoped3A : memref<!tpu.dma_semaphore, #tpu.memory_space<semaphore_mem>>) {add = true}
        %dma_wait3A_201 = arith.constant 0 : i32
        %dma_wait3A_202 = tpu.memref_slice %arg9[%add3A_127, %dma_wait3A_201] : memref<80x128xi32, #tpu.memory_space<vmem>> -> memref<1x128xi32, #tpu.memory_space<vmem>>
        %dma_wait3A_203 = tpu.memref_squeeze %dma_wait3A_202 : memref<1x128xi32, #tpu.memory_space<vmem>> -> memref<128xi32, #tpu.memory_space<vmem>>
        %dma_wait3A_204 = arith.constant 0 : i32
        %dma_wait3A_205 = arith.constant 0 : i32
        %dma_wait3A_206 = tpu.memref_slice %arg18[%dma_wait3A_204, %dma_wait3A_205] : memref<10240x64xf32, #tpu.memory_space<vmem_shared>> -> memref<10240x64xf32, #tpu.memory_space<vmem_shared>>
        tpu.wait_indirect_dma semaphore(%run_scoped3A : memref<!tpu.dma_semaphore, #tpu.memory_space<semaphore_mem>>) src(%arg13 : memref<128x64xf32, #tpu.memory_space<vmem>>) dst(%dma_wait3A_206 : memref<10240x64xf32, #tpu.memory_space<vmem_shared>>)
        tpu.yield
      }) : () -> ()
      %add3A_134 = arith.constant 8 : i32
      %add3A_135 = arith.addi %add3A_127, %add3A_134 : i32
      %lt3A_136 = arith.cmpi slt, %add3A_135, %mul3A_15 : i32
      %convert_element_type3A_137 = arith.extui %lt3A_136 : i1 to i32
      %cond3A_138 = arith.constant 0 : i32
      %cond3A_139 = arith.cmpi ne, %convert_element_type3A_137, %cond3A_138 : i32
      scf.if %cond3A_139 {
        %add3A_196 = arith.constant 8 : i32
        %add3A_197 = arith.addi %add3A_127, %add3A_196 : i32
        %dma_start3A = arith.constant 0 : i32
        %dma_start3A_198 = tpu.memref_slice %arg8[%add3A_197, %dma_start3A] : memref<80x128xi32, #tpu.memory_space<vmem>> -> memref<1x128xi32, #tpu.memory_space<vmem>>
        %dma_start3A_199 = tpu.memref_squeeze %dma_start3A_198 : memref<1x128xi32, #tpu.memory_space<vmem>> -> memref<128xi32, #tpu.memory_space<vmem>>
        %dma_start3A_200 = arith.constant 0 : i32
        %dma_start3A_201 = arith.constant 0 : i32
        %dma_start3A_202 = tpu.memref_slice %arg3[%dma_start3A_200, %dma_start3A_201] : memref<10240x64xf32, #tpu.memory_space<hbm>> -> memref<10240x64xf32, #tpu.memory_space<hbm>>
        tpu.enqueue_indirect_dma source(%dma_start3A_202 : memref<10240x64xf32, #tpu.memory_space<hbm>>) target(%arg13 : memref<128x64xf32, #tpu.memory_space<vmem>>) offsets(%dma_start3A_199 : memref<128xi32, #tpu.memory_space<vmem>>) semaphore(%arg22 : memref<!tpu.dma_semaphore, #tpu.memory_space<semaphore_mem>>)
      } else {
      }
      %add3A_140 = arith.constant 4 : i32
      %add3A_141 = arith.addi %mul3A_85, %add3A_140 : i32
      %dma_wait3A_142 = arith.constant 0 : i32
      %dma_wait3A_143 = tpu.memref_slice %arg8[%add3A_141, %dma_wait3A_142] : memref<80x128xi32, #tpu.memory_space<vmem>> -> memref<1x128xi32, #tpu.memory_space<vmem>>
      %dma_wait3A_144 = tpu.memref_squeeze %dma_wait3A_143 : memref<1x128xi32, #tpu.memory_space<vmem>> -> memref<128xi32, #tpu.memory_space<vmem>>
      %dma_wait3A_145 = arith.constant 0 : i32
      %dma_wait3A_146 = arith.constant 0 : i32
      %dma_wait3A_147 = tpu.memref_slice %arg3[%dma_wait3A_145, %dma_wait3A_146] : memref<10240x64xf32, #tpu.memory_space<hbm>> -> memref<10240x64xf32, #tpu.memory_space<hbm>>
      tpu.wait_indirect_dma semaphore(%arg23 : memref<!tpu.dma_semaphore, #tpu.memory_space<semaphore_mem>>) src(%dma_wait3A_147 : memref<10240x64xf32, #tpu.memory_space<hbm>>) dst(%arg14 : memref<128x64xf32, #tpu.memory_space<vmem>>)
      "tpu.region"() ({
        %run_scoped3A = tpu.sem_alloc : memref<!tpu.dma_semaphore, #tpu.memory_space<semaphore_mem>>
        %dma_start3A = arith.constant 0 : i32
        %dma_start3A_196 = tpu.memref_slice %arg9[%add3A_141, %dma_start3A] : memref<80x128xi32, #tpu.memory_space<vmem>> -> memref<1x128xi32, #tpu.memory_space<vmem>>
        %dma_start3A_197 = tpu.memref_squeeze %dma_start3A_196 : memref<1x128xi32, #tpu.memory_space<vmem>> -> memref<128xi32, #tpu.memory_space<vmem>>
        %dma_start3A_198 = arith.constant 0 : i32
        %dma_start3A_199 = arith.constant 0 : i32
        %dma_start3A_200 = tpu.memref_slice %arg18[%dma_start3A_198, %dma_start3A_199] : memref<10240x64xf32, #tpu.memory_space<vmem_shared>> -> memref<10240x64xf32, #tpu.memory_space<vmem_shared>>
        tpu.enqueue_indirect_dma source(%arg14 : memref<128x64xf32, #tpu.memory_space<vmem>>) target(%dma_start3A_200 : memref<10240x64xf32, #tpu.memory_space<vmem_shared>>) offsets(%dma_start3A_197 : memref<128xi32, #tpu.memory_space<vmem>>) semaphore(%run_scoped3A : memref<!tpu.dma_semaphore, #tpu.memory_space<semaphore_mem>>) {add = true}
        %dma_wait3A_201 = arith.constant 0 : i32
        %dma_wait3A_202 = tpu.memref_slice %arg9[%add3A_141, %dma_wait3A_201] : memref<80x128xi32, #tpu.memory_space<vmem>> -> memref<1x128xi32, #tpu.memory_space<vmem>>
        %dma_wait3A_203 = tpu.memref_squeeze %dma_wait3A_202 : memref<1x128xi32, #tpu.memory_space<vmem>> -> memref<128xi32, #tpu.memory_space<vmem>>
        %dma_wait3A_204 = arith.constant 0 : i32
        %dma_wait3A_205 = arith.constant 0 : i32
        %dma_wait3A_206 = tpu.memref_slice %arg18[%dma_wait3A_204, %dma_wait3A_205] : memref<10240x64xf32, #tpu.memory_space<vmem_shared>> -> memref<10240x64xf32, #tpu.memory_space<vmem_shared>>
        tpu.wait_indirect_dma semaphore(%run_scoped3A : memref<!tpu.dma_semaphore, #tpu.memory_space<semaphore_mem>>) src(%arg14 : memref<128x64xf32, #tpu.memory_space<vmem>>) dst(%dma_wait3A_206 : memref<10240x64xf32, #tpu.memory_space<vmem_shared>>)
        tpu.yield
      }) : () -> ()
      %add3A_148 = arith.constant 8 : i32
      %add3A_149 = arith.addi %add3A_141, %add3A_148 : i32
      %lt3A_150 = arith.cmpi slt, %add3A_149, %mul3A_15 : i32
      %convert_element_type3A_151 = arith.extui %lt3A_150 : i1 to i32
      %cond3A_152 = arith.constant 0 : i32
      %cond3A_153 = arith.cmpi ne, %convert_element_type3A_151, %cond3A_152 : i32
      scf.if %cond3A_153 {
        %add3A_196 = arith.constant 8 : i32
        %add3A_197 = arith.addi %add3A_141, %add3A_196 : i32
        %dma_start3A = arith.constant 0 : i32
        %dma_start3A_198 = tpu.memref_slice %arg8[%add3A_197, %dma_start3A] : memref<80x128xi32, #tpu.memory_space<vmem>> -> memref<1x128xi32, #tpu.memory_space<vmem>>
        %dma_start3A_199 = tpu.memref_squeeze %dma_start3A_198 : memref<1x128xi32, #tpu.memory_space<vmem>> -> memref<128xi32, #tpu.memory_space<vmem>>
        %dma_start3A_200 = arith.constant 0 : i32
        %dma_start3A_201 = arith.constant 0 : i32
        %dma_start3A_202 = tpu.memref_slice %arg3[%dma_start3A_200, %dma_start3A_201] : memref<10240x64xf32, #tpu.memory_space<hbm>> -> memref<10240x64xf32, #tpu.memory_space<hbm>>
        tpu.enqueue_indirect_dma source(%dma_start3A_202 : memref<10240x64xf32, #tpu.memory_space<hbm>>) target(%arg14 : memref<128x64xf32, #tpu.memory_space<vmem>>) offsets(%dma_start3A_199 : memref<128xi32, #tpu.memory_space<vmem>>) semaphore(%arg23 : memref<!tpu.dma_semaphore, #tpu.memory_space<semaphore_mem>>)
      } else {
      }
      %add3A_154 = arith.constant 5 : i32
      %add3A_155 = arith.addi %mul3A_85, %add3A_154 : i32
      %dma_wait3A_156 = arith.constant 0 : i32
      %dma_wait3A_157 = tpu.memref_slice %arg8[%add3A_155, %dma_wait3A_156] : memref<80x128xi32, #tpu.memory_space<vmem>> -> memref<1x128xi32, #tpu.memory_space<vmem>>
      %dma_wait3A_158 = tpu.memref_squeeze %dma_wait3A_157 : memref<1x128xi32, #tpu.memory_space<vmem>> -> memref<128xi32, #tpu.memory_space<vmem>>
      %dma_wait3A_159 = arith.constant 0 : i32
      %dma_wait3A_160 = arith.constant 0 : i32
      %dma_wait3A_161 = tpu.memref_slice %arg3[%dma_wait3A_159, %dma_wait3A_160] : memref<10240x64xf32, #tpu.memory_space<hbm>> -> memref<10240x64xf32, #tpu.memory_space<hbm>>
      tpu.wait_indirect_dma semaphore(%arg24 : memref<!tpu.dma_semaphore, #tpu.memory_space<semaphore_mem>>) src(%dma_wait3A_161 : memref<10240x64xf32, #tpu.memory_space<hbm>>) dst(%arg15 : memref<128x64xf32, #tpu.memory_space<vmem>>)
      "tpu.region"() ({
        %run_scoped3A = tpu.sem_alloc : memref<!tpu.dma_semaphore, #tpu.memory_space<semaphore_mem>>
        %dma_start3A = arith.constant 0 : i32
        %dma_start3A_196 = tpu.memref_slice %arg9[%add3A_155, %dma_start3A] : memref<80x128xi32, #tpu.memory_space<vmem>> -> memref<1x128xi32, #tpu.memory_space<vmem>>
        %dma_start3A_197 = tpu.memref_squeeze %dma_start3A_196 : memref<1x128xi32, #tpu.memory_space<vmem>> -> memref<128xi32, #tpu.memory_space<vmem>>
        %dma_start3A_198 = arith.constant 0 : i32
        %dma_start3A_199 = arith.constant 0 : i32
        %dma_start3A_200 = tpu.memref_slice %arg18[%dma_start3A_198, %dma_start3A_199] : memref<10240x64xf32, #tpu.memory_space<vmem_shared>> -> memref<10240x64xf32, #tpu.memory_space<vmem_shared>>
        tpu.enqueue_indirect_dma source(%arg15 : memref<128x64xf32, #tpu.memory_space<vmem>>) target(%dma_start3A_200 : memref<10240x64xf32, #tpu.memory_space<vmem_shared>>) offsets(%dma_start3A_197 : memref<128xi32, #tpu.memory_space<vmem>>) semaphore(%run_scoped3A : memref<!tpu.dma_semaphore, #tpu.memory_space<semaphore_mem>>) {add = true}
        %dma_wait3A_201 = arith.constant 0 : i32
        %dma_wait3A_202 = tpu.memref_slice %arg9[%add3A_155, %dma_wait3A_201] : memref<80x128xi32, #tpu.memory_space<vmem>> -> memref<1x128xi32, #tpu.memory_space<vmem>>
        %dma_wait3A_203 = tpu.memref_squeeze %dma_wait3A_202 : memref<1x128xi32, #tpu.memory_space<vmem>> -> memref<128xi32, #tpu.memory_space<vmem>>
        %dma_wait3A_204 = arith.constant 0 : i32
        %dma_wait3A_205 = arith.constant 0 : i32
        %dma_wait3A_206 = tpu.memref_slice %arg18[%dma_wait3A_204, %dma_wait3A_205] : memref<10240x64xf32, #tpu.memory_space<vmem_shared>> -> memref<10240x64xf32, #tpu.memory_space<vmem_shared>>
        tpu.wait_indirect_dma semaphore(%run_scoped3A : memref<!tpu.dma_semaphore, #tpu.memory_space<semaphore_mem>>) src(%arg15 : memref<128x64xf32, #tpu.memory_space<vmem>>) dst(%dma_wait3A_206 : memref<10240x64xf32, #tpu.memory_space<vmem_shared>>)
        tpu.yield
      }) : () -> ()
      %add3A_162 = arith.constant 8 : i32
      %add3A_163 = arith.addi %add3A_155, %add3A_162 : i32
      %lt3A_164 = arith.cmpi slt, %add3A_163, %mul3A_15 : i32
      %convert_element_type3A_165 = arith.extui %lt3A_164 : i1 to i32
      %cond3A_166 = arith.constant 0 : i32
      %cond3A_167 = arith.cmpi ne, %convert_element_type3A_165, %cond3A_166 : i32
      scf.if %cond3A_167 {
        %add3A_196 = arith.constant 8 : i32
        %add3A_197 = arith.addi %add3A_155, %add3A_196 : i32
        %dma_start3A = arith.constant 0 : i32
        %dma_start3A_198 = tpu.memref_slice %arg8[%add3A_197, %dma_start3A] : memref<80x128xi32, #tpu.memory_space<vmem>> -> memref<1x128xi32, #tpu.memory_space<vmem>>
        %dma_start3A_199 = tpu.memref_squeeze %dma_start3A_198 : memref<1x128xi32, #tpu.memory_space<vmem>> -> memref<128xi32, #tpu.memory_space<vmem>>
        %dma_start3A_200 = arith.constant 0 : i32
        %dma_start3A_201 = arith.constant 0 : i32
        %dma_start3A_202 = tpu.memref_slice %arg3[%dma_start3A_200, %dma_start3A_201] : memref<10240x64xf32, #tpu.memory_space<hbm>> -> memref<10240x64xf32, #tpu.memory_space<hbm>>
        tpu.enqueue_indirect_dma source(%dma_start3A_202 : memref<10240x64xf32, #tpu.memory_space<hbm>>) target(%arg15 : memref<128x64xf32, #tpu.memory_space<vmem>>) offsets(%dma_start3A_199 : memref<128xi32, #tpu.memory_space<vmem>>) semaphore(%arg24 : memref<!tpu.dma_semaphore, #tpu.memory_space<semaphore_mem>>)
      } else {
      }
      %add3A_168 = arith.constant 6 : i32
      %add3A_169 = arith.addi %mul3A_85, %add3A_168 : i32
      %dma_wait3A_170 = arith.constant 0 : i32
      %dma_wait3A_171 = tpu.memref_slice %arg8[%add3A_169, %dma_wait3A_170] : memref<80x128xi32, #tpu.memory_space<vmem>> -> memref<1x128xi32, #tpu.memory_space<vmem>>
      %dma_wait3A_172 = tpu.memref_squeeze %dma_wait3A_171 : memref<1x128xi32, #tpu.memory_space<vmem>> -> memref<128xi32, #tpu.memory_space<vmem>>
      %dma_wait3A_173 = arith.constant 0 : i32
      %dma_wait3A_174 = arith.constant 0 : i32
      %dma_wait3A_175 = tpu.memref_slice %arg3[%dma_wait3A_173, %dma_wait3A_174] : memref<10240x64xf32, #tpu.memory_space<hbm>> -> memref<10240x64xf32, #tpu.memory_space<hbm>>
      tpu.wait_indirect_dma semaphore(%arg25 : memref<!tpu.dma_semaphore, #tpu.memory_space<semaphore_mem>>) src(%dma_wait3A_175 : memref<10240x64xf32, #tpu.memory_space<hbm>>) dst(%arg16 : memref<128x64xf32, #tpu.memory_space<vmem>>)
      "tpu.region"() ({
        %run_scoped3A = tpu.sem_alloc : memref<!tpu.dma_semaphore, #tpu.memory_space<semaphore_mem>>
        %dma_start3A = arith.constant 0 : i32
        %dma_start3A_196 = tpu.memref_slice %arg9[%add3A_169, %dma_start3A] : memref<80x128xi32, #tpu.memory_space<vmem>> -> memref<1x128xi32, #tpu.memory_space<vmem>>
        %dma_start3A_197 = tpu.memref_squeeze %dma_start3A_196 : memref<1x128xi32, #tpu.memory_space<vmem>> -> memref<128xi32, #tpu.memory_space<vmem>>
        %dma_start3A_198 = arith.constant 0 : i32
        %dma_start3A_199 = arith.constant 0 : i32
        %dma_start3A_200 = tpu.memref_slice %arg18[%dma_start3A_198, %dma_start3A_199] : memref<10240x64xf32, #tpu.memory_space<vmem_shared>> -> memref<10240x64xf32, #tpu.memory_space<vmem_shared>>
        tpu.enqueue_indirect_dma source(%arg16 : memref<128x64xf32, #tpu.memory_space<vmem>>) target(%dma_start3A_200 : memref<10240x64xf32, #tpu.memory_space<vmem_shared>>) offsets(%dma_start3A_197 : memref<128xi32, #tpu.memory_space<vmem>>) semaphore(%run_scoped3A : memref<!tpu.dma_semaphore, #tpu.memory_space<semaphore_mem>>) {add = true}
        %dma_wait3A_201 = arith.constant 0 : i32
        %dma_wait3A_202 = tpu.memref_slice %arg9[%add3A_169, %dma_wait3A_201] : memref<80x128xi32, #tpu.memory_space<vmem>> -> memref<1x128xi32, #tpu.memory_space<vmem>>
        %dma_wait3A_203 = tpu.memref_squeeze %dma_wait3A_202 : memref<1x128xi32, #tpu.memory_space<vmem>> -> memref<128xi32, #tpu.memory_space<vmem>>
        %dma_wait3A_204 = arith.constant 0 : i32
        %dma_wait3A_205 = arith.constant 0 : i32
        %dma_wait3A_206 = tpu.memref_slice %arg18[%dma_wait3A_204, %dma_wait3A_205] : memref<10240x64xf32, #tpu.memory_space<vmem_shared>> -> memref<10240x64xf32, #tpu.memory_space<vmem_shared>>
        tpu.wait_indirect_dma semaphore(%run_scoped3A : memref<!tpu.dma_semaphore, #tpu.memory_space<semaphore_mem>>) src(%arg16 : memref<128x64xf32, #tpu.memory_space<vmem>>) dst(%dma_wait3A_206 : memref<10240x64xf32, #tpu.memory_space<vmem_shared>>)
        tpu.yield
      }) : () -> ()
      %add3A_176 = arith.constant 8 : i32
      %add3A_177 = arith.addi %add3A_169, %add3A_176 : i32
      %lt3A_178 = arith.cmpi slt, %add3A_177, %mul3A_15 : i32
      %convert_element_type3A_179 = arith.extui %lt3A_178 : i1 to i32
      %cond3A_180 = arith.constant 0 : i32
      %cond3A_181 = arith.cmpi ne, %convert_element_type3A_179, %cond3A_180 : i32
      scf.if %cond3A_181 {
        %add3A_196 = arith.constant 8 : i32
        %add3A_197 = arith.addi %add3A_169, %add3A_196 : i32
        %dma_start3A = arith.constant 0 : i32
        %dma_start3A_198 = tpu.memref_slice %arg8[%add3A_197, %dma_start3A] : memref<80x128xi32, #tpu.memory_space<vmem>> -> memref<1x128xi32, #tpu.memory_space<vmem>>
        %dma_start3A_199 = tpu.memref_squeeze %dma_start3A_198 : memref<1x128xi32, #tpu.memory_space<vmem>> -> memref<128xi32, #tpu.memory_space<vmem>>
        %dma_start3A_200 = arith.constant 0 : i32
        %dma_start3A_201 = arith.constant 0 : i32
        %dma_start3A_202 = tpu.memref_slice %arg3[%dma_start3A_200, %dma_start3A_201] : memref<10240x64xf32, #tpu.memory_space<hbm>> -> memref<10240x64xf32, #tpu.memory_space<hbm>>
        tpu.enqueue_indirect_dma source(%dma_start3A_202 : memref<10240x64xf32, #tpu.memory_space<hbm>>) target(%arg16 : memref<128x64xf32, #tpu.memory_space<vmem>>) offsets(%dma_start3A_199 : memref<128xi32, #tpu.memory_space<vmem>>) semaphore(%arg25 : memref<!tpu.dma_semaphore, #tpu.memory_space<semaphore_mem>>)
      } else {
      }
      %add3A_182 = arith.constant 7 : i32
      %add3A_183 = arith.addi %mul3A_85, %add3A_182 : i32
      %dma_wait3A_184 = arith.constant 0 : i32
      %dma_wait3A_185 = tpu.memref_slice %arg8[%add3A_183, %dma_wait3A_184] : memref<80x128xi32, #tpu.memory_space<vmem>> -> memref<1x128xi32, #tpu.memory_space<vmem>>
      %dma_wait3A_186 = tpu.memref_squeeze %dma_wait3A_185 : memref<1x128xi32, #tpu.memory_space<vmem>> -> memref<128xi32, #tpu.memory_space<vmem>>
      %dma_wait3A_187 = arith.constant 0 : i32
      %dma_wait3A_188 = arith.constant 0 : i32
      %dma_wait3A_189 = tpu.memref_slice %arg3[%dma_wait3A_187, %dma_wait3A_188] : memref<10240x64xf32, #tpu.memory_space<hbm>> -> memref<10240x64xf32, #tpu.memory_space<hbm>>
      tpu.wait_indirect_dma semaphore(%arg26 : memref<!tpu.dma_semaphore, #tpu.memory_space<semaphore_mem>>) src(%dma_wait3A_189 : memref<10240x64xf32, #tpu.memory_space<hbm>>) dst(%arg17 : memref<128x64xf32, #tpu.memory_space<vmem>>)
      "tpu.region"() ({
        %run_scoped3A = tpu.sem_alloc : memref<!tpu.dma_semaphore, #tpu.memory_space<semaphore_mem>>
        %dma_start3A = arith.constant 0 : i32
        %dma_start3A_196 = tpu.memref_slice %arg9[%add3A_183, %dma_start3A] : memref<80x128xi32, #tpu.memory_space<vmem>> -> memref<1x128xi32, #tpu.memory_space<vmem>>
        %dma_start3A_197 = tpu.memref_squeeze %dma_start3A_196 : memref<1x128xi32, #tpu.memory_space<vmem>> -> memref<128xi32, #tpu.memory_space<vmem>>
        %dma_start3A_198 = arith.constant 0 : i32
        %dma_start3A_199 = arith.constant 0 : i32
        %dma_start3A_200 = tpu.memref_slice %arg18[%dma_start3A_198, %dma_start3A_199] : memref<10240x64xf32, #tpu.memory_space<vmem_shared>> -> memref<10240x64xf32, #tpu.memory_space<vmem_shared>>
        tpu.enqueue_indirect_dma source(%arg17 : memref<128x64xf32, #tpu.memory_space<vmem>>) target(%dma_start3A_200 : memref<10240x64xf32, #tpu.memory_space<vmem_shared>>) offsets(%dma_start3A_197 : memref<128xi32, #tpu.memory_space<vmem>>) semaphore(%run_scoped3A : memref<!tpu.dma_semaphore, #tpu.memory_space<semaphore_mem>>) {add = true}
        %dma_wait3A_201 = arith.constant 0 : i32
        %dma_wait3A_202 = tpu.memref_slice %arg9[%add3A_183, %dma_wait3A_201] : memref<80x128xi32, #tpu.memory_space<vmem>> -> memref<1x128xi32, #tpu.memory_space<vmem>>
        %dma_wait3A_203 = tpu.memref_squeeze %dma_wait3A_202 : memref<1x128xi32, #tpu.memory_space<vmem>> -> memref<128xi32, #tpu.memory_space<vmem>>
        %dma_wait3A_204 = arith.constant 0 : i32
        %dma_wait3A_205 = arith.constant 0 : i32
        %dma_wait3A_206 = tpu.memref_slice %arg18[%dma_wait3A_204, %dma_wait3A_205] : memref<10240x64xf32, #tpu.memory_space<vmem_shared>> -> memref<10240x64xf32, #tpu.memory_space<vmem_shared>>
        tpu.wait_indirect_dma semaphore(%run_scoped3A : memref<!tpu.dma_semaphore, #tpu.memory_space<semaphore_mem>>) src(%arg17 : memref<128x64xf32, #tpu.memory_space<vmem>>) dst(%dma_wait3A_206 : memref<10240x64xf32, #tpu.memory_space<vmem_shared>>)
        tpu.yield
      }) : () -> ()
      %add3A_190 = arith.constant 8 : i32
      %add3A_191 = arith.addi %add3A_183, %add3A_190 : i32
      %lt3A_192 = arith.cmpi slt, %add3A_191, %mul3A_15 : i32
      %convert_element_type3A_193 = arith.extui %lt3A_192 : i1 to i32
      %cond3A_194 = arith.constant 0 : i32
      %cond3A_195 = arith.cmpi ne, %convert_element_type3A_193, %cond3A_194 : i32
      scf.if %cond3A_195 {
        %add3A_196 = arith.constant 8 : i32
        %add3A_197 = arith.addi %add3A_183, %add3A_196 : i32
        %dma_start3A = arith.constant 0 : i32
        %dma_start3A_198 = tpu.memref_slice %arg8[%add3A_197, %dma_start3A] : memref<80x128xi32, #tpu.memory_space<vmem>> -> memref<1x128xi32, #tpu.memory_space<vmem>>
        %dma_start3A_199 = tpu.memref_squeeze %dma_start3A_198 : memref<1x128xi32, #tpu.memory_space<vmem>> -> memref<128xi32, #tpu.memory_space<vmem>>
        %dma_start3A_200 = arith.constant 0 : i32
        %dma_start3A_201 = arith.constant 0 : i32
        %dma_start3A_202 = tpu.memref_slice %arg3[%dma_start3A_200, %dma_start3A_201] : memref<10240x64xf32, #tpu.memory_space<hbm>> -> memref<10240x64xf32, #tpu.memory_space<hbm>>
        tpu.enqueue_indirect_dma source(%dma_start3A_202 : memref<10240x64xf32, #tpu.memory_space<hbm>>) target(%arg17 : memref<128x64xf32, #tpu.memory_space<vmem>>) offsets(%dma_start3A_199 : memref<128xi32, #tpu.memory_space<vmem>>) semaphore(%arg26 : memref<!tpu.dma_semaphore, #tpu.memory_space<semaphore_mem>>)
      } else {
      }
    }
    %while3A_74 = arith.constant 1 : i32
    scf.for %while3A_83 = %while3A_72 to %while3A_68 step %while3A_74  : i32 {
      %mul3A_84 = arith.constant 8 : i32
      %mul3A_85 = arith.muli %while3A_83, %mul3A_84 : i32
      %add3A_86 = arith.constant 0 : i32
      %add3A_87 = arith.addi %mul3A_85, %add3A_86 : i32
      %dma_wait3A = arith.constant 0 : i32
      %dma_wait3A_88 = tpu.memref_slice %arg8[%add3A_87, %dma_wait3A] : memref<80x128xi32, #tpu.memory_space<vmem>> -> memref<1x128xi32, #tpu.memory_space<vmem>>
      %dma_wait3A_89 = tpu.memref_squeeze %dma_wait3A_88 : memref<1x128xi32, #tpu.memory_space<vmem>> -> memref<128xi32, #tpu.memory_space<vmem>>
      %dma_wait3A_90 = arith.constant 0 : i32
      %dma_wait3A_91 = arith.constant 0 : i32
      %dma_wait3A_92 = tpu.memref_slice %arg3[%dma_wait3A_90, %dma_wait3A_91] : memref<10240x64xf32, #tpu.memory_space<hbm>> -> memref<10240x64xf32, #tpu.memory_space<hbm>>
      tpu.wait_indirect_dma semaphore(%arg19 : memref<!tpu.dma_semaphore, #tpu.memory_space<semaphore_mem>>) src(%dma_wait3A_92 : memref<10240x64xf32, #tpu.memory_space<hbm>>) dst(%arg10 : memref<128x64xf32, #tpu.memory_space<vmem>>)
      "tpu.region"() ({
        %run_scoped3A = tpu.sem_alloc : memref<!tpu.dma_semaphore, #tpu.memory_space<semaphore_mem>>
        %dma_start3A = arith.constant 0 : i32
        %dma_start3A_196 = tpu.memref_slice %arg9[%add3A_87, %dma_start3A] : memref<80x128xi32, #tpu.memory_space<vmem>> -> memref<1x128xi32, #tpu.memory_space<vmem>>
        %dma_start3A_197 = tpu.memref_squeeze %dma_start3A_196 : memref<1x128xi32, #tpu.memory_space<vmem>> -> memref<128xi32, #tpu.memory_space<vmem>>
        %dma_start3A_198 = arith.constant 0 : i32
        %dma_start3A_199 = arith.constant 0 : i32
        %dma_start3A_200 = tpu.memref_slice %arg18[%dma_start3A_198, %dma_start3A_199] : memref<10240x64xf32, #tpu.memory_space<vmem_shared>> -> memref<10240x64xf32, #tpu.memory_space<vmem_shared>>
        tpu.enqueue_indirect_dma source(%arg10 : memref<128x64xf32, #tpu.memory_space<vmem>>) target(%dma_start3A_200 : memref<10240x64xf32, #tpu.memory_space<vmem_shared>>) offsets(%dma_start3A_197 : memref<128xi32, #tpu.memory_space<vmem>>) semaphore(%run_scoped3A : memref<!tpu.dma_semaphore, #tpu.memory_space<semaphore_mem>>) {add = true}
        %dma_wait3A_201 = arith.constant 0 : i32
        %dma_wait3A_202 = tpu.memref_slice %arg9[%add3A_87, %dma_wait3A_201] : memref<80x128xi32, #tpu.memory_space<vmem>> -> memref<1x128xi32, #tpu.memory_space<vmem>>
        %dma_wait3A_203 = tpu.memref_squeeze %dma_wait3A_202 : memref<1x128xi32, #tpu.memory_space<vmem>> -> memref<128xi32, #tpu.memory_space<vmem>>
        %dma_wait3A_204 = arith.constant 0 : i32
        %dma_wait3A_205 = arith.constant 0 : i32
        %dma_wait3A_206 = tpu.memref_slice %arg18[%dma_wait3A_204, %dma_wait3A_205] : memref<10240x64xf32, #tpu.memory_space<vmem_shared>> -> memref<10240x64xf32, #tpu.memory_space<vmem_shared>>
        tpu.wait_indirect_dma semaphore(%run_scoped3A : memref<!tpu.dma_semaphore, #tpu.memory_space<semaphore_mem>>) src(%arg10 : memref<128x64xf32, #tpu.memory_space<vmem>>) dst(%dma_wait3A_206 : memref<10240x64xf32, #tpu.memory_space<vmem_shared>>)
        tpu.yield
      }) : () -> ()
      %add3A_93 = arith.constant 8 : i32
      %add3A_94 = arith.addi %add3A_87, %add3A_93 : i32
      %lt3A = arith.cmpi slt, %add3A_94, %mul3A_15 : i32
      %convert_element_type3A_95 = arith.extui %lt3A : i1 to i32
      %cond3A_96 = arith.constant 0 : i32
      %cond3A_97 = arith.cmpi ne, %convert_element_type3A_95, %cond3A_96 : i32
      scf.if %cond3A_97 {
        %add3A_196 = arith.constant 8 : i32
        %add3A_197 = arith.addi %add3A_87, %add3A_196 : i32
        %dma_start3A = arith.constant 0 : i32
        %dma_start3A_198 = tpu.memref_slice %arg8[%add3A_197, %dma_start3A] : memref<80x128xi32, #tpu.memory_space<vmem>> -> memref<1x128xi32, #tpu.memory_space<vmem>>
        %dma_start3A_199 = tpu.memref_squeeze %dma_start3A_198 : memref<1x128xi32, #tpu.memory_space<vmem>> -> memref<128xi32, #tpu.memory_space<vmem>>
        %dma_start3A_200 = arith.constant 0 : i32
        %dma_start3A_201 = arith.constant 0 : i32
        %dma_start3A_202 = tpu.memref_slice %arg3[%dma_start3A_200, %dma_start3A_201] : memref<10240x64xf32, #tpu.memory_space<hbm>> -> memref<10240x64xf32, #tpu.memory_space<hbm>>
        tpu.enqueue_indirect_dma source(%dma_start3A_202 : memref<10240x64xf32, #tpu.memory_space<hbm>>) target(%arg10 : memref<128x64xf32, #tpu.memory_space<vmem>>) offsets(%dma_start3A_199 : memref<128xi32, #tpu.memory_space<vmem>>) semaphore(%arg19 : memref<!tpu.dma_semaphore, #tpu.memory_space<semaphore_mem>>)
      } else {
      }
      %add3A_98 = arith.constant 1 : i32
      %add3A_99 = arith.addi %mul3A_85, %add3A_98 : i32
      %dma_wait3A_100 = arith.constant 0 : i32
      %dma_wait3A_101 = tpu.memref_slice %arg8[%add3A_99, %dma_wait3A_100] : memref<80x128xi32, #tpu.memory_space<vmem>> -> memref<1x128xi32, #tpu.memory_space<vmem>>
      %dma_wait3A_102 = tpu.memref_squeeze %dma_wait3A_101 : memref<1x128xi32, #tpu.memory_space<vmem>> -> memref<128xi32, #tpu.memory_space<vmem>>
      %dma_wait3A_103 = arith.constant 0 : i32
      %dma_wait3A_104 = arith.constant 0 : i32
      %dma_wait3A_105 = tpu.memref_slice %arg3[%dma_wait3A_103, %dma_wait3A_104] : memref<10240x64xf32, #tpu.memory_space<hbm>> -> memref<10240x64xf32, #tpu.memory_space<hbm>>
      tpu.wait_indirect_dma semaphore(%arg20 : memref<!tpu.dma_semaphore, #tpu.memory_space<semaphore_mem>>) src(%dma_wait3A_105 : memref<10240x64xf32, #tpu.memory_space<hbm>>) dst(%arg11 : memref<128x64xf32, #tpu.memory_space<vmem>>)
      "tpu.region"() ({
        %run_scoped3A = tpu.sem_alloc : memref<!tpu.dma_semaphore, #tpu.memory_space<semaphore_mem>>
        %dma_start3A = arith.constant 0 : i32
        %dma_start3A_196 = tpu.memref_slice %arg9[%add3A_99, %dma_start3A] : memref<80x128xi32, #tpu.memory_space<vmem>> -> memref<1x128xi32, #tpu.memory_space<vmem>>
        %dma_start3A_197 = tpu.memref_squeeze %dma_start3A_196 : memref<1x128xi32, #tpu.memory_space<vmem>> -> memref<128xi32, #tpu.memory_space<vmem>>
        %dma_start3A_198 = arith.constant 0 : i32
        %dma_start3A_199 = arith.constant 0 : i32
        %dma_start3A_200 = tpu.memref_slice %arg18[%dma_start3A_198, %dma_start3A_199] : memref<10240x64xf32, #tpu.memory_space<vmem_shared>> -> memref<10240x64xf32, #tpu.memory_space<vmem_shared>>
        tpu.enqueue_indirect_dma source(%arg11 : memref<128x64xf32, #tpu.memory_space<vmem>>) target(%dma_start3A_200 : memref<10240x64xf32, #tpu.memory_space<vmem_shared>>) offsets(%dma_start3A_197 : memref<128xi32, #tpu.memory_space<vmem>>) semaphore(%run_scoped3A : memref<!tpu.dma_semaphore, #tpu.memory_space<semaphore_mem>>) {add = true}
        %dma_wait3A_201 = arith.constant 0 : i32
        %dma_wait3A_202 = tpu.memref_slice %arg9[%add3A_99, %dma_wait3A_201] : memref<80x128xi32, #tpu.memory_space<vmem>> -> memref<1x128xi32, #tpu.memory_space<vmem>>
        %dma_wait3A_203 = tpu.memref_squeeze %dma_wait3A_202 : memref<1x128xi32, #tpu.memory_space<vmem>> -> memref<128xi32, #tpu.memory_space<vmem>>
        %dma_wait3A_204 = arith.constant 0 : i32
        %dma_wait3A_205 = arith.constant 0 : i32
        %dma_wait3A_206 = tpu.memref_slice %arg18[%dma_wait3A_204, %dma_wait3A_205] : memref<10240x64xf32, #tpu.memory_space<vmem_shared>> -> memref<10240x64xf32, #tpu.memory_space<vmem_shared>>
        tpu.wait_indirect_dma semaphore(%run_scoped3A : memref<!tpu.dma_semaphore, #tpu.memory_space<semaphore_mem>>) src(%arg11 : memref<128x64xf32, #tpu.memory_space<vmem>>) dst(%dma_wait3A_206 : memref<10240x64xf32, #tpu.memory_space<vmem_shared>>)
        tpu.yield
      }) : () -> ()
      %add3A_106 = arith.constant 8 : i32
      %add3A_107 = arith.addi %add3A_99, %add3A_106 : i32
      %lt3A_108 = arith.cmpi slt, %add3A_107, %mul3A_15 : i32
      %convert_element_type3A_109 = arith.extui %lt3A_108 : i1 to i32
      %cond3A_110 = arith.constant 0 : i32
      %cond3A_111 = arith.cmpi ne, %convert_element_type3A_109, %cond3A_110 : i32
      scf.if %cond3A_111 {
        %add3A_196 = arith.constant 8 : i32
        %add3A_197 = arith.addi %add3A_99, %add3A_196 : i32
        %dma_start3A = arith.constant 0 : i32
        %dma_start3A_198 = tpu.memref_slice %arg8[%add3A_197, %dma_start3A] : memref<80x128xi32, #tpu.memory_space<vmem>> -> memref<1x128xi32, #tpu.memory_space<vmem>>
        %dma_start3A_199 = tpu.memref_squeeze %dma_start3A_198 : memref<1x128xi32, #tpu.memory_space<vmem>> -> memref<128xi32, #tpu.memory_space<vmem>>
        %dma_start3A_200 = arith.constant 0 : i32
        %dma_start3A_201 = arith.constant 0 : i32
        %dma_start3A_202 = tpu.memref_slice %arg3[%dma_start3A_200, %dma_start3A_201] : memref<10240x64xf32, #tpu.memory_space<hbm>> -> memref<10240x64xf32, #tpu.memory_space<hbm>>
        tpu.enqueue_indirect_dma source(%dma_start3A_202 : memref<10240x64xf32, #tpu.memory_space<hbm>>) target(%arg11 : memref<128x64xf32, #tpu.memory_space<vmem>>) offsets(%dma_start3A_199 : memref<128xi32, #tpu.memory_space<vmem>>) semaphore(%arg20 : memref<!tpu.dma_semaphore, #tpu.memory_space<semaphore_mem>>)
      } else {
      }
      %add3A_112 = arith.constant 2 : i32
      %add3A_113 = arith.addi %mul3A_85, %add3A_112 : i32
      %dma_wait3A_114 = arith.constant 0 : i32
      %dma_wait3A_115 = tpu.memref_slice %arg8[%add3A_113, %dma_wait3A_114] : memref<80x128xi32, #tpu.memory_space<vmem>> -> memref<1x128xi32, #tpu.memory_space<vmem>>
      %dma_wait3A_116 = tpu.memref_squeeze %dma_wait3A_115 : memref<1x128xi32, #tpu.memory_space<vmem>> -> memref<128xi32, #tpu.memory_space<vmem>>
      %dma_wait3A_117 = arith.constant 0 : i32
      %dma_wait3A_118 = arith.constant 0 : i32
      %dma_wait3A_119 = tpu.memref_slice %arg3[%dma_wait3A_117, %dma_wait3A_118] : memref<10240x64xf32, #tpu.memory_space<hbm>> -> memref<10240x64xf32, #tpu.memory_space<hbm>>
      tpu.wait_indirect_dma semaphore(%arg21 : memref<!tpu.dma_semaphore, #tpu.memory_space<semaphore_mem>>) src(%dma_wait3A_119 : memref<10240x64xf32, #tpu.memory_space<hbm>>) dst(%arg12 : memref<128x64xf32, #tpu.memory_space<vmem>>)
      "tpu.region"() ({
        %run_scoped3A = tpu.sem_alloc : memref<!tpu.dma_semaphore, #tpu.memory_space<semaphore_mem>>
        %dma_start3A = arith.constant 0 : i32
        %dma_start3A_196 = tpu.memref_slice %arg9[%add3A_113, %dma_start3A] : memref<80x128xi32, #tpu.memory_space<vmem>> -> memref<1x128xi32, #tpu.memory_space<vmem>>
        %dma_start3A_197 = tpu.memref_squeeze %dma_start3A_196 : memref<1x128xi32, #tpu.memory_space<vmem>> -> memref<128xi32, #tpu.memory_space<vmem>>
        %dma_start3A_198 = arith.constant 0 : i32
        %dma_start3A_199 = arith.constant 0 : i32
        %dma_start3A_200 = tpu.memref_slice %arg18[%dma_start3A_198, %dma_start3A_199] : memref<10240x64xf32, #tpu.memory_space<vmem_shared>> -> memref<10240x64xf32, #tpu.memory_space<vmem_shared>>
        tpu.enqueue_indirect_dma source(%arg12 : memref<128x64xf32, #tpu.memory_space<vmem>>) target(%dma_start3A_200 : memref<10240x64xf32, #tpu.memory_space<vmem_shared>>) offsets(%dma_start3A_197 : memref<128xi32, #tpu.memory_space<vmem>>) semaphore(%run_scoped3A : memref<!tpu.dma_semaphore, #tpu.memory_space<semaphore_mem>>) {add = true}
        %dma_wait3A_201 = arith.constant 0 : i32
        %dma_wait3A_202 = tpu.memref_slice %arg9[%add3A_113, %dma_wait3A_201] : memref<80x128xi32, #tpu.memory_space<vmem>> -> memref<1x128xi32, #tpu.memory_space<vmem>>
        %dma_wait3A_203 = tpu.memref_squeeze %dma_wait3A_202 : memref<1x128xi32, #tpu.memory_space<vmem>> -> memref<128xi32, #tpu.memory_space<vmem>>
        %dma_wait3A_204 = arith.constant 0 : i32
        %dma_wait3A_205 = arith.constant 0 : i32
        %dma_wait3A_206 = tpu.memref_slice %arg18[%dma_wait3A_204, %dma_wait3A_205] : memref<10240x64xf32, #tpu.memory_space<vmem_shared>> -> memref<10240x64xf32, #tpu.memory_space<vmem_shared>>
        tpu.wait_indirect_dma semaphore(%run_scoped3A : memref<!tpu.dma_semaphore, #tpu.memory_space<semaphore_mem>>) src(%arg12 : memref<128x64xf32, #tpu.memory_space<vmem>>) dst(%dma_wait3A_206 : memref<10240x64xf32, #tpu.memory_space<vmem_shared>>)
        tpu.yield
      }) : () -> ()
      %add3A_120 = arith.constant 8 : i32
      %add3A_121 = arith.addi %add3A_113, %add3A_120 : i32
      %lt3A_122 = arith.cmpi slt, %add3A_121, %mul3A_15 : i32
      %convert_element_type3A_123 = arith.extui %lt3A_122 : i1 to i32
      %cond3A_124 = arith.constant 0 : i32
      %cond3A_125 = arith.cmpi ne, %convert_element_type3A_123, %cond3A_124 : i32
      scf.if %cond3A_125 {
        %add3A_196 = arith.constant 8 : i32
        %add3A_197 = arith.addi %add3A_113, %add3A_196 : i32
        %dma_start3A = arith.constant 0 : i32
        %dma_start3A_198 = tpu.memref_slice %arg8[%add3A_197, %dma_start3A] : memref<80x128xi32, #tpu.memory_space<vmem>> -> memref<1x128xi32, #tpu.memory_space<vmem>>
        %dma_start3A_199 = tpu.memref_squeeze %dma_start3A_198 : memref<1x128xi32, #tpu.memory_space<vmem>> -> memref<128xi32, #tpu.memory_space<vmem>>
        %dma_start3A_200 = arith.constant 0 : i32
        %dma_start3A_201 = arith.constant 0 : i32
        %dma_start3A_202 = tpu.memref_slice %arg3[%dma_start3A_200, %dma_start3A_201] : memref<10240x64xf32, #tpu.memory_space<hbm>> -> memref<10240x64xf32, #tpu.memory_space<hbm>>
        tpu.enqueue_indirect_dma source(%dma_start3A_202 : memref<10240x64xf32, #tpu.memory_space<hbm>>) target(%arg12 : memref<128x64xf32, #tpu.memory_space<vmem>>) offsets(%dma_start3A_199 : memref<128xi32, #tpu.memory_space<vmem>>) semaphore(%arg21 : memref<!tpu.dma_semaphore, #tpu.memory_space<semaphore_mem>>)
      } else {
      }
      %add3A_126 = arith.constant 3 : i32
      %add3A_127 = arith.addi %mul3A_85, %add3A_126 : i32
      %dma_wait3A_128 = arith.constant 0 : i32
      %dma_wait3A_129 = tpu.memref_slice %arg8[%add3A_127, %dma_wait3A_128] : memref<80x128xi32, #tpu.memory_space<vmem>> -> memref<1x128xi32, #tpu.memory_space<vmem>>
      %dma_wait3A_130 = tpu.memref_squeeze %dma_wait3A_129 : memref<1x128xi32, #tpu.memory_space<vmem>> -> memref<128xi32, #tpu.memory_space<vmem>>
      %dma_wait3A_131 = arith.constant 0 : i32
      %dma_wait3A_132 = arith.constant 0 : i32
      %dma_wait3A_133 = tpu.memref_slice %arg3[%dma_wait3A_131, %dma_wait3A_132] : memref<10240x64xf32, #tpu.memory_space<hbm>> -> memref<10240x64xf32, #tpu.memory_space<hbm>>
      tpu.wait_indirect_dma semaphore(%arg22 : memref<!tpu.dma_semaphore, #tpu.memory_space<semaphore_mem>>) src(%dma_wait3A_133 : memref<10240x64xf32, #tpu.memory_space<hbm>>) dst(%arg13 : memref<128x64xf32, #tpu.memory_space<vmem>>)
      "tpu.region"() ({
        %run_scoped3A = tpu.sem_alloc : memref<!tpu.dma_semaphore, #tpu.memory_space<semaphore_mem>>
        %dma_start3A = arith.constant 0 : i32
        %dma_start3A_196 = tpu.memref_slice %arg9[%add3A_127, %dma_start3A] : memref<80x128xi32, #tpu.memory_space<vmem>> -> memref<1x128xi32, #tpu.memory_space<vmem>>
        %dma_start3A_197 = tpu.memref_squeeze %dma_start3A_196 : memref<1x128xi32, #tpu.memory_space<vmem>> -> memref<128xi32, #tpu.memory_space<vmem>>
        %dma_start3A_198 = arith.constant 0 : i32
        %dma_start3A_199 = arith.constant 0 : i32
        %dma_start3A_200 = tpu.memref_slice %arg18[%dma_start3A_198, %dma_start3A_199] : memref<10240x64xf32, #tpu.memory_space<vmem_shared>> -> memref<10240x64xf32, #tpu.memory_space<vmem_shared>>
        tpu.enqueue_indirect_dma source(%arg13 : memref<128x64xf32, #tpu.memory_space<vmem>>) target(%dma_start3A_200 : memref<10240x64xf32, #tpu.memory_space<vmem_shared>>) offsets(%dma_start3A_197 : memref<128xi32, #tpu.memory_space<vmem>>) semaphore(%run_scoped3A : memref<!tpu.dma_semaphore, #tpu.memory_space<semaphore_mem>>) {add = true}
        %dma_wait3A_201 = arith.constant 0 : i32
        %dma_wait3A_202 = tpu.memref_slice %arg9[%add3A_127, %dma_wait3A_201] : memref<80x128xi32, #tpu.memory_space<vmem>> -> memref<1x128xi32, #tpu.memory_space<vmem>>
        %dma_wait3A_203 = tpu.memref_squeeze %dma_wait3A_202 : memref<1x128xi32, #tpu.memory_space<vmem>> -> memref<128xi32, #tpu.memory_space<vmem>>
        %dma_wait3A_204 = arith.constant 0 : i32
        %dma_wait3A_205 = arith.constant 0 : i32
        %dma_wait3A_206 = tpu.memref_slice %arg18[%dma_wait3A_204, %dma_wait3A_205] : memref<10240x64xf32, #tpu.memory_space<vmem_shared>> -> memref<10240x64xf32, #tpu.memory_space<vmem_shared>>
        tpu.wait_indirect_dma semaphore(%run_scoped3A : memref<!tpu.dma_semaphore, #tpu.memory_space<semaphore_mem>>) src(%arg13 : memref<128x64xf32, #tpu.memory_space<vmem>>) dst(%dma_wait3A_206 : memref<10240x64xf32, #tpu.memory_space<vmem_shared>>)
        tpu.yield
      }) : () -> ()
      %add3A_134 = arith.constant 8 : i32
      %add3A_135 = arith.addi %add3A_127, %add3A_134 : i32
      %lt3A_136 = arith.cmpi slt, %add3A_135, %mul3A_15 : i32
      %convert_element_type3A_137 = arith.extui %lt3A_136 : i1 to i32
      %cond3A_138 = arith.constant 0 : i32
      %cond3A_139 = arith.cmpi ne, %convert_element_type3A_137, %cond3A_138 : i32
      scf.if %cond3A_139 {
        %add3A_196 = arith.constant 8 : i32
        %add3A_197 = arith.addi %add3A_127, %add3A_196 : i32
        %dma_start3A = arith.constant 0 : i32
        %dma_start3A_198 = tpu.memref_slice %arg8[%add3A_197, %dma_start3A] : memref<80x128xi32, #tpu.memory_space<vmem>> -> memref<1x128xi32, #tpu.memory_space<vmem>>
        %dma_start3A_199 = tpu.memref_squeeze %dma_start3A_198 : memref<1x128xi32, #tpu.memory_space<vmem>> -> memref<128xi32, #tpu.memory_space<vmem>>
        %dma_start3A_200 = arith.constant 0 : i32
        %dma_start3A_201 = arith.constant 0 : i32
        %dma_start3A_202 = tpu.memref_slice %arg3[%dma_start3A_200, %dma_start3A_201] : memref<10240x64xf32, #tpu.memory_space<hbm>> -> memref<10240x64xf32, #tpu.memory_space<hbm>>
        tpu.enqueue_indirect_dma source(%dma_start3A_202 : memref<10240x64xf32, #tpu.memory_space<hbm>>) target(%arg13 : memref<128x64xf32, #tpu.memory_space<vmem>>) offsets(%dma_start3A_199 : memref<128xi32, #tpu.memory_space<vmem>>) semaphore(%arg22 : memref<!tpu.dma_semaphore, #tpu.memory_space<semaphore_mem>>)
      } else {
      }
      %add3A_140 = arith.constant 4 : i32
      %add3A_141 = arith.addi %mul3A_85, %add3A_140 : i32
      %dma_wait3A_142 = arith.constant 0 : i32
      %dma_wait3A_143 = tpu.memref_slice %arg8[%add3A_141, %dma_wait3A_142] : memref<80x128xi32, #tpu.memory_space<vmem>> -> memref<1x128xi32, #tpu.memory_space<vmem>>
      %dma_wait3A_144 = tpu.memref_squeeze %dma_wait3A_143 : memref<1x128xi32, #tpu.memory_space<vmem>> -> memref<128xi32, #tpu.memory_space<vmem>>
      %dma_wait3A_145 = arith.constant 0 : i32
      %dma_wait3A_146 = arith.constant 0 : i32
      %dma_wait3A_147 = tpu.memref_slice %arg3[%dma_wait3A_145, %dma_wait3A_146] : memref<10240x64xf32, #tpu.memory_space<hbm>> -> memref<10240x64xf32, #tpu.memory_space<hbm>>
      tpu.wait_indirect_dma semaphore(%arg23 : memref<!tpu.dma_semaphore, #tpu.memory_space<semaphore_mem>>) src(%dma_wait3A_147 : memref<10240x64xf32, #tpu.memory_space<hbm>>) dst(%arg14 : memref<128x64xf32, #tpu.memory_space<vmem>>)
      "tpu.region"() ({
        %run_scoped3A = tpu.sem_alloc : memref<!tpu.dma_semaphore, #tpu.memory_space<semaphore_mem>>
        %dma_start3A = arith.constant 0 : i32
        %dma_start3A_196 = tpu.memref_slice %arg9[%add3A_141, %dma_start3A] : memref<80x128xi32, #tpu.memory_space<vmem>> -> memref<1x128xi32, #tpu.memory_space<vmem>>
        %dma_start3A_197 = tpu.memref_squeeze %dma_start3A_196 : memref<1x128xi32, #tpu.memory_space<vmem>> -> memref<128xi32, #tpu.memory_space<vmem>>
        %dma_start3A_198 = arith.constant 0 : i32
        %dma_start3A_199 = arith.constant 0 : i32
        %dma_start3A_200 = tpu.memref_slice %arg18[%dma_start3A_198, %dma_start3A_199] : memref<10240x64xf32, #tpu.memory_space<vmem_shared>> -> memref<10240x64xf32, #tpu.memory_space<vmem_shared>>
        tpu.enqueue_indirect_dma source(%arg14 : memref<128x64xf32, #tpu.memory_space<vmem>>) target(%dma_start3A_200 : memref<10240x64xf32, #tpu.memory_space<vmem_shared>>) offsets(%dma_start3A_197 : memref<128xi32, #tpu.memory_space<vmem>>) semaphore(%run_scoped3A : memref<!tpu.dma_semaphore, #tpu.memory_space<semaphore_mem>>) {add = true}
        %dma_wait3A_201 = arith.constant 0 : i32
        %dma_wait3A_202 = tpu.memref_slice %arg9[%add3A_141, %dma_wait3A_201] : memref<80x128xi32, #tpu.memory_space<vmem>> -> memref<1x128xi32, #tpu.memory_space<vmem>>
        %dma_wait3A_203 = tpu.memref_squeeze %dma_wait3A_202 : memref<1x128xi32, #tpu.memory_space<vmem>> -> memref<128xi32, #tpu.memory_space<vmem>>
        %dma_wait3A_204 = arith.constant 0 : i32
        %dma_wait3A_205 = arith.constant 0 : i32
        %dma_wait3A_206 = tpu.memref_slice %arg18[%dma_wait3A_204, %dma_wait3A_205] : memref<10240x64xf32, #tpu.memory_space<vmem_shared>> -> memref<10240x64xf32, #tpu.memory_space<vmem_shared>>
        tpu.wait_indirect_dma semaphore(%run_scoped3A : memref<!tpu.dma_semaphore, #tpu.memory_space<semaphore_mem>>) src(%arg14 : memref<128x64xf32, #tpu.memory_space<vmem>>) dst(%dma_wait3A_206 : memref<10240x64xf32, #tpu.memory_space<vmem_shared>>)
        tpu.yield
      }) : () -> ()
      %add3A_148 = arith.constant 8 : i32
      %add3A_149 = arith.addi %add3A_141, %add3A_148 : i32
      %lt3A_150 = arith.cmpi slt, %add3A_149, %mul3A_15 : i32
      %convert_element_type3A_151 = arith.extui %lt3A_150 : i1 to i32
      %cond3A_152 = arith.constant 0 : i32
      %cond3A_153 = arith.cmpi ne, %convert_element_type3A_151, %cond3A_152 : i32
      scf.if %cond3A_153 {
        %add3A_196 = arith.constant 8 : i32
        %add3A_197 = arith.addi %add3A_141, %add3A_196 : i32
        %dma_start3A = arith.constant 0 : i32
        %dma_start3A_198 = tpu.memref_slice %arg8[%add3A_197, %dma_start3A] : memref<80x128xi32, #tpu.memory_space<vmem>> -> memref<1x128xi32, #tpu.memory_space<vmem>>
        %dma_start3A_199 = tpu.memref_squeeze %dma_start3A_198 : memref<1x128xi32, #tpu.memory_space<vmem>> -> memref<128xi32, #tpu.memory_space<vmem>>
        %dma_start3A_200 = arith.constant 0 : i32
        %dma_start3A_201 = arith.constant 0 : i32
        %dma_start3A_202 = tpu.memref_slice %arg3[%dma_start3A_200, %dma_start3A_201] : memref<10240x64xf32, #tpu.memory_space<hbm>> -> memref<10240x64xf32, #tpu.memory_space<hbm>>
        tpu.enqueue_indirect_dma source(%dma_start3A_202 : memref<10240x64xf32, #tpu.memory_space<hbm>>) target(%arg14 : memref<128x64xf32, #tpu.memory_space<vmem>>) offsets(%dma_start3A_199 : memref<128xi32, #tpu.memory_space<vmem>>) semaphore(%arg23 : memref<!tpu.dma_semaphore, #tpu.memory_space<semaphore_mem>>)
      } else {
      }
      %add3A_154 = arith.constant 5 : i32
      %add3A_155 = arith.addi %mul3A_85, %add3A_154 : i32
      %dma_wait3A_156 = arith.constant 0 : i32
      %dma_wait3A_157 = tpu.memref_slice %arg8[%add3A_155, %dma_wait3A_156] : memref<80x128xi32, #tpu.memory_space<vmem>> -> memref<1x128xi32, #tpu.memory_space<vmem>>
      %dma_wait3A_158 = tpu.memref_squeeze %dma_wait3A_157 : memref<1x128xi32, #tpu.memory_space<vmem>> -> memref<128xi32, #tpu.memory_space<vmem>>
      %dma_wait3A_159 = arith.constant 0 : i32
      %dma_wait3A_160 = arith.constant 0 : i32
      %dma_wait3A_161 = tpu.memref_slice %arg3[%dma_wait3A_159, %dma_wait3A_160] : memref<10240x64xf32, #tpu.memory_space<hbm>> -> memref<10240x64xf32, #tpu.memory_space<hbm>>
      tpu.wait_indirect_dma semaphore(%arg24 : memref<!tpu.dma_semaphore, #tpu.memory_space<semaphore_mem>>) src(%dma_wait3A_161 : memref<10240x64xf32, #tpu.memory_space<hbm>>) dst(%arg15 : memref<128x64xf32, #tpu.memory_space<vmem>>)
      "tpu.region"() ({
        %run_scoped3A = tpu.sem_alloc : memref<!tpu.dma_semaphore, #tpu.memory_space<semaphore_mem>>
        %dma_start3A = arith.constant 0 : i32
        %dma_start3A_196 = tpu.memref_slice %arg9[%add3A_155, %dma_start3A] : memref<80x128xi32, #tpu.memory_space<vmem>> -> memref<1x128xi32, #tpu.memory_space<vmem>>
        %dma_start3A_197 = tpu.memref_squeeze %dma_start3A_196 : memref<1x128xi32, #tpu.memory_space<vmem>> -> memref<128xi32, #tpu.memory_space<vmem>>
        %dma_start3A_198 = arith.constant 0 : i32
        %dma_start3A_199 = arith.constant 0 : i32
        %dma_start3A_200 = tpu.memref_slice %arg18[%dma_start3A_198, %dma_start3A_199] : memref<10240x64xf32, #tpu.memory_space<vmem_shared>> -> memref<10240x64xf32, #tpu.memory_space<vmem_shared>>
        tpu.enqueue_indirect_dma source(%arg15 : memref<128x64xf32, #tpu.memory_space<vmem>>) target(%dma_start3A_200 : memref<10240x64xf32, #tpu.memory_space<vmem_shared>>) offsets(%dma_start3A_197 : memref<128xi32, #tpu.memory_space<vmem>>) semaphore(%run_scoped3A : memref<!tpu.dma_semaphore, #tpu.memory_space<semaphore_mem>>) {add = true}
        %dma_wait3A_201 = arith.constant 0 : i32
        %dma_wait3A_202 = tpu.memref_slice %arg9[%add3A_155, %dma_wait3A_201] : memref<80x128xi32, #tpu.memory_space<vmem>> -> memref<1x128xi32, #tpu.memory_space<vmem>>
        %dma_wait3A_203 = tpu.memref_squeeze %dma_wait3A_202 : memref<1x128xi32, #tpu.memory_space<vmem>> -> memref<128xi32, #tpu.memory_space<vmem>>
        %dma_wait3A_204 = arith.constant 0 : i32
        %dma_wait3A_205 = arith.constant 0 : i32
        %dma_wait3A_206 = tpu.memref_slice %arg18[%dma_wait3A_204, %dma_wait3A_205] : memref<10240x64xf32, #tpu.memory_space<vmem_shared>> -> memref<10240x64xf32, #tpu.memory_space<vmem_shared>>
        tpu.wait_indirect_dma semaphore(%run_scoped3A : memref<!tpu.dma_semaphore, #tpu.memory_space<semaphore_mem>>) src(%arg15 : memref<128x64xf32, #tpu.memory_space<vmem>>) dst(%dma_wait3A_206 : memref<10240x64xf32, #tpu.memory_space<vmem_shared>>)
        tpu.yield
      }) : () -> ()
      %add3A_162 = arith.constant 8 : i32
      %add3A_163 = arith.addi %add3A_155, %add3A_162 : i32
      %lt3A_164 = arith.cmpi slt, %add3A_163, %mul3A_15 : i32
      %convert_element_type3A_165 = arith.extui %lt3A_164 : i1 to i32
      %cond3A_166 = arith.constant 0 : i32
      %cond3A_167 = arith.cmpi ne, %convert_element_type3A_165, %cond3A_166 : i32
      scf.if %cond3A_167 {
        %add3A_196 = arith.constant 8 : i32
        %add3A_197 = arith.addi %add3A_155, %add3A_196 : i32
        %dma_start3A = arith.constant 0 : i32
        %dma_start3A_198 = tpu.memref_slice %arg8[%add3A_197, %dma_start3A] : memref<80x128xi32, #tpu.memory_space<vmem>> -> memref<1x128xi32, #tpu.memory_space<vmem>>
        %dma_start3A_199 = tpu.memref_squeeze %dma_start3A_198 : memref<1x128xi32, #tpu.memory_space<vmem>> -> memref<128xi32, #tpu.memory_space<vmem>>
        %dma_start3A_200 = arith.constant 0 : i32
        %dma_start3A_201 = arith.constant 0 : i32
        %dma_start3A_202 = tpu.memref_slice %arg3[%dma_start3A_200, %dma_start3A_201] : memref<10240x64xf32, #tpu.memory_space<hbm>> -> memref<10240x64xf32, #tpu.memory_space<hbm>>
        tpu.enqueue_indirect_dma source(%dma_start3A_202 : memref<10240x64xf32, #tpu.memory_space<hbm>>) target(%arg15 : memref<128x64xf32, #tpu.memory_space<vmem>>) offsets(%dma_start3A_199 : memref<128xi32, #tpu.memory_space<vmem>>) semaphore(%arg24 : memref<!tpu.dma_semaphore, #tpu.memory_space<semaphore_mem>>)
      } else {
      }
      %add3A_168 = arith.constant 6 : i32
      %add3A_169 = arith.addi %mul3A_85, %add3A_168 : i32
      %dma_wait3A_170 = arith.constant 0 : i32
      %dma_wait3A_171 = tpu.memref_slice %arg8[%add3A_169, %dma_wait3A_170] : memref<80x128xi32, #tpu.memory_space<vmem>> -> memref<1x128xi32, #tpu.memory_space<vmem>>
      %dma_wait3A_172 = tpu.memref_squeeze %dma_wait3A_171 : memref<1x128xi32, #tpu.memory_space<vmem>> -> memref<128xi32, #tpu.memory_space<vmem>>
      %dma_wait3A_173 = arith.constant 0 : i32
      %dma_wait3A_174 = arith.constant 0 : i32
      %dma_wait3A_175 = tpu.memref_slice %arg3[%dma_wait3A_173, %dma_wait3A_174] : memref<10240x64xf32, #tpu.memory_space<hbm>> -> memref<10240x64xf32, #tpu.memory_space<hbm>>
      tpu.wait_indirect_dma semaphore(%arg25 : memref<!tpu.dma_semaphore, #tpu.memory_space<semaphore_mem>>) src(%dma_wait3A_175 : memref<10240x64xf32, #tpu.memory_space<hbm>>) dst(%arg16 : memref<128x64xf32, #tpu.memory_space<vmem>>)
      "tpu.region"() ({
        %run_scoped3A = tpu.sem_alloc : memref<!tpu.dma_semaphore, #tpu.memory_space<semaphore_mem>>
        %dma_start3A = arith.constant 0 : i32
        %dma_start3A_196 = tpu.memref_slice %arg9[%add3A_169, %dma_start3A] : memref<80x128xi32, #tpu.memory_space<vmem>> -> memref<1x128xi32, #tpu.memory_space<vmem>>
        %dma_start3A_197 = tpu.memref_squeeze %dma_start3A_196 : memref<1x128xi32, #tpu.memory_space<vmem>> -> memref<128xi32, #tpu.memory_space<vmem>>
        %dma_start3A_198 = arith.constant 0 : i32
        %dma_start3A_199 = arith.constant 0 : i32
        %dma_start3A_200 = tpu.memref_slice %arg18[%dma_start3A_198, %dma_start3A_199] : memref<10240x64xf32, #tpu.memory_space<vmem_shared>> -> memref<10240x64xf32, #tpu.memory_space<vmem_shared>>
        tpu.enqueue_indirect_dma source(%arg16 : memref<128x64xf32, #tpu.memory_space<vmem>>) target(%dma_start3A_200 : memref<10240x64xf32, #tpu.memory_space<vmem_shared>>) offsets(%dma_start3A_197 : memref<128xi32, #tpu.memory_space<vmem>>) semaphore(%run_scoped3A : memref<!tpu.dma_semaphore, #tpu.memory_space<semaphore_mem>>) {add = true}
        %dma_wait3A_201 = arith.constant 0 : i32
        %dma_wait3A_202 = tpu.memref_slice %arg9[%add3A_169, %dma_wait3A_201] : memref<80x128xi32, #tpu.memory_space<vmem>> -> memref<1x128xi32, #tpu.memory_space<vmem>>
        %dma_wait3A_203 = tpu.memref_squeeze %dma_wait3A_202 : memref<1x128xi32, #tpu.memory_space<vmem>> -> memref<128xi32, #tpu.memory_space<vmem>>
        %dma_wait3A_204 = arith.constant 0 : i32
        %dma_wait3A_205 = arith.constant 0 : i32
        %dma_wait3A_206 = tpu.memref_slice %arg18[%dma_wait3A_204, %dma_wait3A_205] : memref<10240x64xf32, #tpu.memory_space<vmem_shared>> -> memref<10240x64xf32, #tpu.memory_space<vmem_shared>>
        tpu.wait_indirect_dma semaphore(%run_scoped3A : memref<!tpu.dma_semaphore, #tpu.memory_space<semaphore_mem>>) src(%arg16 : memref<128x64xf32, #tpu.memory_space<vmem>>) dst(%dma_wait3A_206 : memref<10240x64xf32, #tpu.memory_space<vmem_shared>>)
        tpu.yield
      }) : () -> ()
      %add3A_176 = arith.constant 8 : i32
      %add3A_177 = arith.addi %add3A_169, %add3A_176 : i32
      %lt3A_178 = arith.cmpi slt, %add3A_177, %mul3A_15 : i32
      %convert_element_type3A_179 = arith.extui %lt3A_178 : i1 to i32
      %cond3A_180 = arith.constant 0 : i32
      %cond3A_181 = arith.cmpi ne, %convert_element_type3A_179, %cond3A_180 : i32
      scf.if %cond3A_181 {
        %add3A_196 = arith.constant 8 : i32
        %add3A_197 = arith.addi %add3A_169, %add3A_196 : i32
        %dma_start3A = arith.constant 0 : i32
        %dma_start3A_198 = tpu.memref_slice %arg8[%add3A_197, %dma_start3A] : memref<80x128xi32, #tpu.memory_space<vmem>> -> memref<1x128xi32, #tpu.memory_space<vmem>>
        %dma_start3A_199 = tpu.memref_squeeze %dma_start3A_198 : memref<1x128xi32, #tpu.memory_space<vmem>> -> memref<128xi32, #tpu.memory_space<vmem>>
        %dma_start3A_200 = arith.constant 0 : i32
        %dma_start3A_201 = arith.constant 0 : i32
        %dma_start3A_202 = tpu.memref_slice %arg3[%dma_start3A_200, %dma_start3A_201] : memref<10240x64xf32, #tpu.memory_space<hbm>> -> memref<10240x64xf32, #tpu.memory_space<hbm>>
        tpu.enqueue_indirect_dma source(%dma_start3A_202 : memref<10240x64xf32, #tpu.memory_space<hbm>>) target(%arg16 : memref<128x64xf32, #tpu.memory_space<vmem>>) offsets(%dma_start3A_199 : memref<128xi32, #tpu.memory_space<vmem>>) semaphore(%arg25 : memref<!tpu.dma_semaphore, #tpu.memory_space<semaphore_mem>>)
      } else {
      }
      %add3A_182 = arith.constant 7 : i32
      %add3A_183 = arith.addi %mul3A_85, %add3A_182 : i32
      %dma_wait3A_184 = arith.constant 0 : i32
      %dma_wait3A_185 = tpu.memref_slice %arg8[%add3A_183, %dma_wait3A_184] : memref<80x128xi32, #tpu.memory_space<vmem>> -> memref<1x128xi32, #tpu.memory_space<vmem>>
      %dma_wait3A_186 = tpu.memref_squeeze %dma_wait3A_185 : memref<1x128xi32, #tpu.memory_space<vmem>> -> memref<128xi32, #tpu.memory_space<vmem>>
      %dma_wait3A_187 = arith.constant 0 : i32
      %dma_wait3A_188 = arith.constant 0 : i32
      %dma_wait3A_189 = tpu.memref_slice %arg3[%dma_wait3A_187, %dma_wait3A_188] : memref<10240x64xf32, #tpu.memory_space<hbm>> -> memref<10240x64xf32, #tpu.memory_space<hbm>>
      tpu.wait_indirect_dma semaphore(%arg26 : memref<!tpu.dma_semaphore, #tpu.memory_space<semaphore_mem>>) src(%dma_wait3A_189 : memref<10240x64xf32, #tpu.memory_space<hbm>>) dst(%arg17 : memref<128x64xf32, #tpu.memory_space<vmem>>)
      "tpu.region"() ({
        %run_scoped3A = tpu.sem_alloc : memref<!tpu.dma_semaphore, #tpu.memory_space<semaphore_mem>>
        %dma_start3A = arith.constant 0 : i32
        %dma_start3A_196 = tpu.memref_slice %arg9[%add3A_183, %dma_start3A] : memref<80x128xi32, #tpu.memory_space<vmem>> -> memref<1x128xi32, #tpu.memory_space<vmem>>
        %dma_start3A_197 = tpu.memref_squeeze %dma_start3A_196 : memref<1x128xi32, #tpu.memory_space<vmem>> -> memref<128xi32, #tpu.memory_space<vmem>>
        %dma_start3A_198 = arith.constant 0 : i32
        %dma_start3A_199 = arith.constant 0 : i32
        %dma_start3A_200 = tpu.memref_slice %arg18[%dma_start3A_198, %dma_start3A_199] : memref<10240x64xf32, #tpu.memory_space<vmem_shared>> -> memref<10240x64xf32, #tpu.memory_space<vmem_shared>>
        tpu.enqueue_indirect_dma source(%arg17 : memref<128x64xf32, #tpu.memory_space<vmem>>) target(%dma_start3A_200 : memref<10240x64xf32, #tpu.memory_space<vmem_shared>>) offsets(%dma_start3A_197 : memref<128xi32, #tpu.memory_space<vmem>>) semaphore(%run_scoped3A : memref<!tpu.dma_semaphore, #tpu.memory_space<semaphore_mem>>) {add = true}
        %dma_wait3A_201 = arith.constant 0 : i32
        %dma_wait3A_202 = tpu.memref_slice %arg9[%add3A_183, %dma_wait3A_201] : memref<80x128xi32, #tpu.memory_space<vmem>> -> memref<1x128xi32, #tpu.memory_space<vmem>>
        %dma_wait3A_203 = tpu.memref_squeeze %dma_wait3A_202 : memref<1x128xi32, #tpu.memory_space<vmem>> -> memref<128xi32, #tpu.memory_space<vmem>>
        %dma_wait3A_204 = arith.constant 0 : i32
        %dma_wait3A_205 = arith.constant 0 : i32
        %dma_wait3A_206 = tpu.memref_slice %arg18[%dma_wait3A_204, %dma_wait3A_205] : memref<10240x64xf32, #tpu.memory_space<vmem_shared>> -> memref<10240x64xf32, #tpu.memory_space<vmem_shared>>
        tpu.wait_indirect_dma semaphore(%run_scoped3A : memref<!tpu.dma_semaphore, #tpu.memory_space<semaphore_mem>>) src(%arg17 : memref<128x64xf32, #tpu.memory_space<vmem>>) dst(%dma_wait3A_206 : memref<10240x64xf32, #tpu.memory_space<vmem_shared>>)
        tpu.yield
      }) : () -> ()
      %add3A_190 = arith.constant 8 : i32
      %add3A_191 = arith.addi %add3A_183, %add3A_190 : i32
      %lt3A_192 = arith.cmpi slt, %add3A_191, %mul3A_15 : i32
      %convert_element_type3A_193 = arith.extui %lt3A_192 : i1 to i32
      %cond3A_194 = arith.constant 0 : i32
      %cond3A_195 = arith.cmpi ne, %convert_element_type3A_193, %cond3A_194 : i32
      scf.if %cond3A_195 {
        %add3A_196 = arith.constant 8 : i32
        %add3A_197 = arith.addi %add3A_183, %add3A_196 : i32
        %dma_start3A = arith.constant 0 : i32
        %dma_start3A_198 = tpu.memref_slice %arg8[%add3A_197, %dma_start3A] : memref<80x128xi32, #tpu.memory_space<vmem>> -> memref<1x128xi32, #tpu.memory_space<vmem>>
        %dma_start3A_199 = tpu.memref_squeeze %dma_start3A_198 : memref<1x128xi32, #tpu.memory_space<vmem>> -> memref<128xi32, #tpu.memory_space<vmem>>
        %dma_start3A_200 = arith.constant 0 : i32
        %dma_start3A_201 = arith.constant 0 : i32
        %dma_start3A_202 = tpu.memref_slice %arg3[%dma_start3A_200, %dma_start3A_201] : memref<10240x64xf32, #tpu.memory_space<hbm>> -> memref<10240x64xf32, #tpu.memory_space<hbm>>
        tpu.enqueue_indirect_dma source(%dma_start3A_202 : memref<10240x64xf32, #tpu.memory_space<hbm>>) target(%arg17 : memref<128x64xf32, #tpu.memory_space<vmem>>) offsets(%dma_start3A_199 : memref<128xi32, #tpu.memory_space<vmem>>) semaphore(%arg26 : memref<!tpu.dma_semaphore, #tpu.memory_space<semaphore_mem>>)
      } else {
      }
    }
    %barrier3A_75 = arith.constant 0 : index
    tpu.barrier barrier_id(%barrier3A_75)
    "tpu.trace_stop"() : () -> ()
    "tpu.trace_start"() <{level = 10 : i32, message = "ph_wb1"}> : () -> ()
    %scan3A_76 = arith.constant 0 : i32
    %scan3A_77 = arith.constant 0 : i32
    %scan3A_78 = arith.constant 5 : i32
    %scan3A_79 = arith.addi %scan3A_77, %scan3A_78 : i32
    %scan3A_80 = arith.constant 1 : i32
    scf.for %scan3A_83 = %scan3A_77 to %scan3A_79 step %scan3A_80  : i32 {
      %mul3A_84 = arith.constant 128 : i32
      %mul3A_85 = arith.muli %scan3A_83, %mul3A_84 : i32
      %add3A_86 = arith.addi %mul3A_0, %mul3A_85 : i32
      "tpu.region"() ({
        %run_scoped3A = tpu.sem_alloc : memref<!tpu.dma_semaphore, #tpu.memory_space<semaphore_mem>>
        %dma_start3A = arith.constant 0 : i32
        %dma_start3A_90 = tpu.memref_slice %arg18[%add3A_86, %dma_start3A] : memref<10240x64xf32, #tpu.memory_space<vmem_shared>> -> memref<128x64xf32, #tpu.memory_space<vmem_shared>>
        %dma_start3A_91 = arith.constant 0 : i32
        %dma_start3A_92 = tpu.memref_slice %arg18[%add3A_86, %dma_start3A_91] : memref<10240x64xf32, #tpu.memory_space<vmem_shared>> -> memref<128x64xf32, #tpu.memory_space<vmem_shared>>
        tpu.enqueue_dma source(%dma_start3A_92 : memref<128x64xf32, #tpu.memory_space<vmem_shared>>) target(%arg10 : memref<128x64xf32, #tpu.memory_space<vmem>>) target_semaphore(%run_scoped3A : memref<!tpu.dma_semaphore, #tpu.memory_space<semaphore_mem>>)
        %dma_wait3A = arith.constant 0 : i32
        %dma_wait3A_93 = tpu.memref_slice %arg18[%add3A_86, %dma_wait3A] : memref<10240x64xf32, #tpu.memory_space<vmem_shared>> -> memref<128x64xf32, #tpu.memory_space<vmem_shared>>
        %dma_wait3A_94 = arith.constant 0 : i32
        %dma_wait3A_95 = tpu.memref_slice %arg18[%add3A_86, %dma_wait3A_94] : memref<10240x64xf32, #tpu.memory_space<vmem_shared>> -> memref<128x64xf32, #tpu.memory_space<vmem_shared>>
        tpu.wait_dma2 semaphore(%run_scoped3A : memref<!tpu.dma_semaphore, #tpu.memory_space<semaphore_mem>>) src(%dma_wait3A_95 : memref<128x64xf32, #tpu.memory_space<vmem_shared>>) dst(%arg10 : memref<128x64xf32, #tpu.memory_space<vmem>>)
        tpu.yield
      }) : () -> ()
      %mul3A_87 = arith.constant 128 : i32
      %mul3A_88 = arith.muli %scan3A_83, %mul3A_87 : i32
      %add3A_89 = arith.addi %add3A, %mul3A_88 : i32
      "tpu.region"() ({
        %run_scoped3A = tpu.sem_alloc : memref<!tpu.dma_semaphore, #tpu.memory_space<semaphore_mem>>
        %dma_start3A = arith.constant 0 : i32
        %dma_start3A_90 = tpu.memref_slice %arg7[%add3A_89, %dma_start3A] : memref<20480x64xf32, #tpu.memory_space<hbm>> -> memref<128x64xf32, #tpu.memory_space<hbm>>
        %dma_start3A_91 = arith.constant 0 : i32
        %dma_start3A_92 = tpu.memref_slice %arg7[%add3A_89, %dma_start3A_91] : memref<20480x64xf32, #tpu.memory_space<hbm>> -> memref<128x64xf32, #tpu.memory_space<hbm>>
        tpu.enqueue_dma source(%arg10 : memref<128x64xf32, #tpu.memory_space<vmem>>) target(%dma_start3A_92 : memref<128x64xf32, #tpu.memory_space<hbm>>) target_semaphore(%run_scoped3A : memref<!tpu.dma_semaphore, #tpu.memory_space<semaphore_mem>>)
        %dma_wait3A = arith.constant 0 : i32
        %dma_wait3A_93 = tpu.memref_slice %arg7[%add3A_89, %dma_wait3A] : memref<20480x64xf32, #tpu.memory_space<hbm>> -> memref<128x64xf32, #tpu.memory_space<hbm>>
        %dma_wait3A_94 = arith.constant 0 : i32
        %dma_wait3A_95 = tpu.memref_slice %arg7[%add3A_89, %dma_wait3A_94] : memref<20480x64xf32, #tpu.memory_space<hbm>> -> memref<128x64xf32, #tpu.memory_space<hbm>>
        tpu.wait_dma2 semaphore(%run_scoped3A : memref<!tpu.dma_semaphore, #tpu.memory_space<semaphore_mem>>) src(%arg10 : memref<128x64xf32, #tpu.memory_space<vmem>>) dst(%dma_wait3A_95 : memref<128x64xf32, #tpu.memory_space<hbm>>)
        tpu.yield
      }) : () -> ()
    }
    %scan3A_81 = arith.constant 5 : i32
    %barrier3A_82 = arith.constant 0 : index
    tpu.barrier barrier_id(%barrier3A_82)
    "tpu.trace_stop"() : () -> ()
    return
  }
}

#map = affine_map<(d0, d1) -> (0, 0)>
module attributes {stable_mosaic.version = 14 : i64} {
  func.func @_sc_agg_body(%arg0: i32, %arg1: i32, %arg2: memref<10000x64xf32, #tpu.memory_space<hbm>>, %arg3: memref<10000x64xf32, #tpu.memory_space<hbm>>, %arg4: memref<2560x128xi32, #tpu.memory_space<hbm>>, %arg5: memref<2560x128xi32, #tpu.memory_space<hbm>>, %arg6: memref<20480x64xf32, #tpu.memory_space<hbm>>, %arg7: memref<20480x64xf32, #tpu.memory_space<hbm>>, %arg8: memref<80x128xi32, #tpu.memory_space<vmem>>, %arg9: memref<80x128xi32, #tpu.memory_space<vmem>>, %arg10: memref<128x64xf32, #tpu.memory_space<vmem>>, %arg11: memref<128x64xf32, #tpu.memory_space<vmem>>, %arg12: memref<128x64xf32, #tpu.memory_space<vmem>>, %arg13: memref<128x64xf32, #tpu.memory_space<vmem>>, %arg14: memref<128x64xf32, #tpu.memory_space<vmem>>, %arg15: memref<128x64xf32, #tpu.memory_space<vmem>>, %arg16: memref<128x64xf32, #tpu.memory_space<vmem>>, %arg17: memref<128x64xf32, #tpu.memory_space<vmem>>, %arg18: memref<10240x64xf32, #tpu.memory_space<vmem_shared>>, %arg19: memref<!tpu.dma_semaphore, #tpu.memory_space<semaphore_mem>>, %arg20: memref<!tpu.dma_semaphore, #tpu.memory_space<semaphore_mem>>, %arg21: memref<!tpu.dma_semaphore, #tpu.memory_space<semaphore_mem>>, %arg22: memref<!tpu.dma_semaphore, #tpu.memory_space<semaphore_mem>>, %arg23: memref<!tpu.dma_semaphore, #tpu.memory_space<semaphore_mem>>, %arg24: memref<!tpu.dma_semaphore, #tpu.memory_space<semaphore_mem>>, %arg25: memref<!tpu.dma_semaphore, #tpu.memory_space<semaphore_mem>>, %arg26: memref<!tpu.dma_semaphore, #tpu.memory_space<semaphore_mem>>) attributes {dimension_semantics = [#tpu.dimension_semantics<core_parallel>, #tpu.dimension_semantics<subcore_parallel>], iteration_bounds = array<i64: 2, 16>, scalar_prefetch = 0 : i64, scratch_operands = 19 : i64, tpu.core_type = #tpu.core_type<sc_vector_subcore>, window_params = [{transform_indices = #map}, {transform_indices = #map}, {transform_indices = #map}, {transform_indices = #map}, {transform_indices = #map}, {transform_indices = #map}]} {
    %mul3A = arith.constant 640 : i32
    %mul3A_0 = arith.muli %arg1, %mul3A : i32
    %mul3A_1 = arith.constant 10240 : i32
    %mul3A_2 = arith.muli %arg0, %mul3A_1 : i32
    %add3A = arith.addi %mul3A_2, %mul3A_0 : i32
    %eq3A = arith.constant 0 : i32
    %eq3A_3 = arith.cmpi eq, %arg0, %eq3A : i32
    %mul3A_4 = arith.constant 80 : i32
    %mul3A_5 = arith.muli %arg1, %mul3A_4 : i32
    %mul3A_6 = arith.constant 80 : i32
    %mul3A_7 = arith.muli %arg1, %mul3A_6 : i32
    %add3A_8 = arith.constant 1280 : i32
    %add3A_9 = arith.addi %add3A_8, %mul3A_7 : i32
    %select_n3A = arith.select %eq3A_3, %mul3A_5, %add3A_9 : i32
    %eq3A_10 = arith.constant 0 : i32
    %eq3A_11 = arith.cmpi eq, %arg0, %eq3A_10 : i32
    %jit3A = arith.constant 10 : i32
    %jit3A_12 = arith.constant 10 : i32
    %select_n3A_13 = arith.select %eq3A_11, %jit3A, %jit3A_12 : i32
    %mul3A_14 = arith.constant 8 : i32
    %mul3A_15 = arith.muli %select_n3A_13, %mul3A_14 : i32
    "tpu.trace_start"() <{level = 10 : i32, message = "ph_stage"}> : () -> ()
    "tpu.region"() ({
      %run_scoped3A = tpu.sem_alloc : memref<!tpu.dma_semaphore, #tpu.memory_space<semaphore_mem>>
      %dma_start3A = arith.constant 0 : i32
      %dma_start3A_83 = tpu.memref_slice %arg4[%select_n3A, %dma_start3A] : memref<2560x128xi32, #tpu.memory_space<hbm>> -> memref<80x128xi32, #tpu.memory_space<hbm>>
      %dma_start3A_84 = arith.constant 0 : i32
      %dma_start3A_85 = tpu.memref_slice %arg4[%select_n3A, %dma_start3A_84] : memref<2560x128xi32, #tpu.memory_space<hbm>> -> memref<80x128xi32, #tpu.memory_space<hbm>>
      tpu.enqueue_dma source(%dma_start3A_85 : memref<80x128xi32, #tpu.memory_space<hbm>>) target(%arg8 : memref<80x128xi32, #tpu.memory_space<vmem>>) target_semaphore(%run_scoped3A : memref<!tpu.dma_semaphore, #tpu.memory_space<semaphore_mem>>)
      %dma_wait3A = arith.constant 0 : i32
      %dma_wait3A_86 = tpu.memref_slice %arg4[%select_n3A, %dma_wait3A] : memref<2560x128xi32, #tpu.memory_space<hbm>> -> memref<80x128xi32, #tpu.memory_space<hbm>>
      %dma_wait3A_87 = arith.constant 0 : i32
      %dma_wait3A_88 = tpu.memref_slice %arg4[%select_n3A, %dma_wait3A_87] : memref<2560x128xi32, #tpu.memory_space<hbm>> -> memref<80x128xi32, #tpu.memory_space<hbm>>
      tpu.wait_dma2 semaphore(%run_scoped3A : memref<!tpu.dma_semaphore, #tpu.memory_space<semaphore_mem>>) src(%dma_wait3A_88 : memref<80x128xi32, #tpu.memory_space<hbm>>) dst(%arg8 : memref<80x128xi32, #tpu.memory_space<vmem>>)
      tpu.yield
    }) : () -> ()
    "tpu.region"() ({
      %run_scoped3A = tpu.sem_alloc : memref<!tpu.dma_semaphore, #tpu.memory_space<semaphore_mem>>
      %dma_start3A = arith.constant 0 : i32
      %dma_start3A_83 = tpu.memref_slice %arg5[%select_n3A, %dma_start3A] : memref<2560x128xi32, #tpu.memory_space<hbm>> -> memref<80x128xi32, #tpu.memory_space<hbm>>
      %dma_start3A_84 = arith.constant 0 : i32
      %dma_start3A_85 = tpu.memref_slice %arg5[%select_n3A, %dma_start3A_84] : memref<2560x128xi32, #tpu.memory_space<hbm>> -> memref<80x128xi32, #tpu.memory_space<hbm>>
      tpu.enqueue_dma source(%dma_start3A_85 : memref<80x128xi32, #tpu.memory_space<hbm>>) target(%arg9 : memref<80x128xi32, #tpu.memory_space<vmem>>) target_semaphore(%run_scoped3A : memref<!tpu.dma_semaphore, #tpu.memory_space<semaphore_mem>>)
      %dma_wait3A = arith.constant 0 : i32
      %dma_wait3A_86 = tpu.memref_slice %arg5[%select_n3A, %dma_wait3A] : memref<2560x128xi32, #tpu.memory_space<hbm>> -> memref<80x128xi32, #tpu.memory_space<hbm>>
      %dma_wait3A_87 = arith.constant 0 : i32
      %dma_wait3A_88 = tpu.memref_slice %arg5[%select_n3A, %dma_wait3A_87] : memref<2560x128xi32, #tpu.memory_space<hbm>> -> memref<80x128xi32, #tpu.memory_space<hbm>>
      tpu.wait_dma2 semaphore(%run_scoped3A : memref<!tpu.dma_semaphore, #tpu.memory_space<semaphore_mem>>) src(%dma_wait3A_88 : memref<80x128xi32, #tpu.memory_space<hbm>>) dst(%arg9 : memref<80x128xi32, #tpu.memory_space<vmem>>)
      tpu.yield
    }) : () -> ()
    %broadcast_in_dim3A = arith.constant 0.000000e+00 : f32
    "tpu.trace_stop"() : () -> ()
    %broadcast_in_dim3A_16 = vector.broadcast %broadcast_in_dim3A : f32 to vector<16xf32>
    "tpu.trace_start"() <{level = 10 : i32, message = "ph_fill0"}> : () -> ()
    %scan3A = arith.constant 0 : i32
    %scan3A_17 = arith.constant 0 : i32
    %scan3A_18 = arith.constant 128 : i32
    %scan3A_19 = arith.addi %scan3A_17, %scan3A_18 : i32
    %scan3A_20 = arith.constant 1 : i32
    scf.for %scan3A_83 = %scan3A_17 to %scan3A_19 step %scan3A_20  : i32 {
      %scan3A_84 = arith.constant 0 : i32
      %scan3A_85 = arith.constant 4 : i32
      %scan3A_86 = arith.addi %scan3A_84, %scan3A_85 : i32
      %scan3A_87 = arith.constant 1 : i32
      scf.for %scan3A_89 = %scan3A_84 to %scan3A_86 step %scan3A_87  : i32 {
        %mul3A_90 = arith.constant 16 : i32
        %mul3A_91 = arith.muli %scan3A_89, %mul3A_90 : i32
        %swap3A = arith.index_cast %scan3A_83 : i32 to index
        %swap3A_92 = arith.index_cast %mul3A_91 : i32 to index
        %swap3A_93 = tpu.vector_load %arg10[%swap3A, %swap3A_92] {strides = array<i32>} : memref<128x64xf32, #tpu.memory_space<vmem>>, vector<1x16xf32>,
        %swap3A_94 = vector.shape_cast %swap3A_93 : vector<1x16xf32> to vector<16xf32>
        %swap3A_95 = vector.shape_cast %broadcast_in_dim3A_16 : vector<16xf32> to vector<1x16xf32>
        tpu.vector_store %arg10[%swap3A, %swap3A_92], %swap3A_95 {strides = array<i32>} : memref<128x64xf32, #tpu.memory_space<vmem>>, vector<1x16xf32>,
      }
      %scan3A_88 = arith.constant 4 : i32
    }
    %scan3A_21 = arith.constant 128 : i32
    "tpu.trace_stop"() : () -> ()
    "tpu.trace_start"() <{level = 10 : i32, message = "ph_zero0"}> : () -> ()
    %scan3A_22 = arith.constant 0 : i32
    %scan3A_23 = arith.constant 0 : i32
    %scan3A_24 = arith.constant 5 : i32
    %scan3A_25 = arith.addi %scan3A_23, %scan3A_24 : i32
    %scan3A_26 = arith.constant 1 : i32
    scf.for %scan3A_83 = %scan3A_23 to %scan3A_25 step %scan3A_26  : i32 {
      %mul3A_84 = arith.constant 128 : i32
      %mul3A_85 = arith.muli %scan3A_83, %mul3A_84 : i32
      %add3A_86 = arith.addi %mul3A_0, %mul3A_85 : i32
      "tpu.region"() ({
        %run_scoped3A = tpu.sem_alloc : memref<!tpu.dma_semaphore, #tpu.memory_space<semaphore_mem>>
        %dma_start3A = arith.constant 0 : i32
        %dma_start3A_87 = tpu.memref_slice %arg18[%add3A_86, %dma_start3A] : memref<10240x64xf32, #tpu.memory_space<vmem_shared>> -> memref<128x64xf32, #tpu.memory_space<vmem_shared>>
        %dma_start3A_88 = arith.constant 0 : i32
        %dma_start3A_89 = tpu.memref_slice %arg18[%add3A_86, %dma_start3A_88] : memref<10240x64xf32, #tpu.memory_space<vmem_shared>> -> memref<128x64xf32, #tpu.memory_space<vmem_shared>>
        tpu.enqueue_dma source(%arg10 : memref<128x64xf32, #tpu.memory_space<vmem>>) target(%dma_start3A_89 : memref<128x64xf32, #tpu.memory_space<vmem_shared>>) target_semaphore(%run_scoped3A : memref<!tpu.dma_semaphore, #tpu.memory_space<semaphore_mem>>)
        %dma_wait3A = arith.constant 0 : i32
        %dma_wait3A_90 = tpu.memref_slice %arg18[%add3A_86, %dma_wait3A] : memref<10240x64xf32, #tpu.memory_space<vmem_shared>> -> memref<128x64xf32, #tpu.memory_space<vmem_shared>>
        %dma_wait3A_91 = arith.constant 0 : i32
        %dma_wait3A_92 = tpu.memref_slice %arg18[%add3A_86, %dma_wait3A_91] : memref<10240x64xf32, #tpu.memory_space<vmem_shared>> -> memref<128x64xf32, #tpu.memory_space<vmem_shared>>
        tpu.wait_dma2 semaphore(%run_scoped3A : memref<!tpu.dma_semaphore, #tpu.memory_space<semaphore_mem>>) src(%arg10 : memref<128x64xf32, #tpu.memory_space<vmem>>) dst(%dma_wait3A_92 : memref<128x64xf32, #tpu.memory_space<vmem_shared>>)
        tpu.yield
      }) : () -> ()
    }
    %scan3A_27 = arith.constant 5 : i32
    %barrier3A = arith.constant 0 : index
    tpu.barrier barrier_id(%barrier3A)
    %gt3A = arith.constant 0 : i32
    "tpu.trace_stop"() : () -> ()
    "tpu.trace_start"() <{level = 10 : i32, message = "ph_edges0"}> : () -> ()
    %gt3A_28 = arith.cmpi sgt, %mul3A_15, %gt3A : i32
    %convert_element_type3A = arith.extui %gt3A_28 : i1 to i32
    %cond3A = arith.constant 0 : i32
    %cond3A_29 = arith.cmpi ne, %convert_element_type3A, %cond3A : i32
    scf.if %cond3A_29 {
      %dma_start3A = arith.constant 0 : i32
      %dma_start3A_83 = arith.constant 0 : i32
      %dma_start3A_84 = tpu.memref_slice %arg8[%dma_start3A, %dma_start3A_83] : memref<80x128xi32, #tpu.memory_space<vmem>> -> memref<1x128xi32, #tpu.memory_space<vmem>>
      %dma_start3A_85 = tpu.memref_squeeze %dma_start3A_84 : memref<1x128xi32, #tpu.memory_space<vmem>> -> memref<128xi32, #tpu.memory_space<vmem>>
      %dma_start3A_86 = arith.constant 0 : i32
      %dma_start3A_87 = arith.constant 0 : i32
      %dma_start3A_88 = tpu.memref_slice %arg2[%dma_start3A_86, %dma_start3A_87] : memref<10000x64xf32, #tpu.memory_space<hbm>> -> memref<10000x64xf32, #tpu.memory_space<hbm>>
      tpu.enqueue_indirect_dma source(%dma_start3A_88 : memref<10000x64xf32, #tpu.memory_space<hbm>>) target(%arg10 : memref<128x64xf32, #tpu.memory_space<vmem>>) offsets(%dma_start3A_85 : memref<128xi32, #tpu.memory_space<vmem>>) semaphore(%arg19 : memref<!tpu.dma_semaphore, #tpu.memory_space<semaphore_mem>>)
      %dma_start3A_89 = arith.constant 1 : i32
      %dma_start3A_90 = arith.constant 0 : i32
      %dma_start3A_91 = tpu.memref_slice %arg8[%dma_start3A_89, %dma_start3A_90] : memref<80x128xi32, #tpu.memory_space<vmem>> -> memref<1x128xi32, #tpu.memory_space<vmem>>
      %dma_start3A_92 = tpu.memref_squeeze %dma_start3A_91 : memref<1x128xi32, #tpu.memory_space<vmem>> -> memref<128xi32, #tpu.memory_space<vmem>>
      %dma_start3A_93 = arith.constant 0 : i32
      %dma_start3A_94 = arith.constant 0 : i32
      %dma_start3A_95 = tpu.memref_slice %arg2[%dma_start3A_93, %dma_start3A_94] : memref<10000x64xf32, #tpu.memory_space<hbm>> -> memref<10000x64xf32, #tpu.memory_space<hbm>>
      tpu.enqueue_indirect_dma source(%dma_start3A_95 : memref<10000x64xf32, #tpu.memory_space<hbm>>) target(%arg11 : memref<128x64xf32, #tpu.memory_space<vmem>>) offsets(%dma_start3A_92 : memref<128xi32, #tpu.memory_space<vmem>>) semaphore(%arg20 : memref<!tpu.dma_semaphore, #tpu.memory_space<semaphore_mem>>)
      %dma_start3A_96 = arith.constant 2 : i32
      %dma_start3A_97 = arith.constant 0 : i32
      %dma_start3A_98 = tpu.memref_slice %arg8[%dma_start3A_96, %dma_start3A_97] : memref<80x128xi32, #tpu.memory_space<vmem>> -> memref<1x128xi32, #tpu.memory_space<vmem>>
      %dma_start3A_99 = tpu.memref_squeeze %dma_start3A_98 : memref<1x128xi32, #tpu.memory_space<vmem>> -> memref<128xi32, #tpu.memory_space<vmem>>
      %dma_start3A_100 = arith.constant 0 : i32
      %dma_start3A_101 = arith.constant 0 : i32
      %dma_start3A_102 = tpu.memref_slice %arg2[%dma_start3A_100, %dma_start3A_101] : memref<10000x64xf32, #tpu.memory_space<hbm>> -> memref<10000x64xf32, #tpu.memory_space<hbm>>
      tpu.enqueue_indirect_dma source(%dma_start3A_102 : memref<10000x64xf32, #tpu.memory_space<hbm>>) target(%arg12 : memref<128x64xf32, #tpu.memory_space<vmem>>) offsets(%dma_start3A_99 : memref<128xi32, #tpu.memory_space<vmem>>) semaphore(%arg21 : memref<!tpu.dma_semaphore, #tpu.memory_space<semaphore_mem>>)
      %dma_start3A_103 = arith.constant 3 : i32
      %dma_start3A_104 = arith.constant 0 : i32
      %dma_start3A_105 = tpu.memref_slice %arg8[%dma_start3A_103, %dma_start3A_104] : memref<80x128xi32, #tpu.memory_space<vmem>> -> memref<1x128xi32, #tpu.memory_space<vmem>>
      %dma_start3A_106 = tpu.memref_squeeze %dma_start3A_105 : memref<1x128xi32, #tpu.memory_space<vmem>> -> memref<128xi32, #tpu.memory_space<vmem>>
      %dma_start3A_107 = arith.constant 0 : i32
      %dma_start3A_108 = arith.constant 0 : i32
      %dma_start3A_109 = tpu.memref_slice %arg2[%dma_start3A_107, %dma_start3A_108] : memref<10000x64xf32, #tpu.memory_space<hbm>> -> memref<10000x64xf32, #tpu.memory_space<hbm>>
      tpu.enqueue_indirect_dma source(%dma_start3A_109 : memref<10000x64xf32, #tpu.memory_space<hbm>>) target(%arg13 : memref<128x64xf32, #tpu.memory_space<vmem>>) offsets(%dma_start3A_106 : memref<128xi32, #tpu.memory_space<vmem>>) semaphore(%arg22 : memref<!tpu.dma_semaphore, #tpu.memory_space<semaphore_mem>>)
      %dma_start3A_110 = arith.constant 4 : i32
      %dma_start3A_111 = arith.constant 0 : i32
      %dma_start3A_112 = tpu.memref_slice %arg8[%dma_start3A_110, %dma_start3A_111] : memref<80x128xi32, #tpu.memory_space<vmem>> -> memref<1x128xi32, #tpu.memory_space<vmem>>
      %dma_start3A_113 = tpu.memref_squeeze %dma_start3A_112 : memref<1x128xi32, #tpu.memory_space<vmem>> -> memref<128xi32, #tpu.memory_space<vmem>>
      %dma_start3A_114 = arith.constant 0 : i32
      %dma_start3A_115 = arith.constant 0 : i32
      %dma_start3A_116 = tpu.memref_slice %arg2[%dma_start3A_114, %dma_start3A_115] : memref<10000x64xf32, #tpu.memory_space<hbm>> -> memref<10000x64xf32, #tpu.memory_space<hbm>>
      tpu.enqueue_indirect_dma source(%dma_start3A_116 : memref<10000x64xf32, #tpu.memory_space<hbm>>) target(%arg14 : memref<128x64xf32, #tpu.memory_space<vmem>>) offsets(%dma_start3A_113 : memref<128xi32, #tpu.memory_space<vmem>>) semaphore(%arg23 : memref<!tpu.dma_semaphore, #tpu.memory_space<semaphore_mem>>)
      %dma_start3A_117 = arith.constant 5 : i32
      %dma_start3A_118 = arith.constant 0 : i32
      %dma_start3A_119 = tpu.memref_slice %arg8[%dma_start3A_117, %dma_start3A_118] : memref<80x128xi32, #tpu.memory_space<vmem>> -> memref<1x128xi32, #tpu.memory_space<vmem>>
      %dma_start3A_120 = tpu.memref_squeeze %dma_start3A_119 : memref<1x128xi32, #tpu.memory_space<vmem>> -> memref<128xi32, #tpu.memory_space<vmem>>
      %dma_start3A_121 = arith.constant 0 : i32
      %dma_start3A_122 = arith.constant 0 : i32
      %dma_start3A_123 = tpu.memref_slice %arg2[%dma_start3A_121, %dma_start3A_122] : memref<10000x64xf32, #tpu.memory_space<hbm>> -> memref<10000x64xf32, #tpu.memory_space<hbm>>
      tpu.enqueue_indirect_dma source(%dma_start3A_123 : memref<10000x64xf32, #tpu.memory_space<hbm>>) target(%arg15 : memref<128x64xf32, #tpu.memory_space<vmem>>) offsets(%dma_start3A_120 : memref<128xi32, #tpu.memory_space<vmem>>) semaphore(%arg24 : memref<!tpu.dma_semaphore, #tpu.memory_space<semaphore_mem>>)
      %dma_start3A_124 = arith.constant 6 : i32
      %dma_start3A_125 = arith.constant 0 : i32
      %dma_start3A_126 = tpu.memref_slice %arg8[%dma_start3A_124, %dma_start3A_125] : memref<80x128xi32, #tpu.memory_space<vmem>> -> memref<1x128xi32, #tpu.memory_space<vmem>>
      %dma_start3A_127 = tpu.memref_squeeze %dma_start3A_126 : memref<1x128xi32, #tpu.memory_space<vmem>> -> memref<128xi32, #tpu.memory_space<vmem>>
      %dma_start3A_128 = arith.constant 0 : i32
      %dma_start3A_129 = arith.constant 0 : i32
      %dma_start3A_130 = tpu.memref_slice %arg2[%dma_start3A_128, %dma_start3A_129] : memref<10000x64xf32, #tpu.memory_space<hbm>> -> memref<10000x64xf32, #tpu.memory_space<hbm>>
      tpu.enqueue_indirect_dma source(%dma_start3A_130 : memref<10000x64xf32, #tpu.memory_space<hbm>>) target(%arg16 : memref<128x64xf32, #tpu.memory_space<vmem>>) offsets(%dma_start3A_127 : memref<128xi32, #tpu.memory_space<vmem>>) semaphore(%arg25 : memref<!tpu.dma_semaphore, #tpu.memory_space<semaphore_mem>>)
      %dma_start3A_131 = arith.constant 7 : i32
      %dma_start3A_132 = arith.constant 0 : i32
      %dma_start3A_133 = tpu.memref_slice %arg8[%dma_start3A_131, %dma_start3A_132] : memref<80x128xi32, #tpu.memory_space<vmem>> -> memref<1x128xi32, #tpu.memory_space<vmem>>
      %dma_start3A_134 = tpu.memref_squeeze %dma_start3A_133 : memref<1x128xi32, #tpu.memory_space<vmem>> -> memref<128xi32, #tpu.memory_space<vmem>>
      %dma_start3A_135 = arith.constant 0 : i32
      %dma_start3A_136 = arith.constant 0 : i32
      %dma_start3A_137 = tpu.memref_slice %arg2[%dma_start3A_135, %dma_start3A_136] : memref<10000x64xf32, #tpu.memory_space<hbm>> -> memref<10000x64xf32, #tpu.memory_space<hbm>>
      tpu.enqueue_indirect_dma source(%dma_start3A_137 : memref<10000x64xf32, #tpu.memory_space<hbm>>) target(%arg17 : memref<128x64xf32, #tpu.memory_space<vmem>>) offsets(%dma_start3A_134 : memref<128xi32, #tpu.memory_space<vmem>>) semaphore(%arg26 : memref<!tpu.dma_semaphore, #tpu.memory_space<semaphore_mem>>)
    } else {
    }
    %while3A = arith.constant 0 : i32
    %while3A_30 = arith.constant 0 : i32
    %while3A_31 = arith.subi %select_n3A_13, %while3A_30 : i32
    %while3A_32 = arith.addi %while3A_30, %while3A_31 : i32
    %while3A_33 = arith.constant 1 : i32
    %while3A_34 = arith.divsi %while3A_31, %while3A_33 : i32
    %while3A_35 = arith.muli %while3A_34, %while3A_33 : i32
    %while3A_36 = arith.addi %while3A_30, %while3A_35 : i32
    %while3A_37 = arith.constant 1 : i32
    scf.for %while3A_83 = %while3A_30 to %while3A_36 step %while3A_37  : i32 {
      %mul3A_84 = arith.constant 8 : i32
      %mul3A_85 = arith.muli %while3A_83, %mul3A_84 : i32
      %add3A_86 = arith.constant 0 : i32
      %add3A_87 = arith.addi %mul3A_85, %add3A_86 : i32
      %dma_wait3A = arith.constant 0 : i32
      %dma_wait3A_88 = tpu.memref_slice %arg8[%add3A_87, %dma_wait3A] : memref<80x128xi32, #tpu.memory_space<vmem>> -> memref<1x128xi32, #tpu.memory_space<vmem>>
      %dma_wait3A_89 = tpu.memref_squeeze %dma_wait3A_88 : memref<1x128xi32, #tpu.memory_space<vmem>> -> memref<128xi32, #tpu.memory_space<vmem>>
      %dma_wait3A_90 = arith.constant 0 : i32
      %dma_wait3A_91 = arith.constant 0 : i32
      %dma_wait3A_92 = tpu.memref_slice %arg2[%dma_wait3A_90, %dma_wait3A_91] : memref<10000x64xf32, #tpu.memory_space<hbm>> -> memref<10000x64xf32, #tpu.memory_space<hbm>>
      tpu.wait_indirect_dma semaphore(%arg19 : memref<!tpu.dma_semaphore, #tpu.memory_space<semaphore_mem>>) src(%dma_wait3A_92 : memref<10000x64xf32, #tpu.memory_space<hbm>>) dst(%arg10 : memref<128x64xf32, #tpu.memory_space<vmem>>)
      "tpu.region"() ({
        %run_scoped3A = tpu.sem_alloc : memref<!tpu.dma_semaphore, #tpu.memory_space<semaphore_mem>>
        %dma_start3A = arith.constant 0 : i32
        %dma_start3A_196 = tpu.memref_slice %arg9[%add3A_87, %dma_start3A] : memref<80x128xi32, #tpu.memory_space<vmem>> -> memref<1x128xi32, #tpu.memory_space<vmem>>
        %dma_start3A_197 = tpu.memref_squeeze %dma_start3A_196 : memref<1x128xi32, #tpu.memory_space<vmem>> -> memref<128xi32, #tpu.memory_space<vmem>>
        %dma_start3A_198 = arith.constant 0 : i32
        %dma_start3A_199 = arith.constant 0 : i32
        %dma_start3A_200 = tpu.memref_slice %arg18[%dma_start3A_198, %dma_start3A_199] : memref<10240x64xf32, #tpu.memory_space<vmem_shared>> -> memref<10240x64xf32, #tpu.memory_space<vmem_shared>>
        tpu.enqueue_indirect_dma source(%arg10 : memref<128x64xf32, #tpu.memory_space<vmem>>) target(%dma_start3A_200 : memref<10240x64xf32, #tpu.memory_space<vmem_shared>>) offsets(%dma_start3A_197 : memref<128xi32, #tpu.memory_space<vmem>>) semaphore(%run_scoped3A : memref<!tpu.dma_semaphore, #tpu.memory_space<semaphore_mem>>) {add = true}
        %dma_wait3A_201 = arith.constant 0 : i32
        %dma_wait3A_202 = tpu.memref_slice %arg9[%add3A_87, %dma_wait3A_201] : memref<80x128xi32, #tpu.memory_space<vmem>> -> memref<1x128xi32, #tpu.memory_space<vmem>>
        %dma_wait3A_203 = tpu.memref_squeeze %dma_wait3A_202 : memref<1x128xi32, #tpu.memory_space<vmem>> -> memref<128xi32, #tpu.memory_space<vmem>>
        %dma_wait3A_204 = arith.constant 0 : i32
        %dma_wait3A_205 = arith.constant 0 : i32
        %dma_wait3A_206 = tpu.memref_slice %arg18[%dma_wait3A_204, %dma_wait3A_205] : memref<10240x64xf32, #tpu.memory_space<vmem_shared>> -> memref<10240x64xf32, #tpu.memory_space<vmem_shared>>
        tpu.wait_indirect_dma semaphore(%run_scoped3A : memref<!tpu.dma_semaphore, #tpu.memory_space<semaphore_mem>>) src(%arg10 : memref<128x64xf32, #tpu.memory_space<vmem>>) dst(%dma_wait3A_206 : memref<10240x64xf32, #tpu.memory_space<vmem_shared>>)
        tpu.yield
      }) : () -> ()
      %add3A_93 = arith.constant 8 : i32
      %add3A_94 = arith.addi %add3A_87, %add3A_93 : i32
      %lt3A = arith.cmpi slt, %add3A_94, %mul3A_15 : i32
      %convert_element_type3A_95 = arith.extui %lt3A : i1 to i32
      %cond3A_96 = arith.constant 0 : i32
      %cond3A_97 = arith.cmpi ne, %convert_element_type3A_95, %cond3A_96 : i32
      scf.if %cond3A_97 {
        %add3A_196 = arith.constant 8 : i32
        %add3A_197 = arith.addi %add3A_87, %add3A_196 : i32
        %dma_start3A = arith.constant 0 : i32
        %dma_start3A_198 = tpu.memref_slice %arg8[%add3A_197, %dma_start3A] : memref<80x128xi32, #tpu.memory_space<vmem>> -> memref<1x128xi32, #tpu.memory_space<vmem>>
        %dma_start3A_199 = tpu.memref_squeeze %dma_start3A_198 : memref<1x128xi32, #tpu.memory_space<vmem>> -> memref<128xi32, #tpu.memory_space<vmem>>
        %dma_start3A_200 = arith.constant 0 : i32
        %dma_start3A_201 = arith.constant 0 : i32
        %dma_start3A_202 = tpu.memref_slice %arg2[%dma_start3A_200, %dma_start3A_201] : memref<10000x64xf32, #tpu.memory_space<hbm>> -> memref<10000x64xf32, #tpu.memory_space<hbm>>
        tpu.enqueue_indirect_dma source(%dma_start3A_202 : memref<10000x64xf32, #tpu.memory_space<hbm>>) target(%arg10 : memref<128x64xf32, #tpu.memory_space<vmem>>) offsets(%dma_start3A_199 : memref<128xi32, #tpu.memory_space<vmem>>) semaphore(%arg19 : memref<!tpu.dma_semaphore, #tpu.memory_space<semaphore_mem>>)
      } else {
      }
      %add3A_98 = arith.constant 1 : i32
      %add3A_99 = arith.addi %mul3A_85, %add3A_98 : i32
      %dma_wait3A_100 = arith.constant 0 : i32
      %dma_wait3A_101 = tpu.memref_slice %arg8[%add3A_99, %dma_wait3A_100] : memref<80x128xi32, #tpu.memory_space<vmem>> -> memref<1x128xi32, #tpu.memory_space<vmem>>
      %dma_wait3A_102 = tpu.memref_squeeze %dma_wait3A_101 : memref<1x128xi32, #tpu.memory_space<vmem>> -> memref<128xi32, #tpu.memory_space<vmem>>
      %dma_wait3A_103 = arith.constant 0 : i32
      %dma_wait3A_104 = arith.constant 0 : i32
      %dma_wait3A_105 = tpu.memref_slice %arg2[%dma_wait3A_103, %dma_wait3A_104] : memref<10000x64xf32, #tpu.memory_space<hbm>> -> memref<10000x64xf32, #tpu.memory_space<hbm>>
      tpu.wait_indirect_dma semaphore(%arg20 : memref<!tpu.dma_semaphore, #tpu.memory_space<semaphore_mem>>) src(%dma_wait3A_105 : memref<10000x64xf32, #tpu.memory_space<hbm>>) dst(%arg11 : memref<128x64xf32, #tpu.memory_space<vmem>>)
      "tpu.region"() ({
        %run_scoped3A = tpu.sem_alloc : memref<!tpu.dma_semaphore, #tpu.memory_space<semaphore_mem>>
        %dma_start3A = arith.constant 0 : i32
        %dma_start3A_196 = tpu.memref_slice %arg9[%add3A_99, %dma_start3A] : memref<80x128xi32, #tpu.memory_space<vmem>> -> memref<1x128xi32, #tpu.memory_space<vmem>>
        %dma_start3A_197 = tpu.memref_squeeze %dma_start3A_196 : memref<1x128xi32, #tpu.memory_space<vmem>> -> memref<128xi32, #tpu.memory_space<vmem>>
        %dma_start3A_198 = arith.constant 0 : i32
        %dma_start3A_199 = arith.constant 0 : i32
        %dma_start3A_200 = tpu.memref_slice %arg18[%dma_start3A_198, %dma_start3A_199] : memref<10240x64xf32, #tpu.memory_space<vmem_shared>> -> memref<10240x64xf32, #tpu.memory_space<vmem_shared>>
        tpu.enqueue_indirect_dma source(%arg11 : memref<128x64xf32, #tpu.memory_space<vmem>>) target(%dma_start3A_200 : memref<10240x64xf32, #tpu.memory_space<vmem_shared>>) offsets(%dma_start3A_197 : memref<128xi32, #tpu.memory_space<vmem>>) semaphore(%run_scoped3A : memref<!tpu.dma_semaphore, #tpu.memory_space<semaphore_mem>>) {add = true}
        %dma_wait3A_201 = arith.constant 0 : i32
        %dma_wait3A_202 = tpu.memref_slice %arg9[%add3A_99, %dma_wait3A_201] : memref<80x128xi32, #tpu.memory_space<vmem>> -> memref<1x128xi32, #tpu.memory_space<vmem>>
        %dma_wait3A_203 = tpu.memref_squeeze %dma_wait3A_202 : memref<1x128xi32, #tpu.memory_space<vmem>> -> memref<128xi32, #tpu.memory_space<vmem>>
        %dma_wait3A_204 = arith.constant 0 : i32
        %dma_wait3A_205 = arith.constant 0 : i32
        %dma_wait3A_206 = tpu.memref_slice %arg18[%dma_wait3A_204, %dma_wait3A_205] : memref<10240x64xf32, #tpu.memory_space<vmem_shared>> -> memref<10240x64xf32, #tpu.memory_space<vmem_shared>>
        tpu.wait_indirect_dma semaphore(%run_scoped3A : memref<!tpu.dma_semaphore, #tpu.memory_space<semaphore_mem>>) src(%arg11 : memref<128x64xf32, #tpu.memory_space<vmem>>) dst(%dma_wait3A_206 : memref<10240x64xf32, #tpu.memory_space<vmem_shared>>)
        tpu.yield
      }) : () -> ()
      %add3A_106 = arith.constant 8 : i32
      %add3A_107 = arith.addi %add3A_99, %add3A_106 : i32
      %lt3A_108 = arith.cmpi slt, %add3A_107, %mul3A_15 : i32
      %convert_element_type3A_109 = arith.extui %lt3A_108 : i1 to i32
      %cond3A_110 = arith.constant 0 : i32
      %cond3A_111 = arith.cmpi ne, %convert_element_type3A_109, %cond3A_110 : i32
      scf.if %cond3A_111 {
        %add3A_196 = arith.constant 8 : i32
        %add3A_197 = arith.addi %add3A_99, %add3A_196 : i32
        %dma_start3A = arith.constant 0 : i32
        %dma_start3A_198 = tpu.memref_slice %arg8[%add3A_197, %dma_start3A] : memref<80x128xi32, #tpu.memory_space<vmem>> -> memref<1x128xi32, #tpu.memory_space<vmem>>
        %dma_start3A_199 = tpu.memref_squeeze %dma_start3A_198 : memref<1x128xi32, #tpu.memory_space<vmem>> -> memref<128xi32, #tpu.memory_space<vmem>>
        %dma_start3A_200 = arith.constant 0 : i32
        %dma_start3A_201 = arith.constant 0 : i32
        %dma_start3A_202 = tpu.memref_slice %arg2[%dma_start3A_200, %dma_start3A_201] : memref<10000x64xf32, #tpu.memory_space<hbm>> -> memref<10000x64xf32, #tpu.memory_space<hbm>>
        tpu.enqueue_indirect_dma source(%dma_start3A_202 : memref<10000x64xf32, #tpu.memory_space<hbm>>) target(%arg11 : memref<128x64xf32, #tpu.memory_space<vmem>>) offsets(%dma_start3A_199 : memref<128xi32, #tpu.memory_space<vmem>>) semaphore(%arg20 : memref<!tpu.dma_semaphore, #tpu.memory_space<semaphore_mem>>)
      } else {
      }
      %add3A_112 = arith.constant 2 : i32
      %add3A_113 = arith.addi %mul3A_85, %add3A_112 : i32
      %dma_wait3A_114 = arith.constant 0 : i32
      %dma_wait3A_115 = tpu.memref_slice %arg8[%add3A_113, %dma_wait3A_114] : memref<80x128xi32, #tpu.memory_space<vmem>> -> memref<1x128xi32, #tpu.memory_space<vmem>>
      %dma_wait3A_116 = tpu.memref_squeeze %dma_wait3A_115 : memref<1x128xi32, #tpu.memory_space<vmem>> -> memref<128xi32, #tpu.memory_space<vmem>>
      %dma_wait3A_117 = arith.constant 0 : i32
      %dma_wait3A_118 = arith.constant 0 : i32
      %dma_wait3A_119 = tpu.memref_slice %arg2[%dma_wait3A_117, %dma_wait3A_118] : memref<10000x64xf32, #tpu.memory_space<hbm>> -> memref<10000x64xf32, #tpu.memory_space<hbm>>
      tpu.wait_indirect_dma semaphore(%arg21 : memref<!tpu.dma_semaphore, #tpu.memory_space<semaphore_mem>>) src(%dma_wait3A_119 : memref<10000x64xf32, #tpu.memory_space<hbm>>) dst(%arg12 : memref<128x64xf32, #tpu.memory_space<vmem>>)
      "tpu.region"() ({
        %run_scoped3A = tpu.sem_alloc : memref<!tpu.dma_semaphore, #tpu.memory_space<semaphore_mem>>
        %dma_start3A = arith.constant 0 : i32
        %dma_start3A_196 = tpu.memref_slice %arg9[%add3A_113, %dma_start3A] : memref<80x128xi32, #tpu.memory_space<vmem>> -> memref<1x128xi32, #tpu.memory_space<vmem>>
        %dma_start3A_197 = tpu.memref_squeeze %dma_start3A_196 : memref<1x128xi32, #tpu.memory_space<vmem>> -> memref<128xi32, #tpu.memory_space<vmem>>
        %dma_start3A_198 = arith.constant 0 : i32
        %dma_start3A_199 = arith.constant 0 : i32
        %dma_start3A_200 = tpu.memref_slice %arg18[%dma_start3A_198, %dma_start3A_199] : memref<10240x64xf32, #tpu.memory_space<vmem_shared>> -> memref<10240x64xf32, #tpu.memory_space<vmem_shared>>
        tpu.enqueue_indirect_dma source(%arg12 : memref<128x64xf32, #tpu.memory_space<vmem>>) target(%dma_start3A_200 : memref<10240x64xf32, #tpu.memory_space<vmem_shared>>) offsets(%dma_start3A_197 : memref<128xi32, #tpu.memory_space<vmem>>) semaphore(%run_scoped3A : memref<!tpu.dma_semaphore, #tpu.memory_space<semaphore_mem>>) {add = true}
        %dma_wait3A_201 = arith.constant 0 : i32
        %dma_wait3A_202 = tpu.memref_slice %arg9[%add3A_113, %dma_wait3A_201] : memref<80x128xi32, #tpu.memory_space<vmem>> -> memref<1x128xi32, #tpu.memory_space<vmem>>
        %dma_wait3A_203 = tpu.memref_squeeze %dma_wait3A_202 : memref<1x128xi32, #tpu.memory_space<vmem>> -> memref<128xi32, #tpu.memory_space<vmem>>
        %dma_wait3A_204 = arith.constant 0 : i32
        %dma_wait3A_205 = arith.constant 0 : i32
        %dma_wait3A_206 = tpu.memref_slice %arg18[%dma_wait3A_204, %dma_wait3A_205] : memref<10240x64xf32, #tpu.memory_space<vmem_shared>> -> memref<10240x64xf32, #tpu.memory_space<vmem_shared>>
        tpu.wait_indirect_dma semaphore(%run_scoped3A : memref<!tpu.dma_semaphore, #tpu.memory_space<semaphore_mem>>) src(%arg12 : memref<128x64xf32, #tpu.memory_space<vmem>>) dst(%dma_wait3A_206 : memref<10240x64xf32, #tpu.memory_space<vmem_shared>>)
        tpu.yield
      }) : () -> ()
      %add3A_120 = arith.constant 8 : i32
      %add3A_121 = arith.addi %add3A_113, %add3A_120 : i32
      %lt3A_122 = arith.cmpi slt, %add3A_121, %mul3A_15 : i32
      %convert_element_type3A_123 = arith.extui %lt3A_122 : i1 to i32
      %cond3A_124 = arith.constant 0 : i32
      %cond3A_125 = arith.cmpi ne, %convert_element_type3A_123, %cond3A_124 : i32
      scf.if %cond3A_125 {
        %add3A_196 = arith.constant 8 : i32
        %add3A_197 = arith.addi %add3A_113, %add3A_196 : i32
        %dma_start3A = arith.constant 0 : i32
        %dma_start3A_198 = tpu.memref_slice %arg8[%add3A_197, %dma_start3A] : memref<80x128xi32, #tpu.memory_space<vmem>> -> memref<1x128xi32, #tpu.memory_space<vmem>>
        %dma_start3A_199 = tpu.memref_squeeze %dma_start3A_198 : memref<1x128xi32, #tpu.memory_space<vmem>> -> memref<128xi32, #tpu.memory_space<vmem>>
        %dma_start3A_200 = arith.constant 0 : i32
        %dma_start3A_201 = arith.constant 0 : i32
        %dma_start3A_202 = tpu.memref_slice %arg2[%dma_start3A_200, %dma_start3A_201] : memref<10000x64xf32, #tpu.memory_space<hbm>> -> memref<10000x64xf32, #tpu.memory_space<hbm>>
        tpu.enqueue_indirect_dma source(%dma_start3A_202 : memref<10000x64xf32, #tpu.memory_space<hbm>>) target(%arg12 : memref<128x64xf32, #tpu.memory_space<vmem>>) offsets(%dma_start3A_199 : memref<128xi32, #tpu.memory_space<vmem>>) semaphore(%arg21 : memref<!tpu.dma_semaphore, #tpu.memory_space<semaphore_mem>>)
      } else {
      }
      %add3A_126 = arith.constant 3 : i32
      %add3A_127 = arith.addi %mul3A_85, %add3A_126 : i32
      %dma_wait3A_128 = arith.constant 0 : i32
      %dma_wait3A_129 = tpu.memref_slice %arg8[%add3A_127, %dma_wait3A_128] : memref<80x128xi32, #tpu.memory_space<vmem>> -> memref<1x128xi32, #tpu.memory_space<vmem>>
      %dma_wait3A_130 = tpu.memref_squeeze %dma_wait3A_129 : memref<1x128xi32, #tpu.memory_space<vmem>> -> memref<128xi32, #tpu.memory_space<vmem>>
      %dma_wait3A_131 = arith.constant 0 : i32
      %dma_wait3A_132 = arith.constant 0 : i32
      %dma_wait3A_133 = tpu.memref_slice %arg2[%dma_wait3A_131, %dma_wait3A_132] : memref<10000x64xf32, #tpu.memory_space<hbm>> -> memref<10000x64xf32, #tpu.memory_space<hbm>>
      tpu.wait_indirect_dma semaphore(%arg22 : memref<!tpu.dma_semaphore, #tpu.memory_space<semaphore_mem>>) src(%dma_wait3A_133 : memref<10000x64xf32, #tpu.memory_space<hbm>>) dst(%arg13 : memref<128x64xf32, #tpu.memory_space<vmem>>)
      "tpu.region"() ({
        %run_scoped3A = tpu.sem_alloc : memref<!tpu.dma_semaphore, #tpu.memory_space<semaphore_mem>>
        %dma_start3A = arith.constant 0 : i32
        %dma_start3A_196 = tpu.memref_slice %arg9[%add3A_127, %dma_start3A] : memref<80x128xi32, #tpu.memory_space<vmem>> -> memref<1x128xi32, #tpu.memory_space<vmem>>
        %dma_start3A_197 = tpu.memref_squeeze %dma_start3A_196 : memref<1x128xi32, #tpu.memory_space<vmem>> -> memref<128xi32, #tpu.memory_space<vmem>>
        %dma_start3A_198 = arith.constant 0 : i32
        %dma_start3A_199 = arith.constant 0 : i32
        %dma_start3A_200 = tpu.memref_slice %arg18[%dma_start3A_198, %dma_start3A_199] : memref<10240x64xf32, #tpu.memory_space<vmem_shared>> -> memref<10240x64xf32, #tpu.memory_space<vmem_shared>>
        tpu.enqueue_indirect_dma source(%arg13 : memref<128x64xf32, #tpu.memory_space<vmem>>) target(%dma_start3A_200 : memref<10240x64xf32, #tpu.memory_space<vmem_shared>>) offsets(%dma_start3A_197 : memref<128xi32, #tpu.memory_space<vmem>>) semaphore(%run_scoped3A : memref<!tpu.dma_semaphore, #tpu.memory_space<semaphore_mem>>) {add = true}
        %dma_wait3A_201 = arith.constant 0 : i32
        %dma_wait3A_202 = tpu.memref_slice %arg9[%add3A_127, %dma_wait3A_201] : memref<80x128xi32, #tpu.memory_space<vmem>> -> memref<1x128xi32, #tpu.memory_space<vmem>>
        %dma_wait3A_203 = tpu.memref_squeeze %dma_wait3A_202 : memref<1x128xi32, #tpu.memory_space<vmem>> -> memref<128xi32, #tpu.memory_space<vmem>>
        %dma_wait3A_204 = arith.constant 0 : i32
        %dma_wait3A_205 = arith.constant 0 : i32
        %dma_wait3A_206 = tpu.memref_slice %arg18[%dma_wait3A_204, %dma_wait3A_205] : memref<10240x64xf32, #tpu.memory_space<vmem_shared>> -> memref<10240x64xf32, #tpu.memory_space<vmem_shared>>
        tpu.wait_indirect_dma semaphore(%run_scoped3A : memref<!tpu.dma_semaphore, #tpu.memory_space<semaphore_mem>>) src(%arg13 : memref<128x64xf32, #tpu.memory_space<vmem>>) dst(%dma_wait3A_206 : memref<10240x64xf32, #tpu.memory_space<vmem_shared>>)
        tpu.yield
      }) : () -> ()
      %add3A_134 = arith.constant 8 : i32
      %add3A_135 = arith.addi %add3A_127, %add3A_134 : i32
      %lt3A_136 = arith.cmpi slt, %add3A_135, %mul3A_15 : i32
      %convert_element_type3A_137 = arith.extui %lt3A_136 : i1 to i32
      %cond3A_138 = arith.constant 0 : i32
      %cond3A_139 = arith.cmpi ne, %convert_element_type3A_137, %cond3A_138 : i32
      scf.if %cond3A_139 {
        %add3A_196 = arith.constant 8 : i32
        %add3A_197 = arith.addi %add3A_127, %add3A_196 : i32
        %dma_start3A = arith.constant 0 : i32
        %dma_start3A_198 = tpu.memref_slice %arg8[%add3A_197, %dma_start3A] : memref<80x128xi32, #tpu.memory_space<vmem>> -> memref<1x128xi32, #tpu.memory_space<vmem>>
        %dma_start3A_199 = tpu.memref_squeeze %dma_start3A_198 : memref<1x128xi32, #tpu.memory_space<vmem>> -> memref<128xi32, #tpu.memory_space<vmem>>
        %dma_start3A_200 = arith.constant 0 : i32
        %dma_start3A_201 = arith.constant 0 : i32
        %dma_start3A_202 = tpu.memref_slice %arg2[%dma_start3A_200, %dma_start3A_201] : memref<10000x64xf32, #tpu.memory_space<hbm>> -> memref<10000x64xf32, #tpu.memory_space<hbm>>
        tpu.enqueue_indirect_dma source(%dma_start3A_202 : memref<10000x64xf32, #tpu.memory_space<hbm>>) target(%arg13 : memref<128x64xf32, #tpu.memory_space<vmem>>) offsets(%dma_start3A_199 : memref<128xi32, #tpu.memory_space<vmem>>) semaphore(%arg22 : memref<!tpu.dma_semaphore, #tpu.memory_space<semaphore_mem>>)
      } else {
      }
      %add3A_140 = arith.constant 4 : i32
      %add3A_141 = arith.addi %mul3A_85, %add3A_140 : i32
      %dma_wait3A_142 = arith.constant 0 : i32
      %dma_wait3A_143 = tpu.memref_slice %arg8[%add3A_141, %dma_wait3A_142] : memref<80x128xi32, #tpu.memory_space<vmem>> -> memref<1x128xi32, #tpu.memory_space<vmem>>
      %dma_wait3A_144 = tpu.memref_squeeze %dma_wait3A_143 : memref<1x128xi32, #tpu.memory_space<vmem>> -> memref<128xi32, #tpu.memory_space<vmem>>
      %dma_wait3A_145 = arith.constant 0 : i32
      %dma_wait3A_146 = arith.constant 0 : i32
      %dma_wait3A_147 = tpu.memref_slice %arg2[%dma_wait3A_145, %dma_wait3A_146] : memref<10000x64xf32, #tpu.memory_space<hbm>> -> memref<10000x64xf32, #tpu.memory_space<hbm>>
      tpu.wait_indirect_dma semaphore(%arg23 : memref<!tpu.dma_semaphore, #tpu.memory_space<semaphore_mem>>) src(%dma_wait3A_147 : memref<10000x64xf32, #tpu.memory_space<hbm>>) dst(%arg14 : memref<128x64xf32, #tpu.memory_space<vmem>>)
      "tpu.region"() ({
        %run_scoped3A = tpu.sem_alloc : memref<!tpu.dma_semaphore, #tpu.memory_space<semaphore_mem>>
        %dma_start3A = arith.constant 0 : i32
        %dma_start3A_196 = tpu.memref_slice %arg9[%add3A_141, %dma_start3A] : memref<80x128xi32, #tpu.memory_space<vmem>> -> memref<1x128xi32, #tpu.memory_space<vmem>>
        %dma_start3A_197 = tpu.memref_squeeze %dma_start3A_196 : memref<1x128xi32, #tpu.memory_space<vmem>> -> memref<128xi32, #tpu.memory_space<vmem>>
        %dma_start3A_198 = arith.constant 0 : i32
        %dma_start3A_199 = arith.constant 0 : i32
        %dma_start3A_200 = tpu.memref_slice %arg18[%dma_start3A_198, %dma_start3A_199] : memref<10240x64xf32, #tpu.memory_space<vmem_shared>> -> memref<10240x64xf32, #tpu.memory_space<vmem_shared>>
        tpu.enqueue_indirect_dma source(%arg14 : memref<128x64xf32, #tpu.memory_space<vmem>>) target(%dma_start3A_200 : memref<10240x64xf32, #tpu.memory_space<vmem_shared>>) offsets(%dma_start3A_197 : memref<128xi32, #tpu.memory_space<vmem>>) semaphore(%run_scoped3A : memref<!tpu.dma_semaphore, #tpu.memory_space<semaphore_mem>>) {add = true}
        %dma_wait3A_201 = arith.constant 0 : i32
        %dma_wait3A_202 = tpu.memref_slice %arg9[%add3A_141, %dma_wait3A_201] : memref<80x128xi32, #tpu.memory_space<vmem>> -> memref<1x128xi32, #tpu.memory_space<vmem>>
        %dma_wait3A_203 = tpu.memref_squeeze %dma_wait3A_202 : memref<1x128xi32, #tpu.memory_space<vmem>> -> memref<128xi32, #tpu.memory_space<vmem>>
        %dma_wait3A_204 = arith.constant 0 : i32
        %dma_wait3A_205 = arith.constant 0 : i32
        %dma_wait3A_206 = tpu.memref_slice %arg18[%dma_wait3A_204, %dma_wait3A_205] : memref<10240x64xf32, #tpu.memory_space<vmem_shared>> -> memref<10240x64xf32, #tpu.memory_space<vmem_shared>>
        tpu.wait_indirect_dma semaphore(%run_scoped3A : memref<!tpu.dma_semaphore, #tpu.memory_space<semaphore_mem>>) src(%arg14 : memref<128x64xf32, #tpu.memory_space<vmem>>) dst(%dma_wait3A_206 : memref<10240x64xf32, #tpu.memory_space<vmem_shared>>)
        tpu.yield
      }) : () -> ()
      %add3A_148 = arith.constant 8 : i32
      %add3A_149 = arith.addi %add3A_141, %add3A_148 : i32
      %lt3A_150 = arith.cmpi slt, %add3A_149, %mul3A_15 : i32
      %convert_element_type3A_151 = arith.extui %lt3A_150 : i1 to i32
      %cond3A_152 = arith.constant 0 : i32
      %cond3A_153 = arith.cmpi ne, %convert_element_type3A_151, %cond3A_152 : i32
      scf.if %cond3A_153 {
        %add3A_196 = arith.constant 8 : i32
        %add3A_197 = arith.addi %add3A_141, %add3A_196 : i32
        %dma_start3A = arith.constant 0 : i32
        %dma_start3A_198 = tpu.memref_slice %arg8[%add3A_197, %dma_start3A] : memref<80x128xi32, #tpu.memory_space<vmem>> -> memref<1x128xi32, #tpu.memory_space<vmem>>
        %dma_start3A_199 = tpu.memref_squeeze %dma_start3A_198 : memref<1x128xi32, #tpu.memory_space<vmem>> -> memref<128xi32, #tpu.memory_space<vmem>>
        %dma_start3A_200 = arith.constant 0 : i32
        %dma_start3A_201 = arith.constant 0 : i32
        %dma_start3A_202 = tpu.memref_slice %arg2[%dma_start3A_200, %dma_start3A_201] : memref<10000x64xf32, #tpu.memory_space<hbm>> -> memref<10000x64xf32, #tpu.memory_space<hbm>>
        tpu.enqueue_indirect_dma source(%dma_start3A_202 : memref<10000x64xf32, #tpu.memory_space<hbm>>) target(%arg14 : memref<128x64xf32, #tpu.memory_space<vmem>>) offsets(%dma_start3A_199 : memref<128xi32, #tpu.memory_space<vmem>>) semaphore(%arg23 : memref<!tpu.dma_semaphore, #tpu.memory_space<semaphore_mem>>)
      } else {
      }
      %add3A_154 = arith.constant 5 : i32
      %add3A_155 = arith.addi %mul3A_85, %add3A_154 : i32
      %dma_wait3A_156 = arith.constant 0 : i32
      %dma_wait3A_157 = tpu.memref_slice %arg8[%add3A_155, %dma_wait3A_156] : memref<80x128xi32, #tpu.memory_space<vmem>> -> memref<1x128xi32, #tpu.memory_space<vmem>>
      %dma_wait3A_158 = tpu.memref_squeeze %dma_wait3A_157 : memref<1x128xi32, #tpu.memory_space<vmem>> -> memref<128xi32, #tpu.memory_space<vmem>>
      %dma_wait3A_159 = arith.constant 0 : i32
      %dma_wait3A_160 = arith.constant 0 : i32
      %dma_wait3A_161 = tpu.memref_slice %arg2[%dma_wait3A_159, %dma_wait3A_160] : memref<10000x64xf32, #tpu.memory_space<hbm>> -> memref<10000x64xf32, #tpu.memory_space<hbm>>
      tpu.wait_indirect_dma semaphore(%arg24 : memref<!tpu.dma_semaphore, #tpu.memory_space<semaphore_mem>>) src(%dma_wait3A_161 : memref<10000x64xf32, #tpu.memory_space<hbm>>) dst(%arg15 : memref<128x64xf32, #tpu.memory_space<vmem>>)
      "tpu.region"() ({
        %run_scoped3A = tpu.sem_alloc : memref<!tpu.dma_semaphore, #tpu.memory_space<semaphore_mem>>
        %dma_start3A = arith.constant 0 : i32
        %dma_start3A_196 = tpu.memref_slice %arg9[%add3A_155, %dma_start3A] : memref<80x128xi32, #tpu.memory_space<vmem>> -> memref<1x128xi32, #tpu.memory_space<vmem>>
        %dma_start3A_197 = tpu.memref_squeeze %dma_start3A_196 : memref<1x128xi32, #tpu.memory_space<vmem>> -> memref<128xi32, #tpu.memory_space<vmem>>
        %dma_start3A_198 = arith.constant 0 : i32
        %dma_start3A_199 = arith.constant 0 : i32
        %dma_start3A_200 = tpu.memref_slice %arg18[%dma_start3A_198, %dma_start3A_199] : memref<10240x64xf32, #tpu.memory_space<vmem_shared>> -> memref<10240x64xf32, #tpu.memory_space<vmem_shared>>
        tpu.enqueue_indirect_dma source(%arg15 : memref<128x64xf32, #tpu.memory_space<vmem>>) target(%dma_start3A_200 : memref<10240x64xf32, #tpu.memory_space<vmem_shared>>) offsets(%dma_start3A_197 : memref<128xi32, #tpu.memory_space<vmem>>) semaphore(%run_scoped3A : memref<!tpu.dma_semaphore, #tpu.memory_space<semaphore_mem>>) {add = true}
        %dma_wait3A_201 = arith.constant 0 : i32
        %dma_wait3A_202 = tpu.memref_slice %arg9[%add3A_155, %dma_wait3A_201] : memref<80x128xi32, #tpu.memory_space<vmem>> -> memref<1x128xi32, #tpu.memory_space<vmem>>
        %dma_wait3A_203 = tpu.memref_squeeze %dma_wait3A_202 : memref<1x128xi32, #tpu.memory_space<vmem>> -> memref<128xi32, #tpu.memory_space<vmem>>
        %dma_wait3A_204 = arith.constant 0 : i32
        %dma_wait3A_205 = arith.constant 0 : i32
        %dma_wait3A_206 = tpu.memref_slice %arg18[%dma_wait3A_204, %dma_wait3A_205] : memref<10240x64xf32, #tpu.memory_space<vmem_shared>> -> memref<10240x64xf32, #tpu.memory_space<vmem_shared>>
        tpu.wait_indirect_dma semaphore(%run_scoped3A : memref<!tpu.dma_semaphore, #tpu.memory_space<semaphore_mem>>) src(%arg15 : memref<128x64xf32, #tpu.memory_space<vmem>>) dst(%dma_wait3A_206 : memref<10240x64xf32, #tpu.memory_space<vmem_shared>>)
        tpu.yield
      }) : () -> ()
      %add3A_162 = arith.constant 8 : i32
      %add3A_163 = arith.addi %add3A_155, %add3A_162 : i32
      %lt3A_164 = arith.cmpi slt, %add3A_163, %mul3A_15 : i32
      %convert_element_type3A_165 = arith.extui %lt3A_164 : i1 to i32
      %cond3A_166 = arith.constant 0 : i32
      %cond3A_167 = arith.cmpi ne, %convert_element_type3A_165, %cond3A_166 : i32
      scf.if %cond3A_167 {
        %add3A_196 = arith.constant 8 : i32
        %add3A_197 = arith.addi %add3A_155, %add3A_196 : i32
        %dma_start3A = arith.constant 0 : i32
        %dma_start3A_198 = tpu.memref_slice %arg8[%add3A_197, %dma_start3A] : memref<80x128xi32, #tpu.memory_space<vmem>> -> memref<1x128xi32, #tpu.memory_space<vmem>>
        %dma_start3A_199 = tpu.memref_squeeze %dma_start3A_198 : memref<1x128xi32, #tpu.memory_space<vmem>> -> memref<128xi32, #tpu.memory_space<vmem>>
        %dma_start3A_200 = arith.constant 0 : i32
        %dma_start3A_201 = arith.constant 0 : i32
        %dma_start3A_202 = tpu.memref_slice %arg2[%dma_start3A_200, %dma_start3A_201] : memref<10000x64xf32, #tpu.memory_space<hbm>> -> memref<10000x64xf32, #tpu.memory_space<hbm>>
        tpu.enqueue_indirect_dma source(%dma_start3A_202 : memref<10000x64xf32, #tpu.memory_space<hbm>>) target(%arg15 : memref<128x64xf32, #tpu.memory_space<vmem>>) offsets(%dma_start3A_199 : memref<128xi32, #tpu.memory_space<vmem>>) semaphore(%arg24 : memref<!tpu.dma_semaphore, #tpu.memory_space<semaphore_mem>>)
      } else {
      }
      %add3A_168 = arith.constant 6 : i32
      %add3A_169 = arith.addi %mul3A_85, %add3A_168 : i32
      %dma_wait3A_170 = arith.constant 0 : i32
      %dma_wait3A_171 = tpu.memref_slice %arg8[%add3A_169, %dma_wait3A_170] : memref<80x128xi32, #tpu.memory_space<vmem>> -> memref<1x128xi32, #tpu.memory_space<vmem>>
      %dma_wait3A_172 = tpu.memref_squeeze %dma_wait3A_171 : memref<1x128xi32, #tpu.memory_space<vmem>> -> memref<128xi32, #tpu.memory_space<vmem>>
      %dma_wait3A_173 = arith.constant 0 : i32
      %dma_wait3A_174 = arith.constant 0 : i32
      %dma_wait3A_175 = tpu.memref_slice %arg2[%dma_wait3A_173, %dma_wait3A_174] : memref<10000x64xf32, #tpu.memory_space<hbm>> -> memref<10000x64xf32, #tpu.memory_space<hbm>>
      tpu.wait_indirect_dma semaphore(%arg25 : memref<!tpu.dma_semaphore, #tpu.memory_space<semaphore_mem>>) src(%dma_wait3A_175 : memref<10000x64xf32, #tpu.memory_space<hbm>>) dst(%arg16 : memref<128x64xf32, #tpu.memory_space<vmem>>)
      "tpu.region"() ({
        %run_scoped3A = tpu.sem_alloc : memref<!tpu.dma_semaphore, #tpu.memory_space<semaphore_mem>>
        %dma_start3A = arith.constant 0 : i32
        %dma_start3A_196 = tpu.memref_slice %arg9[%add3A_169, %dma_start3A] : memref<80x128xi32, #tpu.memory_space<vmem>> -> memref<1x128xi32, #tpu.memory_space<vmem>>
        %dma_start3A_197 = tpu.memref_squeeze %dma_start3A_196 : memref<1x128xi32, #tpu.memory_space<vmem>> -> memref<128xi32, #tpu.memory_space<vmem>>
        %dma_start3A_198 = arith.constant 0 : i32
        %dma_start3A_199 = arith.constant 0 : i32
        %dma_start3A_200 = tpu.memref_slice %arg18[%dma_start3A_198, %dma_start3A_199] : memref<10240x64xf32, #tpu.memory_space<vmem_shared>> -> memref<10240x64xf32, #tpu.memory_space<vmem_shared>>
        tpu.enqueue_indirect_dma source(%arg16 : memref<128x64xf32, #tpu.memory_space<vmem>>) target(%dma_start3A_200 : memref<10240x64xf32, #tpu.memory_space<vmem_shared>>) offsets(%dma_start3A_197 : memref<128xi32, #tpu.memory_space<vmem>>) semaphore(%run_scoped3A : memref<!tpu.dma_semaphore, #tpu.memory_space<semaphore_mem>>) {add = true}
        %dma_wait3A_201 = arith.constant 0 : i32
        %dma_wait3A_202 = tpu.memref_slice %arg9[%add3A_169, %dma_wait3A_201] : memref<80x128xi32, #tpu.memory_space<vmem>> -> memref<1x128xi32, #tpu.memory_space<vmem>>
        %dma_wait3A_203 = tpu.memref_squeeze %dma_wait3A_202 : memref<1x128xi32, #tpu.memory_space<vmem>> -> memref<128xi32, #tpu.memory_space<vmem>>
        %dma_wait3A_204 = arith.constant 0 : i32
        %dma_wait3A_205 = arith.constant 0 : i32
        %dma_wait3A_206 = tpu.memref_slice %arg18[%dma_wait3A_204, %dma_wait3A_205] : memref<10240x64xf32, #tpu.memory_space<vmem_shared>> -> memref<10240x64xf32, #tpu.memory_space<vmem_shared>>
        tpu.wait_indirect_dma semaphore(%run_scoped3A : memref<!tpu.dma_semaphore, #tpu.memory_space<semaphore_mem>>) src(%arg16 : memref<128x64xf32, #tpu.memory_space<vmem>>) dst(%dma_wait3A_206 : memref<10240x64xf32, #tpu.memory_space<vmem_shared>>)
        tpu.yield
      }) : () -> ()
      %add3A_176 = arith.constant 8 : i32
      %add3A_177 = arith.addi %add3A_169, %add3A_176 : i32
      %lt3A_178 = arith.cmpi slt, %add3A_177, %mul3A_15 : i32
      %convert_element_type3A_179 = arith.extui %lt3A_178 : i1 to i32
      %cond3A_180 = arith.constant 0 : i32
      %cond3A_181 = arith.cmpi ne, %convert_element_type3A_179, %cond3A_180 : i32
      scf.if %cond3A_181 {
        %add3A_196 = arith.constant 8 : i32
        %add3A_197 = arith.addi %add3A_169, %add3A_196 : i32
        %dma_start3A = arith.constant 0 : i32
        %dma_start3A_198 = tpu.memref_slice %arg8[%add3A_197, %dma_start3A] : memref<80x128xi32, #tpu.memory_space<vmem>> -> memref<1x128xi32, #tpu.memory_space<vmem>>
        %dma_start3A_199 = tpu.memref_squeeze %dma_start3A_198 : memref<1x128xi32, #tpu.memory_space<vmem>> -> memref<128xi32, #tpu.memory_space<vmem>>
        %dma_start3A_200 = arith.constant 0 : i32
        %dma_start3A_201 = arith.constant 0 : i32
        %dma_start3A_202 = tpu.memref_slice %arg2[%dma_start3A_200, %dma_start3A_201] : memref<10000x64xf32, #tpu.memory_space<hbm>> -> memref<10000x64xf32, #tpu.memory_space<hbm>>
        tpu.enqueue_indirect_dma source(%dma_start3A_202 : memref<10000x64xf32, #tpu.memory_space<hbm>>) target(%arg16 : memref<128x64xf32, #tpu.memory_space<vmem>>) offsets(%dma_start3A_199 : memref<128xi32, #tpu.memory_space<vmem>>) semaphore(%arg25 : memref<!tpu.dma_semaphore, #tpu.memory_space<semaphore_mem>>)
      } else {
      }
      %add3A_182 = arith.constant 7 : i32
      %add3A_183 = arith.addi %mul3A_85, %add3A_182 : i32
      %dma_wait3A_184 = arith.constant 0 : i32
      %dma_wait3A_185 = tpu.memref_slice %arg8[%add3A_183, %dma_wait3A_184] : memref<80x128xi32, #tpu.memory_space<vmem>> -> memref<1x128xi32, #tpu.memory_space<vmem>>
      %dma_wait3A_186 = tpu.memref_squeeze %dma_wait3A_185 : memref<1x128xi32, #tpu.memory_space<vmem>> -> memref<128xi32, #tpu.memory_space<vmem>>
      %dma_wait3A_187 = arith.constant 0 : i32
      %dma_wait3A_188 = arith.constant 0 : i32
      %dma_wait3A_189 = tpu.memref_slice %arg2[%dma_wait3A_187, %dma_wait3A_188] : memref<10000x64xf32, #tpu.memory_space<hbm>> -> memref<10000x64xf32, #tpu.memory_space<hbm>>
      tpu.wait_indirect_dma semaphore(%arg26 : memref<!tpu.dma_semaphore, #tpu.memory_space<semaphore_mem>>) src(%dma_wait3A_189 : memref<10000x64xf32, #tpu.memory_space<hbm>>) dst(%arg17 : memref<128x64xf32, #tpu.memory_space<vmem>>)
      "tpu.region"() ({
        %run_scoped3A = tpu.sem_alloc : memref<!tpu.dma_semaphore, #tpu.memory_space<semaphore_mem>>
        %dma_start3A = arith.constant 0 : i32
        %dma_start3A_196 = tpu.memref_slice %arg9[%add3A_183, %dma_start3A] : memref<80x128xi32, #tpu.memory_space<vmem>> -> memref<1x128xi32, #tpu.memory_space<vmem>>
        %dma_start3A_197 = tpu.memref_squeeze %dma_start3A_196 : memref<1x128xi32, #tpu.memory_space<vmem>> -> memref<128xi32, #tpu.memory_space<vmem>>
        %dma_start3A_198 = arith.constant 0 : i32
        %dma_start3A_199 = arith.constant 0 : i32
        %dma_start3A_200 = tpu.memref_slice %arg18[%dma_start3A_198, %dma_start3A_199] : memref<10240x64xf32, #tpu.memory_space<vmem_shared>> -> memref<10240x64xf32, #tpu.memory_space<vmem_shared>>
        tpu.enqueue_indirect_dma source(%arg17 : memref<128x64xf32, #tpu.memory_space<vmem>>) target(%dma_start3A_200 : memref<10240x64xf32, #tpu.memory_space<vmem_shared>>) offsets(%dma_start3A_197 : memref<128xi32, #tpu.memory_space<vmem>>) semaphore(%run_scoped3A : memref<!tpu.dma_semaphore, #tpu.memory_space<semaphore_mem>>) {add = true}
        %dma_wait3A_201 = arith.constant 0 : i32
        %dma_wait3A_202 = tpu.memref_slice %arg9[%add3A_183, %dma_wait3A_201] : memref<80x128xi32, #tpu.memory_space<vmem>> -> memref<1x128xi32, #tpu.memory_space<vmem>>
        %dma_wait3A_203 = tpu.memref_squeeze %dma_wait3A_202 : memref<1x128xi32, #tpu.memory_space<vmem>> -> memref<128xi32, #tpu.memory_space<vmem>>
        %dma_wait3A_204 = arith.constant 0 : i32
        %dma_wait3A_205 = arith.constant 0 : i32
        %dma_wait3A_206 = tpu.memref_slice %arg18[%dma_wait3A_204, %dma_wait3A_205] : memref<10240x64xf32, #tpu.memory_space<vmem_shared>> -> memref<10240x64xf32, #tpu.memory_space<vmem_shared>>
        tpu.wait_indirect_dma semaphore(%run_scoped3A : memref<!tpu.dma_semaphore, #tpu.memory_space<semaphore_mem>>) src(%arg17 : memref<128x64xf32, #tpu.memory_space<vmem>>) dst(%dma_wait3A_206 : memref<10240x64xf32, #tpu.memory_space<vmem_shared>>)
        tpu.yield
      }) : () -> ()
      %add3A_190 = arith.constant 8 : i32
      %add3A_191 = arith.addi %add3A_183, %add3A_190 : i32
      %lt3A_192 = arith.cmpi slt, %add3A_191, %mul3A_15 : i32
      %convert_element_type3A_193 = arith.extui %lt3A_192 : i1 to i32
      %cond3A_194 = arith.constant 0 : i32
      %cond3A_195 = arith.cmpi ne, %convert_element_type3A_193, %cond3A_194 : i32
      scf.if %cond3A_195 {
        %add3A_196 = arith.constant 8 : i32
        %add3A_197 = arith.addi %add3A_183, %add3A_196 : i32
        %dma_start3A = arith.constant 0 : i32
        %dma_start3A_198 = tpu.memref_slice %arg8[%add3A_197, %dma_start3A] : memref<80x128xi32, #tpu.memory_space<vmem>> -> memref<1x128xi32, #tpu.memory_space<vmem>>
        %dma_start3A_199 = tpu.memref_squeeze %dma_start3A_198 : memref<1x128xi32, #tpu.memory_space<vmem>> -> memref<128xi32, #tpu.memory_space<vmem>>
        %dma_start3A_200 = arith.constant 0 : i32
        %dma_start3A_201 = arith.constant 0 : i32
        %dma_start3A_202 = tpu.memref_slice %arg2[%dma_start3A_200, %dma_start3A_201] : memref<10000x64xf32, #tpu.memory_space<hbm>> -> memref<10000x64xf32, #tpu.memory_space<hbm>>
        tpu.enqueue_indirect_dma source(%dma_start3A_202 : memref<10000x64xf32, #tpu.memory_space<hbm>>) target(%arg17 : memref<128x64xf32, #tpu.memory_space<vmem>>) offsets(%dma_start3A_199 : memref<128xi32, #tpu.memory_space<vmem>>) semaphore(%arg26 : memref<!tpu.dma_semaphore, #tpu.memory_space<semaphore_mem>>)
      } else {
      }
    }
    %while3A_38 = arith.constant 1 : i32
    scf.for %while3A_83 = %while3A_36 to %while3A_32 step %while3A_38  : i32 {
      %mul3A_84 = arith.constant 8 : i32
      %mul3A_85 = arith.muli %while3A_83, %mul3A_84 : i32
      %add3A_86 = arith.constant 0 : i32
      %add3A_87 = arith.addi %mul3A_85, %add3A_86 : i32
      %dma_wait3A = arith.constant 0 : i32
      %dma_wait3A_88 = tpu.memref_slice %arg8[%add3A_87, %dma_wait3A] : memref<80x128xi32, #tpu.memory_space<vmem>> -> memref<1x128xi32, #tpu.memory_space<vmem>>
      %dma_wait3A_89 = tpu.memref_squeeze %dma_wait3A_88 : memref<1x128xi32, #tpu.memory_space<vmem>> -> memref<128xi32, #tpu.memory_space<vmem>>
      %dma_wait3A_90 = arith.constant 0 : i32
      %dma_wait3A_91 = arith.constant 0 : i32
      %dma_wait3A_92 = tpu.memref_slice %arg2[%dma_wait3A_90, %dma_wait3A_91] : memref<10000x64xf32, #tpu.memory_space<hbm>> -> memref<10000x64xf32, #tpu.memory_space<hbm>>
      tpu.wait_indirect_dma semaphore(%arg19 : memref<!tpu.dma_semaphore, #tpu.memory_space<semaphore_mem>>) src(%dma_wait3A_92 : memref<10000x64xf32, #tpu.memory_space<hbm>>) dst(%arg10 : memref<128x64xf32, #tpu.memory_space<vmem>>)
      "tpu.region"() ({
        %run_scoped3A = tpu.sem_alloc : memref<!tpu.dma_semaphore, #tpu.memory_space<semaphore_mem>>
        %dma_start3A = arith.constant 0 : i32
        %dma_start3A_196 = tpu.memref_slice %arg9[%add3A_87, %dma_start3A] : memref<80x128xi32, #tpu.memory_space<vmem>> -> memref<1x128xi32, #tpu.memory_space<vmem>>
        %dma_start3A_197 = tpu.memref_squeeze %dma_start3A_196 : memref<1x128xi32, #tpu.memory_space<vmem>> -> memref<128xi32, #tpu.memory_space<vmem>>
        %dma_start3A_198 = arith.constant 0 : i32
        %dma_start3A_199 = arith.constant 0 : i32
        %dma_start3A_200 = tpu.memref_slice %arg18[%dma_start3A_198, %dma_start3A_199] : memref<10240x64xf32, #tpu.memory_space<vmem_shared>> -> memref<10240x64xf32, #tpu.memory_space<vmem_shared>>
        tpu.enqueue_indirect_dma source(%arg10 : memref<128x64xf32, #tpu.memory_space<vmem>>) target(%dma_start3A_200 : memref<10240x64xf32, #tpu.memory_space<vmem_shared>>) offsets(%dma_start3A_197 : memref<128xi32, #tpu.memory_space<vmem>>) semaphore(%run_scoped3A : memref<!tpu.dma_semaphore, #tpu.memory_space<semaphore_mem>>) {add = true}
        %dma_wait3A_201 = arith.constant 0 : i32
        %dma_wait3A_202 = tpu.memref_slice %arg9[%add3A_87, %dma_wait3A_201] : memref<80x128xi32, #tpu.memory_space<vmem>> -> memref<1x128xi32, #tpu.memory_space<vmem>>
        %dma_wait3A_203 = tpu.memref_squeeze %dma_wait3A_202 : memref<1x128xi32, #tpu.memory_space<vmem>> -> memref<128xi32, #tpu.memory_space<vmem>>
        %dma_wait3A_204 = arith.constant 0 : i32
        %dma_wait3A_205 = arith.constant 0 : i32
        %dma_wait3A_206 = tpu.memref_slice %arg18[%dma_wait3A_204, %dma_wait3A_205] : memref<10240x64xf32, #tpu.memory_space<vmem_shared>> -> memref<10240x64xf32, #tpu.memory_space<vmem_shared>>
        tpu.wait_indirect_dma semaphore(%run_scoped3A : memref<!tpu.dma_semaphore, #tpu.memory_space<semaphore_mem>>) src(%arg10 : memref<128x64xf32, #tpu.memory_space<vmem>>) dst(%dma_wait3A_206 : memref<10240x64xf32, #tpu.memory_space<vmem_shared>>)
        tpu.yield
      }) : () -> ()
      %add3A_93 = arith.constant 8 : i32
      %add3A_94 = arith.addi %add3A_87, %add3A_93 : i32
      %lt3A = arith.cmpi slt, %add3A_94, %mul3A_15 : i32
      %convert_element_type3A_95 = arith.extui %lt3A : i1 to i32
      %cond3A_96 = arith.constant 0 : i32
      %cond3A_97 = arith.cmpi ne, %convert_element_type3A_95, %cond3A_96 : i32
      scf.if %cond3A_97 {
        %add3A_196 = arith.constant 8 : i32
        %add3A_197 = arith.addi %add3A_87, %add3A_196 : i32
        %dma_start3A = arith.constant 0 : i32
        %dma_start3A_198 = tpu.memref_slice %arg8[%add3A_197, %dma_start3A] : memref<80x128xi32, #tpu.memory_space<vmem>> -> memref<1x128xi32, #tpu.memory_space<vmem>>
        %dma_start3A_199 = tpu.memref_squeeze %dma_start3A_198 : memref<1x128xi32, #tpu.memory_space<vmem>> -> memref<128xi32, #tpu.memory_space<vmem>>
        %dma_start3A_200 = arith.constant 0 : i32
        %dma_start3A_201 = arith.constant 0 : i32
        %dma_start3A_202 = tpu.memref_slice %arg2[%dma_start3A_200, %dma_start3A_201] : memref<10000x64xf32, #tpu.memory_space<hbm>> -> memref<10000x64xf32, #tpu.memory_space<hbm>>
        tpu.enqueue_indirect_dma source(%dma_start3A_202 : memref<10000x64xf32, #tpu.memory_space<hbm>>) target(%arg10 : memref<128x64xf32, #tpu.memory_space<vmem>>) offsets(%dma_start3A_199 : memref<128xi32, #tpu.memory_space<vmem>>) semaphore(%arg19 : memref<!tpu.dma_semaphore, #tpu.memory_space<semaphore_mem>>)
      } else {
      }
      %add3A_98 = arith.constant 1 : i32
      %add3A_99 = arith.addi %mul3A_85, %add3A_98 : i32
      %dma_wait3A_100 = arith.constant 0 : i32
      %dma_wait3A_101 = tpu.memref_slice %arg8[%add3A_99, %dma_wait3A_100] : memref<80x128xi32, #tpu.memory_space<vmem>> -> memref<1x128xi32, #tpu.memory_space<vmem>>
      %dma_wait3A_102 = tpu.memref_squeeze %dma_wait3A_101 : memref<1x128xi32, #tpu.memory_space<vmem>> -> memref<128xi32, #tpu.memory_space<vmem>>
      %dma_wait3A_103 = arith.constant 0 : i32
      %dma_wait3A_104 = arith.constant 0 : i32
      %dma_wait3A_105 = tpu.memref_slice %arg2[%dma_wait3A_103, %dma_wait3A_104] : memref<10000x64xf32, #tpu.memory_space<hbm>> -> memref<10000x64xf32, #tpu.memory_space<hbm>>
      tpu.wait_indirect_dma semaphore(%arg20 : memref<!tpu.dma_semaphore, #tpu.memory_space<semaphore_mem>>) src(%dma_wait3A_105 : memref<10000x64xf32, #tpu.memory_space<hbm>>) dst(%arg11 : memref<128x64xf32, #tpu.memory_space<vmem>>)
      "tpu.region"() ({
        %run_scoped3A = tpu.sem_alloc : memref<!tpu.dma_semaphore, #tpu.memory_space<semaphore_mem>>
        %dma_start3A = arith.constant 0 : i32
        %dma_start3A_196 = tpu.memref_slice %arg9[%add3A_99, %dma_start3A] : memref<80x128xi32, #tpu.memory_space<vmem>> -> memref<1x128xi32, #tpu.memory_space<vmem>>
        %dma_start3A_197 = tpu.memref_squeeze %dma_start3A_196 : memref<1x128xi32, #tpu.memory_space<vmem>> -> memref<128xi32, #tpu.memory_space<vmem>>
        %dma_start3A_198 = arith.constant 0 : i32
        %dma_start3A_199 = arith.constant 0 : i32
        %dma_start3A_200 = tpu.memref_slice %arg18[%dma_start3A_198, %dma_start3A_199] : memref<10240x64xf32, #tpu.memory_space<vmem_shared>> -> memref<10240x64xf32, #tpu.memory_space<vmem_shared>>
        tpu.enqueue_indirect_dma source(%arg11 : memref<128x64xf32, #tpu.memory_space<vmem>>) target(%dma_start3A_200 : memref<10240x64xf32, #tpu.memory_space<vmem_shared>>) offsets(%dma_start3A_197 : memref<128xi32, #tpu.memory_space<vmem>>) semaphore(%run_scoped3A : memref<!tpu.dma_semaphore, #tpu.memory_space<semaphore_mem>>) {add = true}
        %dma_wait3A_201 = arith.constant 0 : i32
        %dma_wait3A_202 = tpu.memref_slice %arg9[%add3A_99, %dma_wait3A_201] : memref<80x128xi32, #tpu.memory_space<vmem>> -> memref<1x128xi32, #tpu.memory_space<vmem>>
        %dma_wait3A_203 = tpu.memref_squeeze %dma_wait3A_202 : memref<1x128xi32, #tpu.memory_space<vmem>> -> memref<128xi32, #tpu.memory_space<vmem>>
        %dma_wait3A_204 = arith.constant 0 : i32
        %dma_wait3A_205 = arith.constant 0 : i32
        %dma_wait3A_206 = tpu.memref_slice %arg18[%dma_wait3A_204, %dma_wait3A_205] : memref<10240x64xf32, #tpu.memory_space<vmem_shared>> -> memref<10240x64xf32, #tpu.memory_space<vmem_shared>>
        tpu.wait_indirect_dma semaphore(%run_scoped3A : memref<!tpu.dma_semaphore, #tpu.memory_space<semaphore_mem>>) src(%arg11 : memref<128x64xf32, #tpu.memory_space<vmem>>) dst(%dma_wait3A_206 : memref<10240x64xf32, #tpu.memory_space<vmem_shared>>)
        tpu.yield
      }) : () -> ()
      %add3A_106 = arith.constant 8 : i32
      %add3A_107 = arith.addi %add3A_99, %add3A_106 : i32
      %lt3A_108 = arith.cmpi slt, %add3A_107, %mul3A_15 : i32
      %convert_element_type3A_109 = arith.extui %lt3A_108 : i1 to i32
      %cond3A_110 = arith.constant 0 : i32
      %cond3A_111 = arith.cmpi ne, %convert_element_type3A_109, %cond3A_110 : i32
      scf.if %cond3A_111 {
        %add3A_196 = arith.constant 8 : i32
        %add3A_197 = arith.addi %add3A_99, %add3A_196 : i32
        %dma_start3A = arith.constant 0 : i32
        %dma_start3A_198 = tpu.memref_slice %arg8[%add3A_197, %dma_start3A] : memref<80x128xi32, #tpu.memory_space<vmem>> -> memref<1x128xi32, #tpu.memory_space<vmem>>
        %dma_start3A_199 = tpu.memref_squeeze %dma_start3A_198 : memref<1x128xi32, #tpu.memory_space<vmem>> -> memref<128xi32, #tpu.memory_space<vmem>>
        %dma_start3A_200 = arith.constant 0 : i32
        %dma_start3A_201 = arith.constant 0 : i32
        %dma_start3A_202 = tpu.memref_slice %arg2[%dma_start3A_200, %dma_start3A_201] : memref<10000x64xf32, #tpu.memory_space<hbm>> -> memref<10000x64xf32, #tpu.memory_space<hbm>>
        tpu.enqueue_indirect_dma source(%dma_start3A_202 : memref<10000x64xf32, #tpu.memory_space<hbm>>) target(%arg11 : memref<128x64xf32, #tpu.memory_space<vmem>>) offsets(%dma_start3A_199 : memref<128xi32, #tpu.memory_space<vmem>>) semaphore(%arg20 : memref<!tpu.dma_semaphore, #tpu.memory_space<semaphore_mem>>)
      } else {
      }
      %add3A_112 = arith.constant 2 : i32
      %add3A_113 = arith.addi %mul3A_85, %add3A_112 : i32
      %dma_wait3A_114 = arith.constant 0 : i32
      %dma_wait3A_115 = tpu.memref_slice %arg8[%add3A_113, %dma_wait3A_114] : memref<80x128xi32, #tpu.memory_space<vmem>> -> memref<1x128xi32, #tpu.memory_space<vmem>>
      %dma_wait3A_116 = tpu.memref_squeeze %dma_wait3A_115 : memref<1x128xi32, #tpu.memory_space<vmem>> -> memref<128xi32, #tpu.memory_space<vmem>>
      %dma_wait3A_117 = arith.constant 0 : i32
      %dma_wait3A_118 = arith.constant 0 : i32
      %dma_wait3A_119 = tpu.memref_slice %arg2[%dma_wait3A_117, %dma_wait3A_118] : memref<10000x64xf32, #tpu.memory_space<hbm>> -> memref<10000x64xf32, #tpu.memory_space<hbm>>
      tpu.wait_indirect_dma semaphore(%arg21 : memref<!tpu.dma_semaphore, #tpu.memory_space<semaphore_mem>>) src(%dma_wait3A_119 : memref<10000x64xf32, #tpu.memory_space<hbm>>) dst(%arg12 : memref<128x64xf32, #tpu.memory_space<vmem>>)
      "tpu.region"() ({
        %run_scoped3A = tpu.sem_alloc : memref<!tpu.dma_semaphore, #tpu.memory_space<semaphore_mem>>
        %dma_start3A = arith.constant 0 : i32
        %dma_start3A_196 = tpu.memref_slice %arg9[%add3A_113, %dma_start3A] : memref<80x128xi32, #tpu.memory_space<vmem>> -> memref<1x128xi32, #tpu.memory_space<vmem>>
        %dma_start3A_197 = tpu.memref_squeeze %dma_start3A_196 : memref<1x128xi32, #tpu.memory_space<vmem>> -> memref<128xi32, #tpu.memory_space<vmem>>
        %dma_start3A_198 = arith.constant 0 : i32
        %dma_start3A_199 = arith.constant 0 : i32
        %dma_start3A_200 = tpu.memref_slice %arg18[%dma_start3A_198, %dma_start3A_199] : memref<10240x64xf32, #tpu.memory_space<vmem_shared>> -> memref<10240x64xf32, #tpu.memory_space<vmem_shared>>
        tpu.enqueue_indirect_dma source(%arg12 : memref<128x64xf32, #tpu.memory_space<vmem>>) target(%dma_start3A_200 : memref<10240x64xf32, #tpu.memory_space<vmem_shared>>) offsets(%dma_start3A_197 : memref<128xi32, #tpu.memory_space<vmem>>) semaphore(%run_scoped3A : memref<!tpu.dma_semaphore, #tpu.memory_space<semaphore_mem>>) {add = true}
        %dma_wait3A_201 = arith.constant 0 : i32
        %dma_wait3A_202 = tpu.memref_slice %arg9[%add3A_113, %dma_wait3A_201] : memref<80x128xi32, #tpu.memory_space<vmem>> -> memref<1x128xi32, #tpu.memory_space<vmem>>
        %dma_wait3A_203 = tpu.memref_squeeze %dma_wait3A_202 : memref<1x128xi32, #tpu.memory_space<vmem>> -> memref<128xi32, #tpu.memory_space<vmem>>
        %dma_wait3A_204 = arith.constant 0 : i32
        %dma_wait3A_205 = arith.constant 0 : i32
        %dma_wait3A_206 = tpu.memref_slice %arg18[%dma_wait3A_204, %dma_wait3A_205] : memref<10240x64xf32, #tpu.memory_space<vmem_shared>> -> memref<10240x64xf32, #tpu.memory_space<vmem_shared>>
        tpu.wait_indirect_dma semaphore(%run_scoped3A : memref<!tpu.dma_semaphore, #tpu.memory_space<semaphore_mem>>) src(%arg12 : memref<128x64xf32, #tpu.memory_space<vmem>>) dst(%dma_wait3A_206 : memref<10240x64xf32, #tpu.memory_space<vmem_shared>>)
        tpu.yield
      }) : () -> ()
      %add3A_120 = arith.constant 8 : i32
      %add3A_121 = arith.addi %add3A_113, %add3A_120 : i32
      %lt3A_122 = arith.cmpi slt, %add3A_121, %mul3A_15 : i32
      %convert_element_type3A_123 = arith.extui %lt3A_122 : i1 to i32
      %cond3A_124 = arith.constant 0 : i32
      %cond3A_125 = arith.cmpi ne, %convert_element_type3A_123, %cond3A_124 : i32
      scf.if %cond3A_125 {
        %add3A_196 = arith.constant 8 : i32
        %add3A_197 = arith.addi %add3A_113, %add3A_196 : i32
        %dma_start3A = arith.constant 0 : i32
        %dma_start3A_198 = tpu.memref_slice %arg8[%add3A_197, %dma_start3A] : memref<80x128xi32, #tpu.memory_space<vmem>> -> memref<1x128xi32, #tpu.memory_space<vmem>>
        %dma_start3A_199 = tpu.memref_squeeze %dma_start3A_198 : memref<1x128xi32, #tpu.memory_space<vmem>> -> memref<128xi32, #tpu.memory_space<vmem>>
        %dma_start3A_200 = arith.constant 0 : i32
        %dma_start3A_201 = arith.constant 0 : i32
        %dma_start3A_202 = tpu.memref_slice %arg2[%dma_start3A_200, %dma_start3A_201] : memref<10000x64xf32, #tpu.memory_space<hbm>> -> memref<10000x64xf32, #tpu.memory_space<hbm>>
        tpu.enqueue_indirect_dma source(%dma_start3A_202 : memref<10000x64xf32, #tpu.memory_space<hbm>>) target(%arg12 : memref<128x64xf32, #tpu.memory_space<vmem>>) offsets(%dma_start3A_199 : memref<128xi32, #tpu.memory_space<vmem>>) semaphore(%arg21 : memref<!tpu.dma_semaphore, #tpu.memory_space<semaphore_mem>>)
      } else {
      }
      %add3A_126 = arith.constant 3 : i32
      %add3A_127 = arith.addi %mul3A_85, %add3A_126 : i32
      %dma_wait3A_128 = arith.constant 0 : i32
      %dma_wait3A_129 = tpu.memref_slice %arg8[%add3A_127, %dma_wait3A_128] : memref<80x128xi32, #tpu.memory_space<vmem>> -> memref<1x128xi32, #tpu.memory_space<vmem>>
      %dma_wait3A_130 = tpu.memref_squeeze %dma_wait3A_129 : memref<1x128xi32, #tpu.memory_space<vmem>> -> memref<128xi32, #tpu.memory_space<vmem>>
      %dma_wait3A_131 = arith.constant 0 : i32
      %dma_wait3A_132 = arith.constant 0 : i32
      %dma_wait3A_133 = tpu.memref_slice %arg2[%dma_wait3A_131, %dma_wait3A_132] : memref<10000x64xf32, #tpu.memory_space<hbm>> -> memref<10000x64xf32, #tpu.memory_space<hbm>>
      tpu.wait_indirect_dma semaphore(%arg22 : memref<!tpu.dma_semaphore, #tpu.memory_space<semaphore_mem>>) src(%dma_wait3A_133 : memref<10000x64xf32, #tpu.memory_space<hbm>>) dst(%arg13 : memref<128x64xf32, #tpu.memory_space<vmem>>)
      "tpu.region"() ({
        %run_scoped3A = tpu.sem_alloc : memref<!tpu.dma_semaphore, #tpu.memory_space<semaphore_mem>>
        %dma_start3A = arith.constant 0 : i32
        %dma_start3A_196 = tpu.memref_slice %arg9[%add3A_127, %dma_start3A] : memref<80x128xi32, #tpu.memory_space<vmem>> -> memref<1x128xi32, #tpu.memory_space<vmem>>
        %dma_start3A_197 = tpu.memref_squeeze %dma_start3A_196 : memref<1x128xi32, #tpu.memory_space<vmem>> -> memref<128xi32, #tpu.memory_space<vmem>>
        %dma_start3A_198 = arith.constant 0 : i32
        %dma_start3A_199 = arith.constant 0 : i32
        %dma_start3A_200 = tpu.memref_slice %arg18[%dma_start3A_198, %dma_start3A_199] : memref<10240x64xf32, #tpu.memory_space<vmem_shared>> -> memref<10240x64xf32, #tpu.memory_space<vmem_shared>>
        tpu.enqueue_indirect_dma source(%arg13 : memref<128x64xf32, #tpu.memory_space<vmem>>) target(%dma_start3A_200 : memref<10240x64xf32, #tpu.memory_space<vmem_shared>>) offsets(%dma_start3A_197 : memref<128xi32, #tpu.memory_space<vmem>>) semaphore(%run_scoped3A : memref<!tpu.dma_semaphore, #tpu.memory_space<semaphore_mem>>) {add = true}
        %dma_wait3A_201 = arith.constant 0 : i32
        %dma_wait3A_202 = tpu.memref_slice %arg9[%add3A_127, %dma_wait3A_201] : memref<80x128xi32, #tpu.memory_space<vmem>> -> memref<1x128xi32, #tpu.memory_space<vmem>>
        %dma_wait3A_203 = tpu.memref_squeeze %dma_wait3A_202 : memref<1x128xi32, #tpu.memory_space<vmem>> -> memref<128xi32, #tpu.memory_space<vmem>>
        %dma_wait3A_204 = arith.constant 0 : i32
        %dma_wait3A_205 = arith.constant 0 : i32
        %dma_wait3A_206 = tpu.memref_slice %arg18[%dma_wait3A_204, %dma_wait3A_205] : memref<10240x64xf32, #tpu.memory_space<vmem_shared>> -> memref<10240x64xf32, #tpu.memory_space<vmem_shared>>
        tpu.wait_indirect_dma semaphore(%run_scoped3A : memref<!tpu.dma_semaphore, #tpu.memory_space<semaphore_mem>>) src(%arg13 : memref<128x64xf32, #tpu.memory_space<vmem>>) dst(%dma_wait3A_206 : memref<10240x64xf32, #tpu.memory_space<vmem_shared>>)
        tpu.yield
      }) : () -> ()
      %add3A_134 = arith.constant 8 : i32
      %add3A_135 = arith.addi %add3A_127, %add3A_134 : i32
      %lt3A_136 = arith.cmpi slt, %add3A_135, %mul3A_15 : i32
      %convert_element_type3A_137 = arith.extui %lt3A_136 : i1 to i32
      %cond3A_138 = arith.constant 0 : i32
      %cond3A_139 = arith.cmpi ne, %convert_element_type3A_137, %cond3A_138 : i32
      scf.if %cond3A_139 {
        %add3A_196 = arith.constant 8 : i32
        %add3A_197 = arith.addi %add3A_127, %add3A_196 : i32
        %dma_start3A = arith.constant 0 : i32
        %dma_start3A_198 = tpu.memref_slice %arg8[%add3A_197, %dma_start3A] : memref<80x128xi32, #tpu.memory_space<vmem>> -> memref<1x128xi32, #tpu.memory_space<vmem>>
        %dma_start3A_199 = tpu.memref_squeeze %dma_start3A_198 : memref<1x128xi32, #tpu.memory_space<vmem>> -> memref<128xi32, #tpu.memory_space<vmem>>
        %dma_start3A_200 = arith.constant 0 : i32
        %dma_start3A_201 = arith.constant 0 : i32
        %dma_start3A_202 = tpu.memref_slice %arg2[%dma_start3A_200, %dma_start3A_201] : memref<10000x64xf32, #tpu.memory_space<hbm>> -> memref<10000x64xf32, #tpu.memory_space<hbm>>
        tpu.enqueue_indirect_dma source(%dma_start3A_202 : memref<10000x64xf32, #tpu.memory_space<hbm>>) target(%arg13 : memref<128x64xf32, #tpu.memory_space<vmem>>) offsets(%dma_start3A_199 : memref<128xi32, #tpu.memory_space<vmem>>) semaphore(%arg22 : memref<!tpu.dma_semaphore, #tpu.memory_space<semaphore_mem>>)
      } else {
      }
      %add3A_140 = arith.constant 4 : i32
      %add3A_141 = arith.addi %mul3A_85, %add3A_140 : i32
      %dma_wait3A_142 = arith.constant 0 : i32
      %dma_wait3A_143 = tpu.memref_slice %arg8[%add3A_141, %dma_wait3A_142] : memref<80x128xi32, #tpu.memory_space<vmem>> -> memref<1x128xi32, #tpu.memory_space<vmem>>
      %dma_wait3A_144 = tpu.memref_squeeze %dma_wait3A_143 : memref<1x128xi32, #tpu.memory_space<vmem>> -> memref<128xi32, #tpu.memory_space<vmem>>
      %dma_wait3A_145 = arith.constant 0 : i32
      %dma_wait3A_146 = arith.constant 0 : i32
      %dma_wait3A_147 = tpu.memref_slice %arg2[%dma_wait3A_145, %dma_wait3A_146] : memref<10000x64xf32, #tpu.memory_space<hbm>> -> memref<10000x64xf32, #tpu.memory_space<hbm>>
      tpu.wait_indirect_dma semaphore(%arg23 : memref<!tpu.dma_semaphore, #tpu.memory_space<semaphore_mem>>) src(%dma_wait3A_147 : memref<10000x64xf32, #tpu.memory_space<hbm>>) dst(%arg14 : memref<128x64xf32, #tpu.memory_space<vmem>>)
      "tpu.region"() ({
        %run_scoped3A = tpu.sem_alloc : memref<!tpu.dma_semaphore, #tpu.memory_space<semaphore_mem>>
        %dma_start3A = arith.constant 0 : i32
        %dma_start3A_196 = tpu.memref_slice %arg9[%add3A_141, %dma_start3A] : memref<80x128xi32, #tpu.memory_space<vmem>> -> memref<1x128xi32, #tpu.memory_space<vmem>>
        %dma_start3A_197 = tpu.memref_squeeze %dma_start3A_196 : memref<1x128xi32, #tpu.memory_space<vmem>> -> memref<128xi32, #tpu.memory_space<vmem>>
        %dma_start3A_198 = arith.constant 0 : i32
        %dma_start3A_199 = arith.constant 0 : i32
        %dma_start3A_200 = tpu.memref_slice %arg18[%dma_start3A_198, %dma_start3A_199] : memref<10240x64xf32, #tpu.memory_space<vmem_shared>> -> memref<10240x64xf32, #tpu.memory_space<vmem_shared>>
        tpu.enqueue_indirect_dma source(%arg14 : memref<128x64xf32, #tpu.memory_space<vmem>>) target(%dma_start3A_200 : memref<10240x64xf32, #tpu.memory_space<vmem_shared>>) offsets(%dma_start3A_197 : memref<128xi32, #tpu.memory_space<vmem>>) semaphore(%run_scoped3A : memref<!tpu.dma_semaphore, #tpu.memory_space<semaphore_mem>>) {add = true}
        %dma_wait3A_201 = arith.constant 0 : i32
        %dma_wait3A_202 = tpu.memref_slice %arg9[%add3A_141, %dma_wait3A_201] : memref<80x128xi32, #tpu.memory_space<vmem>> -> memref<1x128xi32, #tpu.memory_space<vmem>>
        %dma_wait3A_203 = tpu.memref_squeeze %dma_wait3A_202 : memref<1x128xi32, #tpu.memory_space<vmem>> -> memref<128xi32, #tpu.memory_space<vmem>>
        %dma_wait3A_204 = arith.constant 0 : i32
        %dma_wait3A_205 = arith.constant 0 : i32
        %dma_wait3A_206 = tpu.memref_slice %arg18[%dma_wait3A_204, %dma_wait3A_205] : memref<10240x64xf32, #tpu.memory_space<vmem_shared>> -> memref<10240x64xf32, #tpu.memory_space<vmem_shared>>
        tpu.wait_indirect_dma semaphore(%run_scoped3A : memref<!tpu.dma_semaphore, #tpu.memory_space<semaphore_mem>>) src(%arg14 : memref<128x64xf32, #tpu.memory_space<vmem>>) dst(%dma_wait3A_206 : memref<10240x64xf32, #tpu.memory_space<vmem_shared>>)
        tpu.yield
      }) : () -> ()
      %add3A_148 = arith.constant 8 : i32
      %add3A_149 = arith.addi %add3A_141, %add3A_148 : i32
      %lt3A_150 = arith.cmpi slt, %add3A_149, %mul3A_15 : i32
      %convert_element_type3A_151 = arith.extui %lt3A_150 : i1 to i32
      %cond3A_152 = arith.constant 0 : i32
      %cond3A_153 = arith.cmpi ne, %convert_element_type3A_151, %cond3A_152 : i32
      scf.if %cond3A_153 {
        %add3A_196 = arith.constant 8 : i32
        %add3A_197 = arith.addi %add3A_141, %add3A_196 : i32
        %dma_start3A = arith.constant 0 : i32
        %dma_start3A_198 = tpu.memref_slice %arg8[%add3A_197, %dma_start3A] : memref<80x128xi32, #tpu.memory_space<vmem>> -> memref<1x128xi32, #tpu.memory_space<vmem>>
        %dma_start3A_199 = tpu.memref_squeeze %dma_start3A_198 : memref<1x128xi32, #tpu.memory_space<vmem>> -> memref<128xi32, #tpu.memory_space<vmem>>
        %dma_start3A_200 = arith.constant 0 : i32
        %dma_start3A_201 = arith.constant 0 : i32
        %dma_start3A_202 = tpu.memref_slice %arg2[%dma_start3A_200, %dma_start3A_201] : memref<10000x64xf32, #tpu.memory_space<hbm>> -> memref<10000x64xf32, #tpu.memory_space<hbm>>
        tpu.enqueue_indirect_dma source(%dma_start3A_202 : memref<10000x64xf32, #tpu.memory_space<hbm>>) target(%arg14 : memref<128x64xf32, #tpu.memory_space<vmem>>) offsets(%dma_start3A_199 : memref<128xi32, #tpu.memory_space<vmem>>) semaphore(%arg23 : memref<!tpu.dma_semaphore, #tpu.memory_space<semaphore_mem>>)
      } else {
      }
      %add3A_154 = arith.constant 5 : i32
      %add3A_155 = arith.addi %mul3A_85, %add3A_154 : i32
      %dma_wait3A_156 = arith.constant 0 : i32
      %dma_wait3A_157 = tpu.memref_slice %arg8[%add3A_155, %dma_wait3A_156] : memref<80x128xi32, #tpu.memory_space<vmem>> -> memref<1x128xi32, #tpu.memory_space<vmem>>
      %dma_wait3A_158 = tpu.memref_squeeze %dma_wait3A_157 : memref<1x128xi32, #tpu.memory_space<vmem>> -> memref<128xi32, #tpu.memory_space<vmem>>
      %dma_wait3A_159 = arith.constant 0 : i32
      %dma_wait3A_160 = arith.constant 0 : i32
      %dma_wait3A_161 = tpu.memref_slice %arg2[%dma_wait3A_159, %dma_wait3A_160] : memref<10000x64xf32, #tpu.memory_space<hbm>> -> memref<10000x64xf32, #tpu.memory_space<hbm>>
      tpu.wait_indirect_dma semaphore(%arg24 : memref<!tpu.dma_semaphore, #tpu.memory_space<semaphore_mem>>) src(%dma_wait3A_161 : memref<10000x64xf32, #tpu.memory_space<hbm>>) dst(%arg15 : memref<128x64xf32, #tpu.memory_space<vmem>>)
      "tpu.region"() ({
        %run_scoped3A = tpu.sem_alloc : memref<!tpu.dma_semaphore, #tpu.memory_space<semaphore_mem>>
        %dma_start3A = arith.constant 0 : i32
        %dma_start3A_196 = tpu.memref_slice %arg9[%add3A_155, %dma_start3A] : memref<80x128xi32, #tpu.memory_space<vmem>> -> memref<1x128xi32, #tpu.memory_space<vmem>>
        %dma_start3A_197 = tpu.memref_squeeze %dma_start3A_196 : memref<1x128xi32, #tpu.memory_space<vmem>> -> memref<128xi32, #tpu.memory_space<vmem>>
        %dma_start3A_198 = arith.constant 0 : i32
        %dma_start3A_199 = arith.constant 0 : i32
        %dma_start3A_200 = tpu.memref_slice %arg18[%dma_start3A_198, %dma_start3A_199] : memref<10240x64xf32, #tpu.memory_space<vmem_shared>> -> memref<10240x64xf32, #tpu.memory_space<vmem_shared>>
        tpu.enqueue_indirect_dma source(%arg15 : memref<128x64xf32, #tpu.memory_space<vmem>>) target(%dma_start3A_200 : memref<10240x64xf32, #tpu.memory_space<vmem_shared>>) offsets(%dma_start3A_197 : memref<128xi32, #tpu.memory_space<vmem>>) semaphore(%run_scoped3A : memref<!tpu.dma_semaphore, #tpu.memory_space<semaphore_mem>>) {add = true}
        %dma_wait3A_201 = arith.constant 0 : i32
        %dma_wait3A_202 = tpu.memref_slice %arg9[%add3A_155, %dma_wait3A_201] : memref<80x128xi32, #tpu.memory_space<vmem>> -> memref<1x128xi32, #tpu.memory_space<vmem>>
        %dma_wait3A_203 = tpu.memref_squeeze %dma_wait3A_202 : memref<1x128xi32, #tpu.memory_space<vmem>> -> memref<128xi32, #tpu.memory_space<vmem>>
        %dma_wait3A_204 = arith.constant 0 : i32
        %dma_wait3A_205 = arith.constant 0 : i32
        %dma_wait3A_206 = tpu.memref_slice %arg18[%dma_wait3A_204, %dma_wait3A_205] : memref<10240x64xf32, #tpu.memory_space<vmem_shared>> -> memref<10240x64xf32, #tpu.memory_space<vmem_shared>>
        tpu.wait_indirect_dma semaphore(%run_scoped3A : memref<!tpu.dma_semaphore, #tpu.memory_space<semaphore_mem>>) src(%arg15 : memref<128x64xf32, #tpu.memory_space<vmem>>) dst(%dma_wait3A_206 : memref<10240x64xf32, #tpu.memory_space<vmem_shared>>)
        tpu.yield
      }) : () -> ()
      %add3A_162 = arith.constant 8 : i32
      %add3A_163 = arith.addi %add3A_155, %add3A_162 : i32
      %lt3A_164 = arith.cmpi slt, %add3A_163, %mul3A_15 : i32
      %convert_element_type3A_165 = arith.extui %lt3A_164 : i1 to i32
      %cond3A_166 = arith.constant 0 : i32
      %cond3A_167 = arith.cmpi ne, %convert_element_type3A_165, %cond3A_166 : i32
      scf.if %cond3A_167 {
        %add3A_196 = arith.constant 8 : i32
        %add3A_197 = arith.addi %add3A_155, %add3A_196 : i32
        %dma_start3A = arith.constant 0 : i32
        %dma_start3A_198 = tpu.memref_slice %arg8[%add3A_197, %dma_start3A] : memref<80x128xi32, #tpu.memory_space<vmem>> -> memref<1x128xi32, #tpu.memory_space<vmem>>
        %dma_start3A_199 = tpu.memref_squeeze %dma_start3A_198 : memref<1x128xi32, #tpu.memory_space<vmem>> -> memref<128xi32, #tpu.memory_space<vmem>>
        %dma_start3A_200 = arith.constant 0 : i32
        %dma_start3A_201 = arith.constant 0 : i32
        %dma_start3A_202 = tpu.memref_slice %arg2[%dma_start3A_200, %dma_start3A_201] : memref<10000x64xf32, #tpu.memory_space<hbm>> -> memref<10000x64xf32, #tpu.memory_space<hbm>>
        tpu.enqueue_indirect_dma source(%dma_start3A_202 : memref<10000x64xf32, #tpu.memory_space<hbm>>) target(%arg15 : memref<128x64xf32, #tpu.memory_space<vmem>>) offsets(%dma_start3A_199 : memref<128xi32, #tpu.memory_space<vmem>>) semaphore(%arg24 : memref<!tpu.dma_semaphore, #tpu.memory_space<semaphore_mem>>)
      } else {
      }
      %add3A_168 = arith.constant 6 : i32
      %add3A_169 = arith.addi %mul3A_85, %add3A_168 : i32
      %dma_wait3A_170 = arith.constant 0 : i32
      %dma_wait3A_171 = tpu.memref_slice %arg8[%add3A_169, %dma_wait3A_170] : memref<80x128xi32, #tpu.memory_space<vmem>> -> memref<1x128xi32, #tpu.memory_space<vmem>>
      %dma_wait3A_172 = tpu.memref_squeeze %dma_wait3A_171 : memref<1x128xi32, #tpu.memory_space<vmem>> -> memref<128xi32, #tpu.memory_space<vmem>>
      %dma_wait3A_173 = arith.constant 0 : i32
      %dma_wait3A_174 = arith.constant 0 : i32
      %dma_wait3A_175 = tpu.memref_slice %arg2[%dma_wait3A_173, %dma_wait3A_174] : memref<10000x64xf32, #tpu.memory_space<hbm>> -> memref<10000x64xf32, #tpu.memory_space<hbm>>
      tpu.wait_indirect_dma semaphore(%arg25 : memref<!tpu.dma_semaphore, #tpu.memory_space<semaphore_mem>>) src(%dma_wait3A_175 : memref<10000x64xf32, #tpu.memory_space<hbm>>) dst(%arg16 : memref<128x64xf32, #tpu.memory_space<vmem>>)
      "tpu.region"() ({
        %run_scoped3A = tpu.sem_alloc : memref<!tpu.dma_semaphore, #tpu.memory_space<semaphore_mem>>
        %dma_start3A = arith.constant 0 : i32
        %dma_start3A_196 = tpu.memref_slice %arg9[%add3A_169, %dma_start3A] : memref<80x128xi32, #tpu.memory_space<vmem>> -> memref<1x128xi32, #tpu.memory_space<vmem>>
        %dma_start3A_197 = tpu.memref_squeeze %dma_start3A_196 : memref<1x128xi32, #tpu.memory_space<vmem>> -> memref<128xi32, #tpu.memory_space<vmem>>
        %dma_start3A_198 = arith.constant 0 : i32
        %dma_start3A_199 = arith.constant 0 : i32
        %dma_start3A_200 = tpu.memref_slice %arg18[%dma_start3A_198, %dma_start3A_199] : memref<10240x64xf32, #tpu.memory_space<vmem_shared>> -> memref<10240x64xf32, #tpu.memory_space<vmem_shared>>
        tpu.enqueue_indirect_dma source(%arg16 : memref<128x64xf32, #tpu.memory_space<vmem>>) target(%dma_start3A_200 : memref<10240x64xf32, #tpu.memory_space<vmem_shared>>) offsets(%dma_start3A_197 : memref<128xi32, #tpu.memory_space<vmem>>) semaphore(%run_scoped3A : memref<!tpu.dma_semaphore, #tpu.memory_space<semaphore_mem>>) {add = true}
        %dma_wait3A_201 = arith.constant 0 : i32
        %dma_wait3A_202 = tpu.memref_slice %arg9[%add3A_169, %dma_wait3A_201] : memref<80x128xi32, #tpu.memory_space<vmem>> -> memref<1x128xi32, #tpu.memory_space<vmem>>
        %dma_wait3A_203 = tpu.memref_squeeze %dma_wait3A_202 : memref<1x128xi32, #tpu.memory_space<vmem>> -> memref<128xi32, #tpu.memory_space<vmem>>
        %dma_wait3A_204 = arith.constant 0 : i32
        %dma_wait3A_205 = arith.constant 0 : i32
        %dma_wait3A_206 = tpu.memref_slice %arg18[%dma_wait3A_204, %dma_wait3A_205] : memref<10240x64xf32, #tpu.memory_space<vmem_shared>> -> memref<10240x64xf32, #tpu.memory_space<vmem_shared>>
        tpu.wait_indirect_dma semaphore(%run_scoped3A : memref<!tpu.dma_semaphore, #tpu.memory_space<semaphore_mem>>) src(%arg16 : memref<128x64xf32, #tpu.memory_space<vmem>>) dst(%dma_wait3A_206 : memref<10240x64xf32, #tpu.memory_space<vmem_shared>>)
        tpu.yield
      }) : () -> ()
      %add3A_176 = arith.constant 8 : i32
      %add3A_177 = arith.addi %add3A_169, %add3A_176 : i32
      %lt3A_178 = arith.cmpi slt, %add3A_177, %mul3A_15 : i32
      %convert_element_type3A_179 = arith.extui %lt3A_178 : i1 to i32
      %cond3A_180 = arith.constant 0 : i32
      %cond3A_181 = arith.cmpi ne, %convert_element_type3A_179, %cond3A_180 : i32
      scf.if %cond3A_181 {
        %add3A_196 = arith.constant 8 : i32
        %add3A_197 = arith.addi %add3A_169, %add3A_196 : i32
        %dma_start3A = arith.constant 0 : i32
        %dma_start3A_198 = tpu.memref_slice %arg8[%add3A_197, %dma_start3A] : memref<80x128xi32, #tpu.memory_space<vmem>> -> memref<1x128xi32, #tpu.memory_space<vmem>>
        %dma_start3A_199 = tpu.memref_squeeze %dma_start3A_198 : memref<1x128xi32, #tpu.memory_space<vmem>> -> memref<128xi32, #tpu.memory_space<vmem>>
        %dma_start3A_200 = arith.constant 0 : i32
        %dma_start3A_201 = arith.constant 0 : i32
        %dma_start3A_202 = tpu.memref_slice %arg2[%dma_start3A_200, %dma_start3A_201] : memref<10000x64xf32, #tpu.memory_space<hbm>> -> memref<10000x64xf32, #tpu.memory_space<hbm>>
        tpu.enqueue_indirect_dma source(%dma_start3A_202 : memref<10000x64xf32, #tpu.memory_space<hbm>>) target(%arg16 : memref<128x64xf32, #tpu.memory_space<vmem>>) offsets(%dma_start3A_199 : memref<128xi32, #tpu.memory_space<vmem>>) semaphore(%arg25 : memref<!tpu.dma_semaphore, #tpu.memory_space<semaphore_mem>>)
      } else {
      }
      %add3A_182 = arith.constant 7 : i32
      %add3A_183 = arith.addi %mul3A_85, %add3A_182 : i32
      %dma_wait3A_184 = arith.constant 0 : i32
      %dma_wait3A_185 = tpu.memref_slice %arg8[%add3A_183, %dma_wait3A_184] : memref<80x128xi32, #tpu.memory_space<vmem>> -> memref<1x128xi32, #tpu.memory_space<vmem>>
      %dma_wait3A_186 = tpu.memref_squeeze %dma_wait3A_185 : memref<1x128xi32, #tpu.memory_space<vmem>> -> memref<128xi32, #tpu.memory_space<vmem>>
      %dma_wait3A_187 = arith.constant 0 : i32
      %dma_wait3A_188 = arith.constant 0 : i32
      %dma_wait3A_189 = tpu.memref_slice %arg2[%dma_wait3A_187, %dma_wait3A_188] : memref<10000x64xf32, #tpu.memory_space<hbm>> -> memref<10000x64xf32, #tpu.memory_space<hbm>>
      tpu.wait_indirect_dma semaphore(%arg26 : memref<!tpu.dma_semaphore, #tpu.memory_space<semaphore_mem>>) src(%dma_wait3A_189 : memref<10000x64xf32, #tpu.memory_space<hbm>>) dst(%arg17 : memref<128x64xf32, #tpu.memory_space<vmem>>)
      "tpu.region"() ({
        %run_scoped3A = tpu.sem_alloc : memref<!tpu.dma_semaphore, #tpu.memory_space<semaphore_mem>>
        %dma_start3A = arith.constant 0 : i32
        %dma_start3A_196 = tpu.memref_slice %arg9[%add3A_183, %dma_start3A] : memref<80x128xi32, #tpu.memory_space<vmem>> -> memref<1x128xi32, #tpu.memory_space<vmem>>
        %dma_start3A_197 = tpu.memref_squeeze %dma_start3A_196 : memref<1x128xi32, #tpu.memory_space<vmem>> -> memref<128xi32, #tpu.memory_space<vmem>>
        %dma_start3A_198 = arith.constant 0 : i32
        %dma_start3A_199 = arith.constant 0 : i32
        %dma_start3A_200 = tpu.memref_slice %arg18[%dma_start3A_198, %dma_start3A_199] : memref<10240x64xf32, #tpu.memory_space<vmem_shared>> -> memref<10240x64xf32, #tpu.memory_space<vmem_shared>>
        tpu.enqueue_indirect_dma source(%arg17 : memref<128x64xf32, #tpu.memory_space<vmem>>) target(%dma_start3A_200 : memref<10240x64xf32, #tpu.memory_space<vmem_shared>>) offsets(%dma_start3A_197 : memref<128xi32, #tpu.memory_space<vmem>>) semaphore(%run_scoped3A : memref<!tpu.dma_semaphore, #tpu.memory_space<semaphore_mem>>) {add = true}
        %dma_wait3A_201 = arith.constant 0 : i32
        %dma_wait3A_202 = tpu.memref_slice %arg9[%add3A_183, %dma_wait3A_201] : memref<80x128xi32, #tpu.memory_space<vmem>> -> memref<1x128xi32, #tpu.memory_space<vmem>>
        %dma_wait3A_203 = tpu.memref_squeeze %dma_wait3A_202 : memref<1x128xi32, #tpu.memory_space<vmem>> -> memref<128xi32, #tpu.memory_space<vmem>>
        %dma_wait3A_204 = arith.constant 0 : i32
        %dma_wait3A_205 = arith.constant 0 : i32
        %dma_wait3A_206 = tpu.memref_slice %arg18[%dma_wait3A_204, %dma_wait3A_205] : memref<10240x64xf32, #tpu.memory_space<vmem_shared>> -> memref<10240x64xf32, #tpu.memory_space<vmem_shared>>
        tpu.wait_indirect_dma semaphore(%run_scoped3A : memref<!tpu.dma_semaphore, #tpu.memory_space<semaphore_mem>>) src(%arg17 : memref<128x64xf32, #tpu.memory_space<vmem>>) dst(%dma_wait3A_206 : memref<10240x64xf32, #tpu.memory_space<vmem_shared>>)
        tpu.yield
      }) : () -> ()
      %add3A_190 = arith.constant 8 : i32
      %add3A_191 = arith.addi %add3A_183, %add3A_190 : i32
      %lt3A_192 = arith.cmpi slt, %add3A_191, %mul3A_15 : i32
      %convert_element_type3A_193 = arith.extui %lt3A_192 : i1 to i32
      %cond3A_194 = arith.constant 0 : i32
      %cond3A_195 = arith.cmpi ne, %convert_element_type3A_193, %cond3A_194 : i32
      scf.if %cond3A_195 {
        %add3A_196 = arith.constant 8 : i32
        %add3A_197 = arith.addi %add3A_183, %add3A_196 : i32
        %dma_start3A = arith.constant 0 : i32
        %dma_start3A_198 = tpu.memref_slice %arg8[%add3A_197, %dma_start3A] : memref<80x128xi32, #tpu.memory_space<vmem>> -> memref<1x128xi32, #tpu.memory_space<vmem>>
        %dma_start3A_199 = tpu.memref_squeeze %dma_start3A_198 : memref<1x128xi32, #tpu.memory_space<vmem>> -> memref<128xi32, #tpu.memory_space<vmem>>
        %dma_start3A_200 = arith.constant 0 : i32
        %dma_start3A_201 = arith.constant 0 : i32
        %dma_start3A_202 = tpu.memref_slice %arg2[%dma_start3A_200, %dma_start3A_201] : memref<10000x64xf32, #tpu.memory_space<hbm>> -> memref<10000x64xf32, #tpu.memory_space<hbm>>
        tpu.enqueue_indirect_dma source(%dma_start3A_202 : memref<10000x64xf32, #tpu.memory_space<hbm>>) target(%arg17 : memref<128x64xf32, #tpu.memory_space<vmem>>) offsets(%dma_start3A_199 : memref<128xi32, #tpu.memory_space<vmem>>) semaphore(%arg26 : memref<!tpu.dma_semaphore, #tpu.memory_space<semaphore_mem>>)
      } else {
      }
    }
    %barrier3A_39 = arith.constant 0 : index
    tpu.barrier barrier_id(%barrier3A_39)
    "tpu.trace_stop"() : () -> ()
    "tpu.trace_start"() <{level = 10 : i32, message = "ph_wb0"}> : () -> ()
    %scan3A_40 = arith.constant 0 : i32
    %scan3A_41 = arith.constant 0 : i32
    %scan3A_42 = arith.constant 5 : i32
    %scan3A_43 = arith.addi %scan3A_41, %scan3A_42 : i32
    %scan3A_44 = arith.constant 1 : i32
    scf.for %scan3A_83 = %scan3A_41 to %scan3A_43 step %scan3A_44  : i32 {
      %mul3A_84 = arith.constant 128 : i32
      %mul3A_85 = arith.muli %scan3A_83, %mul3A_84 : i32
      %add3A_86 = arith.addi %mul3A_0, %mul3A_85 : i32
      "tpu.region"() ({
        %run_scoped3A = tpu.sem_alloc : memref<!tpu.dma_semaphore, #tpu.memory_space<semaphore_mem>>
        %dma_start3A = arith.constant 0 : i32
        %dma_start3A_90 = tpu.memref_slice %arg18[%add3A_86, %dma_start3A] : memref<10240x64xf32, #tpu.memory_space<vmem_shared>> -> memref<128x64xf32, #tpu.memory_space<vmem_shared>>
        %dma_start3A_91 = arith.constant 0 : i32
        %dma_start3A_92 = tpu.memref_slice %arg18[%add3A_86, %dma_start3A_91] : memref<10240x64xf32, #tpu.memory_space<vmem_shared>> -> memref<128x64xf32, #tpu.memory_space<vmem_shared>>
        tpu.enqueue_dma source(%dma_start3A_92 : memref<128x64xf32, #tpu.memory_space<vmem_shared>>) target(%arg10 : memref<128x64xf32, #tpu.memory_space<vmem>>) target_semaphore(%run_scoped3A : memref<!tpu.dma_semaphore, #tpu.memory_space<semaphore_mem>>)
        %dma_wait3A = arith.constant 0 : i32
        %dma_wait3A_93 = tpu.memref_slice %arg18[%add3A_86, %dma_wait3A] : memref<10240x64xf32, #tpu.memory_space<vmem_shared>> -> memref<128x64xf32, #tpu.memory_space<vmem_shared>>
        %dma_wait3A_94 = arith.constant 0 : i32
        %dma_wait3A_95 = tpu.memref_slice %arg18[%add3A_86, %dma_wait3A_94] : memref<10240x64xf32, #tpu.memory_space<vmem_shared>> -> memref<128x64xf32, #tpu.memory_space<vmem_shared>>
        tpu.wait_dma2 semaphore(%run_scoped3A : memref<!tpu.dma_semaphore, #tpu.memory_space<semaphore_mem>>) src(%dma_wait3A_95 : memref<128x64xf32, #tpu.memory_space<vmem_shared>>) dst(%arg10 : memref<128x64xf32, #tpu.memory_space<vmem>>)
        tpu.yield
      }) : () -> ()
      %mul3A_87 = arith.constant 128 : i32
      %mul3A_88 = arith.muli %scan3A_83, %mul3A_87 : i32
      %add3A_89 = arith.addi %add3A, %mul3A_88 : i32
      "tpu.region"() ({
        %run_scoped3A = tpu.sem_alloc : memref<!tpu.dma_semaphore, #tpu.memory_space<semaphore_mem>>
        %dma_start3A = arith.constant 0 : i32
        %dma_start3A_90 = tpu.memref_slice %arg6[%add3A_89, %dma_start3A] : memref<20480x64xf32, #tpu.memory_space<hbm>> -> memref<128x64xf32, #tpu.memory_space<hbm>>
        %dma_start3A_91 = arith.constant 0 : i32
        %dma_start3A_92 = tpu.memref_slice %arg6[%add3A_89, %dma_start3A_91] : memref<20480x64xf32, #tpu.memory_space<hbm>> -> memref<128x64xf32, #tpu.memory_space<hbm>>
        tpu.enqueue_dma source(%arg10 : memref<128x64xf32, #tpu.memory_space<vmem>>) target(%dma_start3A_92 : memref<128x64xf32, #tpu.memory_space<hbm>>) target_semaphore(%run_scoped3A : memref<!tpu.dma_semaphore, #tpu.memory_space<semaphore_mem>>)
        %dma_wait3A = arith.constant 0 : i32
        %dma_wait3A_93 = tpu.memref_slice %arg6[%add3A_89, %dma_wait3A] : memref<20480x64xf32, #tpu.memory_space<hbm>> -> memref<128x64xf32, #tpu.memory_space<hbm>>
        %dma_wait3A_94 = arith.constant 0 : i32
        %dma_wait3A_95 = tpu.memref_slice %arg6[%add3A_89, %dma_wait3A_94] : memref<20480x64xf32, #tpu.memory_space<hbm>> -> memref<128x64xf32, #tpu.memory_space<hbm>>
        tpu.wait_dma2 semaphore(%run_scoped3A : memref<!tpu.dma_semaphore, #tpu.memory_space<semaphore_mem>>) src(%arg10 : memref<128x64xf32, #tpu.memory_space<vmem>>) dst(%dma_wait3A_95 : memref<128x64xf32, #tpu.memory_space<hbm>>)
        tpu.yield
      }) : () -> ()
    }
    %scan3A_45 = arith.constant 5 : i32
    %barrier3A_46 = arith.constant 0 : index
    tpu.barrier barrier_id(%barrier3A_46)
    "tpu.trace_stop"() : () -> ()
    "tpu.trace_start"() <{level = 10 : i32, message = "ph_fill1"}> : () -> ()
    %scan3A_47 = arith.constant 0 : i32
    %scan3A_48 = arith.constant 0 : i32
    %scan3A_49 = arith.constant 128 : i32
    %scan3A_50 = arith.addi %scan3A_48, %scan3A_49 : i32
    %scan3A_51 = arith.constant 1 : i32
    scf.for %scan3A_83 = %scan3A_48 to %scan3A_50 step %scan3A_51  : i32 {
      %scan3A_84 = arith.constant 0 : i32
      %scan3A_85 = arith.constant 4 : i32
      %scan3A_86 = arith.addi %scan3A_84, %scan3A_85 : i32
      %scan3A_87 = arith.constant 1 : i32
      scf.for %scan3A_89 = %scan3A_84 to %scan3A_86 step %scan3A_87  : i32 {
        %mul3A_90 = arith.constant 16 : i32
        %mul3A_91 = arith.muli %scan3A_89, %mul3A_90 : i32
        %swap3A = arith.index_cast %scan3A_83 : i32 to index
        %swap3A_92 = arith.index_cast %mul3A_91 : i32 to index
        %swap3A_93 = tpu.vector_load %arg10[%swap3A, %swap3A_92] {strides = array<i32>} : memref<128x64xf32, #tpu.memory_space<vmem>>, vector<1x16xf32>,
        %swap3A_94 = vector.shape_cast %swap3A_93 : vector<1x16xf32> to vector<16xf32>
        %swap3A_95 = vector.shape_cast %broadcast_in_dim3A_16 : vector<16xf32> to vector<1x16xf32>
        tpu.vector_store %arg10[%swap3A, %swap3A_92], %swap3A_95 {strides = array<i32>} : memref<128x64xf32, #tpu.memory_space<vmem>>, vector<1x16xf32>,
      }
      %scan3A_88 = arith.constant 4 : i32
    }
    %scan3A_52 = arith.constant 128 : i32
    "tpu.trace_stop"() : () -> ()
    "tpu.trace_start"() <{level = 10 : i32, message = "ph_zero1"}> : () -> ()
    %scan3A_53 = arith.constant 0 : i32
    %scan3A_54 = arith.constant 0 : i32
    %scan3A_55 = arith.constant 5 : i32
    %scan3A_56 = arith.addi %scan3A_54, %scan3A_55 : i32
    %scan3A_57 = arith.constant 1 : i32
    scf.for %scan3A_83 = %scan3A_54 to %scan3A_56 step %scan3A_57  : i32 {
      %mul3A_84 = arith.constant 128 : i32
      %mul3A_85 = arith.muli %scan3A_83, %mul3A_84 : i32
      %add3A_86 = arith.addi %mul3A_0, %mul3A_85 : i32
      "tpu.region"() ({
        %run_scoped3A = tpu.sem_alloc : memref<!tpu.dma_semaphore, #tpu.memory_space<semaphore_mem>>
        %dma_start3A = arith.constant 0 : i32
        %dma_start3A_87 = tpu.memref_slice %arg18[%add3A_86, %dma_start3A] : memref<10240x64xf32, #tpu.memory_space<vmem_shared>> -> memref<128x64xf32, #tpu.memory_space<vmem_shared>>
        %dma_start3A_88 = arith.constant 0 : i32
        %dma_start3A_89 = tpu.memref_slice %arg18[%add3A_86, %dma_start3A_88] : memref<10240x64xf32, #tpu.memory_space<vmem_shared>> -> memref<128x64xf32, #tpu.memory_space<vmem_shared>>
        tpu.enqueue_dma source(%arg10 : memref<128x64xf32, #tpu.memory_space<vmem>>) target(%dma_start3A_89 : memref<128x64xf32, #tpu.memory_space<vmem_shared>>) target_semaphore(%run_scoped3A : memref<!tpu.dma_semaphore, #tpu.memory_space<semaphore_mem>>)
        %dma_wait3A = arith.constant 0 : i32
        %dma_wait3A_90 = tpu.memref_slice %arg18[%add3A_86, %dma_wait3A] : memref<10240x64xf32, #tpu.memory_space<vmem_shared>> -> memref<128x64xf32, #tpu.memory_space<vmem_shared>>
        %dma_wait3A_91 = arith.constant 0 : i32
        %dma_wait3A_92 = tpu.memref_slice %arg18[%add3A_86, %dma_wait3A_91] : memref<10240x64xf32, #tpu.memory_space<vmem_shared>> -> memref<128x64xf32, #tpu.memory_space<vmem_shared>>
        tpu.wait_dma2 semaphore(%run_scoped3A : memref<!tpu.dma_semaphore, #tpu.memory_space<semaphore_mem>>) src(%arg10 : memref<128x64xf32, #tpu.memory_space<vmem>>) dst(%dma_wait3A_92 : memref<128x64xf32, #tpu.memory_space<vmem_shared>>)
        tpu.yield
      }) : () -> ()
    }
    %scan3A_58 = arith.constant 5 : i32
    %barrier3A_59 = arith.constant 0 : index
    tpu.barrier barrier_id(%barrier3A_59)
    %gt3A_60 = arith.constant 0 : i32
    "tpu.trace_stop"() : () -> ()
    "tpu.trace_start"() <{level = 10 : i32, message = "ph_edges1"}> : () -> ()
    %gt3A_61 = arith.cmpi sgt, %mul3A_15, %gt3A_60 : i32
    %convert_element_type3A_62 = arith.extui %gt3A_61 : i1 to i32
    %cond3A_63 = arith.constant 0 : i32
    %cond3A_64 = arith.cmpi ne, %convert_element_type3A_62, %cond3A_63 : i32
    scf.if %cond3A_64 {
      %dma_start3A = arith.constant 0 : i32
      %dma_start3A_83 = arith.constant 0 : i32
      %dma_start3A_84 = tpu.memref_slice %arg8[%dma_start3A, %dma_start3A_83] : memref<80x128xi32, #tpu.memory_space<vmem>> -> memref<1x128xi32, #tpu.memory_space<vmem>>
      %dma_start3A_85 = tpu.memref_squeeze %dma_start3A_84 : memref<1x128xi32, #tpu.memory_space<vmem>> -> memref<128xi32, #tpu.memory_space<vmem>>
      %dma_start3A_86 = arith.constant 0 : i32
      %dma_start3A_87 = arith.constant 0 : i32
      %dma_start3A_88 = tpu.memref_slice %arg3[%dma_start3A_86, %dma_start3A_87] : memref<10000x64xf32, #tpu.memory_space<hbm>> -> memref<10000x64xf32, #tpu.memory_space<hbm>>
      tpu.enqueue_indirect_dma source(%dma_start3A_88 : memref<10000x64xf32, #tpu.memory_space<hbm>>) target(%arg10 : memref<128x64xf32, #tpu.memory_space<vmem>>) offsets(%dma_start3A_85 : memref<128xi32, #tpu.memory_space<vmem>>) semaphore(%arg19 : memref<!tpu.dma_semaphore, #tpu.memory_space<semaphore_mem>>)
      %dma_start3A_89 = arith.constant 1 : i32
      %dma_start3A_90 = arith.constant 0 : i32
      %dma_start3A_91 = tpu.memref_slice %arg8[%dma_start3A_89, %dma_start3A_90] : memref<80x128xi32, #tpu.memory_space<vmem>> -> memref<1x128xi32, #tpu.memory_space<vmem>>
      %dma_start3A_92 = tpu.memref_squeeze %dma_start3A_91 : memref<1x128xi32, #tpu.memory_space<vmem>> -> memref<128xi32, #tpu.memory_space<vmem>>
      %dma_start3A_93 = arith.constant 0 : i32
      %dma_start3A_94 = arith.constant 0 : i32
      %dma_start3A_95 = tpu.memref_slice %arg3[%dma_start3A_93, %dma_start3A_94] : memref<10000x64xf32, #tpu.memory_space<hbm>> -> memref<10000x64xf32, #tpu.memory_space<hbm>>
      tpu.enqueue_indirect_dma source(%dma_start3A_95 : memref<10000x64xf32, #tpu.memory_space<hbm>>) target(%arg11 : memref<128x64xf32, #tpu.memory_space<vmem>>) offsets(%dma_start3A_92 : memref<128xi32, #tpu.memory_space<vmem>>) semaphore(%arg20 : memref<!tpu.dma_semaphore, #tpu.memory_space<semaphore_mem>>)
      %dma_start3A_96 = arith.constant 2 : i32
      %dma_start3A_97 = arith.constant 0 : i32
      %dma_start3A_98 = tpu.memref_slice %arg8[%dma_start3A_96, %dma_start3A_97] : memref<80x128xi32, #tpu.memory_space<vmem>> -> memref<1x128xi32, #tpu.memory_space<vmem>>
      %dma_start3A_99 = tpu.memref_squeeze %dma_start3A_98 : memref<1x128xi32, #tpu.memory_space<vmem>> -> memref<128xi32, #tpu.memory_space<vmem>>
      %dma_start3A_100 = arith.constant 0 : i32
      %dma_start3A_101 = arith.constant 0 : i32
      %dma_start3A_102 = tpu.memref_slice %arg3[%dma_start3A_100, %dma_start3A_101] : memref<10000x64xf32, #tpu.memory_space<hbm>> -> memref<10000x64xf32, #tpu.memory_space<hbm>>
      tpu.enqueue_indirect_dma source(%dma_start3A_102 : memref<10000x64xf32, #tpu.memory_space<hbm>>) target(%arg12 : memref<128x64xf32, #tpu.memory_space<vmem>>) offsets(%dma_start3A_99 : memref<128xi32, #tpu.memory_space<vmem>>) semaphore(%arg21 : memref<!tpu.dma_semaphore, #tpu.memory_space<semaphore_mem>>)
      %dma_start3A_103 = arith.constant 3 : i32
      %dma_start3A_104 = arith.constant 0 : i32
      %dma_start3A_105 = tpu.memref_slice %arg8[%dma_start3A_103, %dma_start3A_104] : memref<80x128xi32, #tpu.memory_space<vmem>> -> memref<1x128xi32, #tpu.memory_space<vmem>>
      %dma_start3A_106 = tpu.memref_squeeze %dma_start3A_105 : memref<1x128xi32, #tpu.memory_space<vmem>> -> memref<128xi32, #tpu.memory_space<vmem>>
      %dma_start3A_107 = arith.constant 0 : i32
      %dma_start3A_108 = arith.constant 0 : i32
      %dma_start3A_109 = tpu.memref_slice %arg3[%dma_start3A_107, %dma_start3A_108] : memref<10000x64xf32, #tpu.memory_space<hbm>> -> memref<10000x64xf32, #tpu.memory_space<hbm>>
      tpu.enqueue_indirect_dma source(%dma_start3A_109 : memref<10000x64xf32, #tpu.memory_space<hbm>>) target(%arg13 : memref<128x64xf32, #tpu.memory_space<vmem>>) offsets(%dma_start3A_106 : memref<128xi32, #tpu.memory_space<vmem>>) semaphore(%arg22 : memref<!tpu.dma_semaphore, #tpu.memory_space<semaphore_mem>>)
      %dma_start3A_110 = arith.constant 4 : i32
      %dma_start3A_111 = arith.constant 0 : i32
      %dma_start3A_112 = tpu.memref_slice %arg8[%dma_start3A_110, %dma_start3A_111] : memref<80x128xi32, #tpu.memory_space<vmem>> -> memref<1x128xi32, #tpu.memory_space<vmem>>
      %dma_start3A_113 = tpu.memref_squeeze %dma_start3A_112 : memref<1x128xi32, #tpu.memory_space<vmem>> -> memref<128xi32, #tpu.memory_space<vmem>>
      %dma_start3A_114 = arith.constant 0 : i32
      %dma_start3A_115 = arith.constant 0 : i32
      %dma_start3A_116 = tpu.memref_slice %arg3[%dma_start3A_114, %dma_start3A_115] : memref<10000x64xf32, #tpu.memory_space<hbm>> -> memref<10000x64xf32, #tpu.memory_space<hbm>>
      tpu.enqueue_indirect_dma source(%dma_start3A_116 : memref<10000x64xf32, #tpu.memory_space<hbm>>) target(%arg14 : memref<128x64xf32, #tpu.memory_space<vmem>>) offsets(%dma_start3A_113 : memref<128xi32, #tpu.memory_space<vmem>>) semaphore(%arg23 : memref<!tpu.dma_semaphore, #tpu.memory_space<semaphore_mem>>)
      %dma_start3A_117 = arith.constant 5 : i32
      %dma_start3A_118 = arith.constant 0 : i32
      %dma_start3A_119 = tpu.memref_slice %arg8[%dma_start3A_117, %dma_start3A_118] : memref<80x128xi32, #tpu.memory_space<vmem>> -> memref<1x128xi32, #tpu.memory_space<vmem>>
      %dma_start3A_120 = tpu.memref_squeeze %dma_start3A_119 : memref<1x128xi32, #tpu.memory_space<vmem>> -> memref<128xi32, #tpu.memory_space<vmem>>
      %dma_start3A_121 = arith.constant 0 : i32
      %dma_start3A_122 = arith.constant 0 : i32
      %dma_start3A_123 = tpu.memref_slice %arg3[%dma_start3A_121, %dma_start3A_122] : memref<10000x64xf32, #tpu.memory_space<hbm>> -> memref<10000x64xf32, #tpu.memory_space<hbm>>
      tpu.enqueue_indirect_dma source(%dma_start3A_123 : memref<10000x64xf32, #tpu.memory_space<hbm>>) target(%arg15 : memref<128x64xf32, #tpu.memory_space<vmem>>) offsets(%dma_start3A_120 : memref<128xi32, #tpu.memory_space<vmem>>) semaphore(%arg24 : memref<!tpu.dma_semaphore, #tpu.memory_space<semaphore_mem>>)
      %dma_start3A_124 = arith.constant 6 : i32
      %dma_start3A_125 = arith.constant 0 : i32
      %dma_start3A_126 = tpu.memref_slice %arg8[%dma_start3A_124, %dma_start3A_125] : memref<80x128xi32, #tpu.memory_space<vmem>> -> memref<1x128xi32, #tpu.memory_space<vmem>>
      %dma_start3A_127 = tpu.memref_squeeze %dma_start3A_126 : memref<1x128xi32, #tpu.memory_space<vmem>> -> memref<128xi32, #tpu.memory_space<vmem>>
      %dma_start3A_128 = arith.constant 0 : i32
      %dma_start3A_129 = arith.constant 0 : i32
      %dma_start3A_130 = tpu.memref_slice %arg3[%dma_start3A_128, %dma_start3A_129] : memref<10000x64xf32, #tpu.memory_space<hbm>> -> memref<10000x64xf32, #tpu.memory_space<hbm>>
      tpu.enqueue_indirect_dma source(%dma_start3A_130 : memref<10000x64xf32, #tpu.memory_space<hbm>>) target(%arg16 : memref<128x64xf32, #tpu.memory_space<vmem>>) offsets(%dma_start3A_127 : memref<128xi32, #tpu.memory_space<vmem>>) semaphore(%arg25 : memref<!tpu.dma_semaphore, #tpu.memory_space<semaphore_mem>>)
      %dma_start3A_131 = arith.constant 7 : i32
      %dma_start3A_132 = arith.constant 0 : i32
      %dma_start3A_133 = tpu.memref_slice %arg8[%dma_start3A_131, %dma_start3A_132] : memref<80x128xi32, #tpu.memory_space<vmem>> -> memref<1x128xi32, #tpu.memory_space<vmem>>
      %dma_start3A_134 = tpu.memref_squeeze %dma_start3A_133 : memref<1x128xi32, #tpu.memory_space<vmem>> -> memref<128xi32, #tpu.memory_space<vmem>>
      %dma_start3A_135 = arith.constant 0 : i32
      %dma_start3A_136 = arith.constant 0 : i32
      %dma_start3A_137 = tpu.memref_slice %arg3[%dma_start3A_135, %dma_start3A_136] : memref<10000x64xf32, #tpu.memory_space<hbm>> -> memref<10000x64xf32, #tpu.memory_space<hbm>>
      tpu.enqueue_indirect_dma source(%dma_start3A_137 : memref<10000x64xf32, #tpu.memory_space<hbm>>) target(%arg17 : memref<128x64xf32, #tpu.memory_space<vmem>>) offsets(%dma_start3A_134 : memref<128xi32, #tpu.memory_space<vmem>>) semaphore(%arg26 : memref<!tpu.dma_semaphore, #tpu.memory_space<semaphore_mem>>)
    } else {
    }
    %while3A_65 = arith.constant 0 : i32
    %while3A_66 = arith.constant 0 : i32
    %while3A_67 = arith.subi %select_n3A_13, %while3A_66 : i32
    %while3A_68 = arith.addi %while3A_66, %while3A_67 : i32
    %while3A_69 = arith.constant 1 : i32
    %while3A_70 = arith.divsi %while3A_67, %while3A_69 : i32
    %while3A_71 = arith.muli %while3A_70, %while3A_69 : i32
    %while3A_72 = arith.addi %while3A_66, %while3A_71 : i32
    %while3A_73 = arith.constant 1 : i32
    scf.for %while3A_83 = %while3A_66 to %while3A_72 step %while3A_73  : i32 {
      %mul3A_84 = arith.constant 8 : i32
      %mul3A_85 = arith.muli %while3A_83, %mul3A_84 : i32
      %add3A_86 = arith.constant 0 : i32
      %add3A_87 = arith.addi %mul3A_85, %add3A_86 : i32
      %dma_wait3A = arith.constant 0 : i32
      %dma_wait3A_88 = tpu.memref_slice %arg8[%add3A_87, %dma_wait3A] : memref<80x128xi32, #tpu.memory_space<vmem>> -> memref<1x128xi32, #tpu.memory_space<vmem>>
      %dma_wait3A_89 = tpu.memref_squeeze %dma_wait3A_88 : memref<1x128xi32, #tpu.memory_space<vmem>> -> memref<128xi32, #tpu.memory_space<vmem>>
      %dma_wait3A_90 = arith.constant 0 : i32
      %dma_wait3A_91 = arith.constant 0 : i32
      %dma_wait3A_92 = tpu.memref_slice %arg3[%dma_wait3A_90, %dma_wait3A_91] : memref<10000x64xf32, #tpu.memory_space<hbm>> -> memref<10000x64xf32, #tpu.memory_space<hbm>>
      tpu.wait_indirect_dma semaphore(%arg19 : memref<!tpu.dma_semaphore, #tpu.memory_space<semaphore_mem>>) src(%dma_wait3A_92 : memref<10000x64xf32, #tpu.memory_space<hbm>>) dst(%arg10 : memref<128x64xf32, #tpu.memory_space<vmem>>)
      "tpu.region"() ({
        %run_scoped3A = tpu.sem_alloc : memref<!tpu.dma_semaphore, #tpu.memory_space<semaphore_mem>>
        %dma_start3A = arith.constant 0 : i32
        %dma_start3A_196 = tpu.memref_slice %arg9[%add3A_87, %dma_start3A] : memref<80x128xi32, #tpu.memory_space<vmem>> -> memref<1x128xi32, #tpu.memory_space<vmem>>
        %dma_start3A_197 = tpu.memref_squeeze %dma_start3A_196 : memref<1x128xi32, #tpu.memory_space<vmem>> -> memref<128xi32, #tpu.memory_space<vmem>>
        %dma_start3A_198 = arith.constant 0 : i32
        %dma_start3A_199 = arith.constant 0 : i32
        %dma_start3A_200 = tpu.memref_slice %arg18[%dma_start3A_198, %dma_start3A_199] : memref<10240x64xf32, #tpu.memory_space<vmem_shared>> -> memref<10240x64xf32, #tpu.memory_space<vmem_shared>>
        tpu.enqueue_indirect_dma source(%arg10 : memref<128x64xf32, #tpu.memory_space<vmem>>) target(%dma_start3A_200 : memref<10240x64xf32, #tpu.memory_space<vmem_shared>>) offsets(%dma_start3A_197 : memref<128xi32, #tpu.memory_space<vmem>>) semaphore(%run_scoped3A : memref<!tpu.dma_semaphore, #tpu.memory_space<semaphore_mem>>) {add = true}
        %dma_wait3A_201 = arith.constant 0 : i32
        %dma_wait3A_202 = tpu.memref_slice %arg9[%add3A_87, %dma_wait3A_201] : memref<80x128xi32, #tpu.memory_space<vmem>> -> memref<1x128xi32, #tpu.memory_space<vmem>>
        %dma_wait3A_203 = tpu.memref_squeeze %dma_wait3A_202 : memref<1x128xi32, #tpu.memory_space<vmem>> -> memref<128xi32, #tpu.memory_space<vmem>>
        %dma_wait3A_204 = arith.constant 0 : i32
        %dma_wait3A_205 = arith.constant 0 : i32
        %dma_wait3A_206 = tpu.memref_slice %arg18[%dma_wait3A_204, %dma_wait3A_205] : memref<10240x64xf32, #tpu.memory_space<vmem_shared>> -> memref<10240x64xf32, #tpu.memory_space<vmem_shared>>
        tpu.wait_indirect_dma semaphore(%run_scoped3A : memref<!tpu.dma_semaphore, #tpu.memory_space<semaphore_mem>>) src(%arg10 : memref<128x64xf32, #tpu.memory_space<vmem>>) dst(%dma_wait3A_206 : memref<10240x64xf32, #tpu.memory_space<vmem_shared>>)
        tpu.yield
      }) : () -> ()
      %add3A_93 = arith.constant 8 : i32
      %add3A_94 = arith.addi %add3A_87, %add3A_93 : i32
      %lt3A = arith.cmpi slt, %add3A_94, %mul3A_15 : i32
      %convert_element_type3A_95 = arith.extui %lt3A : i1 to i32
      %cond3A_96 = arith.constant 0 : i32
      %cond3A_97 = arith.cmpi ne, %convert_element_type3A_95, %cond3A_96 : i32
      scf.if %cond3A_97 {
        %add3A_196 = arith.constant 8 : i32
        %add3A_197 = arith.addi %add3A_87, %add3A_196 : i32
        %dma_start3A = arith.constant 0 : i32
        %dma_start3A_198 = tpu.memref_slice %arg8[%add3A_197, %dma_start3A] : memref<80x128xi32, #tpu.memory_space<vmem>> -> memref<1x128xi32, #tpu.memory_space<vmem>>
        %dma_start3A_199 = tpu.memref_squeeze %dma_start3A_198 : memref<1x128xi32, #tpu.memory_space<vmem>> -> memref<128xi32, #tpu.memory_space<vmem>>
        %dma_start3A_200 = arith.constant 0 : i32
        %dma_start3A_201 = arith.constant 0 : i32
        %dma_start3A_202 = tpu.memref_slice %arg3[%dma_start3A_200, %dma_start3A_201] : memref<10000x64xf32, #tpu.memory_space<hbm>> -> memref<10000x64xf32, #tpu.memory_space<hbm>>
        tpu.enqueue_indirect_dma source(%dma_start3A_202 : memref<10000x64xf32, #tpu.memory_space<hbm>>) target(%arg10 : memref<128x64xf32, #tpu.memory_space<vmem>>) offsets(%dma_start3A_199 : memref<128xi32, #tpu.memory_space<vmem>>) semaphore(%arg19 : memref<!tpu.dma_semaphore, #tpu.memory_space<semaphore_mem>>)
      } else {
      }
      %add3A_98 = arith.constant 1 : i32
      %add3A_99 = arith.addi %mul3A_85, %add3A_98 : i32
      %dma_wait3A_100 = arith.constant 0 : i32
      %dma_wait3A_101 = tpu.memref_slice %arg8[%add3A_99, %dma_wait3A_100] : memref<80x128xi32, #tpu.memory_space<vmem>> -> memref<1x128xi32, #tpu.memory_space<vmem>>
      %dma_wait3A_102 = tpu.memref_squeeze %dma_wait3A_101 : memref<1x128xi32, #tpu.memory_space<vmem>> -> memref<128xi32, #tpu.memory_space<vmem>>
      %dma_wait3A_103 = arith.constant 0 : i32
      %dma_wait3A_104 = arith.constant 0 : i32
      %dma_wait3A_105 = tpu.memref_slice %arg3[%dma_wait3A_103, %dma_wait3A_104] : memref<10000x64xf32, #tpu.memory_space<hbm>> -> memref<10000x64xf32, #tpu.memory_space<hbm>>
      tpu.wait_indirect_dma semaphore(%arg20 : memref<!tpu.dma_semaphore, #tpu.memory_space<semaphore_mem>>) src(%dma_wait3A_105 : memref<10000x64xf32, #tpu.memory_space<hbm>>) dst(%arg11 : memref<128x64xf32, #tpu.memory_space<vmem>>)
      "tpu.region"() ({
        %run_scoped3A = tpu.sem_alloc : memref<!tpu.dma_semaphore, #tpu.memory_space<semaphore_mem>>
        %dma_start3A = arith.constant 0 : i32
        %dma_start3A_196 = tpu.memref_slice %arg9[%add3A_99, %dma_start3A] : memref<80x128xi32, #tpu.memory_space<vmem>> -> memref<1x128xi32, #tpu.memory_space<vmem>>
        %dma_start3A_197 = tpu.memref_squeeze %dma_start3A_196 : memref<1x128xi32, #tpu.memory_space<vmem>> -> memref<128xi32, #tpu.memory_space<vmem>>
        %dma_start3A_198 = arith.constant 0 : i32
        %dma_start3A_199 = arith.constant 0 : i32
        %dma_start3A_200 = tpu.memref_slice %arg18[%dma_start3A_198, %dma_start3A_199] : memref<10240x64xf32, #tpu.memory_space<vmem_shared>> -> memref<10240x64xf32, #tpu.memory_space<vmem_shared>>
        tpu.enqueue_indirect_dma source(%arg11 : memref<128x64xf32, #tpu.memory_space<vmem>>) target(%dma_start3A_200 : memref<10240x64xf32, #tpu.memory_space<vmem_shared>>) offsets(%dma_start3A_197 : memref<128xi32, #tpu.memory_space<vmem>>) semaphore(%run_scoped3A : memref<!tpu.dma_semaphore, #tpu.memory_space<semaphore_mem>>) {add = true}
        %dma_wait3A_201 = arith.constant 0 : i32
        %dma_wait3A_202 = tpu.memref_slice %arg9[%add3A_99, %dma_wait3A_201] : memref<80x128xi32, #tpu.memory_space<vmem>> -> memref<1x128xi32, #tpu.memory_space<vmem>>
        %dma_wait3A_203 = tpu.memref_squeeze %dma_wait3A_202 : memref<1x128xi32, #tpu.memory_space<vmem>> -> memref<128xi32, #tpu.memory_space<vmem>>
        %dma_wait3A_204 = arith.constant 0 : i32
        %dma_wait3A_205 = arith.constant 0 : i32
        %dma_wait3A_206 = tpu.memref_slice %arg18[%dma_wait3A_204, %dma_wait3A_205] : memref<10240x64xf32, #tpu.memory_space<vmem_shared>> -> memref<10240x64xf32, #tpu.memory_space<vmem_shared>>
        tpu.wait_indirect_dma semaphore(%run_scoped3A : memref<!tpu.dma_semaphore, #tpu.memory_space<semaphore_mem>>) src(%arg11 : memref<128x64xf32, #tpu.memory_space<vmem>>) dst(%dma_wait3A_206 : memref<10240x64xf32, #tpu.memory_space<vmem_shared>>)
        tpu.yield
      }) : () -> ()
      %add3A_106 = arith.constant 8 : i32
      %add3A_107 = arith.addi %add3A_99, %add3A_106 : i32
      %lt3A_108 = arith.cmpi slt, %add3A_107, %mul3A_15 : i32
      %convert_element_type3A_109 = arith.extui %lt3A_108 : i1 to i32
      %cond3A_110 = arith.constant 0 : i32
      %cond3A_111 = arith.cmpi ne, %convert_element_type3A_109, %cond3A_110 : i32
      scf.if %cond3A_111 {
        %add3A_196 = arith.constant 8 : i32
        %add3A_197 = arith.addi %add3A_99, %add3A_196 : i32
        %dma_start3A = arith.constant 0 : i32
        %dma_start3A_198 = tpu.memref_slice %arg8[%add3A_197, %dma_start3A] : memref<80x128xi32, #tpu.memory_space<vmem>> -> memref<1x128xi32, #tpu.memory_space<vmem>>
        %dma_start3A_199 = tpu.memref_squeeze %dma_start3A_198 : memref<1x128xi32, #tpu.memory_space<vmem>> -> memref<128xi32, #tpu.memory_space<vmem>>
        %dma_start3A_200 = arith.constant 0 : i32
        %dma_start3A_201 = arith.constant 0 : i32
        %dma_start3A_202 = tpu.memref_slice %arg3[%dma_start3A_200, %dma_start3A_201] : memref<10000x64xf32, #tpu.memory_space<hbm>> -> memref<10000x64xf32, #tpu.memory_space<hbm>>
        tpu.enqueue_indirect_dma source(%dma_start3A_202 : memref<10000x64xf32, #tpu.memory_space<hbm>>) target(%arg11 : memref<128x64xf32, #tpu.memory_space<vmem>>) offsets(%dma_start3A_199 : memref<128xi32, #tpu.memory_space<vmem>>) semaphore(%arg20 : memref<!tpu.dma_semaphore, #tpu.memory_space<semaphore_mem>>)
      } else {
      }
      %add3A_112 = arith.constant 2 : i32
      %add3A_113 = arith.addi %mul3A_85, %add3A_112 : i32
      %dma_wait3A_114 = arith.constant 0 : i32
      %dma_wait3A_115 = tpu.memref_slice %arg8[%add3A_113, %dma_wait3A_114] : memref<80x128xi32, #tpu.memory_space<vmem>> -> memref<1x128xi32, #tpu.memory_space<vmem>>
      %dma_wait3A_116 = tpu.memref_squeeze %dma_wait3A_115 : memref<1x128xi32, #tpu.memory_space<vmem>> -> memref<128xi32, #tpu.memory_space<vmem>>
      %dma_wait3A_117 = arith.constant 0 : i32
      %dma_wait3A_118 = arith.constant 0 : i32
      %dma_wait3A_119 = tpu.memref_slice %arg3[%dma_wait3A_117, %dma_wait3A_118] : memref<10000x64xf32, #tpu.memory_space<hbm>> -> memref<10000x64xf32, #tpu.memory_space<hbm>>
      tpu.wait_indirect_dma semaphore(%arg21 : memref<!tpu.dma_semaphore, #tpu.memory_space<semaphore_mem>>) src(%dma_wait3A_119 : memref<10000x64xf32, #tpu.memory_space<hbm>>) dst(%arg12 : memref<128x64xf32, #tpu.memory_space<vmem>>)
      "tpu.region"() ({
        %run_scoped3A = tpu.sem_alloc : memref<!tpu.dma_semaphore, #tpu.memory_space<semaphore_mem>>
        %dma_start3A = arith.constant 0 : i32
        %dma_start3A_196 = tpu.memref_slice %arg9[%add3A_113, %dma_start3A] : memref<80x128xi32, #tpu.memory_space<vmem>> -> memref<1x128xi32, #tpu.memory_space<vmem>>
        %dma_start3A_197 = tpu.memref_squeeze %dma_start3A_196 : memref<1x128xi32, #tpu.memory_space<vmem>> -> memref<128xi32, #tpu.memory_space<vmem>>
        %dma_start3A_198 = arith.constant 0 : i32
        %dma_start3A_199 = arith.constant 0 : i32
        %dma_start3A_200 = tpu.memref_slice %arg18[%dma_start3A_198, %dma_start3A_199] : memref<10240x64xf32, #tpu.memory_space<vmem_shared>> -> memref<10240x64xf32, #tpu.memory_space<vmem_shared>>
        tpu.enqueue_indirect_dma source(%arg12 : memref<128x64xf32, #tpu.memory_space<vmem>>) target(%dma_start3A_200 : memref<10240x64xf32, #tpu.memory_space<vmem_shared>>) offsets(%dma_start3A_197 : memref<128xi32, #tpu.memory_space<vmem>>) semaphore(%run_scoped3A : memref<!tpu.dma_semaphore, #tpu.memory_space<semaphore_mem>>) {add = true}
        %dma_wait3A_201 = arith.constant 0 : i32
        %dma_wait3A_202 = tpu.memref_slice %arg9[%add3A_113, %dma_wait3A_201] : memref<80x128xi32, #tpu.memory_space<vmem>> -> memref<1x128xi32, #tpu.memory_space<vmem>>
        %dma_wait3A_203 = tpu.memref_squeeze %dma_wait3A_202 : memref<1x128xi32, #tpu.memory_space<vmem>> -> memref<128xi32, #tpu.memory_space<vmem>>
        %dma_wait3A_204 = arith.constant 0 : i32
        %dma_wait3A_205 = arith.constant 0 : i32
        %dma_wait3A_206 = tpu.memref_slice %arg18[%dma_wait3A_204, %dma_wait3A_205] : memref<10240x64xf32, #tpu.memory_space<vmem_shared>> -> memref<10240x64xf32, #tpu.memory_space<vmem_shared>>
        tpu.wait_indirect_dma semaphore(%run_scoped3A : memref<!tpu.dma_semaphore, #tpu.memory_space<semaphore_mem>>) src(%arg12 : memref<128x64xf32, #tpu.memory_space<vmem>>) dst(%dma_wait3A_206 : memref<10240x64xf32, #tpu.memory_space<vmem_shared>>)
        tpu.yield
      }) : () -> ()
      %add3A_120 = arith.constant 8 : i32
      %add3A_121 = arith.addi %add3A_113, %add3A_120 : i32
      %lt3A_122 = arith.cmpi slt, %add3A_121, %mul3A_15 : i32
      %convert_element_type3A_123 = arith.extui %lt3A_122 : i1 to i32
      %cond3A_124 = arith.constant 0 : i32
      %cond3A_125 = arith.cmpi ne, %convert_element_type3A_123, %cond3A_124 : i32
      scf.if %cond3A_125 {
        %add3A_196 = arith.constant 8 : i32
        %add3A_197 = arith.addi %add3A_113, %add3A_196 : i32
        %dma_start3A = arith.constant 0 : i32
        %dma_start3A_198 = tpu.memref_slice %arg8[%add3A_197, %dma_start3A] : memref<80x128xi32, #tpu.memory_space<vmem>> -> memref<1x128xi32, #tpu.memory_space<vmem>>
        %dma_start3A_199 = tpu.memref_squeeze %dma_start3A_198 : memref<1x128xi32, #tpu.memory_space<vmem>> -> memref<128xi32, #tpu.memory_space<vmem>>
        %dma_start3A_200 = arith.constant 0 : i32
        %dma_start3A_201 = arith.constant 0 : i32
        %dma_start3A_202 = tpu.memref_slice %arg3[%dma_start3A_200, %dma_start3A_201] : memref<10000x64xf32, #tpu.memory_space<hbm>> -> memref<10000x64xf32, #tpu.memory_space<hbm>>
        tpu.enqueue_indirect_dma source(%dma_start3A_202 : memref<10000x64xf32, #tpu.memory_space<hbm>>) target(%arg12 : memref<128x64xf32, #tpu.memory_space<vmem>>) offsets(%dma_start3A_199 : memref<128xi32, #tpu.memory_space<vmem>>) semaphore(%arg21 : memref<!tpu.dma_semaphore, #tpu.memory_space<semaphore_mem>>)
      } else {
      }
      %add3A_126 = arith.constant 3 : i32
      %add3A_127 = arith.addi %mul3A_85, %add3A_126 : i32
      %dma_wait3A_128 = arith.constant 0 : i32
      %dma_wait3A_129 = tpu.memref_slice %arg8[%add3A_127, %dma_wait3A_128] : memref<80x128xi32, #tpu.memory_space<vmem>> -> memref<1x128xi32, #tpu.memory_space<vmem>>
      %dma_wait3A_130 = tpu.memref_squeeze %dma_wait3A_129 : memref<1x128xi32, #tpu.memory_space<vmem>> -> memref<128xi32, #tpu.memory_space<vmem>>
      %dma_wait3A_131 = arith.constant 0 : i32
      %dma_wait3A_132 = arith.constant 0 : i32
      %dma_wait3A_133 = tpu.memref_slice %arg3[%dma_wait3A_131, %dma_wait3A_132] : memref<10000x64xf32, #tpu.memory_space<hbm>> -> memref<10000x64xf32, #tpu.memory_space<hbm>>
      tpu.wait_indirect_dma semaphore(%arg22 : memref<!tpu.dma_semaphore, #tpu.memory_space<semaphore_mem>>) src(%dma_wait3A_133 : memref<10000x64xf32, #tpu.memory_space<hbm>>) dst(%arg13 : memref<128x64xf32, #tpu.memory_space<vmem>>)
      "tpu.region"() ({
        %run_scoped3A = tpu.sem_alloc : memref<!tpu.dma_semaphore, #tpu.memory_space<semaphore_mem>>
        %dma_start3A = arith.constant 0 : i32
        %dma_start3A_196 = tpu.memref_slice %arg9[%add3A_127, %dma_start3A] : memref<80x128xi32, #tpu.memory_space<vmem>> -> memref<1x128xi32, #tpu.memory_space<vmem>>
        %dma_start3A_197 = tpu.memref_squeeze %dma_start3A_196 : memref<1x128xi32, #tpu.memory_space<vmem>> -> memref<128xi32, #tpu.memory_space<vmem>>
        %dma_start3A_198 = arith.constant 0 : i32
        %dma_start3A_199 = arith.constant 0 : i32
        %dma_start3A_200 = tpu.memref_slice %arg18[%dma_start3A_198, %dma_start3A_199] : memref<10240x64xf32, #tpu.memory_space<vmem_shared>> -> memref<10240x64xf32, #tpu.memory_space<vmem_shared>>
        tpu.enqueue_indirect_dma source(%arg13 : memref<128x64xf32, #tpu.memory_space<vmem>>) target(%dma_start3A_200 : memref<10240x64xf32, #tpu.memory_space<vmem_shared>>) offsets(%dma_start3A_197 : memref<128xi32, #tpu.memory_space<vmem>>) semaphore(%run_scoped3A : memref<!tpu.dma_semaphore, #tpu.memory_space<semaphore_mem>>) {add = true}
        %dma_wait3A_201 = arith.constant 0 : i32
        %dma_wait3A_202 = tpu.memref_slice %arg9[%add3A_127, %dma_wait3A_201] : memref<80x128xi32, #tpu.memory_space<vmem>> -> memref<1x128xi32, #tpu.memory_space<vmem>>
        %dma_wait3A_203 = tpu.memref_squeeze %dma_wait3A_202 : memref<1x128xi32, #tpu.memory_space<vmem>> -> memref<128xi32, #tpu.memory_space<vmem>>
        %dma_wait3A_204 = arith.constant 0 : i32
        %dma_wait3A_205 = arith.constant 0 : i32
        %dma_wait3A_206 = tpu.memref_slice %arg18[%dma_wait3A_204, %dma_wait3A_205] : memref<10240x64xf32, #tpu.memory_space<vmem_shared>> -> memref<10240x64xf32, #tpu.memory_space<vmem_shared>>
        tpu.wait_indirect_dma semaphore(%run_scoped3A : memref<!tpu.dma_semaphore, #tpu.memory_space<semaphore_mem>>) src(%arg13 : memref<128x64xf32, #tpu.memory_space<vmem>>) dst(%dma_wait3A_206 : memref<10240x64xf32, #tpu.memory_space<vmem_shared>>)
        tpu.yield
      }) : () -> ()
      %add3A_134 = arith.constant 8 : i32
      %add3A_135 = arith.addi %add3A_127, %add3A_134 : i32
      %lt3A_136 = arith.cmpi slt, %add3A_135, %mul3A_15 : i32
      %convert_element_type3A_137 = arith.extui %lt3A_136 : i1 to i32
      %cond3A_138 = arith.constant 0 : i32
      %cond3A_139 = arith.cmpi ne, %convert_element_type3A_137, %cond3A_138 : i32
      scf.if %cond3A_139 {
        %add3A_196 = arith.constant 8 : i32
        %add3A_197 = arith.addi %add3A_127, %add3A_196 : i32
        %dma_start3A = arith.constant 0 : i32
        %dma_start3A_198 = tpu.memref_slice %arg8[%add3A_197, %dma_start3A] : memref<80x128xi32, #tpu.memory_space<vmem>> -> memref<1x128xi32, #tpu.memory_space<vmem>>
        %dma_start3A_199 = tpu.memref_squeeze %dma_start3A_198 : memref<1x128xi32, #tpu.memory_space<vmem>> -> memref<128xi32, #tpu.memory_space<vmem>>
        %dma_start3A_200 = arith.constant 0 : i32
        %dma_start3A_201 = arith.constant 0 : i32
        %dma_start3A_202 = tpu.memref_slice %arg3[%dma_start3A_200, %dma_start3A_201] : memref<10000x64xf32, #tpu.memory_space<hbm>> -> memref<10000x64xf32, #tpu.memory_space<hbm>>
        tpu.enqueue_indirect_dma source(%dma_start3A_202 : memref<10000x64xf32, #tpu.memory_space<hbm>>) target(%arg13 : memref<128x64xf32, #tpu.memory_space<vmem>>) offsets(%dma_start3A_199 : memref<128xi32, #tpu.memory_space<vmem>>) semaphore(%arg22 : memref<!tpu.dma_semaphore, #tpu.memory_space<semaphore_mem>>)
      } else {
      }
      %add3A_140 = arith.constant 4 : i32
      %add3A_141 = arith.addi %mul3A_85, %add3A_140 : i32
      %dma_wait3A_142 = arith.constant 0 : i32
      %dma_wait3A_143 = tpu.memref_slice %arg8[%add3A_141, %dma_wait3A_142] : memref<80x128xi32, #tpu.memory_space<vmem>> -> memref<1x128xi32, #tpu.memory_space<vmem>>
      %dma_wait3A_144 = tpu.memref_squeeze %dma_wait3A_143 : memref<1x128xi32, #tpu.memory_space<vmem>> -> memref<128xi32, #tpu.memory_space<vmem>>
      %dma_wait3A_145 = arith.constant 0 : i32
      %dma_wait3A_146 = arith.constant 0 : i32
      %dma_wait3A_147 = tpu.memref_slice %arg3[%dma_wait3A_145, %dma_wait3A_146] : memref<10000x64xf32, #tpu.memory_space<hbm>> -> memref<10000x64xf32, #tpu.memory_space<hbm>>
      tpu.wait_indirect_dma semaphore(%arg23 : memref<!tpu.dma_semaphore, #tpu.memory_space<semaphore_mem>>) src(%dma_wait3A_147 : memref<10000x64xf32, #tpu.memory_space<hbm>>) dst(%arg14 : memref<128x64xf32, #tpu.memory_space<vmem>>)
      "tpu.region"() ({
        %run_scoped3A = tpu.sem_alloc : memref<!tpu.dma_semaphore, #tpu.memory_space<semaphore_mem>>
        %dma_start3A = arith.constant 0 : i32
        %dma_start3A_196 = tpu.memref_slice %arg9[%add3A_141, %dma_start3A] : memref<80x128xi32, #tpu.memory_space<vmem>> -> memref<1x128xi32, #tpu.memory_space<vmem>>
        %dma_start3A_197 = tpu.memref_squeeze %dma_start3A_196 : memref<1x128xi32, #tpu.memory_space<vmem>> -> memref<128xi32, #tpu.memory_space<vmem>>
        %dma_start3A_198 = arith.constant 0 : i32
        %dma_start3A_199 = arith.constant 0 : i32
        %dma_start3A_200 = tpu.memref_slice %arg18[%dma_start3A_198, %dma_start3A_199] : memref<10240x64xf32, #tpu.memory_space<vmem_shared>> -> memref<10240x64xf32, #tpu.memory_space<vmem_shared>>
        tpu.enqueue_indirect_dma source(%arg14 : memref<128x64xf32, #tpu.memory_space<vmem>>) target(%dma_start3A_200 : memref<10240x64xf32, #tpu.memory_space<vmem_shared>>) offsets(%dma_start3A_197 : memref<128xi32, #tpu.memory_space<vmem>>) semaphore(%run_scoped3A : memref<!tpu.dma_semaphore, #tpu.memory_space<semaphore_mem>>) {add = true}
        %dma_wait3A_201 = arith.constant 0 : i32
        %dma_wait3A_202 = tpu.memref_slice %arg9[%add3A_141, %dma_wait3A_201] : memref<80x128xi32, #tpu.memory_space<vmem>> -> memref<1x128xi32, #tpu.memory_space<vmem>>
        %dma_wait3A_203 = tpu.memref_squeeze %dma_wait3A_202 : memref<1x128xi32, #tpu.memory_space<vmem>> -> memref<128xi32, #tpu.memory_space<vmem>>
        %dma_wait3A_204 = arith.constant 0 : i32
        %dma_wait3A_205 = arith.constant 0 : i32
        %dma_wait3A_206 = tpu.memref_slice %arg18[%dma_wait3A_204, %dma_wait3A_205] : memref<10240x64xf32, #tpu.memory_space<vmem_shared>> -> memref<10240x64xf32, #tpu.memory_space<vmem_shared>>
        tpu.wait_indirect_dma semaphore(%run_scoped3A : memref<!tpu.dma_semaphore, #tpu.memory_space<semaphore_mem>>) src(%arg14 : memref<128x64xf32, #tpu.memory_space<vmem>>) dst(%dma_wait3A_206 : memref<10240x64xf32, #tpu.memory_space<vmem_shared>>)
        tpu.yield
      }) : () -> ()
      %add3A_148 = arith.constant 8 : i32
      %add3A_149 = arith.addi %add3A_141, %add3A_148 : i32
      %lt3A_150 = arith.cmpi slt, %add3A_149, %mul3A_15 : i32
      %convert_element_type3A_151 = arith.extui %lt3A_150 : i1 to i32
      %cond3A_152 = arith.constant 0 : i32
      %cond3A_153 = arith.cmpi ne, %convert_element_type3A_151, %cond3A_152 : i32
      scf.if %cond3A_153 {
        %add3A_196 = arith.constant 8 : i32
        %add3A_197 = arith.addi %add3A_141, %add3A_196 : i32
        %dma_start3A = arith.constant 0 : i32
        %dma_start3A_198 = tpu.memref_slice %arg8[%add3A_197, %dma_start3A] : memref<80x128xi32, #tpu.memory_space<vmem>> -> memref<1x128xi32, #tpu.memory_space<vmem>>
        %dma_start3A_199 = tpu.memref_squeeze %dma_start3A_198 : memref<1x128xi32, #tpu.memory_space<vmem>> -> memref<128xi32, #tpu.memory_space<vmem>>
        %dma_start3A_200 = arith.constant 0 : i32
        %dma_start3A_201 = arith.constant 0 : i32
        %dma_start3A_202 = tpu.memref_slice %arg3[%dma_start3A_200, %dma_start3A_201] : memref<10000x64xf32, #tpu.memory_space<hbm>> -> memref<10000x64xf32, #tpu.memory_space<hbm>>
        tpu.enqueue_indirect_dma source(%dma_start3A_202 : memref<10000x64xf32, #tpu.memory_space<hbm>>) target(%arg14 : memref<128x64xf32, #tpu.memory_space<vmem>>) offsets(%dma_start3A_199 : memref<128xi32, #tpu.memory_space<vmem>>) semaphore(%arg23 : memref<!tpu.dma_semaphore, #tpu.memory_space<semaphore_mem>>)
      } else {
      }
      %add3A_154 = arith.constant 5 : i32
      %add3A_155 = arith.addi %mul3A_85, %add3A_154 : i32
      %dma_wait3A_156 = arith.constant 0 : i32
      %dma_wait3A_157 = tpu.memref_slice %arg8[%add3A_155, %dma_wait3A_156] : memref<80x128xi32, #tpu.memory_space<vmem>> -> memref<1x128xi32, #tpu.memory_space<vmem>>
      %dma_wait3A_158 = tpu.memref_squeeze %dma_wait3A_157 : memref<1x128xi32, #tpu.memory_space<vmem>> -> memref<128xi32, #tpu.memory_space<vmem>>
      %dma_wait3A_159 = arith.constant 0 : i32
      %dma_wait3A_160 = arith.constant 0 : i32
      %dma_wait3A_161 = tpu.memref_slice %arg3[%dma_wait3A_159, %dma_wait3A_160] : memref<10000x64xf32, #tpu.memory_space<hbm>> -> memref<10000x64xf32, #tpu.memory_space<hbm>>
      tpu.wait_indirect_dma semaphore(%arg24 : memref<!tpu.dma_semaphore, #tpu.memory_space<semaphore_mem>>) src(%dma_wait3A_161 : memref<10000x64xf32, #tpu.memory_space<hbm>>) dst(%arg15 : memref<128x64xf32, #tpu.memory_space<vmem>>)
      "tpu.region"() ({
        %run_scoped3A = tpu.sem_alloc : memref<!tpu.dma_semaphore, #tpu.memory_space<semaphore_mem>>
        %dma_start3A = arith.constant 0 : i32
        %dma_start3A_196 = tpu.memref_slice %arg9[%add3A_155, %dma_start3A] : memref<80x128xi32, #tpu.memory_space<vmem>> -> memref<1x128xi32, #tpu.memory_space<vmem>>
        %dma_start3A_197 = tpu.memref_squeeze %dma_start3A_196 : memref<1x128xi32, #tpu.memory_space<vmem>> -> memref<128xi32, #tpu.memory_space<vmem>>
        %dma_start3A_198 = arith.constant 0 : i32
        %dma_start3A_199 = arith.constant 0 : i32
        %dma_start3A_200 = tpu.memref_slice %arg18[%dma_start3A_198, %dma_start3A_199] : memref<10240x64xf32, #tpu.memory_space<vmem_shared>> -> memref<10240x64xf32, #tpu.memory_space<vmem_shared>>
        tpu.enqueue_indirect_dma source(%arg15 : memref<128x64xf32, #tpu.memory_space<vmem>>) target(%dma_start3A_200 : memref<10240x64xf32, #tpu.memory_space<vmem_shared>>) offsets(%dma_start3A_197 : memref<128xi32, #tpu.memory_space<vmem>>) semaphore(%run_scoped3A : memref<!tpu.dma_semaphore, #tpu.memory_space<semaphore_mem>>) {add = true}
        %dma_wait3A_201 = arith.constant 0 : i32
        %dma_wait3A_202 = tpu.memref_slice %arg9[%add3A_155, %dma_wait3A_201] : memref<80x128xi32, #tpu.memory_space<vmem>> -> memref<1x128xi32, #tpu.memory_space<vmem>>
        %dma_wait3A_203 = tpu.memref_squeeze %dma_wait3A_202 : memref<1x128xi32, #tpu.memory_space<vmem>> -> memref<128xi32, #tpu.memory_space<vmem>>
        %dma_wait3A_204 = arith.constant 0 : i32
        %dma_wait3A_205 = arith.constant 0 : i32
        %dma_wait3A_206 = tpu.memref_slice %arg18[%dma_wait3A_204, %dma_wait3A_205] : memref<10240x64xf32, #tpu.memory_space<vmem_shared>> -> memref<10240x64xf32, #tpu.memory_space<vmem_shared>>
        tpu.wait_indirect_dma semaphore(%run_scoped3A : memref<!tpu.dma_semaphore, #tpu.memory_space<semaphore_mem>>) src(%arg15 : memref<128x64xf32, #tpu.memory_space<vmem>>) dst(%dma_wait3A_206 : memref<10240x64xf32, #tpu.memory_space<vmem_shared>>)
        tpu.yield
      }) : () -> ()
      %add3A_162 = arith.constant 8 : i32
      %add3A_163 = arith.addi %add3A_155, %add3A_162 : i32
      %lt3A_164 = arith.cmpi slt, %add3A_163, %mul3A_15 : i32
      %convert_element_type3A_165 = arith.extui %lt3A_164 : i1 to i32
      %cond3A_166 = arith.constant 0 : i32
      %cond3A_167 = arith.cmpi ne, %convert_element_type3A_165, %cond3A_166 : i32
      scf.if %cond3A_167 {
        %add3A_196 = arith.constant 8 : i32
        %add3A_197 = arith.addi %add3A_155, %add3A_196 : i32
        %dma_start3A = arith.constant 0 : i32
        %dma_start3A_198 = tpu.memref_slice %arg8[%add3A_197, %dma_start3A] : memref<80x128xi32, #tpu.memory_space<vmem>> -> memref<1x128xi32, #tpu.memory_space<vmem>>
        %dma_start3A_199 = tpu.memref_squeeze %dma_start3A_198 : memref<1x128xi32, #tpu.memory_space<vmem>> -> memref<128xi32, #tpu.memory_space<vmem>>
        %dma_start3A_200 = arith.constant 0 : i32
        %dma_start3A_201 = arith.constant 0 : i32
        %dma_start3A_202 = tpu.memref_slice %arg3[%dma_start3A_200, %dma_start3A_201] : memref<10000x64xf32, #tpu.memory_space<hbm>> -> memref<10000x64xf32, #tpu.memory_space<hbm>>
        tpu.enqueue_indirect_dma source(%dma_start3A_202 : memref<10000x64xf32, #tpu.memory_space<hbm>>) target(%arg15 : memref<128x64xf32, #tpu.memory_space<vmem>>) offsets(%dma_start3A_199 : memref<128xi32, #tpu.memory_space<vmem>>) semaphore(%arg24 : memref<!tpu.dma_semaphore, #tpu.memory_space<semaphore_mem>>)
      } else {
      }
      %add3A_168 = arith.constant 6 : i32
      %add3A_169 = arith.addi %mul3A_85, %add3A_168 : i32
      %dma_wait3A_170 = arith.constant 0 : i32
      %dma_wait3A_171 = tpu.memref_slice %arg8[%add3A_169, %dma_wait3A_170] : memref<80x128xi32, #tpu.memory_space<vmem>> -> memref<1x128xi32, #tpu.memory_space<vmem>>
      %dma_wait3A_172 = tpu.memref_squeeze %dma_wait3A_171 : memref<1x128xi32, #tpu.memory_space<vmem>> -> memref<128xi32, #tpu.memory_space<vmem>>
      %dma_wait3A_173 = arith.constant 0 : i32
      %dma_wait3A_174 = arith.constant 0 : i32
      %dma_wait3A_175 = tpu.memref_slice %arg3[%dma_wait3A_173, %dma_wait3A_174] : memref<10000x64xf32, #tpu.memory_space<hbm>> -> memref<10000x64xf32, #tpu.memory_space<hbm>>
      tpu.wait_indirect_dma semaphore(%arg25 : memref<!tpu.dma_semaphore, #tpu.memory_space<semaphore_mem>>) src(%dma_wait3A_175 : memref<10000x64xf32, #tpu.memory_space<hbm>>) dst(%arg16 : memref<128x64xf32, #tpu.memory_space<vmem>>)
      "tpu.region"() ({
        %run_scoped3A = tpu.sem_alloc : memref<!tpu.dma_semaphore, #tpu.memory_space<semaphore_mem>>
        %dma_start3A = arith.constant 0 : i32
        %dma_start3A_196 = tpu.memref_slice %arg9[%add3A_169, %dma_start3A] : memref<80x128xi32, #tpu.memory_space<vmem>> -> memref<1x128xi32, #tpu.memory_space<vmem>>
        %dma_start3A_197 = tpu.memref_squeeze %dma_start3A_196 : memref<1x128xi32, #tpu.memory_space<vmem>> -> memref<128xi32, #tpu.memory_space<vmem>>
        %dma_start3A_198 = arith.constant 0 : i32
        %dma_start3A_199 = arith.constant 0 : i32
        %dma_start3A_200 = tpu.memref_slice %arg18[%dma_start3A_198, %dma_start3A_199] : memref<10240x64xf32, #tpu.memory_space<vmem_shared>> -> memref<10240x64xf32, #tpu.memory_space<vmem_shared>>
        tpu.enqueue_indirect_dma source(%arg16 : memref<128x64xf32, #tpu.memory_space<vmem>>) target(%dma_start3A_200 : memref<10240x64xf32, #tpu.memory_space<vmem_shared>>) offsets(%dma_start3A_197 : memref<128xi32, #tpu.memory_space<vmem>>) semaphore(%run_scoped3A : memref<!tpu.dma_semaphore, #tpu.memory_space<semaphore_mem>>) {add = true}
        %dma_wait3A_201 = arith.constant 0 : i32
        %dma_wait3A_202 = tpu.memref_slice %arg9[%add3A_169, %dma_wait3A_201] : memref<80x128xi32, #tpu.memory_space<vmem>> -> memref<1x128xi32, #tpu.memory_space<vmem>>
        %dma_wait3A_203 = tpu.memref_squeeze %dma_wait3A_202 : memref<1x128xi32, #tpu.memory_space<vmem>> -> memref<128xi32, #tpu.memory_space<vmem>>
        %dma_wait3A_204 = arith.constant 0 : i32
        %dma_wait3A_205 = arith.constant 0 : i32
        %dma_wait3A_206 = tpu.memref_slice %arg18[%dma_wait3A_204, %dma_wait3A_205] : memref<10240x64xf32, #tpu.memory_space<vmem_shared>> -> memref<10240x64xf32, #tpu.memory_space<vmem_shared>>
        tpu.wait_indirect_dma semaphore(%run_scoped3A : memref<!tpu.dma_semaphore, #tpu.memory_space<semaphore_mem>>) src(%arg16 : memref<128x64xf32, #tpu.memory_space<vmem>>) dst(%dma_wait3A_206 : memref<10240x64xf32, #tpu.memory_space<vmem_shared>>)
        tpu.yield
      }) : () -> ()
      %add3A_176 = arith.constant 8 : i32
      %add3A_177 = arith.addi %add3A_169, %add3A_176 : i32
      %lt3A_178 = arith.cmpi slt, %add3A_177, %mul3A_15 : i32
      %convert_element_type3A_179 = arith.extui %lt3A_178 : i1 to i32
      %cond3A_180 = arith.constant 0 : i32
      %cond3A_181 = arith.cmpi ne, %convert_element_type3A_179, %cond3A_180 : i32
      scf.if %cond3A_181 {
        %add3A_196 = arith.constant 8 : i32
        %add3A_197 = arith.addi %add3A_169, %add3A_196 : i32
        %dma_start3A = arith.constant 0 : i32
        %dma_start3A_198 = tpu.memref_slice %arg8[%add3A_197, %dma_start3A] : memref<80x128xi32, #tpu.memory_space<vmem>> -> memref<1x128xi32, #tpu.memory_space<vmem>>
        %dma_start3A_199 = tpu.memref_squeeze %dma_start3A_198 : memref<1x128xi32, #tpu.memory_space<vmem>> -> memref<128xi32, #tpu.memory_space<vmem>>
        %dma_start3A_200 = arith.constant 0 : i32
        %dma_start3A_201 = arith.constant 0 : i32
        %dma_start3A_202 = tpu.memref_slice %arg3[%dma_start3A_200, %dma_start3A_201] : memref<10000x64xf32, #tpu.memory_space<hbm>> -> memref<10000x64xf32, #tpu.memory_space<hbm>>
        tpu.enqueue_indirect_dma source(%dma_start3A_202 : memref<10000x64xf32, #tpu.memory_space<hbm>>) target(%arg16 : memref<128x64xf32, #tpu.memory_space<vmem>>) offsets(%dma_start3A_199 : memref<128xi32, #tpu.memory_space<vmem>>) semaphore(%arg25 : memref<!tpu.dma_semaphore, #tpu.memory_space<semaphore_mem>>)
      } else {
      }
      %add3A_182 = arith.constant 7 : i32
      %add3A_183 = arith.addi %mul3A_85, %add3A_182 : i32
      %dma_wait3A_184 = arith.constant 0 : i32
      %dma_wait3A_185 = tpu.memref_slice %arg8[%add3A_183, %dma_wait3A_184] : memref<80x128xi32, #tpu.memory_space<vmem>> -> memref<1x128xi32, #tpu.memory_space<vmem>>
      %dma_wait3A_186 = tpu.memref_squeeze %dma_wait3A_185 : memref<1x128xi32, #tpu.memory_space<vmem>> -> memref<128xi32, #tpu.memory_space<vmem>>
      %dma_wait3A_187 = arith.constant 0 : i32
      %dma_wait3A_188 = arith.constant 0 : i32
      %dma_wait3A_189 = tpu.memref_slice %arg3[%dma_wait3A_187, %dma_wait3A_188] : memref<10000x64xf32, #tpu.memory_space<hbm>> -> memref<10000x64xf32, #tpu.memory_space<hbm>>
      tpu.wait_indirect_dma semaphore(%arg26 : memref<!tpu.dma_semaphore, #tpu.memory_space<semaphore_mem>>) src(%dma_wait3A_189 : memref<10000x64xf32, #tpu.memory_space<hbm>>) dst(%arg17 : memref<128x64xf32, #tpu.memory_space<vmem>>)
      "tpu.region"() ({
        %run_scoped3A = tpu.sem_alloc : memref<!tpu.dma_semaphore, #tpu.memory_space<semaphore_mem>>
        %dma_start3A = arith.constant 0 : i32
        %dma_start3A_196 = tpu.memref_slice %arg9[%add3A_183, %dma_start3A] : memref<80x128xi32, #tpu.memory_space<vmem>> -> memref<1x128xi32, #tpu.memory_space<vmem>>
        %dma_start3A_197 = tpu.memref_squeeze %dma_start3A_196 : memref<1x128xi32, #tpu.memory_space<vmem>> -> memref<128xi32, #tpu.memory_space<vmem>>
        %dma_start3A_198 = arith.constant 0 : i32
        %dma_start3A_199 = arith.constant 0 : i32
        %dma_start3A_200 = tpu.memref_slice %arg18[%dma_start3A_198, %dma_start3A_199] : memref<10240x64xf32, #tpu.memory_space<vmem_shared>> -> memref<10240x64xf32, #tpu.memory_space<vmem_shared>>
        tpu.enqueue_indirect_dma source(%arg17 : memref<128x64xf32, #tpu.memory_space<vmem>>) target(%dma_start3A_200 : memref<10240x64xf32, #tpu.memory_space<vmem_shared>>) offsets(%dma_start3A_197 : memref<128xi32, #tpu.memory_space<vmem>>) semaphore(%run_scoped3A : memref<!tpu.dma_semaphore, #tpu.memory_space<semaphore_mem>>) {add = true}
        %dma_wait3A_201 = arith.constant 0 : i32
        %dma_wait3A_202 = tpu.memref_slice %arg9[%add3A_183, %dma_wait3A_201] : memref<80x128xi32, #tpu.memory_space<vmem>> -> memref<1x128xi32, #tpu.memory_space<vmem>>
        %dma_wait3A_203 = tpu.memref_squeeze %dma_wait3A_202 : memref<1x128xi32, #tpu.memory_space<vmem>> -> memref<128xi32, #tpu.memory_space<vmem>>
        %dma_wait3A_204 = arith.constant 0 : i32
        %dma_wait3A_205 = arith.constant 0 : i32
        %dma_wait3A_206 = tpu.memref_slice %arg18[%dma_wait3A_204, %dma_wait3A_205] : memref<10240x64xf32, #tpu.memory_space<vmem_shared>> -> memref<10240x64xf32, #tpu.memory_space<vmem_shared>>
        tpu.wait_indirect_dma semaphore(%run_scoped3A : memref<!tpu.dma_semaphore, #tpu.memory_space<semaphore_mem>>) src(%arg17 : memref<128x64xf32, #tpu.memory_space<vmem>>) dst(%dma_wait3A_206 : memref<10240x64xf32, #tpu.memory_space<vmem_shared>>)
        tpu.yield
      }) : () -> ()
      %add3A_190 = arith.constant 8 : i32
      %add3A_191 = arith.addi %add3A_183, %add3A_190 : i32
      %lt3A_192 = arith.cmpi slt, %add3A_191, %mul3A_15 : i32
      %convert_element_type3A_193 = arith.extui %lt3A_192 : i1 to i32
      %cond3A_194 = arith.constant 0 : i32
      %cond3A_195 = arith.cmpi ne, %convert_element_type3A_193, %cond3A_194 : i32
      scf.if %cond3A_195 {
        %add3A_196 = arith.constant 8 : i32
        %add3A_197 = arith.addi %add3A_183, %add3A_196 : i32
        %dma_start3A = arith.constant 0 : i32
        %dma_start3A_198 = tpu.memref_slice %arg8[%add3A_197, %dma_start3A] : memref<80x128xi32, #tpu.memory_space<vmem>> -> memref<1x128xi32, #tpu.memory_space<vmem>>
        %dma_start3A_199 = tpu.memref_squeeze %dma_start3A_198 : memref<1x128xi32, #tpu.memory_space<vmem>> -> memref<128xi32, #tpu.memory_space<vmem>>
        %dma_start3A_200 = arith.constant 0 : i32
        %dma_start3A_201 = arith.constant 0 : i32
        %dma_start3A_202 = tpu.memref_slice %arg3[%dma_start3A_200, %dma_start3A_201] : memref<10000x64xf32, #tpu.memory_space<hbm>> -> memref<10000x64xf32, #tpu.memory_space<hbm>>
        tpu.enqueue_indirect_dma source(%dma_start3A_202 : memref<10000x64xf32, #tpu.memory_space<hbm>>) target(%arg17 : memref<128x64xf32, #tpu.memory_space<vmem>>) offsets(%dma_start3A_199 : memref<128xi32, #tpu.memory_space<vmem>>) semaphore(%arg26 : memref<!tpu.dma_semaphore, #tpu.memory_space<semaphore_mem>>)
      } else {
      }
    }
    %while3A_74 = arith.constant 1 : i32
    scf.for %while3A_83 = %while3A_72 to %while3A_68 step %while3A_74  : i32 {
      %mul3A_84 = arith.constant 8 : i32
      %mul3A_85 = arith.muli %while3A_83, %mul3A_84 : i32
      %add3A_86 = arith.constant 0 : i32
      %add3A_87 = arith.addi %mul3A_85, %add3A_86 : i32
      %dma_wait3A = arith.constant 0 : i32
      %dma_wait3A_88 = tpu.memref_slice %arg8[%add3A_87, %dma_wait3A] : memref<80x128xi32, #tpu.memory_space<vmem>> -> memref<1x128xi32, #tpu.memory_space<vmem>>
      %dma_wait3A_89 = tpu.memref_squeeze %dma_wait3A_88 : memref<1x128xi32, #tpu.memory_space<vmem>> -> memref<128xi32, #tpu.memory_space<vmem>>
      %dma_wait3A_90 = arith.constant 0 : i32
      %dma_wait3A_91 = arith.constant 0 : i32
      %dma_wait3A_92 = tpu.memref_slice %arg3[%dma_wait3A_90, %dma_wait3A_91] : memref<10000x64xf32, #tpu.memory_space<hbm>> -> memref<10000x64xf32, #tpu.memory_space<hbm>>
      tpu.wait_indirect_dma semaphore(%arg19 : memref<!tpu.dma_semaphore, #tpu.memory_space<semaphore_mem>>) src(%dma_wait3A_92 : memref<10000x64xf32, #tpu.memory_space<hbm>>) dst(%arg10 : memref<128x64xf32, #tpu.memory_space<vmem>>)
      "tpu.region"() ({
        %run_scoped3A = tpu.sem_alloc : memref<!tpu.dma_semaphore, #tpu.memory_space<semaphore_mem>>
        %dma_start3A = arith.constant 0 : i32
        %dma_start3A_196 = tpu.memref_slice %arg9[%add3A_87, %dma_start3A] : memref<80x128xi32, #tpu.memory_space<vmem>> -> memref<1x128xi32, #tpu.memory_space<vmem>>
        %dma_start3A_197 = tpu.memref_squeeze %dma_start3A_196 : memref<1x128xi32, #tpu.memory_space<vmem>> -> memref<128xi32, #tpu.memory_space<vmem>>
        %dma_start3A_198 = arith.constant 0 : i32
        %dma_start3A_199 = arith.constant 0 : i32
        %dma_start3A_200 = tpu.memref_slice %arg18[%dma_start3A_198, %dma_start3A_199] : memref<10240x64xf32, #tpu.memory_space<vmem_shared>> -> memref<10240x64xf32, #tpu.memory_space<vmem_shared>>
        tpu.enqueue_indirect_dma source(%arg10 : memref<128x64xf32, #tpu.memory_space<vmem>>) target(%dma_start3A_200 : memref<10240x64xf32, #tpu.memory_space<vmem_shared>>) offsets(%dma_start3A_197 : memref<128xi32, #tpu.memory_space<vmem>>) semaphore(%run_scoped3A : memref<!tpu.dma_semaphore, #tpu.memory_space<semaphore_mem>>) {add = true}
        %dma_wait3A_201 = arith.constant 0 : i32
        %dma_wait3A_202 = tpu.memref_slice %arg9[%add3A_87, %dma_wait3A_201] : memref<80x128xi32, #tpu.memory_space<vmem>> -> memref<1x128xi32, #tpu.memory_space<vmem>>
        %dma_wait3A_203 = tpu.memref_squeeze %dma_wait3A_202 : memref<1x128xi32, #tpu.memory_space<vmem>> -> memref<128xi32, #tpu.memory_space<vmem>>
        %dma_wait3A_204 = arith.constant 0 : i32
        %dma_wait3A_205 = arith.constant 0 : i32
        %dma_wait3A_206 = tpu.memref_slice %arg18[%dma_wait3A_204, %dma_wait3A_205] : memref<10240x64xf32, #tpu.memory_space<vmem_shared>> -> memref<10240x64xf32, #tpu.memory_space<vmem_shared>>
        tpu.wait_indirect_dma semaphore(%run_scoped3A : memref<!tpu.dma_semaphore, #tpu.memory_space<semaphore_mem>>) src(%arg10 : memref<128x64xf32, #tpu.memory_space<vmem>>) dst(%dma_wait3A_206 : memref<10240x64xf32, #tpu.memory_space<vmem_shared>>)
        tpu.yield
      }) : () -> ()
      %add3A_93 = arith.constant 8 : i32
      %add3A_94 = arith.addi %add3A_87, %add3A_93 : i32
      %lt3A = arith.cmpi slt, %add3A_94, %mul3A_15 : i32
      %convert_element_type3A_95 = arith.extui %lt3A : i1 to i32
      %cond3A_96 = arith.constant 0 : i32
      %cond3A_97 = arith.cmpi ne, %convert_element_type3A_95, %cond3A_96 : i32
      scf.if %cond3A_97 {
        %add3A_196 = arith.constant 8 : i32
        %add3A_197 = arith.addi %add3A_87, %add3A_196 : i32
        %dma_start3A = arith.constant 0 : i32
        %dma_start3A_198 = tpu.memref_slice %arg8[%add3A_197, %dma_start3A] : memref<80x128xi32, #tpu.memory_space<vmem>> -> memref<1x128xi32, #tpu.memory_space<vmem>>
        %dma_start3A_199 = tpu.memref_squeeze %dma_start3A_198 : memref<1x128xi32, #tpu.memory_space<vmem>> -> memref<128xi32, #tpu.memory_space<vmem>>
        %dma_start3A_200 = arith.constant 0 : i32
        %dma_start3A_201 = arith.constant 0 : i32
        %dma_start3A_202 = tpu.memref_slice %arg3[%dma_start3A_200, %dma_start3A_201] : memref<10000x64xf32, #tpu.memory_space<hbm>> -> memref<10000x64xf32, #tpu.memory_space<hbm>>
        tpu.enqueue_indirect_dma source(%dma_start3A_202 : memref<10000x64xf32, #tpu.memory_space<hbm>>) target(%arg10 : memref<128x64xf32, #tpu.memory_space<vmem>>) offsets(%dma_start3A_199 : memref<128xi32, #tpu.memory_space<vmem>>) semaphore(%arg19 : memref<!tpu.dma_semaphore, #tpu.memory_space<semaphore_mem>>)
      } else {
      }
      %add3A_98 = arith.constant 1 : i32
      %add3A_99 = arith.addi %mul3A_85, %add3A_98 : i32
      %dma_wait3A_100 = arith.constant 0 : i32
      %dma_wait3A_101 = tpu.memref_slice %arg8[%add3A_99, %dma_wait3A_100] : memref<80x128xi32, #tpu.memory_space<vmem>> -> memref<1x128xi32, #tpu.memory_space<vmem>>
      %dma_wait3A_102 = tpu.memref_squeeze %dma_wait3A_101 : memref<1x128xi32, #tpu.memory_space<vmem>> -> memref<128xi32, #tpu.memory_space<vmem>>
      %dma_wait3A_103 = arith.constant 0 : i32
      %dma_wait3A_104 = arith.constant 0 : i32
      %dma_wait3A_105 = tpu.memref_slice %arg3[%dma_wait3A_103, %dma_wait3A_104] : memref<10000x64xf32, #tpu.memory_space<hbm>> -> memref<10000x64xf32, #tpu.memory_space<hbm>>
      tpu.wait_indirect_dma semaphore(%arg20 : memref<!tpu.dma_semaphore, #tpu.memory_space<semaphore_mem>>) src(%dma_wait3A_105 : memref<10000x64xf32, #tpu.memory_space<hbm>>) dst(%arg11 : memref<128x64xf32, #tpu.memory_space<vmem>>)
      "tpu.region"() ({
        %run_scoped3A = tpu.sem_alloc : memref<!tpu.dma_semaphore, #tpu.memory_space<semaphore_mem>>
        %dma_start3A = arith.constant 0 : i32
        %dma_start3A_196 = tpu.memref_slice %arg9[%add3A_99, %dma_start3A] : memref<80x128xi32, #tpu.memory_space<vmem>> -> memref<1x128xi32, #tpu.memory_space<vmem>>
        %dma_start3A_197 = tpu.memref_squeeze %dma_start3A_196 : memref<1x128xi32, #tpu.memory_space<vmem>> -> memref<128xi32, #tpu.memory_space<vmem>>
        %dma_start3A_198 = arith.constant 0 : i32
        %dma_start3A_199 = arith.constant 0 : i32
        %dma_start3A_200 = tpu.memref_slice %arg18[%dma_start3A_198, %dma_start3A_199] : memref<10240x64xf32, #tpu.memory_space<vmem_shared>> -> memref<10240x64xf32, #tpu.memory_space<vmem_shared>>
        tpu.enqueue_indirect_dma source(%arg11 : memref<128x64xf32, #tpu.memory_space<vmem>>) target(%dma_start3A_200 : memref<10240x64xf32, #tpu.memory_space<vmem_shared>>) offsets(%dma_start3A_197 : memref<128xi32, #tpu.memory_space<vmem>>) semaphore(%run_scoped3A : memref<!tpu.dma_semaphore, #tpu.memory_space<semaphore_mem>>) {add = true}
        %dma_wait3A_201 = arith.constant 0 : i32
        %dma_wait3A_202 = tpu.memref_slice %arg9[%add3A_99, %dma_wait3A_201] : memref<80x128xi32, #tpu.memory_space<vmem>> -> memref<1x128xi32, #tpu.memory_space<vmem>>
        %dma_wait3A_203 = tpu.memref_squeeze %dma_wait3A_202 : memref<1x128xi32, #tpu.memory_space<vmem>> -> memref<128xi32, #tpu.memory_space<vmem>>
        %dma_wait3A_204 = arith.constant 0 : i32
        %dma_wait3A_205 = arith.constant 0 : i32
        %dma_wait3A_206 = tpu.memref_slice %arg18[%dma_wait3A_204, %dma_wait3A_205] : memref<10240x64xf32, #tpu.memory_space<vmem_shared>> -> memref<10240x64xf32, #tpu.memory_space<vmem_shared>>
        tpu.wait_indirect_dma semaphore(%run_scoped3A : memref<!tpu.dma_semaphore, #tpu.memory_space<semaphore_mem>>) src(%arg11 : memref<128x64xf32, #tpu.memory_space<vmem>>) dst(%dma_wait3A_206 : memref<10240x64xf32, #tpu.memory_space<vmem_shared>>)
        tpu.yield
      }) : () -> ()
      %add3A_106 = arith.constant 8 : i32
      %add3A_107 = arith.addi %add3A_99, %add3A_106 : i32
      %lt3A_108 = arith.cmpi slt, %add3A_107, %mul3A_15 : i32
      %convert_element_type3A_109 = arith.extui %lt3A_108 : i1 to i32
      %cond3A_110 = arith.constant 0 : i32
      %cond3A_111 = arith.cmpi ne, %convert_element_type3A_109, %cond3A_110 : i32
      scf.if %cond3A_111 {
        %add3A_196 = arith.constant 8 : i32
        %add3A_197 = arith.addi %add3A_99, %add3A_196 : i32
        %dma_start3A = arith.constant 0 : i32
        %dma_start3A_198 = tpu.memref_slice %arg8[%add3A_197, %dma_start3A] : memref<80x128xi32, #tpu.memory_space<vmem>> -> memref<1x128xi32, #tpu.memory_space<vmem>>
        %dma_start3A_199 = tpu.memref_squeeze %dma_start3A_198 : memref<1x128xi32, #tpu.memory_space<vmem>> -> memref<128xi32, #tpu.memory_space<vmem>>
        %dma_start3A_200 = arith.constant 0 : i32
        %dma_start3A_201 = arith.constant 0 : i32
        %dma_start3A_202 = tpu.memref_slice %arg3[%dma_start3A_200, %dma_start3A_201] : memref<10000x64xf32, #tpu.memory_space<hbm>> -> memref<10000x64xf32, #tpu.memory_space<hbm>>
        tpu.enqueue_indirect_dma source(%dma_start3A_202 : memref<10000x64xf32, #tpu.memory_space<hbm>>) target(%arg11 : memref<128x64xf32, #tpu.memory_space<vmem>>) offsets(%dma_start3A_199 : memref<128xi32, #tpu.memory_space<vmem>>) semaphore(%arg20 : memref<!tpu.dma_semaphore, #tpu.memory_space<semaphore_mem>>)
      } else {
      }
      %add3A_112 = arith.constant 2 : i32
      %add3A_113 = arith.addi %mul3A_85, %add3A_112 : i32
      %dma_wait3A_114 = arith.constant 0 : i32
      %dma_wait3A_115 = tpu.memref_slice %arg8[%add3A_113, %dma_wait3A_114] : memref<80x128xi32, #tpu.memory_space<vmem>> -> memref<1x128xi32, #tpu.memory_space<vmem>>
      %dma_wait3A_116 = tpu.memref_squeeze %dma_wait3A_115 : memref<1x128xi32, #tpu.memory_space<vmem>> -> memref<128xi32, #tpu.memory_space<vmem>>
      %dma_wait3A_117 = arith.constant 0 : i32
      %dma_wait3A_118 = arith.constant 0 : i32
      %dma_wait3A_119 = tpu.memref_slice %arg3[%dma_wait3A_117, %dma_wait3A_118] : memref<10000x64xf32, #tpu.memory_space<hbm>> -> memref<10000x64xf32, #tpu.memory_space<hbm>>
      tpu.wait_indirect_dma semaphore(%arg21 : memref<!tpu.dma_semaphore, #tpu.memory_space<semaphore_mem>>) src(%dma_wait3A_119 : memref<10000x64xf32, #tpu.memory_space<hbm>>) dst(%arg12 : memref<128x64xf32, #tpu.memory_space<vmem>>)
      "tpu.region"() ({
        %run_scoped3A = tpu.sem_alloc : memref<!tpu.dma_semaphore, #tpu.memory_space<semaphore_mem>>
        %dma_start3A = arith.constant 0 : i32
        %dma_start3A_196 = tpu.memref_slice %arg9[%add3A_113, %dma_start3A] : memref<80x128xi32, #tpu.memory_space<vmem>> -> memref<1x128xi32, #tpu.memory_space<vmem>>
        %dma_start3A_197 = tpu.memref_squeeze %dma_start3A_196 : memref<1x128xi32, #tpu.memory_space<vmem>> -> memref<128xi32, #tpu.memory_space<vmem>>
        %dma_start3A_198 = arith.constant 0 : i32
        %dma_start3A_199 = arith.constant 0 : i32
        %dma_start3A_200 = tpu.memref_slice %arg18[%dma_start3A_198, %dma_start3A_199] : memref<10240x64xf32, #tpu.memory_space<vmem_shared>> -> memref<10240x64xf32, #tpu.memory_space<vmem_shared>>
        tpu.enqueue_indirect_dma source(%arg12 : memref<128x64xf32, #tpu.memory_space<vmem>>) target(%dma_start3A_200 : memref<10240x64xf32, #tpu.memory_space<vmem_shared>>) offsets(%dma_start3A_197 : memref<128xi32, #tpu.memory_space<vmem>>) semaphore(%run_scoped3A : memref<!tpu.dma_semaphore, #tpu.memory_space<semaphore_mem>>) {add = true}
        %dma_wait3A_201 = arith.constant 0 : i32
        %dma_wait3A_202 = tpu.memref_slice %arg9[%add3A_113, %dma_wait3A_201] : memref<80x128xi32, #tpu.memory_space<vmem>> -> memref<1x128xi32, #tpu.memory_space<vmem>>
        %dma_wait3A_203 = tpu.memref_squeeze %dma_wait3A_202 : memref<1x128xi32, #tpu.memory_space<vmem>> -> memref<128xi32, #tpu.memory_space<vmem>>
        %dma_wait3A_204 = arith.constant 0 : i32
        %dma_wait3A_205 = arith.constant 0 : i32
        %dma_wait3A_206 = tpu.memref_slice %arg18[%dma_wait3A_204, %dma_wait3A_205] : memref<10240x64xf32, #tpu.memory_space<vmem_shared>> -> memref<10240x64xf32, #tpu.memory_space<vmem_shared>>
        tpu.wait_indirect_dma semaphore(%run_scoped3A : memref<!tpu.dma_semaphore, #tpu.memory_space<semaphore_mem>>) src(%arg12 : memref<128x64xf32, #tpu.memory_space<vmem>>) dst(%dma_wait3A_206 : memref<10240x64xf32, #tpu.memory_space<vmem_shared>>)
        tpu.yield
      }) : () -> ()
      %add3A_120 = arith.constant 8 : i32
      %add3A_121 = arith.addi %add3A_113, %add3A_120 : i32
      %lt3A_122 = arith.cmpi slt, %add3A_121, %mul3A_15 : i32
      %convert_element_type3A_123 = arith.extui %lt3A_122 : i1 to i32
      %cond3A_124 = arith.constant 0 : i32
      %cond3A_125 = arith.cmpi ne, %convert_element_type3A_123, %cond3A_124 : i32
      scf.if %cond3A_125 {
        %add3A_196 = arith.constant 8 : i32
        %add3A_197 = arith.addi %add3A_113, %add3A_196 : i32
        %dma_start3A = arith.constant 0 : i32
        %dma_start3A_198 = tpu.memref_slice %arg8[%add3A_197, %dma_start3A] : memref<80x128xi32, #tpu.memory_space<vmem>> -> memref<1x128xi32, #tpu.memory_space<vmem>>
        %dma_start3A_199 = tpu.memref_squeeze %dma_start3A_198 : memref<1x128xi32, #tpu.memory_space<vmem>> -> memref<128xi32, #tpu.memory_space<vmem>>
        %dma_start3A_200 = arith.constant 0 : i32
        %dma_start3A_201 = arith.constant 0 : i32
        %dma_start3A_202 = tpu.memref_slice %arg3[%dma_start3A_200, %dma_start3A_201] : memref<10000x64xf32, #tpu.memory_space<hbm>> -> memref<10000x64xf32, #tpu.memory_space<hbm>>
        tpu.enqueue_indirect_dma source(%dma_start3A_202 : memref<10000x64xf32, #tpu.memory_space<hbm>>) target(%arg12 : memref<128x64xf32, #tpu.memory_space<vmem>>) offsets(%dma_start3A_199 : memref<128xi32, #tpu.memory_space<vmem>>) semaphore(%arg21 : memref<!tpu.dma_semaphore, #tpu.memory_space<semaphore_mem>>)
      } else {
      }
      %add3A_126 = arith.constant 3 : i32
      %add3A_127 = arith.addi %mul3A_85, %add3A_126 : i32
      %dma_wait3A_128 = arith.constant 0 : i32
      %dma_wait3A_129 = tpu.memref_slice %arg8[%add3A_127, %dma_wait3A_128] : memref<80x128xi32, #tpu.memory_space<vmem>> -> memref<1x128xi32, #tpu.memory_space<vmem>>
      %dma_wait3A_130 = tpu.memref_squeeze %dma_wait3A_129 : memref<1x128xi32, #tpu.memory_space<vmem>> -> memref<128xi32, #tpu.memory_space<vmem>>
      %dma_wait3A_131 = arith.constant 0 : i32
      %dma_wait3A_132 = arith.constant 0 : i32
      %dma_wait3A_133 = tpu.memref_slice %arg3[%dma_wait3A_131, %dma_wait3A_132] : memref<10000x64xf32, #tpu.memory_space<hbm>> -> memref<10000x64xf32, #tpu.memory_space<hbm>>
      tpu.wait_indirect_dma semaphore(%arg22 : memref<!tpu.dma_semaphore, #tpu.memory_space<semaphore_mem>>) src(%dma_wait3A_133 : memref<10000x64xf32, #tpu.memory_space<hbm>>) dst(%arg13 : memref<128x64xf32, #tpu.memory_space<vmem>>)
      "tpu.region"() ({
        %run_scoped3A = tpu.sem_alloc : memref<!tpu.dma_semaphore, #tpu.memory_space<semaphore_mem>>
        %dma_start3A = arith.constant 0 : i32
        %dma_start3A_196 = tpu.memref_slice %arg9[%add3A_127, %dma_start3A] : memref<80x128xi32, #tpu.memory_space<vmem>> -> memref<1x128xi32, #tpu.memory_space<vmem>>
        %dma_start3A_197 = tpu.memref_squeeze %dma_start3A_196 : memref<1x128xi32, #tpu.memory_space<vmem>> -> memref<128xi32, #tpu.memory_space<vmem>>
        %dma_start3A_198 = arith.constant 0 : i32
        %dma_start3A_199 = arith.constant 0 : i32
        %dma_start3A_200 = tpu.memref_slice %arg18[%dma_start3A_198, %dma_start3A_199] : memref<10240x64xf32, #tpu.memory_space<vmem_shared>> -> memref<10240x64xf32, #tpu.memory_space<vmem_shared>>
        tpu.enqueue_indirect_dma source(%arg13 : memref<128x64xf32, #tpu.memory_space<vmem>>) target(%dma_start3A_200 : memref<10240x64xf32, #tpu.memory_space<vmem_shared>>) offsets(%dma_start3A_197 : memref<128xi32, #tpu.memory_space<vmem>>) semaphore(%run_scoped3A : memref<!tpu.dma_semaphore, #tpu.memory_space<semaphore_mem>>) {add = true}
        %dma_wait3A_201 = arith.constant 0 : i32
        %dma_wait3A_202 = tpu.memref_slice %arg9[%add3A_127, %dma_wait3A_201] : memref<80x128xi32, #tpu.memory_space<vmem>> -> memref<1x128xi32, #tpu.memory_space<vmem>>
        %dma_wait3A_203 = tpu.memref_squeeze %dma_wait3A_202 : memref<1x128xi32, #tpu.memory_space<vmem>> -> memref<128xi32, #tpu.memory_space<vmem>>
        %dma_wait3A_204 = arith.constant 0 : i32
        %dma_wait3A_205 = arith.constant 0 : i32
        %dma_wait3A_206 = tpu.memref_slice %arg18[%dma_wait3A_204, %dma_wait3A_205] : memref<10240x64xf32, #tpu.memory_space<vmem_shared>> -> memref<10240x64xf32, #tpu.memory_space<vmem_shared>>
        tpu.wait_indirect_dma semaphore(%run_scoped3A : memref<!tpu.dma_semaphore, #tpu.memory_space<semaphore_mem>>) src(%arg13 : memref<128x64xf32, #tpu.memory_space<vmem>>) dst(%dma_wait3A_206 : memref<10240x64xf32, #tpu.memory_space<vmem_shared>>)
        tpu.yield
      }) : () -> ()
      %add3A_134 = arith.constant 8 : i32
      %add3A_135 = arith.addi %add3A_127, %add3A_134 : i32
      %lt3A_136 = arith.cmpi slt, %add3A_135, %mul3A_15 : i32
      %convert_element_type3A_137 = arith.extui %lt3A_136 : i1 to i32
      %cond3A_138 = arith.constant 0 : i32
      %cond3A_139 = arith.cmpi ne, %convert_element_type3A_137, %cond3A_138 : i32
      scf.if %cond3A_139 {
        %add3A_196 = arith.constant 8 : i32
        %add3A_197 = arith.addi %add3A_127, %add3A_196 : i32
        %dma_start3A = arith.constant 0 : i32
        %dma_start3A_198 = tpu.memref_slice %arg8[%add3A_197, %dma_start3A] : memref<80x128xi32, #tpu.memory_space<vmem>> -> memref<1x128xi32, #tpu.memory_space<vmem>>
        %dma_start3A_199 = tpu.memref_squeeze %dma_start3A_198 : memref<1x128xi32, #tpu.memory_space<vmem>> -> memref<128xi32, #tpu.memory_space<vmem>>
        %dma_start3A_200 = arith.constant 0 : i32
        %dma_start3A_201 = arith.constant 0 : i32
        %dma_start3A_202 = tpu.memref_slice %arg3[%dma_start3A_200, %dma_start3A_201] : memref<10000x64xf32, #tpu.memory_space<hbm>> -> memref<10000x64xf32, #tpu.memory_space<hbm>>
        tpu.enqueue_indirect_dma source(%dma_start3A_202 : memref<10000x64xf32, #tpu.memory_space<hbm>>) target(%arg13 : memref<128x64xf32, #tpu.memory_space<vmem>>) offsets(%dma_start3A_199 : memref<128xi32, #tpu.memory_space<vmem>>) semaphore(%arg22 : memref<!tpu.dma_semaphore, #tpu.memory_space<semaphore_mem>>)
      } else {
      }
      %add3A_140 = arith.constant 4 : i32
      %add3A_141 = arith.addi %mul3A_85, %add3A_140 : i32
      %dma_wait3A_142 = arith.constant 0 : i32
      %dma_wait3A_143 = tpu.memref_slice %arg8[%add3A_141, %dma_wait3A_142] : memref<80x128xi32, #tpu.memory_space<vmem>> -> memref<1x128xi32, #tpu.memory_space<vmem>>
      %dma_wait3A_144 = tpu.memref_squeeze %dma_wait3A_143 : memref<1x128xi32, #tpu.memory_space<vmem>> -> memref<128xi32, #tpu.memory_space<vmem>>
      %dma_wait3A_145 = arith.constant 0 : i32
      %dma_wait3A_146 = arith.constant 0 : i32
      %dma_wait3A_147 = tpu.memref_slice %arg3[%dma_wait3A_145, %dma_wait3A_146] : memref<10000x64xf32, #tpu.memory_space<hbm>> -> memref<10000x64xf32, #tpu.memory_space<hbm>>
      tpu.wait_indirect_dma semaphore(%arg23 : memref<!tpu.dma_semaphore, #tpu.memory_space<semaphore_mem>>) src(%dma_wait3A_147 : memref<10000x64xf32, #tpu.memory_space<hbm>>) dst(%arg14 : memref<128x64xf32, #tpu.memory_space<vmem>>)
      "tpu.region"() ({
        %run_scoped3A = tpu.sem_alloc : memref<!tpu.dma_semaphore, #tpu.memory_space<semaphore_mem>>
        %dma_start3A = arith.constant 0 : i32
        %dma_start3A_196 = tpu.memref_slice %arg9[%add3A_141, %dma_start3A] : memref<80x128xi32, #tpu.memory_space<vmem>> -> memref<1x128xi32, #tpu.memory_space<vmem>>
        %dma_start3A_197 = tpu.memref_squeeze %dma_start3A_196 : memref<1x128xi32, #tpu.memory_space<vmem>> -> memref<128xi32, #tpu.memory_space<vmem>>
        %dma_start3A_198 = arith.constant 0 : i32
        %dma_start3A_199 = arith.constant 0 : i32
        %dma_start3A_200 = tpu.memref_slice %arg18[%dma_start3A_198, %dma_start3A_199] : memref<10240x64xf32, #tpu.memory_space<vmem_shared>> -> memref<10240x64xf32, #tpu.memory_space<vmem_shared>>
        tpu.enqueue_indirect_dma source(%arg14 : memref<128x64xf32, #tpu.memory_space<vmem>>) target(%dma_start3A_200 : memref<10240x64xf32, #tpu.memory_space<vmem_shared>>) offsets(%dma_start3A_197 : memref<128xi32, #tpu.memory_space<vmem>>) semaphore(%run_scoped3A : memref<!tpu.dma_semaphore, #tpu.memory_space<semaphore_mem>>) {add = true}
        %dma_wait3A_201 = arith.constant 0 : i32
        %dma_wait3A_202 = tpu.memref_slice %arg9[%add3A_141, %dma_wait3A_201] : memref<80x128xi32, #tpu.memory_space<vmem>> -> memref<1x128xi32, #tpu.memory_space<vmem>>
        %dma_wait3A_203 = tpu.memref_squeeze %dma_wait3A_202 : memref<1x128xi32, #tpu.memory_space<vmem>> -> memref<128xi32, #tpu.memory_space<vmem>>
        %dma_wait3A_204 = arith.constant 0 : i32
        %dma_wait3A_205 = arith.constant 0 : i32
        %dma_wait3A_206 = tpu.memref_slice %arg18[%dma_wait3A_204, %dma_wait3A_205] : memref<10240x64xf32, #tpu.memory_space<vmem_shared>> -> memref<10240x64xf32, #tpu.memory_space<vmem_shared>>
        tpu.wait_indirect_dma semaphore(%run_scoped3A : memref<!tpu.dma_semaphore, #tpu.memory_space<semaphore_mem>>) src(%arg14 : memref<128x64xf32, #tpu.memory_space<vmem>>) dst(%dma_wait3A_206 : memref<10240x64xf32, #tpu.memory_space<vmem_shared>>)
        tpu.yield
      }) : () -> ()
      %add3A_148 = arith.constant 8 : i32
      %add3A_149 = arith.addi %add3A_141, %add3A_148 : i32
      %lt3A_150 = arith.cmpi slt, %add3A_149, %mul3A_15 : i32
      %convert_element_type3A_151 = arith.extui %lt3A_150 : i1 to i32
      %cond3A_152 = arith.constant 0 : i32
      %cond3A_153 = arith.cmpi ne, %convert_element_type3A_151, %cond3A_152 : i32
      scf.if %cond3A_153 {
        %add3A_196 = arith.constant 8 : i32
        %add3A_197 = arith.addi %add3A_141, %add3A_196 : i32
        %dma_start3A = arith.constant 0 : i32
        %dma_start3A_198 = tpu.memref_slice %arg8[%add3A_197, %dma_start3A] : memref<80x128xi32, #tpu.memory_space<vmem>> -> memref<1x128xi32, #tpu.memory_space<vmem>>
        %dma_start3A_199 = tpu.memref_squeeze %dma_start3A_198 : memref<1x128xi32, #tpu.memory_space<vmem>> -> memref<128xi32, #tpu.memory_space<vmem>>
        %dma_start3A_200 = arith.constant 0 : i32
        %dma_start3A_201 = arith.constant 0 : i32
        %dma_start3A_202 = tpu.memref_slice %arg3[%dma_start3A_200, %dma_start3A_201] : memref<10000x64xf32, #tpu.memory_space<hbm>> -> memref<10000x64xf32, #tpu.memory_space<hbm>>
        tpu.enqueue_indirect_dma source(%dma_start3A_202 : memref<10000x64xf32, #tpu.memory_space<hbm>>) target(%arg14 : memref<128x64xf32, #tpu.memory_space<vmem>>) offsets(%dma_start3A_199 : memref<128xi32, #tpu.memory_space<vmem>>) semaphore(%arg23 : memref<!tpu.dma_semaphore, #tpu.memory_space<semaphore_mem>>)
      } else {
      }
      %add3A_154 = arith.constant 5 : i32
      %add3A_155 = arith.addi %mul3A_85, %add3A_154 : i32
      %dma_wait3A_156 = arith.constant 0 : i32
      %dma_wait3A_157 = tpu.memref_slice %arg8[%add3A_155, %dma_wait3A_156] : memref<80x128xi32, #tpu.memory_space<vmem>> -> memref<1x128xi32, #tpu.memory_space<vmem>>
      %dma_wait3A_158 = tpu.memref_squeeze %dma_wait3A_157 : memref<1x128xi32, #tpu.memory_space<vmem>> -> memref<128xi32, #tpu.memory_space<vmem>>
      %dma_wait3A_159 = arith.constant 0 : i32
      %dma_wait3A_160 = arith.constant 0 : i32
      %dma_wait3A_161 = tpu.memref_slice %arg3[%dma_wait3A_159, %dma_wait3A_160] : memref<10000x64xf32, #tpu.memory_space<hbm>> -> memref<10000x64xf32, #tpu.memory_space<hbm>>
      tpu.wait_indirect_dma semaphore(%arg24 : memref<!tpu.dma_semaphore, #tpu.memory_space<semaphore_mem>>) src(%dma_wait3A_161 : memref<10000x64xf32, #tpu.memory_space<hbm>>) dst(%arg15 : memref<128x64xf32, #tpu.memory_space<vmem>>)
      "tpu.region"() ({
        %run_scoped3A = tpu.sem_alloc : memref<!tpu.dma_semaphore, #tpu.memory_space<semaphore_mem>>
        %dma_start3A = arith.constant 0 : i32
        %dma_start3A_196 = tpu.memref_slice %arg9[%add3A_155, %dma_start3A] : memref<80x128xi32, #tpu.memory_space<vmem>> -> memref<1x128xi32, #tpu.memory_space<vmem>>
        %dma_start3A_197 = tpu.memref_squeeze %dma_start3A_196 : memref<1x128xi32, #tpu.memory_space<vmem>> -> memref<128xi32, #tpu.memory_space<vmem>>
        %dma_start3A_198 = arith.constant 0 : i32
        %dma_start3A_199 = arith.constant 0 : i32
        %dma_start3A_200 = tpu.memref_slice %arg18[%dma_start3A_198, %dma_start3A_199] : memref<10240x64xf32, #tpu.memory_space<vmem_shared>> -> memref<10240x64xf32, #tpu.memory_space<vmem_shared>>
        tpu.enqueue_indirect_dma source(%arg15 : memref<128x64xf32, #tpu.memory_space<vmem>>) target(%dma_start3A_200 : memref<10240x64xf32, #tpu.memory_space<vmem_shared>>) offsets(%dma_start3A_197 : memref<128xi32, #tpu.memory_space<vmem>>) semaphore(%run_scoped3A : memref<!tpu.dma_semaphore, #tpu.memory_space<semaphore_mem>>) {add = true}
        %dma_wait3A_201 = arith.constant 0 : i32
        %dma_wait3A_202 = tpu.memref_slice %arg9[%add3A_155, %dma_wait3A_201] : memref<80x128xi32, #tpu.memory_space<vmem>> -> memref<1x128xi32, #tpu.memory_space<vmem>>
        %dma_wait3A_203 = tpu.memref_squeeze %dma_wait3A_202 : memref<1x128xi32, #tpu.memory_space<vmem>> -> memref<128xi32, #tpu.memory_space<vmem>>
        %dma_wait3A_204 = arith.constant 0 : i32
        %dma_wait3A_205 = arith.constant 0 : i32
        %dma_wait3A_206 = tpu.memref_slice %arg18[%dma_wait3A_204, %dma_wait3A_205] : memref<10240x64xf32, #tpu.memory_space<vmem_shared>> -> memref<10240x64xf32, #tpu.memory_space<vmem_shared>>
        tpu.wait_indirect_dma semaphore(%run_scoped3A : memref<!tpu.dma_semaphore, #tpu.memory_space<semaphore_mem>>) src(%arg15 : memref<128x64xf32, #tpu.memory_space<vmem>>) dst(%dma_wait3A_206 : memref<10240x64xf32, #tpu.memory_space<vmem_shared>>)
        tpu.yield
      }) : () -> ()
      %add3A_162 = arith.constant 8 : i32
      %add3A_163 = arith.addi %add3A_155, %add3A_162 : i32
      %lt3A_164 = arith.cmpi slt, %add3A_163, %mul3A_15 : i32
      %convert_element_type3A_165 = arith.extui %lt3A_164 : i1 to i32
      %cond3A_166 = arith.constant 0 : i32
      %cond3A_167 = arith.cmpi ne, %convert_element_type3A_165, %cond3A_166 : i32
      scf.if %cond3A_167 {
        %add3A_196 = arith.constant 8 : i32
        %add3A_197 = arith.addi %add3A_155, %add3A_196 : i32
        %dma_start3A = arith.constant 0 : i32
        %dma_start3A_198 = tpu.memref_slice %arg8[%add3A_197, %dma_start3A] : memref<80x128xi32, #tpu.memory_space<vmem>> -> memref<1x128xi32, #tpu.memory_space<vmem>>
        %dma_start3A_199 = tpu.memref_squeeze %dma_start3A_198 : memref<1x128xi32, #tpu.memory_space<vmem>> -> memref<128xi32, #tpu.memory_space<vmem>>
        %dma_start3A_200 = arith.constant 0 : i32
        %dma_start3A_201 = arith.constant 0 : i32
        %dma_start3A_202 = tpu.memref_slice %arg3[%dma_start3A_200, %dma_start3A_201] : memref<10000x64xf32, #tpu.memory_space<hbm>> -> memref<10000x64xf32, #tpu.memory_space<hbm>>
        tpu.enqueue_indirect_dma source(%dma_start3A_202 : memref<10000x64xf32, #tpu.memory_space<hbm>>) target(%arg15 : memref<128x64xf32, #tpu.memory_space<vmem>>) offsets(%dma_start3A_199 : memref<128xi32, #tpu.memory_space<vmem>>) semaphore(%arg24 : memref<!tpu.dma_semaphore, #tpu.memory_space<semaphore_mem>>)
      } else {
      }
      %add3A_168 = arith.constant 6 : i32
      %add3A_169 = arith.addi %mul3A_85, %add3A_168 : i32
      %dma_wait3A_170 = arith.constant 0 : i32
      %dma_wait3A_171 = tpu.memref_slice %arg8[%add3A_169, %dma_wait3A_170] : memref<80x128xi32, #tpu.memory_space<vmem>> -> memref<1x128xi32, #tpu.memory_space<vmem>>
      %dma_wait3A_172 = tpu.memref_squeeze %dma_wait3A_171 : memref<1x128xi32, #tpu.memory_space<vmem>> -> memref<128xi32, #tpu.memory_space<vmem>>
      %dma_wait3A_173 = arith.constant 0 : i32
      %dma_wait3A_174 = arith.constant 0 : i32
      %dma_wait3A_175 = tpu.memref_slice %arg3[%dma_wait3A_173, %dma_wait3A_174] : memref<10000x64xf32, #tpu.memory_space<hbm>> -> memref<10000x64xf32, #tpu.memory_space<hbm>>
      tpu.wait_indirect_dma semaphore(%arg25 : memref<!tpu.dma_semaphore, #tpu.memory_space<semaphore_mem>>) src(%dma_wait3A_175 : memref<10000x64xf32, #tpu.memory_space<hbm>>) dst(%arg16 : memref<128x64xf32, #tpu.memory_space<vmem>>)
      "tpu.region"() ({
        %run_scoped3A = tpu.sem_alloc : memref<!tpu.dma_semaphore, #tpu.memory_space<semaphore_mem>>
        %dma_start3A = arith.constant 0 : i32
        %dma_start3A_196 = tpu.memref_slice %arg9[%add3A_169, %dma_start3A] : memref<80x128xi32, #tpu.memory_space<vmem>> -> memref<1x128xi32, #tpu.memory_space<vmem>>
        %dma_start3A_197 = tpu.memref_squeeze %dma_start3A_196 : memref<1x128xi32, #tpu.memory_space<vmem>> -> memref<128xi32, #tpu.memory_space<vmem>>
        %dma_start3A_198 = arith.constant 0 : i32
        %dma_start3A_199 = arith.constant 0 : i32
        %dma_start3A_200 = tpu.memref_slice %arg18[%dma_start3A_198, %dma_start3A_199] : memref<10240x64xf32, #tpu.memory_space<vmem_shared>> -> memref<10240x64xf32, #tpu.memory_space<vmem_shared>>
        tpu.enqueue_indirect_dma source(%arg16 : memref<128x64xf32, #tpu.memory_space<vmem>>) target(%dma_start3A_200 : memref<10240x64xf32, #tpu.memory_space<vmem_shared>>) offsets(%dma_start3A_197 : memref<128xi32, #tpu.memory_space<vmem>>) semaphore(%run_scoped3A : memref<!tpu.dma_semaphore, #tpu.memory_space<semaphore_mem>>) {add = true}
        %dma_wait3A_201 = arith.constant 0 : i32
        %dma_wait3A_202 = tpu.memref_slice %arg9[%add3A_169, %dma_wait3A_201] : memref<80x128xi32, #tpu.memory_space<vmem>> -> memref<1x128xi32, #tpu.memory_space<vmem>>
        %dma_wait3A_203 = tpu.memref_squeeze %dma_wait3A_202 : memref<1x128xi32, #tpu.memory_space<vmem>> -> memref<128xi32, #tpu.memory_space<vmem>>
        %dma_wait3A_204 = arith.constant 0 : i32
        %dma_wait3A_205 = arith.constant 0 : i32
        %dma_wait3A_206 = tpu.memref_slice %arg18[%dma_wait3A_204, %dma_wait3A_205] : memref<10240x64xf32, #tpu.memory_space<vmem_shared>> -> memref<10240x64xf32, #tpu.memory_space<vmem_shared>>
        tpu.wait_indirect_dma semaphore(%run_scoped3A : memref<!tpu.dma_semaphore, #tpu.memory_space<semaphore_mem>>) src(%arg16 : memref<128x64xf32, #tpu.memory_space<vmem>>) dst(%dma_wait3A_206 : memref<10240x64xf32, #tpu.memory_space<vmem_shared>>)
        tpu.yield
      }) : () -> ()
      %add3A_176 = arith.constant 8 : i32
      %add3A_177 = arith.addi %add3A_169, %add3A_176 : i32
      %lt3A_178 = arith.cmpi slt, %add3A_177, %mul3A_15 : i32
      %convert_element_type3A_179 = arith.extui %lt3A_178 : i1 to i32
      %cond3A_180 = arith.constant 0 : i32
      %cond3A_181 = arith.cmpi ne, %convert_element_type3A_179, %cond3A_180 : i32
      scf.if %cond3A_181 {
        %add3A_196 = arith.constant 8 : i32
        %add3A_197 = arith.addi %add3A_169, %add3A_196 : i32
        %dma_start3A = arith.constant 0 : i32
        %dma_start3A_198 = tpu.memref_slice %arg8[%add3A_197, %dma_start3A] : memref<80x128xi32, #tpu.memory_space<vmem>> -> memref<1x128xi32, #tpu.memory_space<vmem>>
        %dma_start3A_199 = tpu.memref_squeeze %dma_start3A_198 : memref<1x128xi32, #tpu.memory_space<vmem>> -> memref<128xi32, #tpu.memory_space<vmem>>
        %dma_start3A_200 = arith.constant 0 : i32
        %dma_start3A_201 = arith.constant 0 : i32
        %dma_start3A_202 = tpu.memref_slice %arg3[%dma_start3A_200, %dma_start3A_201] : memref<10000x64xf32, #tpu.memory_space<hbm>> -> memref<10000x64xf32, #tpu.memory_space<hbm>>
        tpu.enqueue_indirect_dma source(%dma_start3A_202 : memref<10000x64xf32, #tpu.memory_space<hbm>>) target(%arg16 : memref<128x64xf32, #tpu.memory_space<vmem>>) offsets(%dma_start3A_199 : memref<128xi32, #tpu.memory_space<vmem>>) semaphore(%arg25 : memref<!tpu.dma_semaphore, #tpu.memory_space<semaphore_mem>>)
      } else {
      }
      %add3A_182 = arith.constant 7 : i32
      %add3A_183 = arith.addi %mul3A_85, %add3A_182 : i32
      %dma_wait3A_184 = arith.constant 0 : i32
      %dma_wait3A_185 = tpu.memref_slice %arg8[%add3A_183, %dma_wait3A_184] : memref<80x128xi32, #tpu.memory_space<vmem>> -> memref<1x128xi32, #tpu.memory_space<vmem>>
      %dma_wait3A_186 = tpu.memref_squeeze %dma_wait3A_185 : memref<1x128xi32, #tpu.memory_space<vmem>> -> memref<128xi32, #tpu.memory_space<vmem>>
      %dma_wait3A_187 = arith.constant 0 : i32
      %dma_wait3A_188 = arith.constant 0 : i32
      %dma_wait3A_189 = tpu.memref_slice %arg3[%dma_wait3A_187, %dma_wait3A_188] : memref<10000x64xf32, #tpu.memory_space<hbm>> -> memref<10000x64xf32, #tpu.memory_space<hbm>>
      tpu.wait_indirect_dma semaphore(%arg26 : memref<!tpu.dma_semaphore, #tpu.memory_space<semaphore_mem>>) src(%dma_wait3A_189 : memref<10000x64xf32, #tpu.memory_space<hbm>>) dst(%arg17 : memref<128x64xf32, #tpu.memory_space<vmem>>)
      "tpu.region"() ({
        %run_scoped3A = tpu.sem_alloc : memref<!tpu.dma_semaphore, #tpu.memory_space<semaphore_mem>>
        %dma_start3A = arith.constant 0 : i32
        %dma_start3A_196 = tpu.memref_slice %arg9[%add3A_183, %dma_start3A] : memref<80x128xi32, #tpu.memory_space<vmem>> -> memref<1x128xi32, #tpu.memory_space<vmem>>
        %dma_start3A_197 = tpu.memref_squeeze %dma_start3A_196 : memref<1x128xi32, #tpu.memory_space<vmem>> -> memref<128xi32, #tpu.memory_space<vmem>>
        %dma_start3A_198 = arith.constant 0 : i32
        %dma_start3A_199 = arith.constant 0 : i32
        %dma_start3A_200 = tpu.memref_slice %arg18[%dma_start3A_198, %dma_start3A_199] : memref<10240x64xf32, #tpu.memory_space<vmem_shared>> -> memref<10240x64xf32, #tpu.memory_space<vmem_shared>>
        tpu.enqueue_indirect_dma source(%arg17 : memref<128x64xf32, #tpu.memory_space<vmem>>) target(%dma_start3A_200 : memref<10240x64xf32, #tpu.memory_space<vmem_shared>>) offsets(%dma_start3A_197 : memref<128xi32, #tpu.memory_space<vmem>>) semaphore(%run_scoped3A : memref<!tpu.dma_semaphore, #tpu.memory_space<semaphore_mem>>) {add = true}
        %dma_wait3A_201 = arith.constant 0 : i32
        %dma_wait3A_202 = tpu.memref_slice %arg9[%add3A_183, %dma_wait3A_201] : memref<80x128xi32, #tpu.memory_space<vmem>> -> memref<1x128xi32, #tpu.memory_space<vmem>>
        %dma_wait3A_203 = tpu.memref_squeeze %dma_wait3A_202 : memref<1x128xi32, #tpu.memory_space<vmem>> -> memref<128xi32, #tpu.memory_space<vmem>>
        %dma_wait3A_204 = arith.constant 0 : i32
        %dma_wait3A_205 = arith.constant 0 : i32
        %dma_wait3A_206 = tpu.memref_slice %arg18[%dma_wait3A_204, %dma_wait3A_205] : memref<10240x64xf32, #tpu.memory_space<vmem_shared>> -> memref<10240x64xf32, #tpu.memory_space<vmem_shared>>
        tpu.wait_indirect_dma semaphore(%run_scoped3A : memref<!tpu.dma_semaphore, #tpu.memory_space<semaphore_mem>>) src(%arg17 : memref<128x64xf32, #tpu.memory_space<vmem>>) dst(%dma_wait3A_206 : memref<10240x64xf32, #tpu.memory_space<vmem_shared>>)
        tpu.yield
      }) : () -> ()
      %add3A_190 = arith.constant 8 : i32
      %add3A_191 = arith.addi %add3A_183, %add3A_190 : i32
      %lt3A_192 = arith.cmpi slt, %add3A_191, %mul3A_15 : i32
      %convert_element_type3A_193 = arith.extui %lt3A_192 : i1 to i32
      %cond3A_194 = arith.constant 0 : i32
      %cond3A_195 = arith.cmpi ne, %convert_element_type3A_193, %cond3A_194 : i32
      scf.if %cond3A_195 {
        %add3A_196 = arith.constant 8 : i32
        %add3A_197 = arith.addi %add3A_183, %add3A_196 : i32
        %dma_start3A = arith.constant 0 : i32
        %dma_start3A_198 = tpu.memref_slice %arg8[%add3A_197, %dma_start3A] : memref<80x128xi32, #tpu.memory_space<vmem>> -> memref<1x128xi32, #tpu.memory_space<vmem>>
        %dma_start3A_199 = tpu.memref_squeeze %dma_start3A_198 : memref<1x128xi32, #tpu.memory_space<vmem>> -> memref<128xi32, #tpu.memory_space<vmem>>
        %dma_start3A_200 = arith.constant 0 : i32
        %dma_start3A_201 = arith.constant 0 : i32
        %dma_start3A_202 = tpu.memref_slice %arg3[%dma_start3A_200, %dma_start3A_201] : memref<10000x64xf32, #tpu.memory_space<hbm>> -> memref<10000x64xf32, #tpu.memory_space<hbm>>
        tpu.enqueue_indirect_dma source(%dma_start3A_202 : memref<10000x64xf32, #tpu.memory_space<hbm>>) target(%arg17 : memref<128x64xf32, #tpu.memory_space<vmem>>) offsets(%dma_start3A_199 : memref<128xi32, #tpu.memory_space<vmem>>) semaphore(%arg26 : memref<!tpu.dma_semaphore, #tpu.memory_space<semaphore_mem>>)
      } else {
      }
    }
    %barrier3A_75 = arith.constant 0 : index
    tpu.barrier barrier_id(%barrier3A_75)
    "tpu.trace_stop"() : () -> ()
    "tpu.trace_start"() <{level = 10 : i32, message = "ph_wb1"}> : () -> ()
    %scan3A_76 = arith.constant 0 : i32
    %scan3A_77 = arith.constant 0 : i32
    %scan3A_78 = arith.constant 5 : i32
    %scan3A_79 = arith.addi %scan3A_77, %scan3A_78 : i32
    %scan3A_80 = arith.constant 1 : i32
    scf.for %scan3A_83 = %scan3A_77 to %scan3A_79 step %scan3A_80  : i32 {
      %mul3A_84 = arith.constant 128 : i32
      %mul3A_85 = arith.muli %scan3A_83, %mul3A_84 : i32
      %add3A_86 = arith.addi %mul3A_0, %mul3A_85 : i32
      "tpu.region"() ({
        %run_scoped3A = tpu.sem_alloc : memref<!tpu.dma_semaphore, #tpu.memory_space<semaphore_mem>>
        %dma_start3A = arith.constant 0 : i32
        %dma_start3A_90 = tpu.memref_slice %arg18[%add3A_86, %dma_start3A] : memref<10240x64xf32, #tpu.memory_space<vmem_shared>> -> memref<128x64xf32, #tpu.memory_space<vmem_shared>>
        %dma_start3A_91 = arith.constant 0 : i32
        %dma_start3A_92 = tpu.memref_slice %arg18[%add3A_86, %dma_start3A_91] : memref<10240x64xf32, #tpu.memory_space<vmem_shared>> -> memref<128x64xf32, #tpu.memory_space<vmem_shared>>
        tpu.enqueue_dma source(%dma_start3A_92 : memref<128x64xf32, #tpu.memory_space<vmem_shared>>) target(%arg10 : memref<128x64xf32, #tpu.memory_space<vmem>>) target_semaphore(%run_scoped3A : memref<!tpu.dma_semaphore, #tpu.memory_space<semaphore_mem>>)
        %dma_wait3A = arith.constant 0 : i32
        %dma_wait3A_93 = tpu.memref_slice %arg18[%add3A_86, %dma_wait3A] : memref<10240x64xf32, #tpu.memory_space<vmem_shared>> -> memref<128x64xf32, #tpu.memory_space<vmem_shared>>
        %dma_wait3A_94 = arith.constant 0 : i32
        %dma_wait3A_95 = tpu.memref_slice %arg18[%add3A_86, %dma_wait3A_94] : memref<10240x64xf32, #tpu.memory_space<vmem_shared>> -> memref<128x64xf32, #tpu.memory_space<vmem_shared>>
        tpu.wait_dma2 semaphore(%run_scoped3A : memref<!tpu.dma_semaphore, #tpu.memory_space<semaphore_mem>>) src(%dma_wait3A_95 : memref<128x64xf32, #tpu.memory_space<vmem_shared>>) dst(%arg10 : memref<128x64xf32, #tpu.memory_space<vmem>>)
        tpu.yield
      }) : () -> ()
      %mul3A_87 = arith.constant 128 : i32
      %mul3A_88 = arith.muli %scan3A_83, %mul3A_87 : i32
      %add3A_89 = arith.addi %add3A, %mul3A_88 : i32
      "tpu.region"() ({
        %run_scoped3A = tpu.sem_alloc : memref<!tpu.dma_semaphore, #tpu.memory_space<semaphore_mem>>
        %dma_start3A = arith.constant 0 : i32
        %dma_start3A_90 = tpu.memref_slice %arg7[%add3A_89, %dma_start3A] : memref<20480x64xf32, #tpu.memory_space<hbm>> -> memref<128x64xf32, #tpu.memory_space<hbm>>
        %dma_start3A_91 = arith.constant 0 : i32
        %dma_start3A_92 = tpu.memref_slice %arg7[%add3A_89, %dma_start3A_91] : memref<20480x64xf32, #tpu.memory_space<hbm>> -> memref<128x64xf32, #tpu.memory_space<hbm>>
        tpu.enqueue_dma source(%arg10 : memref<128x64xf32, #tpu.memory_space<vmem>>) target(%dma_start3A_92 : memref<128x64xf32, #tpu.memory_space<hbm>>) target_semaphore(%run_scoped3A : memref<!tpu.dma_semaphore, #tpu.memory_space<semaphore_mem>>)
        %dma_wait3A = arith.constant 0 : i32
        %dma_wait3A_93 = tpu.memref_slice %arg7[%add3A_89, %dma_wait3A] : memref<20480x64xf32, #tpu.memory_space<hbm>> -> memref<128x64xf32, #tpu.memory_space<hbm>>
        %dma_wait3A_94 = arith.constant 0 : i32
        %dma_wait3A_95 = tpu.memref_slice %arg7[%add3A_89, %dma_wait3A_94] : memref<20480x64xf32, #tpu.memory_space<hbm>> -> memref<128x64xf32, #tpu.memory_space<hbm>>
        tpu.wait_dma2 semaphore(%run_scoped3A : memref<!tpu.dma_semaphore, #tpu.memory_space<semaphore_mem>>) src(%arg10 : memref<128x64xf32, #tpu.memory_space<vmem>>) dst(%dma_wait3A_95 : memref<128x64xf32, #tpu.memory_space<hbm>>)
        tpu.yield
      }) : () -> ()
    }
    %scan3A_81 = arith.constant 5 : i32
    %barrier3A_82 = arith.constant 0 : index
    tpu.barrier barrier_id(%barrier3A_82)
    "tpu.trace_stop"() : () -> ()
    return
  }
}

module attributes {stable_mosaic.version = 14 : i64} {
  func.func @_mm1_body(%arg0: i32, %arg1: memref<400x128xf32, #tpu.memory_space<vmem>>, %arg2: memref<128x128xf32, #tpu.memory_space<vmem>>, %arg3: memref<400x64xf32, #tpu.memory_space<vmem>>, %arg4: memref<400x64xf32, #tpu.memory_space<vmem>>) attributes {dimension_semantics = [#tpu.dimension_semantics<arbitrary>], iteration_bounds = array<i64: 25>, scalar_prefetch = 0 : i64, scratch_operands = 0 : i64, tpu.core_type = #tpu.core_type<tc>, window_params = [{transform_indices = @transform_0, window_bounds = array<i64: 400, 128>}, {pipeline_mode = #tpu.pipeline_mode<synchronous>, transform_indices = @transform_1, window_bounds = array<i64: 128, 128>}, {transform_indices = @transform_2, window_bounds = array<i64: 400, 64>}, {transform_indices = @transform_3, window_bounds = array<i64: 400, 64>}]} {
    %get3A = arith.constant 0 : index
    %get3A_0 = arith.constant 0 : index
    %get3A_1 = vector.load %arg1[%get3A, %get3A_0] : memref<400x128xf32, #tpu.memory_space<vmem>>, vector<400x128xf32>
    %get3A_2 = arith.constant 0 : index
    %get3A_3 = arith.constant 0 : index
    %get3A_4 = vector.load %arg2[%get3A_2, %get3A_3] : memref<128x128xf32, #tpu.memory_space<vmem>>, vector<128x128xf32>
    %dot_general3A = arith.constant dense<0.000000e+00> : vector<400x128xf32>
    %dot_general3A_5 = tpu.matmul %get3A_1, %get3A_4, %dot_general3A {dimension_numbers = #tpu.dot_dimension_numbers<[1], [0], [0], [1], [0, 0, 1, 1], [], []>, transpose_lhs_hint = false} : vector<400x128xf32>, vector<128x128xf32>, vector<400x128xf32> -> vector<400x128xf32>
    %slice3A = vector.extract_strided_slice %dot_general3A_5 {offsets = [0, 0], sizes = [400, 64], strides = [1, 1]} : vector<400x128xf32> to vector<400x64xf32>
    %swap3A = arith.constant 0 : index
    %swap3A_6 = arith.constant 0 : index
    %swap3A_7 = vector.load %arg3[%swap3A, %swap3A_6] : memref<400x64xf32, #tpu.memory_space<vmem>>, vector<400x64xf32>
    tpu.vector_store %arg3[%swap3A, %swap3A_6], %slice3A {strides = array<i32>} : memref<400x64xf32, #tpu.memory_space<vmem>>, vector<400x64xf32>,
    %slice3A_8 = vector.extract_strided_slice %dot_general3A_5 {offsets = [0, 64], sizes = [400, 64], strides = [1, 1]} : vector<400x128xf32> to vector<400x64xf32>
    %swap3A_9 = arith.constant 0 : index
    %swap3A_10 = arith.constant 0 : index
    %swap3A_11 = vector.load %arg4[%swap3A_9, %swap3A_10] : memref<400x64xf32, #tpu.memory_space<vmem>>, vector<400x64xf32>
    tpu.vector_store %arg4[%swap3A_9, %swap3A_10], %slice3A_8 {strides = array<i32>} : memref<400x64xf32, #tpu.memory_space<vmem>>, vector<400x64xf32>,
    return
  }
  func.func @transform_0(%arg0: i32) -> (i32, i32) {
    %c0_i32 = arith.constant 0 : i32
    %c0_i32_0 = arith.constant 0 : i32
    return %arg0, %c0_i32 : i32, i32
  }
  func.func @transform_1(%arg0: i32) -> (i32, i32) {
    %c0_i32 = arith.constant 0 : i32
    %c0_i32_0 = arith.constant 0 : i32
    %c0_i32_1 = arith.constant 0 : i32
    return %c0_i32, %c0_i32_0 : i32, i32
  }
  func.func @transform_2(%arg0: i32) -> (i32, i32) {
    %c0_i32 = arith.constant 0 : i32
    %c0_i32_0 = arith.constant 0 : i32
    return %arg0, %c0_i32 : i32, i32
  }
  func.func @transform_3(%arg0: i32) -> (i32, i32) {
    %c0_i32 = arith.constant 0 : i32
    %c0_i32_0 = arith.constant 0 : i32
    return %arg0, %c0_i32 : i32, i32
  }
}

module attributes {stable_mosaic.version = 14 : i64} {
  func.func @_mm2_body(%arg0: i32, %arg1: memref<512x64xf32, #tpu.memory_space<vmem>>, %arg2: memref<512x64xf32, #tpu.memory_space<vmem>>, %arg3: memref<512x64xf32, #tpu.memory_space<vmem>>, %arg4: memref<512x64xf32, #tpu.memory_space<vmem>>, %arg5: memref<1x128xf32, #tpu.memory_space<vmem>>, %arg6: memref<128x128xf32, #tpu.memory_space<vmem>>, %arg7: memref<512x64xf32, #tpu.memory_space<vmem>>, %arg8: memref<512x64xf32, #tpu.memory_space<vmem>>) attributes {dimension_semantics = [#tpu.dimension_semantics<arbitrary>], iteration_bounds = array<i64: 20>, scalar_prefetch = 0 : i64, scratch_operands = 0 : i64, tpu.core_type = #tpu.core_type<tc>, window_params = [{transform_indices = @transform_0, window_bounds = array<i64: 512, 64>}, {transform_indices = @transform_1, window_bounds = array<i64: 512, 64>}, {transform_indices = @transform_2, window_bounds = array<i64: 512, 64>}, {transform_indices = @transform_3, window_bounds = array<i64: 512, 64>}, {pipeline_mode = #tpu.pipeline_mode<synchronous>, transform_indices = @transform_4, window_bounds = array<i64: 1, 128>}, {pipeline_mode = #tpu.pipeline_mode<synchronous>, transform_indices = @transform_5, window_bounds = array<i64: 128, 128>}, {transform_indices = @transform_6, window_bounds = array<i64: 512, 64>}, {transform_indices = @transform_7, window_bounds = array<i64: 512, 64>}]} {
    %get3A = arith.constant 0 : index
    %get3A_0 = arith.constant 0 : index
    %get3A_1 = vector.load %arg1[%get3A, %get3A_0] : memref<512x64xf32, #tpu.memory_space<vmem>>, vector<512x64xf32>
    %get3A_2 = arith.constant 0 : index
    %get3A_3 = arith.constant 0 : index
    %get3A_4 = vector.load %arg2[%get3A_2, %get3A_3] : memref<512x64xf32, #tpu.memory_space<vmem>>, vector<512x64xf32>
    %add3A = arith.addf %get3A_1, %get3A_4 : vector<512x64xf32>
    %get3A_5 = arith.constant 0 : index
    %get3A_6 = arith.constant 0 : index
    %get3A_7 = vector.load %arg3[%get3A_5, %get3A_6] : memref<512x64xf32, #tpu.memory_space<vmem>>, vector<512x64xf32>
    %get3A_8 = arith.constant 0 : index
    %get3A_9 = arith.constant 0 : index
    %get3A_10 = vector.load %arg4[%get3A_8, %get3A_9] : memref<512x64xf32, #tpu.memory_space<vmem>>, vector<512x64xf32>
    %add3A_11 = arith.addf %get3A_7, %get3A_10 : vector<512x64xf32>
    %concatenate3A = tpu.concatenate %add3A, %add3A_11 in 1 : vector<512x64xf32>, vector<512x64xf32> -> vector<512x128xf32>
    %get3A_12 = arith.constant 0 : index
    %get3A_13 = arith.constant 0 : index
    %get3A_14 = vector.load %arg5[%get3A_12, %get3A_13] : memref<1x128xf32, #tpu.memory_space<vmem>>, vector<1x128xf32>
    %add3A_15 = vector.broadcast %get3A_14 : vector<1x128xf32> to vector<512x128xf32>
    %add3A_16 = arith.addf %concatenate3A, %add3A_15 : vector<512x128xf32>
    %max3A = arith.constant 0.000000e+00 : f32
    %max3A_17 = vector.broadcast %max3A : f32 to vector<512x128xf32>
    %max3A_18 = arith.maximumf %add3A_16, %max3A_17 : vector<512x128xf32>
    %get3A_19 = arith.constant 0 : index
    %get3A_20 = arith.constant 0 : index
    %get3A_21 = vector.load %arg6[%get3A_19, %get3A_20] : memref<128x128xf32, #tpu.memory_space<vmem>>, vector<128x128xf32>
    %dot_general3A = arith.constant dense<0.000000e+00> : vector<512x128xf32>
    %dot_general3A_22 = tpu.matmul %max3A_18, %get3A_21, %dot_general3A {dimension_numbers = #tpu.dot_dimension_numbers<[1], [0], [0], [1], [0, 0, 1, 1], [], []>, transpose_lhs_hint = false} : vector<512x128xf32>, vector<128x128xf32>, vector<512x128xf32> -> vector<512x128xf32>
    %slice3A = vector.extract_strided_slice %dot_general3A_22 {offsets = [0, 0], sizes = [512, 64], strides = [1, 1]} : vector<512x128xf32> to vector<512x64xf32>
    %swap3A = arith.constant 0 : index
    %swap3A_23 = arith.constant 0 : index
    %swap3A_24 = vector.load %arg7[%swap3A, %swap3A_23] : memref<512x64xf32, #tpu.memory_space<vmem>>, vector<512x64xf32>
    tpu.vector_store %arg7[%swap3A, %swap3A_23], %slice3A {strides = array<i32>} : memref<512x64xf32, #tpu.memory_space<vmem>>, vector<512x64xf32>,
    %slice3A_25 = vector.extract_strided_slice %dot_general3A_22 {offsets = [0, 64], sizes = [512, 64], strides = [1, 1]} : vector<512x128xf32> to vector<512x64xf32>
    %swap3A_26 = arith.constant 0 : index
    %swap3A_27 = arith.constant 0 : index
    %swap3A_28 = vector.load %arg8[%swap3A_26, %swap3A_27] : memref<512x64xf32, #tpu.memory_space<vmem>>, vector<512x64xf32>
    tpu.vector_store %arg8[%swap3A_26, %swap3A_27], %slice3A_25 {strides = array<i32>} : memref<512x64xf32, #tpu.memory_space<vmem>>, vector<512x64xf32>,
    return
  }
  func.func @transform_0(%arg0: i32) -> (i32, i32) {
    %c0_i32 = arith.constant 0 : i32
    %c0_i32_0 = arith.constant 0 : i32
    return %arg0, %c0_i32 : i32, i32
  }
  func.func @transform_1(%arg0: i32) -> (i32, i32) {
    %add3A = arith.constant 20 : i32
    %add3A_0 = arith.addi %arg0, %add3A : i32
    %c0_i32 = arith.constant 0 : i32
    %c0_i32_1 = arith.constant 0 : i32
    return %add3A_0, %c0_i32 : i32, i32
  }
  func.func @transform_2(%arg0: i32) -> (i32, i32) {
    %c0_i32 = arith.constant 0 : i32
    %c0_i32_0 = arith.constant 0 : i32
    return %arg0, %c0_i32 : i32, i32
  }
  func.func @transform_3(%arg0: i32) -> (i32, i32) {
    %add3A = arith.constant 20 : i32
    %add3A_0 = arith.addi %arg0, %add3A : i32
    %c0_i32 = arith.constant 0 : i32
    %c0_i32_1 = arith.constant 0 : i32
    return %add3A_0, %c0_i32 : i32, i32
  }
  func.func @transform_4(%arg0: i32) -> (i32, i32) {
    %c0_i32 = arith.constant 0 : i32
    %c0_i32_0 = arith.constant 0 : i32
    %c0_i32_1 = arith.constant 0 : i32
    return %c0_i32, %c0_i32_0 : i32, i32
  }
  func.func @transform_5(%arg0: i32) -> (i32, i32) {
    %c0_i32 = arith.constant 0 : i32
    %c0_i32_0 = arith.constant 0 : i32
    %c0_i32_1 = arith.constant 0 : i32
    return %c0_i32, %c0_i32_0 : i32, i32
  }
  func.func @transform_6(%arg0: i32) -> (i32, i32) {
    %c0_i32 = arith.constant 0 : i32
    %c0_i32_0 = arith.constant 0 : i32
    return %arg0, %c0_i32 : i32, i32
  }
  func.func @transform_7(%arg0: i32) -> (i32, i32) {
    %c0_i32 = arith.constant 0 : i32
    %c0_i32_0 = arith.constant 0 : i32
    return %arg0, %c0_i32 : i32, i32
  }
}

module attributes {stable_mosaic.version = 14 : i64} {
  func.func @_final_body(%arg0: i32, %arg1: memref<80x64xf32, #tpu.memory_space<vmem>>, %arg2: memref<80x64xf32, #tpu.memory_space<vmem>>, %arg3: memref<80x64xf32, #tpu.memory_space<vmem>>, %arg4: memref<80x64xf32, #tpu.memory_space<vmem>>, %arg5: memref<1x128xf32, #tpu.memory_space<vmem>>, %arg6: memref<80x128xf32, #tpu.memory_space<vmem>>) attributes {dimension_semantics = [#tpu.dimension_semantics<arbitrary>], iteration_bounds = array<i64: 125>, scalar_prefetch = 0 : i64, scratch_operands = 0 : i64, tpu.core_type = #tpu.core_type<tc>, window_params = [{transform_indices = @transform_0, window_bounds = array<i64: 80, 64>}, {transform_indices = @transform_1, window_bounds = array<i64: 80, 64>}, {transform_indices = @transform_2, window_bounds = array<i64: 80, 64>}, {transform_indices = @transform_3, window_bounds = array<i64: 80, 64>}, {pipeline_mode = #tpu.pipeline_mode<synchronous>, transform_indices = @transform_4, window_bounds = array<i64: 1, 128>}, {transform_indices = @transform_5, window_bounds = array<i64: 80, 128>}]} {
    %get3A = arith.constant 0 : index
    %get3A_0 = arith.constant 0 : index
    %get3A_1 = vector.load %arg1[%get3A, %get3A_0] : memref<80x64xf32, #tpu.memory_space<vmem>>, vector<80x64xf32>
    %get3A_2 = arith.constant 0 : index
    %get3A_3 = arith.constant 0 : index
    %get3A_4 = vector.load %arg2[%get3A_2, %get3A_3] : memref<80x64xf32, #tpu.memory_space<vmem>>, vector<80x64xf32>
    %add3A = arith.addf %get3A_1, %get3A_4 : vector<80x64xf32>
    %get3A_5 = arith.constant 0 : index
    %get3A_6 = arith.constant 0 : index
    %get3A_7 = vector.load %arg3[%get3A_5, %get3A_6] : memref<80x64xf32, #tpu.memory_space<vmem>>, vector<80x64xf32>
    %get3A_8 = arith.constant 0 : index
    %get3A_9 = arith.constant 0 : index
    %get3A_10 = vector.load %arg4[%get3A_8, %get3A_9] : memref<80x64xf32, #tpu.memory_space<vmem>>, vector<80x64xf32>
    %add3A_11 = arith.addf %get3A_7, %get3A_10 : vector<80x64xf32>
    %concatenate3A = tpu.concatenate %add3A, %add3A_11 in 1 : vector<80x64xf32>, vector<80x64xf32> -> vector<80x128xf32>
    %get3A_12 = arith.constant 0 : index
    %get3A_13 = arith.constant 0 : index
    %get3A_14 = vector.load %arg5[%get3A_12, %get3A_13] : memref<1x128xf32, #tpu.memory_space<vmem>>, vector<1x128xf32>
    %add3A_15 = vector.broadcast %get3A_14 : vector<1x128xf32> to vector<80x128xf32>
    %add3A_16 = arith.addf %concatenate3A, %add3A_15 : vector<80x128xf32>
    %swap3A = arith.constant 0 : index
    %swap3A_17 = arith.constant 0 : index
    %swap3A_18 = vector.load %arg6[%swap3A, %swap3A_17] : memref<80x128xf32, #tpu.memory_space<vmem>>, vector<80x128xf32>
    tpu.vector_store %arg6[%swap3A, %swap3A_17], %add3A_16 {strides = array<i32>} : memref<80x128xf32, #tpu.memory_space<vmem>>, vector<80x128xf32>,
    return
  }
  func.func @transform_0(%arg0: i32) -> (i32, i32) {
    %c0_i32 = arith.constant 0 : i32
    %c0_i32_0 = arith.constant 0 : i32
    return %arg0, %c0_i32 : i32, i32
  }
  func.func @transform_1(%arg0: i32) -> (i32, i32) {
    %add3A = arith.constant 128 : i32
    %add3A_0 = arith.addi %arg0, %add3A : i32
    %c0_i32 = arith.constant 0 : i32
    %c0_i32_1 = arith.constant 0 : i32
    return %add3A_0, %c0_i32 : i32, i32
  }
  func.func @transform_2(%arg0: i32) -> (i32, i32) {
    %c0_i32 = arith.constant 0 : i32
    %c0_i32_0 = arith.constant 0 : i32
    return %arg0, %c0_i32 : i32, i32
  }
  func.func @transform_3(%arg0: i32) -> (i32, i32) {
    %add3A = arith.constant 128 : i32
    %add3A_0 = arith.addi %arg0, %add3A : i32
    %c0_i32 = arith.constant 0 : i32
    %c0_i32_1 = arith.constant 0 : i32
    return %add3A_0, %c0_i32 : i32, i32
  }
  func.func @transform_4(%arg0: i32) -> (i32, i32) {
    %c0_i32 = arith.constant 0 : i32
    %c0_i32_0 = arith.constant 0 : i32
    %c0_i32_1 = arith.constant 0 : i32
    return %c0_i32, %c0_i32_0 : i32, i32
  }
  func.func @transform_5(%arg0: i32) -> (i32, i32) {
    %c0_i32 = arith.constant 0 : i32
    %c0_i32_0 = arith.constant 0 : i32
    return %arg0, %c0_i32 : i32, i32
  }
}

</mosaic_0001>

<sc_bundles>
// kernel: kernel.10.cloned.1.call-start
scs
__scs_entry_jumppad:
0x0: {  	(pc) =	sbr.rel $0x88, $3  }
0x1: {  	(tag) =	ssettag $0x0;
	lr =	simm.s32 $0x1  }
0x2: {  	[smem:$0x3F9B] =	sst lr;
	_ =	strace $0xD0000000  }
0x3: {  	_ = 	snop  }
0x4: {  	_ = 	snop  }
0x5: {  	_ = 	snop  }
0x6: {  	_ = 	snop  }
0x7: {  	_ = 	snop  }
__scs_overlays_trampoline_lowered:
0x8: {  	[smem:$0x3FAA] =	sst s0  }
0x9: {  	[smem:$0x3FAB] =	sst s1  }
0xa: {  	[smem:$0x3FAC] =	sst s2  }
0xb: {  	[smem:$0x3FAD] =	sst s3  }
0xc: {  	[smem:$0x3FAE] =	sst s4  }
0xd: {  	[smem:$0x3FAF] =	sst s5  }
0xe: {  	[smem:$0x3FB0] =	sst s6  }
0xf: {  	[smem:$0x3FB1] =	sst s7  }
0x10: {  	[smem:$0x3FB2] =	sst s8  }
0x11: {  	[smem:$0x3FB3] =	sst s9;
	s0 =	simm.s32 @!p0 $0x0  }
0x12: {  	s1 =	sld [smem:$0x3F99];
	s0 =	simm.s32 @p0 $0x1  }
0x13: {  	[smem:$0x3FB4] =	sst s0;
	s0 =	simm.s32 @!p1 $0x0  }
0x14: {  	s2 =	sld [smem:$0x3F98];
	s0 =	simm.s32 @p1 $0x1  }
0x15: {  	[smem:$0x3FB5] =	sst s0;
	s0 =	simm.s32 @!p2 $0x0  }
0x16: {  	s3 =	sld [smem:$0x3FDB];
	s0 =	simm.s32 @p2 $0x1  }
0x17: {  	s4 =	simm.s32 $0x1BF5;
	[smem:$0x3FB7] =	sst s0  }
0x18: {  	s0 =	sld [smem:$0x3F9A];
	_ =	swait.ge [sflag:s4], $0x0  }
0x19: {  	s7 =	sld [smem:$0x3F9B]  }
0x1a: {  	s8 =	sadd.s32 $0xFFFFE003, lr  }
0x1b: {  	s9 =	sadd.s32 $0xFFFFFEF7, lr;
	s5 =	simm.s32 $0xFFFFFFFF;
	p2 =	slt.u32 s8, $0xFFFFF086  }
0x1c: {  	p1 =	slt.u32 s9, $0xF7A;
	s5 =	simm.s32 @!p2 $0x0  }
0x1d: {  	s5 =	simm.s32 @p1 $0x1;
	p0 =	seq.s32 s7, s2  }
0x1e: {  	s7 =	smul.u32 @!p0 $0xF7A, s2;
	p2 =	seq.s32 @!p0 s5, $0x0  }
0x1f: {  	s9 =	smul.u32 $0xF7A, s1;
	s8 =	simm.s32 @!p0 $0x1BF5;
	p2 =	por !p2, p0  }
0x20: {  	[sflag:s8] =	ssyncset.s32 @!p0 $0xFFFFF086;
	s6 =	sadd.s32 @!p0 s3, s7;
	s7 =	simm.s32 @!p0 $0x108  }
0x21: {  	s3 =	sadd.s32 s3, s9;
	s6 =	sadd.s32 @!p0 $0x88, s6;
	s7 =	simm.s32 @p2 $0x1082  }
0x22: {  	[simem:s7], [sflag:s8] =	dma.local @!p0 [hbm:s6], $0xF7A  }
0x23: {  	s9 =	sor.u32 $0xD0000000, s2;
	s6 =	simm.s32 $0x108;
	_ =	swait.ge @!p0 [sflag:s8], $0x0  }
0x24: {  	s3 =	sadd.s32 $0x88, s3;
	s6 =	simm.s32 @!p1 $0x1082;
	[sflag:s4] =	ssyncset.s32 $0xFFFFF086  }
0x25: {  	[simem:s6], [sflag:s4] =	dma.local [hbm:s3], $0xF7A  }
0x26: {  	[smem:$0x3F9B] =	sst s1;
	(tag) =	ssettag s2;
	_ =	strace s9  }
0x27: {  	s1 =	sld [smem:$0x3FAB]  }
0x28: {  	s2 =	sld [smem:$0x3FAC]  }
0x29: {  	s4 =	sld [smem:$0x3FAE]  }
0x2a: {  	p0 =	seq.s32 s5, $0x0;
	s5 =	sld [smem:$0x3FAF]  }
0x2b: {  	s6 =	sld [smem:$0x3FB0]  }
0x2c: {  	s7 =	sld [smem:$0x3FB1]  }
0x2d: {  	s3 =	simm.s32 $0x108;
	s8 =	sld [smem:$0x3FB2]  }
0x2e: {  	s3 =	simm.s32 @!p0 $0x1082;
	s9 =	sld [smem:$0x3FB3]  }
0x2f: {  	lr =	sadd.s32 s0, s3;
	s0 =	sld [smem:$0x3FAA]  }
0x30: {  	s3 =	sld [smem:$0x3FAD]  }
0x31: {  	[smem:$0x3FB6] =	sst s10  }
0x32: {  	s10 =	sld [smem:$0x3FB4];
	_ =	sdelay $0x3  }
0x33: {  	p0 =	seq.s32 s10, $0x1;
	s10 =	sld [smem:$0x3FB6];
	_ =	sdelay $0x3  }
0x34: {  	[smem:$0x3FB6] =	sst s10  }
0x35: {  	s10 =	sld [smem:$0x3FB5];
	_ =	sdelay $0x3  }
0x36: {  	p1 =	seq.s32 s10, $0x1;
	s10 =	sld [smem:$0x3FB6];
	_ =	sdelay $0x3  }
0x37: {  	[smem:$0x3FB6] =	sst s10  }
0x38: {  	s10 =	sld [smem:$0x3FB7]  }
0x39: {  	_ = 	snop;
	(pc) =	sbr.ind lr, $3  }
0x3a: {  	_ = 	snop  }
0x3b: {  	_ = 	snop  }
0x3c: {  	p2 =	seq.s32 s10, $0x1;
	s10 =	sld [smem:$0x3FB6]  }
0x3d: {  	_ =	shalt  }
0x3e: {  	_ =	shalt  }
0x3f: {  	_ =	shalt  }
0x40: {  	_ =	shalt  }
0x41: {  	_ =	shalt  }
0x42: {  	_ =	shalt  }
0x43: {  	_ =	shalt  }
0x44: {  	_ =	shalt  }
0x45: {  	_ =	shalt  }
0x46: {  	_ =	shalt  }
0x47: {  	_ =	shalt  }
0x48: {  	_ =	shalt  }
0x49: {  	_ =	shalt  }
0x4a: {  	_ =	shalt  }
0x4b: {  	_ =	shalt  }
0x4c: {  	_ =	shalt  }
0x4d: {  	_ =	shalt  }
0x4e: {  	_ =	shalt  }
0x4f: {  	_ =	shalt  }
0x50: {  	_ =	shalt  }
0x51: {  	_ =	shalt  }
0x52: {  	_ =	shalt  }
0x53: {  	_ =	shalt  }
0x54: {  	_ =	shalt  }
0x55: {  	_ =	shalt  }
0x56: {  	_ =	shalt  }
0x57: {  	_ =	shalt  }
0x58: {  	_ =	shalt  }
0x59: {  	_ =	shalt  }
0x5a: {  	_ =	shalt  }
0x5b: {  	_ =	shalt  }
0x5c: {  	_ =	shalt  }
0x5d: {  	_ =	shalt  }
0x5e: {  	_ =	shalt  }
0x5f: {  	_ =	shalt  }
0x60: {  	_ =	shalt  }
0x61: {  	_ =	shalt  }
0x62: {  	_ =	shalt  }
0x63: {  	_ =	shalt  }
0x64: {  	_ =	shalt  }
0x65: {  	_ =	shalt  }
0x66: {  	_ =	shalt  }
0x67: {  	_ =	shalt  }
0x68: {  	_ =	shalt  }
0x69: {  	_ =	shalt  }
0x6a: {  	_ =	shalt  }
0x6b: {  	_ =	shalt  }
0x6c: {  	_ =	shalt  }
0x6d: {  	_ =	shalt  }
0x6e: {  	_ =	shalt  }
0x6f: {  	_ =	shalt  }
0x70: {  	_ =	shalt  }
0x71: {  	_ =	shalt  }
0x72: {  	_ =	shalt  }
0x73: {  	_ =	shalt  }
0x74: {  	_ =	shalt  }
0x75: {  	_ =	shalt  }
0x76: {  	_ =	shalt  }
0x77: {  	_ =	shalt  }
0x78: {  	_ =	shalt  }
0x79: {  	_ =	shalt  }
0x7a: {  	_ =	shalt  }
0x7b: {  	_ =	shalt  }
0x7c: {  	_ =	shalt  }
0x7d: {  	_ =	shalt  }
0x7e: {  	_ =	shalt  }
0x7f: {  	_ =	shalt  }
0x80: {  	_ =	shalt  }
0x81: {  	_ =	shalt  }
0x82: {  	_ =	shalt  }
0x83: {  	_ =	shalt  }
0x84: {  	_ =	shalt  }
0x85: {  	_ =	shalt  }
0x86: {  	_ =	shalt  }
0x87: {  	_ =	shalt  }
.Lfunc_end0:
.L_simem_size_0:
called_computation.1_lowered:
.L_overlay_start_0:
0x88: {  	s2 =	sld [smem:$0x3FD9]  }
0x89: {  	s3 =	sld [smem:$0x3FFE];
	_ =	sdelay $0x1  }
0x8a: {  	s1 =	srdreg.scid  }
0x8b: {  	s0 =	sand.u32 $0x1, s1  }
0x8c: {  	s17 =	sshll.u32 s0, $0xA;
	s2 =	sadd.s32 s3, s2  }
0x8d: {  	s2 =	sadd.s32 s2, s17  }
0x8e: {  	[smem:$0x3FC2] =	sst s2  }
0x8f: {  	_ = 	snop  }
0x90: {  	s2 =	sld [smem:$0x3FD0];
	(tm) =	ssettm $0x1  }
0x91: {  	s18 =	sld [smem:$0x3FFB];
	_ =	sdelay $0x3  }
0x92: {  	_ =	strace s18  }
0x93: {  	s3 =	sld [smem:$0x3FFC];
	_ =	sdelay $0x3  }
0x94: {  	_ =	strace s3  }
0x95: {  	s3 =	sld [smem:$0x3FFD];
	_ =	sdelay $0x3  }
0x96: {  	_ =	strace s3  }
0x97: {  	_ =	strace $0x8FFFFFFF  }
0x98: {  	s19 =	sld [smem:$0x3FDB];
	_ =	sdelay $0x1  }
0x99: {  	s4 =	simm.s32 $_scs_section_size  }
0x9a: {  	s5 =	simm.s32 $_size__tile_overlayer_lowered;
	s6 =	simm.s32 $_tile_overlayer_lowered  }
0x9b: {  	s22 =	simm.s32 $0x1BFF;
	s21 =	sshll.u32 s6, $0x1;
	s3 =	sadd.s32 s4, s19  }
0x9c: {  	s7 =	simm.s32 $0x0;
	s20 =	sshll.u32 s5, $0x1;
	s5 =	sadd.s32 s21, s3  }
0x9d: {  	[timem:s7], [sflag:s22] =	dma.local [hbm:s5], s20  }
0x9e: {  	_ =	swait.ge [sflag:s22], s20  }
0x9f: {  	s4 =	ssub.s32 $0x0, s20;
	[sflag:s22] =	ssyncset.done $0x0  }
0xa0: {  	[sflag:s22] =	ssyncadd.s32 s4;
	_ =	sdelay $0x1  }
0xa1: {  	s23 =	simm.s32 $0x1B8B  }
0xa2: {  	_ =	swait.ge [sflag:s23], $0x1  }
0xa3: {  	[sflag:s23] =	ssyncset.done $0x0  }
0xa4: {  	s25 =	simm.s32 $0x1B8E;
	s24 =	sld [smem:$0x3FFE];
	[sflag:s23] =	ssyncadd.s32 $0xFFFFFFFF  }
0xa5: {  	s26 =	simm.s32 $execute0_lowered;
	[smem:$0x3FD2] =	sst s25  }
0xa6: {  	s5 =	sshll.u32 s26, $0x1;
	_ =	strace $0x80000052;
	[dreg:$0x1] =	wrdreg $0xFFFFFFFF  }
0xa7: {  	s28 =	simm.s32 $_size_execute0_lowered;
	s3 =	sadd.s32 s3, s5;
	[dreg:$0x0] =	wrdreg $0x0  }
0xa8: {  	s5 =	sshll.u32 s28, $0x1;
	[dreg:$0x2] =	wrdreg s3  }
0xa9: {  	[dreg:$0x3] =	wrdreg s5  }
0xaa: {  	[dreg:$0x4] =	wrdreg $0xC0  }
0xab: {  	_ =	task [dreg:s7], $0x5FFFF  }
0xac: {  	[dreg:$0x1] =	wrdreg $0xFFFFFFFF  }
0xad: {  	[dreg:$0x0] =	wrdreg $0x60  }
0xae: {  	[dreg:$0x2] =	wrdreg s2  }
0xaf: {  	[dreg:$0x3] =	wrdreg s24  }
0xb0: {  	[dreg:$0x4] =	wrdreg $0x150000  }
0xb1: {  	[dreg:$0x5] =	wrdreg $0x9  }
0xb2: {  	_ =	task.clear_ibuf [dreg:s7], $0x6FFFF;
	_ =	strace $0x90000052  }
0xb3: {  	s29 =	simm.s32 $0x9;
	_ =	strace $0x8000005D  }
0xb4: {  	_ =	swait.ge [sflag:s29], $0x1  }
0xb5: {  	[sflag:s29] =	ssyncadd.s32 $0xFFFFFFFF  }
0xb6: {  	_ =	strace $0x9000005D  }
0xb7: {  	_ =	sfence  }
0xb8: {  	s30 =	sld [smem:$0x0];
	_ =	sdelay $0x2  }
0xb9: {  	s31 =	sshll.u32 s1, $0xD;
	s1 =	sshrl.u32 s1, $0x2  }
0xba: {  	s3 =	sand.u32 $0x4000, s31;
	s1 =	sadd.s32 s1, s30  }
0xbb: {  	s0 =	sor.u32 s3, s0;
	s1 =	sshll.u32 s1, $0x11  }
0xbc: {  	s0 =	sor.u32 s1, s0  }
0xbd: {  	s0 =	sadd.s32 $0x8F2B, s0  }
0xbe: {  	[sflag:s0] =	ssyncadd.remote.s32 $0x1  }
0xbf: {  	_ =	sfence.sel $0xFFFF  }
0xc0: {  	[dreg:$0x0] =	wrdreg $0xFFFFFFFF;
	(pc) =	sbr.abs _section_cstart, $3  }
0xc1: {  	[dreg:$0x1] =	wrdreg $0xFFFFFFFF  }
0xc2: {  	_ =	task.clear_ibuf [dreg:s7], $0x2FFFF;
	_ =	strace $0x9FFFFFFF  }
0xc3: {  	(tm) =	ssettm $0x7FFFFFFF  }
tec
execute0_lowered:
.L_overlay_start_1:
0x0: {  	(tag) =	ssettag $0x1  }
0x1: {  	s2 =	rddreg [dreg:$0x0]  }
0x2: {  	s0 =	rddreg [dreg:$0x1]  }
0x3: {  	s3 =	rddreg [dreg:$0x2];
	s4 =	stileid.u32  }
0x4: {  	s16 =	simm.s32 $0x0;
	s1 =	srdreg.scid;
	s28 =	simm.s32 $0x80  }
0x5: {  	s31 =	simm.s32 $0x9000;
	s29 =	simm.s32 $0x5;
	s6 =	smul.u32 $0x2800, s4  }
0x6: {  	s30 =	simm.s32 $0x8;
	[smem:$0x7FF] =	sst s16;
	s23 =	smul.u32 $0x280, s4  }
0x7: {  	s1 =	sand.u32 $0x1, s1;
	s5 =	sadd.s32 $0x29600, s0;
	s10 =	smul.u32 $0x28000, s4  }
0x8: {  	s14 =	sadd.s32 $0x65600, s0;
	_ =	strace $0x80000053;
	p0 =	seq.s32 s1, $0x0  }
0x9: {  	s8 =	ssub.s32 $0x2, s1;
	s1 =	smul.u32 $0x2800, s1;
	s7 =	sadd.s32 $0x28000, s6  }
0xa: {  	s9 =	sshrl.u32 s8, $0x1;
	s25 =	sshrl.u32 s10, $0x2;
	s7 =	smov.u32 @p0 s6  }
0xb: {  	s9 =	ssub.s32 s8, s9;
	s1 =	sadd.s32 s23, s1;
	s8 =	sadd.s32 s25, s3  }
0xc: {  	s6 =	simm.s32 $0xD000;
	s7 =	sshrl.u32 s7, $0x3;
	s1 =	sshll.u32 s1, $0x3  }
0xd: {  	s10 =	sadd.s32 $0x2000, s8;
	s7 =	sadd.s32 s7, s0;
	s17 =	sadd.s32 s14, s1  }
0xe: {  	s11 =	sadd.s32 $0x4000, s8;
	s24 =	sadd.s32 $0x15600, s7;
	[dreg:$0x7] =	wrdreg s17  }
0xf: {  	s12 =	sadd.s32 $0x6000, s8;
	s26 =	sadd.s32 $0x1F600, s7;
	[dreg:$0x4] =	wrdreg s24  }
0x10: {  	s19 =	sadd.s32 $0x800, s1;
	s7 =	smax.u32 s9, $0x1;
	[dreg:$0x5] =	wrdreg s26  }
0x11: {  	s21 =	sadd.s32 $0xC00, s1;
	s20 =	sadd.s32 s14, s19;
	[dreg:$0x6] =	wrdreg s7  }
0x12: {  	s15 =	sadd.s32 $0x1000, s1;
	s22 =	sadd.s32 s14, s21;
	[dreg:$0x9] =	wrdreg s20  }
0x13: {  	s0 =	sadd.s32 $0x3D600, s0;
	s23 =	sadd.s32 s14, s15;
	[dreg:$0xa] =	wrdreg s22  }
0x14: {  	s9 =	sadd.s32 $0x400, s1;
	s1 =	sadd.s32 s0, s1;
	[dreg:$0xb] =	wrdreg s23  }
0x15: {  	s13 =	sadd.s32 $0x8000, s8;
	s25 =	sadd.s32 s0, s19;
	[dreg:$0xc] =	wrdreg s1  }
0x16: {  	s17 =	simm.s32 $0x13000;
	s18 =	sadd.s32 s14, s9;
	[dreg:$0xe] =	wrdreg s25  }
.Ltmp0:
0x17: {  	s24 =	sadd.s32 s0, s9;
	[dreg:$0x8] =	wrdreg s18;
	(pc) =	sbr.rel .LBB2_1-.Ltmp0, $4  }
0x18: {  	s19 =	simm.s32 $0x3;
	s26 =	sadd.s32 s0, s21;
	[dreg:$0xd] =	wrdreg s24  }
0x19: {  	s0 =	sadd.s32 s0, s15;
	s15 =	simm.s32 $0x11000;
	[dreg:$0xf] =	wrdreg s26  }
0x1a: {  	s20 =	simm.s32 $0x7;
	s21 =	simm.s32 $0x0;
	[dreg:$0x10] =	wrdreg s0  }
0x1b: {  	v0 =	vimm.f32 $0.0e+00;
	s24 =	simm.s32 $0x9;
	s26 =	simm.s32 $0x5000;
	s18 =	simm.s32 $0x1  }
.LBB2_11:
0x1c: {  	_ =	swait.ge [sflag:s30], $0x2000  }
0x1d: {  	[sflag:s30] =	ssyncset.done $0x0  }
0x1e: {  	[sflag:s30] =	ssyncadd.s32 $0xFFFFE000  }
0x1f: {  	[spmem:s3] =	stream.indirect.scatter.add.f32 [tilespmem:s17], [sflag:$0x9], $0x40, s1, s28, $0x2000b8;
	[tilespmem:$0x1F000] =	vst v63  }
0x20: {  	_ =	swait.ge [sflag:s24], $0x2000  }
0x21: {  	[sflag:s24] =	ssyncset.done $0x0  }
0x22: {  	[sflag:s24] =	ssyncadd.s32 $0xFFFFE000  }
0x23: {  	[bflag:$0x0] =	sbarrier.arrive $0xFFFF  }
0x24: {  	_ =	strace $0x9000005B  }
0x25: {  	_ =	strace $0x8000005C  }
0x26: {  	[tilespmem:s26], [sflag:$0x9] =	stream.linear.gather [spmem:s8], $0x2000, $0x200038;
	[tilespmem:$0x1F000] =	vst v63  }
0x27: {  	_ =	swait.ge [sflag:s24], $0x2000  }
0x28: {  	[sflag:s24] =	ssyncset.done $0x0  }
0x29: {  	s16 =	simm.s32 $0x0;
	s0 =	rddreg [dreg:$0xc];
	[sflag:s24] =	ssyncadd.s32 $0xFFFFE000  }
0x2a: {  	[hbm4b:s0+s16] =	stream.linear.scatter [tilespmem:s26], [sflag:$0x9], $0x2000, $0x200038;
	[tilespmem:$0x1F000] =	vst v63  }
0x2b: {  	_ =	swait.ge [sflag:s24], $0x2000  }
0x2c: {  	[sflag:s24] =	ssyncset.done $0x0  }
0x2d: {  	[sflag:s24] =	ssyncadd.s32 $0xFFFFE000  }
0x2e: {  	[tilespmem:s26], [sflag:$0x9] =	stream.linear.gather [spmem:s10], $0x2000, $0x200038;
	[tilespmem:$0x1F000] =	vst v63  }
0x2f: {  	_ =	swait.ge [sflag:s24], $0x2000  }
0x30: {  	[sflag:s24] =	ssyncset.done $0x0  }
0x31: {  	s9 =	rddreg [dreg:$0xd];
	[sflag:s24] =	ssyncadd.s32 $0xFFFFE000  }
0x32: {  	[hbm4b:s9+s16] =	stream.linear.scatter [tilespmem:s26], [sflag:$0x9], $0x2000, $0x200038;
	[tilespmem:$0x1F000] =	vst v63  }
0x33: {  	_ =	swait.ge [sflag:s24], $0x2000  }
0x34: {  	[sflag:s24] =	ssyncset.done $0x0  }
0x35: {  	[sflag:s24] =	ssyncadd.s32 $0xFFFFE000  }
0x36: {  	[tilespmem:s26], [sflag:$0x9] =	stream.linear.gather [spmem:s11], $0x2000, $0x200038;
	[tilespmem:$0x1F000] =	vst v63  }
0x37: {  	_ =	swait.ge [sflag:s24], $0x2000  }
0x38: {  	[sflag:s24] =	ssyncset.done $0x0  }
0x39: {  	s14 =	rddreg [dreg:$0xe];
	[sflag:s24] =	ssyncadd.s32 $0xFFFFE000  }
0x3a: {  	[hbm4b:s14+s16] =	stream.linear.scatter [tilespmem:s26], [sflag:$0x9], $0x2000, $0x200038;
	[tilespmem:$0x1F000] =	vst v63  }
0x3b: {  	_ =	swait.ge [sflag:s24], $0x2000  }
0x3c: {  	[sflag:s24] =	ssyncset.done $0x0  }
0x3d: {  	[sflag:s24] =	ssyncadd.s32 $0xFFFFE000  }
0x3e: {  	[tilespmem:s26], [sflag:$0x9] =	stream.linear.gather [spmem:s12], $0x2000, $0x200038;
	[tilespmem:$0x1F000] =	vst v63  }
0x3f: {  	_ =	swait.ge [sflag:s24], $0x2000  }
0x40: {  	[sflag:s24] =	ssyncset.done $0x0  }
0x41: {  	s22 =	rddreg [dreg:$0xf];
	[sflag:s24] =	ssyncadd.s32 $0xFFFFE000  }
0x42: {  	[hbm4b:s22+s16] =	stream.linear.scatter [tilespmem:s26], [sflag:$0x9], $0x2000, $0x200038;
	[tilespmem:$0x1F000] =	vst v63  }
0x43: {  	_ =	swait.ge [sflag:s24], $0x2000  }
0x44: {  	[sflag:s24] =	ssyncset.done $0x0  }
0x45: {  	[sflag:s24] =	ssyncadd.s32 $0xFFFFE000  }
0x46: {  	[tilespmem:s26], [sflag:$0x9] =	stream.linear.gather [spmem:s13], $0x2000, $0x200038;
	[tilespmem:$0x1F000] =	vst v63  }
0x47: {  	_ =	swait.ge [sflag:s24], $0x2000  }
0x48: {  	[sflag:s24] =	ssyncset.done $0x0  }
0x49: {  	s23 =	rddreg [dreg:$0x10];
	[sflag:s24] =	ssyncadd.s32 $0xFFFFE000  }
0x4a: {  	[hbm4b:s23+s16] =	stream.linear.scatter [tilespmem:s26], [sflag:$0x9], $0x2000, $0x200038;
	[tilespmem:$0x1F000] =	vst v63  }
0x4b: {  	_ =	swait.ge [sflag:s24], $0x2000  }
0x4c: {  	[sflag:s24] =	ssyncset.done $0x0  }
0x4d: {  	[sflag:s24] =	ssyncadd.s32 $0xFFFFE000  }
0x4e: {  	[bflag:$0x0] =	sbarrier.arrive $0xFFFF  }
0x4f: {  	s21 =	sadd.s32 $0x1, s21;
	s25 =	rddreg [dreg:$0x6]  }
0x50: {  	p0 =	sne.s32 s21, s25  }
.Ltmp1:
0x51: {  	_ = 	snop;
	(pc) =	sbr.rel @!p0 .LBB2_12-.Ltmp1, $2  }
0x52: {  	_ =	sdelay $0x2  }
0x53: {  	_ =	strace $0x9000005C  }
.LBB2_1:
0x54: {  	_ =	strace $0x80000054  }
0x55: {  	s0 =	rddreg [dreg:$0x4]  }
0x56: {  	[tilespmem:s16], [sflag:$0x9] =	stream.linear.gather [hbm4b:s0+s16], $0x2800, $0x200038;
	[tilespmem:$0x1F000] =	vst v63  }
0x57: {  	_ =	swait.ge [sflag:s24], $0x2800  }
0x58: {  	[sflag:s24] =	ssyncset.done $0x0  }
0x59: {  	s1 =	simm.s32 $0x2800;
	s25 =	rddreg [dreg:$0x5];
	[sflag:s24] =	ssyncadd.s32 $0xFFFFD800  }
0x5a: {  	[tilespmem:s1], [sflag:$0x9] =	stream.linear.gather [hbm4b:s25+s16], $0x2800, $0x200038;
	[tilespmem:$0x1F000] =	vst v63  }
0x5b: {  	_ =	swait.ge [sflag:s24], $0x2800  }
0x5c: {  	[sflag:s24] =	ssyncset.done $0x0  }
0x5d: {  	[sflag:s24] =	ssyncadd.s32 $0xFFFFD800  }
0x5e: {  	_ =	strace $0x90000054  }
0x5f: {  	s0 =	simm.s32 $0x0;
	s1 =	simm.s32 $0x100;
	_ =	strace $0x80000055  }
.LBB2_2:
0x60: {  	p0 =	sne.s32 s1, $0x7F00;
	[tilespmem:s0+$0x5030] =	vst v0;
	s7 =	smov.u32 s1;
	s1 =	sadd.s32 $0x100, s1  }
.Ltmp2:
0x61: {  	[tilespmem:s0+$0x5020] =	vst v0;
	(pc) =	sbr.rel @p0 .LBB2_2-.Ltmp2, $3  }
0x62: {  	[tilespmem:s0+$0x5000] =	vst v0  }
0x63: {  	[tilespmem:s0+$0x5010] =	vst v0;
	_ =	sdelay $0x1  }
0x64: {  	s0 =	sshra.s32 s7, $0x2  }
0x65: {  	[tilespmem:s0+$0x5030] =	vst v0  }
0x66: {  	[tilespmem:s0+$0x5020] =	vst v0  }
0x67: {  	[tilespmem:s0+$0x5000] =	vst v0  }
0x68: {  	[tilespmem:s0+$0x5010] =	vst v0  }
0x69: {  	_ =	strace $0x90000055  }
0x6a: {  	_ =	strace $0x80000056  }
0x6b: {  	[spmem:s8] =	stream.linear.scatter [tilespmem:s26], [sflag:$0x9], $0x2000, $0x200038;
	[tilespmem:$0x1F000] =	vst v63  }
0x6c: {  	_ =	swait.ge [sflag:s24], $0x2000  }
0x6d: {  	[sflag:s24] =	ssyncset.done $0x0  }
0x6e: {  	[sflag:s24] =	ssyncadd.s32 $0xFFFFE000  }
0x6f: {  	[spmem:s10] =	stream.linear.scatter [tilespmem:s26], [sflag:$0x9], $0x2000, $0x200038;
	[tilespmem:$0x1F000] =	vst v63  }
0x70: {  	_ =	swait.ge [sflag:s24], $0x2000  }
0x71: {  	[sflag:s24] =	ssyncset.done $0x0  }
0x72: {  	[sflag:s24] =	ssyncadd.s32 $0xFFFFE000  }
0x73: {  	[spmem:s11] =	stream.linear.scatter [tilespmem:s26], [sflag:$0x9], $0x2000, $0x200038;
	[tilespmem:$0x1F000] =	vst v63  }
0x74: {  	_ =	swait.ge [sflag:s24], $0x2000  }
0x75: {  	[sflag:s24] =	ssyncset.done $0x0  }
0x76: {  	[sflag:s24] =	ssyncadd.s32 $0xFFFFE000  }
0x77: {  	[spmem:s12] =	stream.linear.scatter [tilespmem:s26], [sflag:$0x9], $0x2000, $0x200038;
	[tilespmem:$0x1F000] =	vst v63  }
0x78: {  	_ =	swait.ge [sflag:s24], $0x2000  }
0x79: {  	[sflag:s24] =	ssyncset.done $0x0  }
0x7a: {  	[sflag:s24] =	ssyncadd.s32 $0xFFFFE000  }
0x7b: {  	[spmem:s13] =	stream.linear.scatter [tilespmem:s26], [sflag:$0x9], $0x2000, $0x200038;
	[tilespmem:$0x1F000] =	vst v63  }
0x7c: {  	_ =	swait.ge [sflag:s24], $0x2000  }
0x7d: {  	[sflag:s24] =	ssyncset.done $0x0  }
0x7e: {  	[sflag:s24] =	ssyncadd.s32 $0xFFFFE000  }
0x7f: {  	[bflag:$0x0] =	sbarrier.arrive $0xFFFF  }
0x80: {  	_ =	strace $0x90000056  }
0x81: {  	s22 =	simm.s32 $0x0;
	_ =	strace $0x80000057  }
0x82: {  	[tilespmem:s26], [sflag:$0x1] =	stream.indirect.gather [hbm4b:s2+s28], $0x40, s22, s28, $0x2000b8;
	[tilespmem:$0x1F000] =	vst v63  }
0x83: {  	s1 =	simm.s32 $0x7000  }
0x84: {  	[tilespmem:s1], [sflag:$0x2] =	stream.indirect.gather [hbm4b:s2+s28], $0x40, s28, s28, $0x2000b8;
	[tilespmem:$0x1F000] =	vst v63  }
0x85: {  	s4 =	simm.s32 $0x100  }
0x86: {  	[tilespmem:s31], [sflag:$0x3] =	stream.indirect.gather [hbm4b:s2+s28], $0x40, s4, s28, $0x2000b8;
	[tilespmem:$0x1F000] =	vst v63  }
0x87: {  	s7 =	simm.s32 $0x180;
	s1 =	simm.s32 $0xB000  }
0x88: {  	[tilespmem:s1], [sflag:$0x4] =	stream.indirect.gather [hbm4b:s2+s28], $0x40, s7, s28, $0x2000b8;
	[tilespmem:$0x1F000] =	vst v63  }
0x89: {  	s9 =	simm.s32 $0x200  }
0x8a: {  	[tilespmem:s6], [sflag:$0x5] =	stream.indirect.gather [hbm4b:s2+s28], $0x40, s9, s28, $0x2000b8;
	[tilespmem:$0x1F000] =	vst v63  }
0x8b: {  	s14 =	simm.s32 $0x280;
	s16 =	simm.s32 $0xF000  }
0x8c: {  	[tilespmem:s16], [sflag:$0x6] =	stream.indirect.gather [hbm4b:s2+s28], $0x40, s14, s28, $0x2000b8;
	[tilespmem:$0x1F000] =	vst v63  }
0x8d: {  	s23 =	simm.s32 $0x300  }
0x8e: {  	[tilespmem:s15], [sflag:$0x7] =	stream.indirect.gather [hbm4b:s2+s28], $0x40, s23, s28, $0x2000b8;
	[tilespmem:$0x1F000] =	vst v63  }
0x8f: {  	s25 =	simm.s32 $0x380  }
0x90: {  	[tilespmem:s17], [sflag:$0x8] =	stream.indirect.gather [hbm4b:s2+s28], $0x40, s25, s28, $0x2000b8;
	[tilespmem:$0x1F000] =	vst v63  }
.LBB2_4:
0x91: {  	_ =	swait.ge [sflag:s18], $0x2000  }
0x92: {  	s0 =	sshra.s32 s22, $0x2;
	[sflag:s18] =	ssyncset.done $0x0  }
0x93: {  	s1 =	sadd.s32 $0x2800, s0;
	[sflag:s18] =	ssyncadd.s32 $0xFFFFE000  }
0x94: {  	[spmem:s3] =	stream.indirect.scatter.add.f32 [tilespmem:s26], [sflag:$0x9], $0x40, s1, s28, $0x2000b8;
	[tilespmem:$0x1F000] =	vst v63  }
0x95: {  	_ =	swait.ge [sflag:s24], $0x2000  }
0x96: {  	p0 =	seq.s32 s22, $0x9000;
	[sflag:s24] =	ssyncset.done $0x0  }
0x97: {  	s1 =	simm.s32 @p0 $0x2;
	[sflag:s24] =	ssyncadd.s32 $0xFFFFE000  }
0x98: {  	_ =	swait.ge @p0 [sflag:s1], $0x2000  }
0x99: {  	s25 =	sshra.s32 @p0 s22, $0x2;
	s7 =	simm.s32 @p0 $0x80;
	[sflag:s1] =	ssyncset.done @p0 $0x0  }
0x9a: {  	s9 =	simm.s32 @p0 $0x7000;
	[sflag:s1] =	ssyncadd.s32 @p0 $0xFFFFE000;
	s1 =	sadd.s32 @p0 $0x2880, s25  }
0x9b: {  	[spmem:s3] =	stream.indirect.scatter.add.f32 @p0 [tilespmem:s9], [sflag:$0x9], $0x40, s1, s7, $0x2000b8;
	[tilespmem:$0x1F000] =	vst v63  }
0x9c: {  	s9 =	simm.s32 @p0 $0x9  }
0x9d: {  	_ =	swait.ge @p0 [sflag:s9], $0x2000  }
0x9e: {  	s23 =	sshra.s32 @!p0 s22, $0x2;
	s16 =	simm.s32 @!p0 $0x5000;
	[sflag:s9] =	ssyncset.done @p0 $0x0  }
0x9f: {  	s14 =	sadd.s32 @!p0 $0x400, s23;
	s1 =	simm.s32 @!p0 $0x80;
	[sflag:s9] =	ssyncadd.s32 @p0 $0xFFFFE000  }
0xa0: {  	[tilespmem:s16], [sflag:$0x1] =	stream.indirect.gather @!p0 [hbm4b:s2+s1], $0x40, s14, s1, $0x2000b8;
	[tilespmem:$0x1F000] =	vst v63  }
0xa1: {  	s14 =	simm.s32 @!p0 $0x2  }
0xa2: {  	_ =	swait.ge @!p0 [sflag:s14], $0x2000  }
0xa3: {  	[sflag:s14] =	ssyncset.done @!p0 $0x0  }
0xa4: {  	s16 =	simm.s32 @!p0 $0x7000;
	[sflag:s14] =	ssyncadd.s32 @!p0 $0xFFFFE000;
	s14 =	sadd.s32 @!p0 $0x2880, s23  }
0xa5: {  	[spmem:s3] =	stream.indirect.scatter.add.f32 @!p0 [tilespmem:s16], [sflag:$0x9], $0x40, s14, s1, $0x2000b8;
	[tilespmem:$0x1F000] =	vst v63  }
0xa6: {  	s14 =	simm.s32 @!p0 $0x9  }
0xa7: {  	_ =	swait.ge @!p0 [sflag:s14], $0x2000  }
0xa8: {  	[sflag:s14] =	ssyncset.done @!p0 $0x0  }
0xa9: {  	s4 =	sadd.s32 @!p0 $0x480, s23;
	[sflag:s14] =	ssyncadd.s32 @!p0 $0xFFFFE000  }
0xaa: {  	[tilespmem:s16], [sflag:$0x2] =	stream.indirect.gather @!p0 [hbm4b:s2+s1], $0x40, s4, s1, $0x2000b8;
	[tilespmem:$0x1F000] =	vst v63  }
0xab: {  	_ =	swait.ge [sflag:s19], $0x2000  }
0xac: {  	[sflag:s19] =	ssyncset.done $0x0  }
0xad: {  	s16 =	sadd.s32 $0x2900, s0;
	[sflag:s19] =	ssyncadd.s32 $0xFFFFE000  }
0xae: {  	[spmem:s3] =	stream.indirect.scatter.add.f32 [tilespmem:s31], [sflag:$0x9], $0x40, s16, s28, $0x2000b8;
	[tilespmem:$0x1F000] =	vst v63  }
0xaf: {  	_ =	swait.ge [sflag:s24], $0x2000  }
0xb0: {  	[sflag:s24] =	ssyncset.done $0x0  }
0xb1: {  	s4 =	simm.s32 @p0 $0x4;
	[sflag:s24] =	ssyncadd.s32 $0xFFFFE000  }
0xb2: {  	_ =	swait.ge @p0 [sflag:s4], $0x2000  }
0xb3: {  	[sflag:s4] =	ssyncset.done @p0 $0x0  }
0xb4: {  	s16 =	simm.s32 @p0 $0xB000;
	[sflag:s4] =	ssyncadd.s32 @p0 $0xFFFFE000;
	s4 =	sadd.s32 @p0 $0x2980, s25  }
0xb5: {  	[spmem:s3] =	stream.indirect.scatter.add.f32 @p0 [tilespmem:s16], [sflag:$0x9], $0x40, s4, s7, $0x2000b8;
	[tilespmem:$0x1F000] =	vst v63  }
0xb6: {  	_ =	swait.ge @p0 [sflag:s9], $0x2000  }
0xb7: {  	[sflag:s9] =	ssyncset.done @p0 $0x0  }
0xb8: {  	s4 =	sadd.s32 @!p0 $0x500, s23;
	s16 =	simm.s32 @!p0 $0x9000;
	[sflag:s9] =	ssyncadd.s32 @p0 $0xFFFFE000  }
0xb9: {  	[tilespmem:s16], [sflag:$0x3] =	stream.indirect.gather @!p0 [hbm4b:s2+s1], $0x40, s4, s1, $0x2000b8;
	[tilespmem:$0x1F000] =	vst v63  }
0xba: {  	s4 =	simm.s32 @!p0 $0x4  }
0xbb: {  	_ =	swait.ge @!p0 [sflag:s4], $0x2000  }
0xbc: {  	[sflag:s4] =	ssyncset.done @!p0 $0x0  }
0xbd: {  	s16 =	simm.s32 @!p0 $0xB000;
	[sflag:s4] =	ssyncadd.s32 @!p0 $0xFFFFE000;
	s4 =	sadd.s32 @!p0 $0x2980, s23  }
0xbe: {  	[spmem:s3] =	stream.indirect.scatter.add.f32 @!p0 [tilespmem:s16], [sflag:$0x9], $0x40, s4, s1, $0x2000b8;
	[tilespmem:$0x1F000] =	vst v63  }
0xbf: {  	_ =	swait.ge @!p0 [sflag:s14], $0x2000  }
0xc0: {  	[sflag:s14] =	ssyncset.done @!p0 $0x0  }
0xc1: {  	s4 =	sadd.s32 @!p0 $0x580, s23;
	[sflag:s14] =	ssyncadd.s32 @!p0 $0xFFFFE000  }
0xc2: {  	[tilespmem:s16], [sflag:$0x4] =	stream.indirect.gather @!p0 [hbm4b:s2+s1], $0x40, s4, s1, $0x2000b8;
	[tilespmem:$0x1F000] =	vst v63  }
0xc3: {  	_ =	swait.ge [sflag:s29], $0x2000  }
0xc4: {  	[sflag:s29] =	ssyncset.done $0x0  }
0xc5: {  	s16 =	sadd.s32 $0x2A00, s0;
	[sflag:s29] =	ssyncadd.s32 $0xFFFFE000  }
0xc6: {  	[spmem:s3] =	stream.indirect.scatter.add.f32 [tilespmem:s6], [sflag:$0x9], $0x40, s16, s28, $0x2000b8;
	[tilespmem:$0x1F000] =	vst v63  }
0xc7: {  	_ =	swait.ge [sflag:s24], $0x2000  }
0xc8: {  	[sflag:s24] =	ssyncset.done $0x0  }
0xc9: {  	s4 =	simm.s32 @p0 $0x6;
	[sflag:s24] =	ssyncadd.s32 $0xFFFFE000  }
0xca: {  	_ =	swait.ge @p0 [sflag:s4], $0x2000  }
0xcb: {  	[sflag:s4] =	ssyncset.done @p0 $0x0  }
0xcc: {  	s16 =	simm.s32 @p0 $0xF000;
	[sflag:s4] =	ssyncadd.s32 @p0 $0xFFFFE000;
	s4 =	sadd.s32 @p0 $0x2A80, s25  }
0xcd: {  	[spmem:s3] =	stream.indirect.scatter.add.f32 @p0 [tilespmem:s16], [sflag:$0x9], $0x40, s4, s7, $0x2000b8;
	[tilespmem:$0x1F000] =	vst v63  }
0xce: {  	_ =	swait.ge @p0 [sflag:s9], $0x2000  }
0xcf: {  	[sflag:s9] =	ssyncset.done @p0 $0x0  }
0xd0: {  	s4 =	sadd.s32 @!p0 $0x600, s23;
	s7 =	simm.s32 @!p0 $0xD000;
	[sflag:s9] =	ssyncadd.s32 @p0 $0xFFFFE000  }
0xd1: {  	[tilespmem:s7], [sflag:$0x5] =	stream.indirect.gather @!p0 [hbm4b:s2+s1], $0x40, s4, s1, $0x2000b8;
	[tilespmem:$0x1F000] =	vst v63  }
0xd2: {  	s4 =	simm.s32 @!p0 $0x6  }
0xd3: {  	_ =	swait.ge @!p0 [sflag:s4], $0x2000  }
0xd4: {  	[sflag:s4] =	ssyncset.done @!p0 $0x0  }
0xd5: {  	s7 =	simm.s32 @!p0 $0xF000;
	[sflag:s4] =	ssyncadd.s32 @!p0 $0xFFFFE000;
	s4 =	sadd.s32 @!p0 $0x2A80, s23  }
0xd6: {  	[spmem:s3] =	stream.indirect.scatter.add.f32 @!p0 [tilespmem:s7], [sflag:$0x9], $0x40, s4, s1, $0x2000b8;
	[tilespmem:$0x1F000] =	vst v63  }
0xd7: {  	_ =	swait.ge @!p0 [sflag:s14], $0x2000  }
0xd8: {  	[sflag:s14] =	ssyncset.done @!p0 $0x0  }
0xd9: {  	s4 =	sadd.s32 @!p0 $0x680, s23;
	[sflag:s14] =	ssyncadd.s32 @!p0 $0xFFFFE000  }
0xda: {  	[tilespmem:s7], [sflag:$0x6] =	stream.indirect.gather @!p0 [hbm4b:s2+s1], $0x40, s4, s1, $0x2000b8;
	[tilespmem:$0x1F000] =	vst v63  }
0xdb: {  	_ =	swait.ge [sflag:s20], $0x2000  }
0xdc: {  	[sflag:s20] =	ssyncset.done $0x0  }
.Ltmp3:
0xdd: {  	s25 =	sadd.s32 $0x2B00, s0;
	[sflag:s20] =	ssyncadd.s32 $0xFFFFE000;
	(pc) =	sbr.rel @p0 .LBB2_6-.Ltmp3, $4  }
0xde: {  	[spmem:s3] =	stream.indirect.scatter.add.f32 [tilespmem:s15], [sflag:$0x9], $0x40, s25, s28, $0x2000b8;
	[tilespmem:$0x1F000] =	vst v63  }
0xdf: {  	_ =	swait.ge [sflag:s24], $0x2000  }
0xe0: {  	[sflag:s24] =	ssyncset.done $0x0  }
0xe1: {  	s1 =	sadd.s32 $0x2B80, s0;
	[sflag:s24] =	ssyncadd.s32 $0xFFFFE000  }
0xe2: {  	s4 =	sadd.s32 $0x700, s0  }
0xe3: {  	[tilespmem:s15], [sflag:$0x7] =	stream.indirect.gather [hbm4b:s2+s28], $0x40, s4, s28, $0x2000b8;
	[tilespmem:$0x1F000] =	vst v63  }
0xe4: {  	_ =	swait.ge [sflag:s30], $0x2000  }
0xe5: {  	[sflag:s30] =	ssyncset.done $0x0  }
0xe6: {  	[sflag:s30] =	ssyncadd.s32 $0xFFFFE000  }
0xe7: {  	[spmem:s3] =	stream.indirect.scatter.add.f32 [tilespmem:s17], [sflag:$0x9], $0x40, s1, s28, $0x2000b8;
	[tilespmem:$0x1F000] =	vst v63  }
.Ltmp4:
0xe8: {  	_ = 	snop;
	(pc) =	sbr.rel .LBB2_4-.Ltmp4, $4  }
0xe9: {  	_ =	swait.ge [sflag:s24], $0x2000  }
0xea: {  	[sflag:s24] =	ssyncset.done $0x0  }
0xeb: {  	s25 =	sadd.s32 $0x780, s0;
	s22 =	sadd.s32 $0x1000, s22;
	[sflag:s24] =	ssyncadd.s32 $0xFFFFE000  }
0xec: {  	[tilespmem:s17], [sflag:$0x8] =	stream.indirect.gather [hbm4b:s2+s28], $0x40, s25, s28, $0x2000b8;
	[tilespmem:$0x1F000] =	vst v63  }
.LBB2_6:
0xed: {  	_ =	swait.ge [sflag:s30], $0x2000  }
0xee: {  	[sflag:s30] =	ssyncset.done $0x0  }
0xef: {  	[sflag:s30] =	ssyncadd.s32 $0xFFFFE000  }
0xf0: {  	[spmem:s3] =	stream.indirect.scatter.add.f32 [tilespmem:s17], [sflag:$0x9], $0x40, s1, s28, $0x2000b8;
	[tilespmem:$0x1F000] =	vst v63  }
0xf1: {  	_ =	swait.ge [sflag:s24], $0x2000  }
0xf2: {  	[sflag:s24] =	ssyncset.done $0x0  }
0xf3: {  	[sflag:s24] =	ssyncadd.s32 $0xFFFFE000  }
0xf4: {  	[bflag:$0x0] =	sbarrier.arrive $0xFFFF  }
0xf5: {  	_ =	strace $0x90000057  }
0xf6: {  	_ =	strace $0x80000058  }
0xf7: {  	[tilespmem:s26], [sflag:$0x9] =	stream.linear.gather [spmem:s8], $0x2000, $0x200038;
	[tilespmem:$0x1F000] =	vst v63  }
0xf8: {  	_ =	swait.ge [sflag:s24], $0x2000  }
0xf9: {  	[sflag:s24] =	ssyncset.done $0x0  }
0xfa: {  	s0 =	simm.s32 $0x0;
	s14 =	rddreg [dreg:$0x7];
	[sflag:s24] =	ssyncadd.s32 $0xFFFFE000  }
0xfb: {  	[hbm4b:s14+s0] =	stream.linear.scatter [tilespmem:s26], [sflag:$0x9], $0x2000, $0x200038;
	[tilespmem:$0x1F000] =	vst v63  }
0xfc: {  	_ =	swait.ge [sflag:s24], $0x2000  }
0xfd: {  	[sflag:s24] =	ssyncset.done $0x0  }
0xfe: {  	[sflag:s24] =	ssyncadd.s32 $0xFFFFE000  }
0xff: {  	[tilespmem:s26], [sflag:$0x9] =	stream.linear.gather [spmem:s10], $0x2000, $0x200038;
	[tilespmem:$0x1F000] =	vst v63  }
0x100: {  	_ =	swait.ge [sflag:s24], $0x2000  }
0x101: {  	[sflag:s24] =	ssyncset.done $0x0  }
0x102: {  	s16 =	rddreg [dreg:$0x8];
	[sflag:s24] =	ssyncadd.s32 $0xFFFFE000  }
0x103: {  	[hbm4b:s16+s0] =	stream.linear.scatter [tilespmem:s26], [sflag:$0x9], $0x2000, $0x200038;
	[tilespmem:$0x1F000] =	vst v63  }
0x104: {  	_ =	swait.ge [sflag:s24], $0x2000  }
0x105: {  	[sflag:s24] =	ssyncset.done $0x0  }
0x106: {  	[sflag:s24] =	ssyncadd.s32 $0xFFFFE000  }
0x107: {  	[tilespmem:s26], [sflag:$0x9] =	stream.linear.gather [spmem:s11], $0x2000, $0x200038;
	[tilespmem:$0x1F000] =	vst v63  }
0x108: {  	_ =	swait.ge [sflag:s24], $0x2000  }
0x109: {  	[sflag:s24] =	ssyncset.done $0x0  }
0x10a: {  	s22 =	rddreg [dreg:$0x9];
	[sflag:s24] =	ssyncadd.s32 $0xFFFFE000  }
0x10b: {  	[hbm4b:s22+s0] =	stream.linear.scatter [tilespmem:s26], [sflag:$0x9], $0x2000, $0x200038;
	[tilespmem:$0x1F000] =	vst v63  }
0x10c: {  	_ =	swait.ge [sflag:s24], $0x2000  }
0x10d: {  	[sflag:s24] =	ssyncset.done $0x0  }
0x10e: {  	[sflag:s24] =	ssyncadd.s32 $0xFFFFE000  }
0x10f: {  	[tilespmem:s26], [sflag:$0x9] =	stream.linear.gather [spmem:s12], $0x2000, $0x200038;
	[tilespmem:$0x1F000] =	vst v63  }
0x110: {  	_ =	swait.ge [sflag:s24], $0x2000  }
0x111: {  	[sflag:s24] =	ssyncset.done $0x0  }
0x112: {  	s23 =	rddreg [dreg:$0xa];
	[sflag:s24] =	ssyncadd.s32 $0xFFFFE000  }
0x113: {  	[hbm4b:s23+s0] =	stream.linear.scatter [tilespmem:s26], [sflag:$0x9], $0x2000, $0x200038;
	[tilespmem:$0x1F000] =	vst v63  }
0x114: {  	_ =	swait.ge [sflag:s24], $0x2000  }
0x115: {  	[sflag:s24] =	ssyncset.done $0x0  }
0x116: {  	[sflag:s24] =	ssyncadd.s32 $0xFFFFE000  }
0x117: {  	[tilespmem:s26], [sflag:$0x9] =	stream.linear.gather [spmem:s13], $0x2000, $0x200038;
	[tilespmem:$0x1F000] =	vst v63  }
0x118: {  	_ =	swait.ge [sflag:s24], $0x2000  }
0x119: {  	[sflag:s24] =	ssyncset.done $0x0  }
0x11a: {  	s25 =	rddreg [dreg:$0xb];
	[sflag:s24] =	ssyncadd.s32 $0xFFFFE000  }
0x11b: {  	[hbm4b:s25+s0] =	stream.linear.scatter [tilespmem:s26], [sflag:$0x9], $0x2000, $0x200038;
	[tilespmem:$0x1F000] =	vst v63  }
0x11c: {  	_ =	swait.ge [sflag:s24], $0x2000  }
0x11d: {  	[sflag:s24] =	ssyncset.done $0x0  }
0x11e: {  	[sflag:s24] =	ssyncadd.s32 $0xFFFFE000  }
0x11f: {  	[bflag:$0x0] =	sbarrier.arrive $0xFFFF  }
0x120: {  	_ =	strace $0x90000058  }
0x121: {  	s1 =	simm.s32 $0x100;
	s0 =	simm.s32 $0x0;
	_ =	strace $0x80000059  }
.LBB2_7:
0x122: {  	p0 =	sne.s32 s1, $0x7F00;
	[tilespmem:s0+$0x5030] =	vst v0;
	s4 =	smov.u32 s1;
	s1 =	sadd.s32 $0x100, s1  }
.Ltmp5:
0x123: {  	[tilespmem:s0+$0x5020] =	vst v0;
	(pc) =	sbr.rel @p0 .LBB2_7-.Ltmp5, $3  }
0x124: {  	[tilespmem:s0+$0x5000] =	vst v0  }
0x125: {  	[tilespmem:s0+$0x5010] =	vst v0;
	_ =	sdelay $0x1  }
0x126: {  	s0 =	sshra.s32 s4, $0x2  }
0x127: {  	[tilespmem:s0+$0x5030] =	vst v0  }
0x128: {  	[tilespmem:s0+$0x5020] =	vst v0  }
0x129: {  	[tilespmem:s0+$0x5000] =	vst v0  }
0x12a: {  	[tilespmem:s0+$0x5010] =	vst v0  }
0x12b: {  	_ =	strace $0x90000059  }
0x12c: {  	_ =	strace $0x8000005A  }
0x12d: {  	[spmem:s8] =	stream.linear.scatter [tilespmem:s26], [sflag:$0x9], $0x2000, $0x200038;
	[tilespmem:$0x1F000] =	vst v63  }
0x12e: {  	_ =	swait.ge [sflag:s24], $0x2000  }
0x12f: {  	[sflag:s24] =	ssyncset.done $0x0  }
0x130: {  	[sflag:s24] =	ssyncadd.s32 $0xFFFFE000  }
0x131: {  	[spmem:s10] =	stream.linear.scatter [tilespmem:s26], [sflag:$0x9], $0x2000, $0x200038;
	[tilespmem:$0x1F000] =	vst v63  }
0x132: {  	_ =	swait.ge [sflag:s24], $0x2000  }
0x133: {  	[sflag:s24] =	ssyncset.done $0x0  }
0x134: {  	[sflag:s24] =	ssyncadd.s32 $0xFFFFE000  }
0x135: {  	[spmem:s11] =	stream.linear.scatter [tilespmem:s26], [sflag:$0x9], $0x2000, $0x200038;
	[tilespmem:$0x1F000] =	vst v63  }
0x136: {  	_ =	swait.ge [sflag:s24], $0x2000  }
0x137: {  	[sflag:s24] =	ssyncset.done $0x0  }
0x138: {  	[sflag:s24] =	ssyncadd.s32 $0xFFFFE000  }
0x139: {  	[spmem:s12] =	stream.linear.scatter [tilespmem:s26], [sflag:$0x9], $0x2000, $0x200038;
	[tilespmem:$0x1F000] =	vst v63  }
0x13a: {  	_ =	swait.ge [sflag:s24], $0x2000  }
0x13b: {  	[sflag:s24] =	ssyncset.done $0x0  }
0x13c: {  	[sflag:s24] =	ssyncadd.s32 $0xFFFFE000  }
0x13d: {  	[spmem:s13] =	stream.linear.scatter [tilespmem:s26], [sflag:$0x9], $0x2000, $0x200038;
	[tilespmem:$0x1F000] =	vst v63  }
0x13e: {  	_ =	swait.ge [sflag:s24], $0x2000  }
0x13f: {  	[sflag:s24] =	ssyncset.done $0x0  }
0x140: {  	[sflag:s24] =	ssyncadd.s32 $0xFFFFE000  }
0x141: {  	[bflag:$0x0] =	sbarrier.arrive $0xFFFF  }
0x142: {  	_ =	strace $0x9000005A  }
0x143: {  	s22 =	simm.s32 $0x0;
	_ =	strace $0x8000005B  }
0x144: {  	[tilespmem:s26], [sflag:$0x1] =	stream.indirect.gather [hbm4b:s5+s28], $0x40, s22, s28, $0x2000b8;
	[tilespmem:$0x1F000] =	vst v63  }
0x145: {  	s1 =	simm.s32 $0x7000  }
0x146: {  	[tilespmem:s1], [sflag:$0x2] =	stream.indirect.gather [hbm4b:s5+s28], $0x40, s28, s28, $0x2000b8;
	[tilespmem:$0x1F000] =	vst v63  }
0x147: {  	s4 =	simm.s32 $0x100  }
0x148: {  	[tilespmem:s31], [sflag:$0x3] =	stream.indirect.gather [hbm4b:s5+s28], $0x40, s4, s28, $0x2000b8;
	[tilespmem:$0x1F000] =	vst v63  }
0x149: {  	s7 =	simm.s32 $0x180;
	s1 =	simm.s32 $0xB000  }
0x14a: {  	[tilespmem:s1], [sflag:$0x4] =	stream.indirect.gather [hbm4b:s5+s28], $0x40, s7, s28, $0x2000b8;
	[tilespmem:$0x1F000] =	vst v63  }
0x14b: {  	s9 =	simm.s32 $0x200  }
0x14c: {  	[tilespmem:s6], [sflag:$0x5] =	stream.indirect.gather [hbm4b:s5+s28], $0x40, s9, s28, $0x2000b8;
	[tilespmem:$0x1F000] =	vst v63  }
0x14d: {  	s14 =	simm.s32 $0x280;
	s16 =	simm.s32 $0xF000  }
0x14e: {  	[tilespmem:s16], [sflag:$0x6] =	stream.indirect.gather [hbm4b:s5+s28], $0x40, s14, s28, $0x2000b8;
	[tilespmem:$0x1F000] =	vst v63  }
0x14f: {  	s23 =	simm.s32 $0x300  }
0x150: {  	[tilespmem:s15], [sflag:$0x7] =	stream.indirect.gather [hbm4b:s5+s28], $0x40, s23, s28, $0x2000b8;
	[tilespmem:$0x1F000] =	vst v63  }
0x151: {  	s25 =	simm.s32 $0x380  }
0x152: {  	[tilespmem:s17], [sflag:$0x8] =	stream.indirect.gather [hbm4b:s5+s28], $0x40, s25, s28, $0x2000b8;
	[tilespmem:$0x1F000] =	vst v63  }
.LBB2_9:
0x153: {  	_ =	swait.ge [sflag:s18], $0x2000  }
0x154: {  	s0 =	sshra.s32 s22, $0x2;
	[sflag:s18] =	ssyncset.done $0x0  }
0x155: {  	s1 =	sadd.s32 $0x2800, s0;
	[sflag:s18] =	ssyncadd.s32 $0xFFFFE000  }
0x156: {  	[spmem:s3] =	stream.indirect.scatter.add.f32 [tilespmem:s26], [sflag:$0x9], $0x40, s1, s28, $0x2000b8;
	[tilespmem:$0x1F000] =	vst v63  }
0x157: {  	_ =	swait.ge [sflag:s24], $0x2000  }
0x158: {  	p0 =	seq.s32 s22, $0x9000;
	[sflag:s24] =	ssyncset.done $0x0  }
0x159: {  	s1 =	simm.s32 @p0 $0x2;
	[sflag:s24] =	ssyncadd.s32 $0xFFFFE000  }
0x15a: {  	s7 =	sshra.s32 @p0 s22, $0x2;
	_ =	swait.ge @p0 [sflag:s1], $0x2000  }
0x15b: {  	s9 =	simm.s32 @p0 $0x80;
	s4 =	simm.s32 @p0 $0x7000;
	[sflag:s1] =	ssyncset.done @p0 $0x0  }
0x15c: {  	s25 =	simm.s32 @p0 $0x9;
	[sflag:s1] =	ssyncadd.s32 @p0 $0xFFFFE000;
	s1 =	sadd.s32 @p0 $0x2880, s7  }
0x15d: {  	[spmem:s3] =	stream.indirect.scatter.add.f32 @p0 [tilespmem:s4], [sflag:$0x9], $0x40, s1, s9, $0x2000b8;
	[tilespmem:$0x1F000] =	vst v63  }
0x15e: {  	_ =	swait.ge @p0 [sflag:s25], $0x2000  }
0x15f: {  	s23 =	sshra.s32 @!p0 s22, $0x2;
	s14 =	simm.s32 @!p0 $0x5000;
	[sflag:s25] =	ssyncset.done @p0 $0x0  }
0x160: {  	s4 =	sadd.s32 @!p0 $0x400, s23;
	s1 =	simm.s32 @!p0 $0x80;
	[sflag:s25] =	ssyncadd.s32 @p0 $0xFFFFE000  }
0x161: {  	[tilespmem:s14], [sflag:$0x1] =	stream.indirect.gather @!p0 [hbm4b:s5+s1], $0x40, s4, s1, $0x2000b8;
	[tilespmem:$0x1F000] =	vst v63  }
0x162: {  	s4 =	simm.s32 @!p0 $0x2  }
0x163: {  	_ =	swait.ge @!p0 [sflag:s4], $0x2000  }
0x164: {  	s16 =	simm.s32 @!p0 $0x7000;
	[sflag:s4] =	ssyncset.done @!p0 $0x0  }
0x165: {  	s14 =	simm.s32 @!p0 $0x9;
	[sflag:s4] =	ssyncadd.s32 @!p0 $0xFFFFE000;
	s4 =	sadd.s32 @!p0 $0x2880, s23  }
0x166: {  	[spmem:s3] =	stream.indirect.scatter.add.f32 @!p0 [tilespmem:s16], [sflag:$0x9], $0x40, s4, s1, $0x2000b8;
	[tilespmem:$0x1F000] =	vst v63  }
0x167: {  	_ =	swait.ge @!p0 [sflag:s14], $0x2000  }
0x168: {  	[sflag:s14] =	ssyncset.done @!p0 $0x0  }
0x169: {  	s4 =	sadd.s32 @!p0 $0x480, s23;
	[sflag:s14] =	ssyncadd.s32 @!p0 $0xFFFFE000  }
0x16a: {  	[tilespmem:s16], [sflag:$0x2] =	stream.indirect.gather @!p0 [hbm4b:s5+s1], $0x40, s4, s1, $0x2000b8;
	[tilespmem:$0x1F000] =	vst v63  }
0x16b: {  	_ =	swait.ge [sflag:s19], $0x2000  }
0x16c: {  	[sflag:s19] =	ssyncset.done $0x0  }
0x16d: {  	s16 =	sadd.s32 $0x2900, s0;
	[sflag:s19] =	ssyncadd.s32 $0xFFFFE000  }
0x16e: {  	[spmem:s3] =	stream.indirect.scatter.add.f32 [tilespmem:s31], [sflag:$0x9], $0x40, s16, s28, $0x2000b8;
	[tilespmem:$0x1F000] =	vst v63  }
0x16f: {  	_ =	swait.ge [sflag:s24], $0x2000  }
0x170: {  	[sflag:s24] =	ssyncset.done $0x0  }
0x171: {  	s4 =	simm.s32 @p0 $0x4;
	[sflag:s24] =	ssyncadd.s32 $0xFFFFE000  }
0x172: {  	_ =	swait.ge @p0 [sflag:s4], $0x2000  }
0x173: {  	[sflag:s4] =	ssyncset.done @p0 $0x0  }
0x174: {  	s16 =	simm.s32 @p0 $0xB000;
	[sflag:s4] =	ssyncadd.s32 @p0 $0xFFFFE000;
	s4 =	sadd.s32 @p0 $0x2980, s7  }
0x175: {  	[spmem:s3] =	stream.indirect.scatter.add.f32 @p0 [tilespmem:s16], [sflag:$0x9], $0x40, s4, s9, $0x2000b8;
	[tilespmem:$0x1F000] =	vst v63  }
0x176: {  	_ =	swait.ge @p0 [sflag:s25], $0x2000  }
0x177: {  	[sflag:s25] =	ssyncset.done @p0 $0x0  }
0x178: {  	s4 =	sadd.s32 @!p0 $0x500, s23;
	s16 =	simm.s32 @!p0 $0x9000;
	[sflag:s25] =	ssyncadd.s32 @p0 $0xFFFFE000  }
0x179: {  	[tilespmem:s16], [sflag:$0x3] =	stream.indirect.gather @!p0 [hbm4b:s5+s1], $0x40, s4, s1, $0x2000b8;
	[tilespmem:$0x1F000] =	vst v63  }
0x17a: {  	s4 =	simm.s32 @!p0 $0x4  }
0x17b: {  	_ =	swait.ge @!p0 [sflag:s4], $0x2000  }
0x17c: {  	[sflag:s4] =	ssyncset.done @!p0 $0x0  }
0x17d: {  	s16 =	simm.s32 @!p0 $0xB000;
	[sflag:s4] =	ssyncadd.s32 @!p0 $0xFFFFE000;
	s4 =	sadd.s32 @!p0 $0x2980, s23  }
0x17e: {  	[spmem:s3] =	stream.indirect.scatter.add.f32 @!p0 [tilespmem:s16], [sflag:$0x9], $0x40, s4, s1, $0x2000b8;
	[tilespmem:$0x1F000] =	vst v63  }
0x17f: {  	_ =	swait.ge @!p0 [sflag:s14], $0x2000  }
0x180: {  	[sflag:s14] =	ssyncset.done @!p0 $0x0  }
0x181: {  	s4 =	sadd.s32 @!p0 $0x580, s23;
	[sflag:s14] =	ssyncadd.s32 @!p0 $0xFFFFE000  }
0x182: {  	[tilespmem:s16], [sflag:$0x4] =	stream.indirect.gather @!p0 [hbm4b:s5+s1], $0x40, s4, s1, $0x2000b8;
	[tilespmem:$0x1F000] =	vst v63  }
0x183: {  	_ =	swait.ge [sflag:s29], $0x2000  }
0x184: {  	[sflag:s29] =	ssyncset.done $0x0  }
0x185: {  	s16 =	sadd.s32 $0x2A00, s0;
	[sflag:s29] =	ssyncadd.s32 $0xFFFFE000  }
0x186: {  	[spmem:s3] =	stream.indirect.scatter.add.f32 [tilespmem:s6], [sflag:$0x9], $0x40, s16, s28, $0x2000b8;
	[tilespmem:$0x1F000] =	vst v63  }
0x187: {  	_ =	swait.ge [sflag:s24], $0x2000  }
0x188: {  	[sflag:s24] =	ssyncset.done $0x0  }
0x189: {  	s4 =	simm.s32 @p0 $0x6;
	[sflag:s24] =	ssyncadd.s32 $0xFFFFE000  }
0x18a: {  	_ =	swait.ge @p0 [sflag:s4], $0x2000  }
0x18b: {  	[sflag:s4] =	ssyncset.done @p0 $0x0  }
0x18c: {  	[sflag:s4] =	ssyncadd.s32 @p0 $0xFFFFE000;
	s4 =	sadd.s32 @p0 $0x2A80, s7;
	s7 =	simm.s32 @p0 $0xF000  }
0x18d: {  	[spmem:s3] =	stream.indirect.scatter.add.f32 @p0 [tilespmem:s7], [sflag:$0x9], $0x40, s4, s9, $0x2000b8;
	[tilespmem:$0x1F000] =	vst v63  }
0x18e: {  	_ =	swait.ge @p0 [sflag:s25], $0x2000  }
0x18f: {  	[sflag:s25] =	ssyncset.done @p0 $0x0  }
0x190: {  	s4 =	sadd.s32 @!p0 $0x600, s23;
	s7 =	simm.s32 @!p0 $0xD000;
	[sflag:s25] =	ssyncadd.s32 @p0 $0xFFFFE000  }
0x191: {  	[tilespmem:s7], [sflag:$0x5] =	stream.indirect.gather @!p0 [hbm4b:s5+s1], $0x40, s4, s1, $0x2000b8;
	[tilespmem:$0x1F000] =	vst v63  }
0x192: {  	s4 =	simm.s32 @!p0 $0x6  }
0x193: {  	_ =	swait.ge @!p0 [sflag:s4], $0x2000  }
0x194: {  	[sflag:s4] =	ssyncset.done @!p0 $0x0  }
0x195: {  	s7 =	simm.s32 @!p0 $0xF000;
	[sflag:s4] =	ssyncadd.s32 @!p0 $0xFFFFE000;
	s4 =	sadd.s32 @!p0 $0x2A80, s23  }
0x196: {  	[spmem:s3] =	stream.indirect.scatter.add.f32 @!p0 [tilespmem:s7], [sflag:$0x9], $0x40, s4, s1, $0x2000b8;
	[tilespmem:$0x1F000] =	vst v63  }
0x197: {  	_ =	swait.ge @!p0 [sflag:s14], $0x2000  }
0x198: {  	[sflag:s14] =	ssyncset.done @!p0 $0x0  }
0x199: {  	s4 =	sadd.s32 @!p0 $0x680, s23;
	[sflag:s14] =	ssyncadd.s32 @!p0 $0xFFFFE000  }
0x19a: {  	[tilespmem:s7], [sflag:$0x6] =	stream.indirect.gather @!p0 [hbm4b:s5+s1], $0x40, s4, s1, $0x2000b8;
	[tilespmem:$0x1F000] =	vst v63  }
0x19b: {  	_ =	swait.ge [sflag:s20], $0x2000  }
0x19c: {  	[sflag:s20] =	ssyncset.done $0x0  }
.Ltmp6:
0x19d: {  	s25 =	sadd.s32 $0x2B00, s0;
	[sflag:s20] =	ssyncadd.s32 $0xFFFFE000;
	(pc) =	sbr.rel @p0 .LBB2_11-.Ltmp6, $4  }
0x19e: {  	[spmem:s3] =	stream.indirect.scatter.add.f32 [tilespmem:s15], [sflag:$0x9], $0x40, s25, s28, $0x2000b8;
	[tilespmem:$0x1F000] =	vst v63  }
0x19f: {  	_ =	swait.ge [sflag:s24], $0x2000  }
0x1a0: {  	[sflag:s24] =	ssyncset.done $0x0  }
0x1a1: {  	s1 =	sadd.s32 $0x2B80, s0;
	[sflag:s24] =	ssyncadd.s32 $0xFFFFE000  }
0x1a2: {  	s4 =	sadd.s32 $0x700, s0  }
0x1a3: {  	[tilespmem:s15], [sflag:$0x7] =	stream.indirect.gather [hbm4b:s5+s28], $0x40, s4, s28, $0x2000b8;
	[tilespmem:$0x1F000] =	vst v63  }
0x1a4: {  	_ =	swait.ge [sflag:s30], $0x2000  }
0x1a5: {  	[sflag:s30] =	ssyncset.done $0x0  }
0x1a6: {  	[sflag:s30] =	ssyncadd.s32 $0xFFFFE000  }
0x1a7: {  	[spmem:s3] =	stream.indirect.scatter.add.f32 [tilespmem:s17], [sflag:$0x9], $0x40, s1, s28, $0x2000b8;
	[tilespmem:$0x1F000] =	vst v63  }
.Ltmp7:
0x1a8: {  	_ = 	snop;
	(pc) =	sbr.rel .LBB2_9-.Ltmp7, $4  }
0x1a9: {  	_ =	swait.ge [sflag:s24], $0x2000  }
0x1aa: {  	[sflag:s24] =	ssyncset.done $0x0  }
0x1ab: {  	s25 =	sadd.s32 $0x780, s0;
	s22 =	sadd.s32 $0x1000, s22;
	[sflag:s24] =	ssyncadd.s32 $0xFFFFE000  }
0x1ac: {  	[tilespmem:s17], [sflag:$0x8] =	stream.indirect.gather [hbm4b:s5+s28], $0x40, s25, s28, $0x2000b8;
	[tilespmem:$0x1F000] =	vst v63  }
.LBB2_12:
0x1ad: {  	_ =	sfence.sel $0x180000  }
0x1ae: {  	[bflag:$0x0] =	sbarrier.arrive $0xFFFF  }
0x1af: {  	_ =	strace $0x90000053  }
0x1b0: {  	s0 =	stileid.u32;
	[bflag:$0x2] =	sbarrier.arrive $0xFFFF  }
0x1b1: {  	p0 =	sne.s32 s0, $0x0;
	s0 =	rddreg [dreg:$0x3]  }
0x1b2: {  	s0 =	sadd.s32 @!p0 $0x100000, s0  }
0x1b3: {  	[sflag:s0] =	ssyncadd.tile.s32 @!p0 $0x1;
	_ =	shalt  }
.Lfunc_end2:
_tile_overlayer_lowered:
.L_overlay_start_2:
0x1b4: {  	(tag) =	ssettag $0x2  }
0x1b5: {  	s0 =	rddreg [dreg:$0x0];
	s2 =	stileid.u32  }
0x1b6: {  	s1 =	rddreg [dreg:$0x1];
	p0 =	sne.s32 s2, $0x0  }
0x1b7: {  	s3 =	rddreg [dreg:$0x2];
	[bflag:$0x3] =	sbarrier.arrive $0xFFFF;
	s2 =	simm.s32 @!p0 $0x1C09  }
0x1b8: {  	[timem:s3], [sflag:s2] =	dma.local @!p0 [hbm:s0], s1  }
0x1b9: {  	s0 =	simm.s32 @!p0 $0x9  }
0x1ba: {  	_ =	swait.ge @!p0 [sflag:s0], s1  }
0x1bb: {  	s1 =	ssub.s32 @!p0 $0x0, s1;
	[sflag:s0] =	ssyncset.done @!p0 $0x0  }
0x1bc: {  	[sflag:s0] =	ssyncadd.s32 @!p0 s1  }
0x1bd: {  	[bflag:$0x3] =	sbarrier.arrive $0xFFFF  }
0x1be: {  	_ =	shalt  }

// kernel: kernel.7.cloned.1.call-start
scs
__scs_entry_jumppad:
0x0: {  	(pc) =	sbr.rel $0x88, $3  }
0x1: {  	(tag) =	ssettag $0x0;
	lr =	simm.s32 $0x1  }
0x2: {  	[smem:$0x3F9B] =	sst lr;
	_ =	strace $0xD0000000  }
0x3: {  	_ = 	snop  }
0x4: {  	_ = 	snop  }
0x5: {  	_ = 	snop  }
0x6: {  	_ = 	snop  }
0x7: {  	_ = 	snop  }
__scs_overlays_trampoline_lowered:
0x8: {  	[smem:$0x3FAA] =	sst s0  }
0x9: {  	[smem:$0x3FAB] =	sst s1  }
0xa: {  	[smem:$0x3FAC] =	sst s2  }
0xb: {  	[smem:$0x3FAD] =	sst s3  }
0xc: {  	[smem:$0x3FAE] =	sst s4  }
0xd: {  	[smem:$0x3FAF] =	sst s5  }
0xe: {  	[smem:$0x3FB0] =	sst s6  }
0xf: {  	[smem:$0x3FB1] =	sst s7  }
0x10: {  	[smem:$0x3FB2] =	sst s8  }
0x11: {  	[smem:$0x3FB3] =	sst s9;
	s0 =	simm.s32 @!p0 $0x0  }
0x12: {  	s1 =	sld [smem:$0x3F99];
	s0 =	simm.s32 @p0 $0x1  }
0x13: {  	[smem:$0x3FB4] =	sst s0;
	s0 =	simm.s32 @!p1 $0x0  }
0x14: {  	s2 =	sld [smem:$0x3F98];
	s0 =	simm.s32 @p1 $0x1  }
0x15: {  	[smem:$0x3FB5] =	sst s0;
	s0 =	simm.s32 @!p2 $0x0  }
0x16: {  	s3 =	sld [smem:$0x3FDB];
	s0 =	simm.s32 @p2 $0x1  }
0x17: {  	s4 =	simm.s32 $0x1BF5;
	[smem:$0x3FB7] =	sst s0  }
0x18: {  	s0 =	sld [smem:$0x3F9A];
	_ =	swait.ge [sflag:s4], $0x0  }
0x19: {  	s7 =	sld [smem:$0x3F9B]  }
0x1a: {  	s8 =	sadd.s32 $0xFFFFE003, lr  }
0x1b: {  	s9 =	sadd.s32 $0xFFFFFEF7, lr;
	s5 =	simm.s32 $0xFFFFFFFF;
	p2 =	slt.u32 s8, $0xFFFFF086  }
0x1c: {  	p1 =	slt.u32 s9, $0xF7A;
	s5 =	simm.s32 @!p2 $0x0  }
0x1d: {  	s5 =	simm.s32 @p1 $0x1;
	p0 =	seq.s32 s7, s2  }
0x1e: {  	s7 =	smul.u32 @!p0 $0xF7A, s2;
	p2 =	seq.s32 @!p0 s5, $0x0  }
0x1f: {  	s9 =	smul.u32 $0xF7A, s1;
	s8 =	simm.s32 @!p0 $0x1BF5;
	p2 =	por !p2, p0  }
0x20: {  	[sflag:s8] =	ssyncset.s32 @!p0 $0xFFFFF086;
	s6 =	sadd.s32 @!p0 s3, s7;
	s7 =	simm.s32 @!p0 $0x108  }
0x21: {  	s3 =	sadd.s32 s3, s9;
	s6 =	sadd.s32 @!p0 $0x88, s6;
	s7 =	simm.s32 @p2 $0x1082  }
0x22: {  	[simem:s7], [sflag:s8] =	dma.local @!p0 [hbm:s6], $0xF7A  }
0x23: {  	s9 =	sor.u32 $0xD0000000, s2;
	s6 =	simm.s32 $0x108;
	_ =	swait.ge @!p0 [sflag:s8], $0x0  }
0x24: {  	s3 =	sadd.s32 $0x88, s3;
	s6 =	simm.s32 @!p1 $0x1082;
	[sflag:s4] =	ssyncset.s32 $0xFFFFF086  }
0x25: {  	[simem:s6], [sflag:s4] =	dma.local [hbm:s3], $0xF7A  }
0x26: {  	[smem:$0x3F9B] =	sst s1;
	(tag) =	ssettag s2;
	_ =	strace s9  }
0x27: {  	s1 =	sld [smem:$0x3FAB]  }
0x28: {  	s2 =	sld [smem:$0x3FAC]  }
0x29: {  	s4 =	sld [smem:$0x3FAE]  }
0x2a: {  	p0 =	seq.s32 s5, $0x0;
	s5 =	sld [smem:$0x3FAF]  }
0x2b: {  	s6 =	sld [smem:$0x3FB0]  }
0x2c: {  	s7 =	sld [smem:$0x3FB1]  }
0x2d: {  	s3 =	simm.s32 $0x108;
	s8 =	sld [smem:$0x3FB2]  }
0x2e: {  	s3 =	simm.s32 @!p0 $0x1082;
	s9 =	sld [smem:$0x3FB3]  }
0x2f: {  	lr =	sadd.s32 s0, s3;
	s0 =	sld [smem:$0x3FAA]  }
0x30: {  	s3 =	sld [smem:$0x3FAD]  }
0x31: {  	[smem:$0x3FB6] =	sst s10  }
0x32: {  	s10 =	sld [smem:$0x3FB4];
	_ =	sdelay $0x3  }
0x33: {  	p0 =	seq.s32 s10, $0x1;
	s10 =	sld [smem:$0x3FB6];
	_ =	sdelay $0x3  }
0x34: {  	[smem:$0x3FB6] =	sst s10  }
0x35: {  	s10 =	sld [smem:$0x3FB5];
	_ =	sdelay $0x3  }
0x36: {  	p1 =	seq.s32 s10, $0x1;
	s10 =	sld [smem:$0x3FB6];
	_ =	sdelay $0x3  }
0x37: {  	[smem:$0x3FB6] =	sst s10  }
0x38: {  	s10 =	sld [smem:$0x3FB7]  }
0x39: {  	_ = 	snop;
	(pc) =	sbr.ind lr, $3  }
0x3a: {  	_ = 	snop  }
0x3b: {  	_ = 	snop  }
0x3c: {  	p2 =	seq.s32 s10, $0x1;
	s10 =	sld [smem:$0x3FB6]  }
0x3d: {  	_ =	shalt  }
0x3e: {  	_ =	shalt  }
0x3f: {  	_ =	shalt  }
0x40: {  	_ =	shalt  }
0x41: {  	_ =	shalt  }
0x42: {  	_ =	shalt  }
0x43: {  	_ =	shalt  }
0x44: {  	_ =	shalt  }
0x45: {  	_ =	shalt  }
0x46: {  	_ =	shalt  }
0x47: {  	_ =	shalt  }
0x48: {  	_ =	shalt  }
0x49: {  	_ =	shalt  }
0x4a: {  	_ =	shalt  }
0x4b: {  	_ =	shalt  }
0x4c: {  	_ =	shalt  }
0x4d: {  	_ =	shalt  }
0x4e: {  	_ =	shalt  }
0x4f: {  	_ =	shalt  }
0x50: {  	_ =	shalt  }
0x51: {  	_ =	shalt  }
0x52: {  	_ =	shalt  }
0x53: {  	_ =	shalt  }
0x54: {  	_ =	shalt  }
0x55: {  	_ =	shalt  }
0x56: {  	_ =	shalt  }
0x57: {  	_ =	shalt  }
0x58: {  	_ =	shalt  }
0x59: {  	_ =	shalt  }
0x5a: {  	_ =	shalt  }
0x5b: {  	_ =	shalt  }
0x5c: {  	_ =	shalt  }
0x5d: {  	_ =	shalt  }
0x5e: {  	_ =	shalt  }
0x5f: {  	_ =	shalt  }
0x60: {  	_ =	shalt  }
0x61: {  	_ =	shalt  }
0x62: {  	_ =	shalt  }
0x63: {  	_ =	shalt  }
0x64: {  	_ =	shalt  }
0x65: {  	_ =	shalt  }
0x66: {  	_ =	shalt  }
0x67: {  	_ =	shalt  }
0x68: {  	_ =	shalt  }
0x69: {  	_ =	shalt  }
0x6a: {  	_ =	shalt  }
0x6b: {  	_ =	shalt  }
0x6c: {  	_ =	shalt  }
0x6d: {  	_ =	shalt  }
0x6e: {  	_ =	shalt  }
0x6f: {  	_ =	shalt  }
0x70: {  	_ =	shalt  }
0x71: {  	_ =	shalt  }
0x72: {  	_ =	shalt  }
0x73: {  	_ =	shalt  }
0x74: {  	_ =	shalt  }
0x75: {  	_ =	shalt  }
0x76: {  	_ =	shalt  }
0x77: {  	_ =	shalt  }
0x78: {  	_ =	shalt  }
0x79: {  	_ =	shalt  }
0x7a: {  	_ =	shalt  }
0x7b: {  	_ =	shalt  }
0x7c: {  	_ =	shalt  }
0x7d: {  	_ =	shalt  }
0x7e: {  	_ =	shalt  }
0x7f: {  	_ =	shalt  }
0x80: {  	_ =	shalt  }
0x81: {  	_ =	shalt  }
0x82: {  	_ =	shalt  }
0x83: {  	_ =	shalt  }
0x84: {  	_ =	shalt  }
0x85: {  	_ =	shalt  }
0x86: {  	_ =	shalt  }
0x87: {  	_ =	shalt  }
.Lfunc_end0:
.L_simem_size_0:
called_computation_lowered:
.L_overlay_start_0:
0x88: {  	s2 =	sld [smem:$0x3FD9]  }
0x89: {  	s3 =	sld [smem:$0x3FFE];
	_ =	sdelay $0x1  }
0x8a: {  	s1 =	srdreg.scid  }
0x8b: {  	s0 =	sand.u32 $0x1, s1  }
0x8c: {  	s17 =	sshll.u32 s0, $0xA;
	s2 =	sadd.s32 s3, s2  }
0x8d: {  	s2 =	sadd.s32 s2, s17  }
0x8e: {  	[smem:$0x3FC2] =	sst s2  }
0x8f: {  	_ = 	snop  }
0x90: {  	s2 =	sld [smem:$0x3FD0];
	(tm) =	ssettm $0x1  }
0x91: {  	s18 =	sld [smem:$0x3FFB];
	_ =	sdelay $0x3  }
0x92: {  	_ =	strace s18  }
0x93: {  	s3 =	sld [smem:$0x3FFC];
	_ =	sdelay $0x3  }
0x94: {  	_ =	strace s3  }
0x95: {  	s3 =	sld [smem:$0x3FFD];
	_ =	sdelay $0x3  }
0x96: {  	_ =	strace s3  }
0x97: {  	_ =	strace $0x8FFFFFFF  }
0x98: {  	s19 =	sld [smem:$0x3FDB];
	_ =	sdelay $0x1  }
0x99: {  	s4 =	simm.s32 $_scs_section_size  }
0x9a: {  	s5 =	simm.s32 $_size__tile_overlayer_lowered;
	s6 =	simm.s32 $_tile_overlayer_lowered  }
0x9b: {  	s22 =	simm.s32 $0x1BFF;
	s21 =	sshll.u32 s6, $0x1;
	s3 =	sadd.s32 s4, s19  }
0x9c: {  	s7 =	simm.s32 $0x0;
	s20 =	sshll.u32 s5, $0x1;
	s5 =	sadd.s32 s21, s3  }
0x9d: {  	[timem:s7], [sflag:s22] =	dma.local [hbm:s5], s20  }
0x9e: {  	_ =	swait.ge [sflag:s22], s20  }
0x9f: {  	s4 =	ssub.s32 $0x0, s20;
	[sflag:s22] =	ssyncset.done $0x0  }
0xa0: {  	[sflag:s22] =	ssyncadd.s32 s4;
	_ =	sdelay $0x1  }
0xa1: {  	s23 =	simm.s32 $0x1B8B  }
0xa2: {  	_ =	swait.ge [sflag:s23], $0x1  }
0xa3: {  	[sflag:s23] =	ssyncset.done $0x0  }
0xa4: {  	s25 =	simm.s32 $0x1B8E;
	s24 =	sld [smem:$0x3FFE];
	[sflag:s23] =	ssyncadd.s32 $0xFFFFFFFF  }
0xa5: {  	s26 =	simm.s32 $execute0_lowered;
	[smem:$0x3FD2] =	sst s25  }
0xa6: {  	s5 =	sshll.u32 s26, $0x1;
	_ =	strace $0x80000046;
	[dreg:$0x1] =	wrdreg $0xFFFFFFFF  }
0xa7: {  	s28 =	simm.s32 $_size_execute0_lowered;
	s3 =	sadd.s32 s3, s5;
	[dreg:$0x0] =	wrdreg $0x0  }
0xa8: {  	s5 =	sshll.u32 s28, $0x1;
	[dreg:$0x2] =	wrdreg s3  }
0xa9: {  	[dreg:$0x3] =	wrdreg s5  }
0xaa: {  	[dreg:$0x4] =	wrdreg $0xC0  }
0xab: {  	_ =	task [dreg:s7], $0x5FFFF  }
0xac: {  	[dreg:$0x1] =	wrdreg $0xFFFFFFFF  }
0xad: {  	[dreg:$0x0] =	wrdreg $0x60  }
0xae: {  	[dreg:$0x2] =	wrdreg s2  }
0xaf: {  	[dreg:$0x3] =	wrdreg s24  }
0xb0: {  	[dreg:$0x4] =	wrdreg $0x150000  }
0xb1: {  	[dreg:$0x5] =	wrdreg $0x9  }
0xb2: {  	_ =	task.clear_ibuf [dreg:s7], $0x6FFFF;
	_ =	strace $0x90000046  }
0xb3: {  	s29 =	simm.s32 $0x9;
	_ =	strace $0x80000051  }
0xb4: {  	_ =	swait.ge [sflag:s29], $0x1  }
0xb5: {  	[sflag:s29] =	ssyncadd.s32 $0xFFFFFFFF  }
0xb6: {  	_ =	strace $0x90000051  }
0xb7: {  	_ =	sfence  }
0xb8: {  	s30 =	sld [smem:$0x0];
	_ =	sdelay $0x2  }
0xb9: {  	s31 =	sshll.u32 s1, $0xD;
	s1 =	sshrl.u32 s1, $0x2  }
0xba: {  	s3 =	sand.u32 $0x4000, s31;
	s1 =	sadd.s32 s1, s30  }
0xbb: {  	s0 =	sor.u32 s3, s0;
	s1 =	sshll.u32 s1, $0x11  }
0xbc: {  	s0 =	sor.u32 s1, s0  }
0xbd: {  	s0 =	sadd.s32 $0x8F2B, s0  }
0xbe: {  	[sflag:s0] =	ssyncadd.remote.s32 $0x1  }
0xbf: {  	_ =	sfence.sel $0xFFFF  }
0xc0: {  	[dreg:$0x0] =	wrdreg $0xFFFFFFFF;
	(pc) =	sbr.abs _section_cstart, $3  }
0xc1: {  	[dreg:$0x1] =	wrdreg $0xFFFFFFFF  }
0xc2: {  	_ =	task.clear_ibuf [dreg:s7], $0x2FFFF;
	_ =	strace $0x9FFFFFFF  }
0xc3: {  	(tm) =	ssettm $0x7FFFFFFF  }
tec
execute0_lowered:
.L_overlay_start_1:
0x0: {  	(tag) =	ssettag $0x1  }
0x1: {  	s2 =	rddreg [dreg:$0x0]  }
0x2: {  	s0 =	rddreg [dreg:$0x1]  }
0x3: {  	s3 =	rddreg [dreg:$0x2];
	s4 =	stileid.u32  }
0x4: {  	s16 =	simm.s32 $0x0;
	s1 =	srdreg.scid;
	s28 =	simm.s32 $0x80  }
0x5: {  	s31 =	simm.s32 $0x9000;
	s29 =	simm.s32 $0x5;
	s6 =	smul.u32 $0x2800, s4  }
0x6: {  	s30 =	simm.s32 $0x8;
	[smem:$0x7FF] =	sst s16;
	s23 =	smul.u32 $0x280, s4  }
0x7: {  	s1 =	sand.u32 $0x1, s1;
	s5 =	sadd.s32 $0x1C00, s0;
	s10 =	smul.u32 $0x28000, s4  }
0x8: {  	s14 =	sadd.s32 $0x51600, s0;
	_ =	strace $0x80000047;
	p0 =	seq.s32 s1, $0x0  }
0x9: {  	s8 =	ssub.s32 $0x2, s1;
	s1 =	smul.u32 $0x2800, s1;
	s7 =	sadd.s32 $0x28000, s6  }
0xa: {  	s9 =	sshrl.u32 s8, $0x1;
	s25 =	sshrl.u32 s10, $0x2;
	s7 =	smov.u32 @p0 s6  }
0xb: {  	s9 =	ssub.s32 s8, s9;
	s1 =	sadd.s32 s23, s1;
	s8 =	sadd.s32 s25, s3  }
0xc: {  	s6 =	simm.s32 $0xD000;
	s7 =	sshrl.u32 s7, $0x3;
	s1 =	sshll.u32 s1, $0x3  }
0xd: {  	s10 =	sadd.s32 $0x2000, s8;
	s7 =	sadd.s32 s7, s0;
	s17 =	sadd.s32 s14, s1  }
0xe: {  	s11 =	sadd.s32 $0x4000, s8;
	s24 =	sadd.s32 $0x15600, s7;
	[dreg:$0x7] =	wrdreg s17  }
0xf: {  	s12 =	sadd.s32 $0x6000, s8;
	s26 =	sadd.s32 $0x1F600, s7;
	[dreg:$0x4] =	wrdreg s24  }
0x10: {  	s19 =	sadd.s32 $0x800, s1;
	s7 =	smax.u32 s9, $0x1;
	[dreg:$0x5] =	wrdreg s26  }
0x11: {  	s21 =	sadd.s32 $0xC00, s1;
	s20 =	sadd.s32 s14, s19;
	[dreg:$0x6] =	wrdreg s7  }
0x12: {  	s15 =	sadd.s32 $0x1000, s1;
	s22 =	sadd.s32 s14, s21;
	[dreg:$0x9] =	wrdreg s20  }
0x13: {  	s0 =	sadd.s32 $0x29600, s0;
	s23 =	sadd.s32 s14, s15;
	[dreg:$0xa] =	wrdreg s22  }
0x14: {  	s9 =	sadd.s32 $0x400, s1;
	s1 =	sadd.s32 s0, s1;
	[dreg:$0xb] =	wrdreg s23  }
0x15: {  	s13 =	sadd.s32 $0x8000, s8;
	s25 =	sadd.s32 s0, s19;
	[dreg:$0xc] =	wrdreg s1  }
0x16: {  	s17 =	simm.s32 $0x13000;
	s18 =	sadd.s32 s14, s9;
	[dreg:$0xe] =	wrdreg s25  }
.Ltmp0:
0x17: {  	s24 =	sadd.s32 s0, s9;
	[dreg:$0x8] =	wrdreg s18;
	(pc) =	sbr.rel .LBB2_1-.Ltmp0, $4  }
0x18: {  	s19 =	simm.s32 $0x3;
	s26 =	sadd.s32 s0, s21;
	[dreg:$0xd] =	wrdreg s24  }
0x19: {  	s0 =	sadd.s32 s0, s15;
	s15 =	simm.s32 $0x11000;
	[dreg:$0xf] =	wrdreg s26  }
0x1a: {  	s20 =	simm.s32 $0x7;
	s21 =	simm.s32 $0x0;
	[dreg:$0x10] =	wrdreg s0  }
0x1b: {  	v0 =	vimm.f32 $0.0e+00;
	s24 =	simm.s32 $0x9;
	s26 =	simm.s32 $0x5000;
	s18 =	simm.s32 $0x1  }
.LBB2_11:
0x1c: {  	_ =	swait.ge [sflag:s30], $0x2000  }
0x1d: {  	[sflag:s30] =	ssyncset.done $0x0  }
0x1e: {  	[sflag:s30] =	ssyncadd.s32 $0xFFFFE000  }
0x1f: {  	[spmem:s3] =	stream.indirect.scatter.add.f32 [tilespmem:s17], [sflag:$0x9], $0x40, s1, s28, $0x2000b8;
	[tilespmem:$0x1F000] =	vst v63  }
0x20: {  	_ =	swait.ge [sflag:s24], $0x2000  }
0x21: {  	[sflag:s24] =	ssyncset.done $0x0  }
0x22: {  	[sflag:s24] =	ssyncadd.s32 $0xFFFFE000  }
0x23: {  	[bflag:$0x0] =	sbarrier.arrive $0xFFFF  }
0x24: {  	_ =	strace $0x9000004F  }
0x25: {  	_ =	strace $0x80000050  }
0x26: {  	[tilespmem:s26], [sflag:$0x9] =	stream.linear.gather [spmem:s8], $0x2000, $0x200038;
	[tilespmem:$0x1F000] =	vst v63  }
0x27: {  	_ =	swait.ge [sflag:s24], $0x2000  }
0x28: {  	[sflag:s24] =	ssyncset.done $0x0  }
0x29: {  	s16 =	simm.s32 $0x0;
	s0 =	rddreg [dreg:$0xc];
	[sflag:s24] =	ssyncadd.s32 $0xFFFFE000  }
0x2a: {  	[hbm4b:s0+s16] =	stream.linear.scatter [tilespmem:s26], [sflag:$0x9], $0x2000, $0x200038;
	[tilespmem:$0x1F000] =	vst v63  }
0x2b: {  	_ =	swait.ge [sflag:s24], $0x2000  }
0x2c: {  	[sflag:s24] =	ssyncset.done $0x0  }
0x2d: {  	[sflag:s24] =	ssyncadd.s32 $0xFFFFE000  }
0x2e: {  	[tilespmem:s26], [sflag:$0x9] =	stream.linear.gather [spmem:s10], $0x2000, $0x200038;
	[tilespmem:$0x1F000] =	vst v63  }
0x2f: {  	_ =	swait.ge [sflag:s24], $0x2000  }
0x30: {  	[sflag:s24] =	ssyncset.done $0x0  }
0x31: {  	s9 =	rddreg [dreg:$0xd];
	[sflag:s24] =	ssyncadd.s32 $0xFFFFE000  }
0x32: {  	[hbm4b:s9+s16] =	stream.linear.scatter [tilespmem:s26], [sflag:$0x9], $0x2000, $0x200038;
	[tilespmem:$0x1F000] =	vst v63  }
0x33: {  	_ =	swait.ge [sflag:s24], $0x2000  }
0x34: {  	[sflag:s24] =	ssyncset.done $0x0  }
0x35: {  	[sflag:s24] =	ssyncadd.s32 $0xFFFFE000  }
0x36: {  	[tilespmem:s26], [sflag:$0x9] =	stream.linear.gather [spmem:s11], $0x2000, $0x200038;
	[tilespmem:$0x1F000] =	vst v63  }
0x37: {  	_ =	swait.ge [sflag:s24], $0x2000  }
0x38: {  	[sflag:s24] =	ssyncset.done $0x0  }
0x39: {  	s14 =	rddreg [dreg:$0xe];
	[sflag:s24] =	ssyncadd.s32 $0xFFFFE000  }
0x3a: {  	[hbm4b:s14+s16] =	stream.linear.scatter [tilespmem:s26], [sflag:$0x9], $0x2000, $0x200038;
	[tilespmem:$0x1F000] =	vst v63  }
0x3b: {  	_ =	swait.ge [sflag:s24], $0x2000  }
0x3c: {  	[sflag:s24] =	ssyncset.done $0x0  }
0x3d: {  	[sflag:s24] =	ssyncadd.s32 $0xFFFFE000  }
0x3e: {  	[tilespmem:s26], [sflag:$0x9] =	stream.linear.gather [spmem:s12], $0x2000, $0x200038;
	[tilespmem:$0x1F000] =	vst v63  }
0x3f: {  	_ =	swait.ge [sflag:s24], $0x2000  }
0x40: {  	[sflag:s24] =	ssyncset.done $0x0  }
0x41: {  	s22 =	rddreg [dreg:$0xf];
	[sflag:s24] =	ssyncadd.s32 $0xFFFFE000  }
0x42: {  	[hbm4b:s22+s16] =	stream.linear.scatter [tilespmem:s26], [sflag:$0x9], $0x2000, $0x200038;
	[tilespmem:$0x1F000] =	vst v63  }
0x43: {  	_ =	swait.ge [sflag:s24], $0x2000  }
0x44: {  	[sflag:s24] =	ssyncset.done $0x0  }
0x45: {  	[sflag:s24] =	ssyncadd.s32 $0xFFFFE000  }
0x46: {  	[tilespmem:s26], [sflag:$0x9] =	stream.linear.gather [spmem:s13], $0x2000, $0x200038;
	[tilespmem:$0x1F000] =	vst v63  }
0x47: {  	_ =	swait.ge [sflag:s24], $0x2000  }
0x48: {  	[sflag:s24] =	ssyncset.done $0x0  }
0x49: {  	s23 =	rddreg [dreg:$0x10];
	[sflag:s24] =	ssyncadd.s32 $0xFFFFE000  }
0x4a: {  	[hbm4b:s23+s16] =	stream.linear.scatter [tilespmem:s26], [sflag:$0x9], $0x2000, $0x200038;
	[tilespmem:$0x1F000] =	vst v63  }
0x4b: {  	_ =	swait.ge [sflag:s24], $0x2000  }
0x4c: {  	[sflag:s24] =	ssyncset.done $0x0  }
0x4d: {  	[sflag:s24] =	ssyncadd.s32 $0xFFFFE000  }
0x4e: {  	[bflag:$0x0] =	sbarrier.arrive $0xFFFF  }
0x4f: {  	s21 =	sadd.s32 $0x1, s21;
	s25 =	rddreg [dreg:$0x6]  }
0x50: {  	p0 =	sne.s32 s21, s25  }
.Ltmp1:
0x51: {  	_ = 	snop;
	(pc) =	sbr.rel @!p0 .LBB2_12-.Ltmp1, $2  }
0x52: {  	_ =	sdelay $0x2  }
0x53: {  	_ =	strace $0x90000050  }
.LBB2_1:
0x54: {  	_ =	strace $0x80000048  }
0x55: {  	s0 =	rddreg [dreg:$0x4]  }
0x56: {  	[tilespmem:s16], [sflag:$0x9] =	stream.linear.gather [hbm4b:s0+s16], $0x2800, $0x200038;
	[tilespmem:$0x1F000] =	vst v63  }
0x57: {  	_ =	swait.ge [sflag:s24], $0x2800  }
0x58: {  	[sflag:s24] =	ssyncset.done $0x0  }
0x59: {  	s1 =	simm.s32 $0x2800;
	s25 =	rddreg [dreg:$0x5];
	[sflag:s24] =	ssyncadd.s32 $0xFFFFD800  }
0x5a: {  	[tilespmem:s1], [sflag:$0x9] =	stream.linear.gather [hbm4b:s25+s16], $0x2800, $0x200038;
	[tilespmem:$0x1F000] =	vst v63  }
0x5b: {  	_ =	swait.ge [sflag:s24], $0x2800  }
0x5c: {  	[sflag:s24] =	ssyncset.done $0x0  }
0x5d: {  	[sflag:s24] =	ssyncadd.s32 $0xFFFFD800  }
0x5e: {  	_ =	strace $0x90000048  }
0x5f: {  	s0 =	simm.s32 $0x0;
	s1 =	simm.s32 $0x100;
	_ =	strace $0x80000049  }
.LBB2_2:
0x60: {  	p0 =	sne.s32 s1, $0x7F00;
	[tilespmem:s0+$0x5030] =	vst v0;
	s7 =	smov.u32 s1;
	s1 =	sadd.s32 $0x100, s1  }
.Ltmp2:
0x61: {  	[tilespmem:s0+$0x5020] =	vst v0;
	(pc) =	sbr.rel @p0 .LBB2_2-.Ltmp2, $3  }
0x62: {  	[tilespmem:s0+$0x5000] =	vst v0  }
0x63: {  	[tilespmem:s0+$0x5010] =	vst v0;
	_ =	sdelay $0x1  }
0x64: {  	s0 =	sshra.s32 s7, $0x2  }
0x65: {  	[tilespmem:s0+$0x5030] =	vst v0  }
0x66: {  	[tilespmem:s0+$0x5020] =	vst v0  }
0x67: {  	[tilespmem:s0+$0x5000] =	vst v0  }
0x68: {  	[tilespmem:s0+$0x5010] =	vst v0  }
0x69: {  	_ =	strace $0x90000049  }
0x6a: {  	_ =	strace $0x8000004A  }
0x6b: {  	[spmem:s8] =	stream.linear.scatter [tilespmem:s26], [sflag:$0x9], $0x2000, $0x200038;
	[tilespmem:$0x1F000] =	vst v63  }
0x6c: {  	_ =	swait.ge [sflag:s24], $0x2000  }
0x6d: {  	[sflag:s24] =	ssyncset.done $0x0  }
0x6e: {  	[sflag:s24] =	ssyncadd.s32 $0xFFFFE000  }
0x6f: {  	[spmem:s10] =	stream.linear.scatter [tilespmem:s26], [sflag:$0x9], $0x2000, $0x200038;
	[tilespmem:$0x1F000] =	vst v63  }
0x70: {  	_ =	swait.ge [sflag:s24], $0x2000  }
0x71: {  	[sflag:s24] =	ssyncset.done $0x0  }
0x72: {  	[sflag:s24] =	ssyncadd.s32 $0xFFFFE000  }
0x73: {  	[spmem:s11] =	stream.linear.scatter [tilespmem:s26], [sflag:$0x9], $0x2000, $0x200038;
	[tilespmem:$0x1F000] =	vst v63  }
0x74: {  	_ =	swait.ge [sflag:s24], $0x2000  }
0x75: {  	[sflag:s24] =	ssyncset.done $0x0  }
0x76: {  	[sflag:s24] =	ssyncadd.s32 $0xFFFFE000  }
0x77: {  	[spmem:s12] =	stream.linear.scatter [tilespmem:s26], [sflag:$0x9], $0x2000, $0x200038;
	[tilespmem:$0x1F000] =	vst v63  }
0x78: {  	_ =	swait.ge [sflag:s24], $0x2000  }
0x79: {  	[sflag:s24] =	ssyncset.done $0x0  }
0x7a: {  	[sflag:s24] =	ssyncadd.s32 $0xFFFFE000  }
0x7b: {  	[spmem:s13] =	stream.linear.scatter [tilespmem:s26], [sflag:$0x9], $0x2000, $0x200038;
	[tilespmem:$0x1F000] =	vst v63  }
0x7c: {  	_ =	swait.ge [sflag:s24], $0x2000  }
0x7d: {  	[sflag:s24] =	ssyncset.done $0x0  }
0x7e: {  	[sflag:s24] =	ssyncadd.s32 $0xFFFFE000  }
0x7f: {  	[bflag:$0x0] =	sbarrier.arrive $0xFFFF  }
0x80: {  	_ =	strace $0x9000004A  }
0x81: {  	s22 =	simm.s32 $0x0;
	_ =	strace $0x8000004B  }
0x82: {  	[tilespmem:s26], [sflag:$0x1] =	stream.indirect.gather [hbm4b:s2+s28], $0x40, s22, s28, $0x2000b8;
	[tilespmem:$0x1F000] =	vst v63  }
0x83: {  	s1 =	simm.s32 $0x7000  }
0x84: {  	[tilespmem:s1], [sflag:$0x2] =	stream.indirect.gather [hbm4b:s2+s28], $0x40, s28, s28, $0x2000b8;
	[tilespmem:$0x1F000] =	vst v63  }
0x85: {  	s4 =	simm.s32 $0x100  }
0x86: {  	[tilespmem:s31], [sflag:$0x3] =	stream.indirect.gather [hbm4b:s2+s28], $0x40, s4, s28, $0x2000b8;
	[tilespmem:$0x1F000] =	vst v63  }
0x87: {  	s7 =	simm.s32 $0x180;
	s1 =	simm.s32 $0xB000  }
0x88: {  	[tilespmem:s1], [sflag:$0x4] =	stream.indirect.gather [hbm4b:s2+s28], $0x40, s7, s28, $0x2000b8;
	[tilespmem:$0x1F000] =	vst v63  }
0x89: {  	s9 =	simm.s32 $0x200  }
0x8a: {  	[tilespmem:s6], [sflag:$0x5] =	stream.indirect.gather [hbm4b:s2+s28], $0x40, s9, s28, $0x2000b8;
	[tilespmem:$0x1F000] =	vst v63  }
0x8b: {  	s14 =	simm.s32 $0x280;
	s16 =	simm.s32 $0xF000  }
0x8c: {  	[tilespmem:s16], [sflag:$0x6] =	stream.indirect.gather [hbm4b:s2+s28], $0x40, s14, s28, $0x2000b8;
	[tilespmem:$0x1F000] =	vst v63  }
0x8d: {  	s23 =	simm.s32 $0x300  }
0x8e: {  	[tilespmem:s15], [sflag:$0x7] =	stream.indirect.gather [hbm4b:s2+s28], $0x40, s23, s28, $0x2000b8;
	[tilespmem:$0x1F000] =	vst v63  }
0x8f: {  	s25 =	simm.s32 $0x380  }
0x90: {  	[tilespmem:s17], [sflag:$0x8] =	stream.indirect.gather [hbm4b:s2+s28], $0x40, s25, s28, $0x2000b8;
	[tilespmem:$0x1F000] =	vst v63  }
.LBB2_4:
0x91: {  	_ =	swait.ge [sflag:s18], $0x2000  }
0x92: {  	s0 =	sshra.s32 s22, $0x2;
	[sflag:s18] =	ssyncset.done $0x0  }
0x93: {  	s1 =	sadd.s32 $0x2800, s0;
	[sflag:s18] =	ssyncadd.s32 $0xFFFFE000  }
0x94: {  	[spmem:s3] =	stream.indirect.scatter.add.f32 [tilespmem:s26], [sflag:$0x9], $0x40, s1, s28, $0x2000b8;
	[tilespmem:$0x1F000] =	vst v63  }
0x95: {  	_ =	swait.ge [sflag:s24], $0x2000  }
0x96: {  	p0 =	seq.s32 s22, $0x9000;
	[sflag:s24] =	ssyncset.done $0x0  }
0x97: {  	s1 =	simm.s32 @p0 $0x2;
	[sflag:s24] =	ssyncadd.s32 $0xFFFFE000  }
0x98: {  	_ =	swait.ge @p0 [sflag:s1], $0x2000  }
0x99: {  	s25 =	sshra.s32 @p0 s22, $0x2;
	s7 =	simm.s32 @p0 $0x80;
	[sflag:s1] =	ssyncset.done @p0 $0x0  }
0x9a: {  	s9 =	simm.s32 @p0 $0x7000;
	[sflag:s1] =	ssyncadd.s32 @p0 $0xFFFFE000;
	s1 =	sadd.s32 @p0 $0x2880, s25  }
0x9b: {  	[spmem:s3] =	stream.indirect.scatter.add.f32 @p0 [tilespmem:s9], [sflag:$0x9], $0x40, s1, s7, $0x2000b8;
	[tilespmem:$0x1F000] =	vst v63  }
0x9c: {  	s9 =	simm.s32 @p0 $0x9  }
0x9d: {  	_ =	swait.ge @p0 [sflag:s9], $0x2000  }
0x9e: {  	s23 =	sshra.s32 @!p0 s22, $0x2;
	s16 =	simm.s32 @!p0 $0x5000;
	[sflag:s9] =	ssyncset.done @p0 $0x0  }
0x9f: {  	s14 =	sadd.s32 @!p0 $0x400, s23;
	s1 =	simm.s32 @!p0 $0x80;
	[sflag:s9] =	ssyncadd.s32 @p0 $0xFFFFE000  }
0xa0: {  	[tilespmem:s16], [sflag:$0x1] =	stream.indirect.gather @!p0 [hbm4b:s2+s1], $0x40, s14, s1, $0x2000b8;
	[tilespmem:$0x1F000] =	vst v63  }
0xa1: {  	s14 =	simm.s32 @!p0 $0x2  }
0xa2: {  	_ =	swait.ge @!p0 [sflag:s14], $0x2000  }
0xa3: {  	[sflag:s14] =	ssyncset.done @!p0 $0x0  }
0xa4: {  	s16 =	simm.s32 @!p0 $0x7000;
	[sflag:s14] =	ssyncadd.s32 @!p0 $0xFFFFE000;
	s14 =	sadd.s32 @!p0 $0x2880, s23  }
0xa5: {  	[spmem:s3] =	stream.indirect.scatter.add.f32 @!p0 [tilespmem:s16], [sflag:$0x9], $0x40, s14, s1, $0x2000b8;
	[tilespmem:$0x1F000] =	vst v63  }
0xa6: {  	s14 =	simm.s32 @!p0 $0x9  }
0xa7: {  	_ =	swait.ge @!p0 [sflag:s14], $0x2000  }
0xa8: {  	[sflag:s14] =	ssyncset.done @!p0 $0x0  }
0xa9: {  	s4 =	sadd.s32 @!p0 $0x480, s23;
	[sflag:s14] =	ssyncadd.s32 @!p0 $0xFFFFE000  }
0xaa: {  	[tilespmem:s16], [sflag:$0x2] =	stream.indirect.gather @!p0 [hbm4b:s2+s1], $0x40, s4, s1, $0x2000b8;
	[tilespmem:$0x1F000] =	vst v63  }
0xab: {  	_ =	swait.ge [sflag:s19], $0x2000  }
0xac: {  	[sflag:s19] =	ssyncset.done $0x0  }
0xad: {  	s16 =	sadd.s32 $0x2900, s0;
	[sflag:s19] =	ssyncadd.s32 $0xFFFFE000  }
0xae: {  	[spmem:s3] =	stream.indirect.scatter.add.f32 [tilespmem:s31], [sflag:$0x9], $0x40, s16, s28, $0x2000b8;
	[tilespmem:$0x1F000] =	vst v63  }
0xaf: {  	_ =	swait.ge [sflag:s24], $0x2000  }
0xb0: {  	[sflag:s24] =	ssyncset.done $0x0  }
0xb1: {  	s4 =	simm.s32 @p0 $0x4;
	[sflag:s24] =	ssyncadd.s32 $0xFFFFE000  }
0xb2: {  	_ =	swait.ge @p0 [sflag:s4], $0x2000  }
0xb3: {  	[sflag:s4] =	ssyncset.done @p0 $0x0  }
0xb4: {  	s16 =	simm.s32 @p0 $0xB000;
	[sflag:s4] =	ssyncadd.s32 @p0 $0xFFFFE000;
	s4 =	sadd.s32 @p0 $0x2980, s25  }
0xb5: {  	[spmem:s3] =	stream.indirect.scatter.add.f32 @p0 [tilespmem:s16], [sflag:$0x9], $0x40, s4, s7, $0x2000b8;
	[tilespmem:$0x1F000] =	vst v63  }
0xb6: {  	_ =	swait.ge @p0 [sflag:s9], $0x2000  }
0xb7: {  	[sflag:s9] =	ssyncset.done @p0 $0x0  }
0xb8: {  	s4 =	sadd.s32 @!p0 $0x500, s23;
	s16 =	simm.s32 @!p0 $0x9000;
	[sflag:s9] =	ssyncadd.s32 @p0 $0xFFFFE000  }
0xb9: {  	[tilespmem:s16], [sflag:$0x3] =	stream.indirect.gather @!p0 [hbm4b:s2+s1], $0x40, s4, s1, $0x2000b8;
	[tilespmem:$0x1F000] =	vst v63  }
0xba: {  	s4 =	simm.s32 @!p0 $0x4  }
0xbb: {  	_ =	swait.ge @!p0 [sflag:s4], $0x2000  }
0xbc: {  	[sflag:s4] =	ssyncset.done @!p0 $0x0  }
0xbd: {  	s16 =	simm.s32 @!p0 $0xB000;
	[sflag:s4] =	ssyncadd.s32 @!p0 $0xFFFFE000;
	s4 =	sadd.s32 @!p0 $0x2980, s23  }
0xbe: {  	[spmem:s3] =	stream.indirect.scatter.add.f32 @!p0 [tilespmem:s16], [sflag:$0x9], $0x40, s4, s1, $0x2000b8;
	[tilespmem:$0x1F000] =	vst v63  }
0xbf: {  	_ =	swait.ge @!p0 [sflag:s14], $0x2000  }
0xc0: {  	[sflag:s14] =	ssyncset.done @!p0 $0x0  }
0xc1: {  	s4 =	sadd.s32 @!p0 $0x580, s23;
	[sflag:s14] =	ssyncadd.s32 @!p0 $0xFFFFE000  }
0xc2: {  	[tilespmem:s16], [sflag:$0x4] =	stream.indirect.gather @!p0 [hbm4b:s2+s1], $0x40, s4, s1, $0x2000b8;
	[tilespmem:$0x1F000] =	vst v63  }
0xc3: {  	_ =	swait.ge [sflag:s29], $0x2000  }
0xc4: {  	[sflag:s29] =	ssyncset.done $0x0  }
0xc5: {  	s16 =	sadd.s32 $0x2A00, s0;
	[sflag:s29] =	ssyncadd.s32 $0xFFFFE000  }
0xc6: {  	[spmem:s3] =	stream.indirect.scatter.add.f32 [tilespmem:s6], [sflag:$0x9], $0x40, s16, s28, $0x2000b8;
	[tilespmem:$0x1F000] =	vst v63  }
0xc7: {  	_ =	swait.ge [sflag:s24], $0x2000  }
0xc8: {  	[sflag:s24] =	ssyncset.done $0x0  }
0xc9: {  	s4 =	simm.s32 @p0 $0x6;
	[sflag:s24] =	ssyncadd.s32 $0xFFFFE000  }
0xca: {  	_ =	swait.ge @p0 [sflag:s4], $0x2000  }
0xcb: {  	[sflag:s4] =	ssyncset.done @p0 $0x0  }
0xcc: {  	s16 =	simm.s32 @p0 $0xF000;
	[sflag:s4] =	ssyncadd.s32 @p0 $0xFFFFE000;
	s4 =	sadd.s32 @p0 $0x2A80, s25  }
0xcd: {  	[spmem:s3] =	stream.indirect.scatter.add.f32 @p0 [tilespmem:s16], [sflag:$0x9], $0x40, s4, s7, $0x2000b8;
	[tilespmem:$0x1F000] =	vst v63  }
0xce: {  	_ =	swait.ge @p0 [sflag:s9], $0x2000  }
0xcf: {  	[sflag:s9] =	ssyncset.done @p0 $0x0  }
0xd0: {  	s4 =	sadd.s32 @!p0 $0x600, s23;
	s7 =	simm.s32 @!p0 $0xD000;
	[sflag:s9] =	ssyncadd.s32 @p0 $0xFFFFE000  }
0xd1: {  	[tilespmem:s7], [sflag:$0x5] =	stream.indirect.gather @!p0 [hbm4b:s2+s1], $0x40, s4, s1, $0x2000b8;
	[tilespmem:$0x1F000] =	vst v63  }
0xd2: {  	s4 =	simm.s32 @!p0 $0x6  }
0xd3: {  	_ =	swait.ge @!p0 [sflag:s4], $0x2000  }
0xd4: {  	[sflag:s4] =	ssyncset.done @!p0 $0x0  }
0xd5: {  	s7 =	simm.s32 @!p0 $0xF000;
	[sflag:s4] =	ssyncadd.s32 @!p0 $0xFFFFE000;
	s4 =	sadd.s32 @!p0 $0x2A80, s23  }
0xd6: {  	[spmem:s3] =	stream.indirect.scatter.add.f32 @!p0 [tilespmem:s7], [sflag:$0x9], $0x40, s4, s1, $0x2000b8;
	[tilespmem:$0x1F000] =	vst v63  }
0xd7: {  	_ =	swait.ge @!p0 [sflag:s14], $0x2000  }
0xd8: {  	[sflag:s14] =	ssyncset.done @!p0 $0x0  }
0xd9: {  	s4 =	sadd.s32 @!p0 $0x680, s23;
	[sflag:s14] =	ssyncadd.s32 @!p0 $0xFFFFE000  }
0xda: {  	[tilespmem:s7], [sflag:$0x6] =	stream.indirect.gather @!p0 [hbm4b:s2+s1], $0x40, s4, s1, $0x2000b8;
	[tilespmem:$0x1F000] =	vst v63  }
0xdb: {  	_ =	swait.ge [sflag:s20], $0x2000  }
0xdc: {  	[sflag:s20] =	ssyncset.done $0x0  }
.Ltmp3:
0xdd: {  	s25 =	sadd.s32 $0x2B00, s0;
	[sflag:s20] =	ssyncadd.s32 $0xFFFFE000;
	(pc) =	sbr.rel @p0 .LBB2_6-.Ltmp3, $4  }
0xde: {  	[spmem:s3] =	stream.indirect.scatter.add.f32 [tilespmem:s15], [sflag:$0x9], $0x40, s25, s28, $0x2000b8;
	[tilespmem:$0x1F000] =	vst v63  }
0xdf: {  	_ =	swait.ge [sflag:s24], $0x2000  }
0xe0: {  	[sflag:s24] =	ssyncset.done $0x0  }
0xe1: {  	s1 =	sadd.s32 $0x2B80, s0;
	[sflag:s24] =	ssyncadd.s32 $0xFFFFE000  }
0xe2: {  	s4 =	sadd.s32 $0x700, s0  }
0xe3: {  	[tilespmem:s15], [sflag:$0x7] =	stream.indirect.gather [hbm4b:s2+s28], $0x40, s4, s28, $0x2000b8;
	[tilespmem:$0x1F000] =	vst v63  }
0xe4: {  	_ =	swait.ge [sflag:s30], $0x2000  }
0xe5: {  	[sflag:s30] =	ssyncset.done $0x0  }
0xe6: {  	[sflag:s30] =	ssyncadd.s32 $0xFFFFE000  }
0xe7: {  	[spmem:s3] =	stream.indirect.scatter.add.f32 [tilespmem:s17], [sflag:$0x9], $0x40, s1, s28, $0x2000b8;
	[tilespmem:$0x1F000] =	vst v63  }
.Ltmp4:
0xe8: {  	_ = 	snop;
	(pc) =	sbr.rel .LBB2_4-.Ltmp4, $4  }
0xe9: {  	_ =	swait.ge [sflag:s24], $0x2000  }
0xea: {  	[sflag:s24] =	ssyncset.done $0x0  }
0xeb: {  	s25 =	sadd.s32 $0x780, s0;
	s22 =	sadd.s32 $0x1000, s22;
	[sflag:s24] =	ssyncadd.s32 $0xFFFFE000  }
0xec: {  	[tilespmem:s17], [sflag:$0x8] =	stream.indirect.gather [hbm4b:s2+s28], $0x40, s25, s28, $0x2000b8;
	[tilespmem:$0x1F000] =	vst v63  }
.LBB2_6:
0xed: {  	_ =	swait.ge [sflag:s30], $0x2000  }
0xee: {  	[sflag:s30] =	ssyncset.done $0x0  }
0xef: {  	[sflag:s30] =	ssyncadd.s32 $0xFFFFE000  }
0xf0: {  	[spmem:s3] =	stream.indirect.scatter.add.f32 [tilespmem:s17], [sflag:$0x9], $0x40, s1, s28, $0x2000b8;
	[tilespmem:$0x1F000] =	vst v63  }
0xf1: {  	_ =	swait.ge [sflag:s24], $0x2000  }
0xf2: {  	[sflag:s24] =	ssyncset.done $0x0  }
0xf3: {  	[sflag:s24] =	ssyncadd.s32 $0xFFFFE000  }
0xf4: {  	[bflag:$0x0] =	sbarrier.arrive $0xFFFF  }
0xf5: {  	_ =	strace $0x9000004B  }
0xf6: {  	_ =	strace $0x8000004C  }
0xf7: {  	[tilespmem:s26], [sflag:$0x9] =	stream.linear.gather [spmem:s8], $0x2000, $0x200038;
	[tilespmem:$0x1F000] =	vst v63  }
0xf8: {  	_ =	swait.ge [sflag:s24], $0x2000  }
0xf9: {  	[sflag:s24] =	ssyncset.done $0x0  }
0xfa: {  	s0 =	simm.s32 $0x0;
	s14 =	rddreg [dreg:$0x7];
	[sflag:s24] =	ssyncadd.s32 $0xFFFFE000  }
0xfb: {  	[hbm4b:s14+s0] =	stream.linear.scatter [tilespmem:s26], [sflag:$0x9], $0x2000, $0x200038;
	[tilespmem:$0x1F000] =	vst v63  }
0xfc: {  	_ =	swait.ge [sflag:s24], $0x2000  }
0xfd: {  	[sflag:s24] =	ssyncset.done $0x0  }
0xfe: {  	[sflag:s24] =	ssyncadd.s32 $0xFFFFE000  }
0xff: {  	[tilespmem:s26], [sflag:$0x9] =	stream.linear.gather [spmem:s10], $0x2000, $0x200038;
	[tilespmem:$0x1F000] =	vst v63  }
0x100: {  	_ =	swait.ge [sflag:s24], $0x2000  }
0x101: {  	[sflag:s24] =	ssyncset.done $0x0  }
0x102: {  	s16 =	rddreg [dreg:$0x8];
	[sflag:s24] =	ssyncadd.s32 $0xFFFFE000  }
0x103: {  	[hbm4b:s16+s0] =	stream.linear.scatter [tilespmem:s26], [sflag:$0x9], $0x2000, $0x200038;
	[tilespmem:$0x1F000] =	vst v63  }
0x104: {  	_ =	swait.ge [sflag:s24], $0x2000  }
0x105: {  	[sflag:s24] =	ssyncset.done $0x0  }
0x106: {  	[sflag:s24] =	ssyncadd.s32 $0xFFFFE000  }
0x107: {  	[tilespmem:s26], [sflag:$0x9] =	stream.linear.gather [spmem:s11], $0x2000, $0x200038;
	[tilespmem:$0x1F000] =	vst v63  }
0x108: {  	_ =	swait.ge [sflag:s24], $0x2000  }
0x109: {  	[sflag:s24] =	ssyncset.done $0x0  }
0x10a: {  	s22 =	rddreg [dreg:$0x9];
	[sflag:s24] =	ssyncadd.s32 $0xFFFFE000  }
0x10b: {  	[hbm4b:s22+s0] =	stream.linear.scatter [tilespmem:s26], [sflag:$0x9], $0x2000, $0x200038;
	[tilespmem:$0x1F000] =	vst v63  }
0x10c: {  	_ =	swait.ge [sflag:s24], $0x2000  }
0x10d: {  	[sflag:s24] =	ssyncset.done $0x0  }
0x10e: {  	[sflag:s24] =	ssyncadd.s32 $0xFFFFE000  }
0x10f: {  	[tilespmem:s26], [sflag:$0x9] =	stream.linear.gather [spmem:s12], $0x2000, $0x200038;
	[tilespmem:$0x1F000] =	vst v63  }
0x110: {  	_ =	swait.ge [sflag:s24], $0x2000  }
0x111: {  	[sflag:s24] =	ssyncset.done $0x0  }
0x112: {  	s23 =	rddreg [dreg:$0xa];
	[sflag:s24] =	ssyncadd.s32 $0xFFFFE000  }
0x113: {  	[hbm4b:s23+s0] =	stream.linear.scatter [tilespmem:s26], [sflag:$0x9], $0x2000, $0x200038;
	[tilespmem:$0x1F000] =	vst v63  }
0x114: {  	_ =	swait.ge [sflag:s24], $0x2000  }
0x115: {  	[sflag:s24] =	ssyncset.done $0x0  }
0x116: {  	[sflag:s24] =	ssyncadd.s32 $0xFFFFE000  }
0x117: {  	[tilespmem:s26], [sflag:$0x9] =	stream.linear.gather [spmem:s13], $0x2000, $0x200038;
	[tilespmem:$0x1F000] =	vst v63  }
0x118: {  	_ =	swait.ge [sflag:s24], $0x2000  }
0x119: {  	[sflag:s24] =	ssyncset.done $0x0  }
0x11a: {  	s25 =	rddreg [dreg:$0xb];
	[sflag:s24] =	ssyncadd.s32 $0xFFFFE000  }
0x11b: {  	[hbm4b:s25+s0] =	stream.linear.scatter [tilespmem:s26], [sflag:$0x9], $0x2000, $0x200038;
	[tilespmem:$0x1F000] =	vst v63  }
0x11c: {  	_ =	swait.ge [sflag:s24], $0x2000  }
0x11d: {  	[sflag:s24] =	ssyncset.done $0x0  }
0x11e: {  	[sflag:s24] =	ssyncadd.s32 $0xFFFFE000  }
0x11f: {  	[bflag:$0x0] =	sbarrier.arrive $0xFFFF  }
0x120: {  	_ =	strace $0x9000004C  }
0x121: {  	s1 =	simm.s32 $0x100;
	s0 =	simm.s32 $0x0;
	_ =	strace $0x8000004D  }
.LBB2_7:
0x122: {  	p0 =	sne.s32 s1, $0x7F00;
	[tilespmem:s0+$0x5030] =	vst v0;
	s4 =	smov.u32 s1;
	s1 =	sadd.s32 $0x100, s1  }
.Ltmp5:
0x123: {  	[tilespmem:s0+$0x5020] =	vst v0;
	(pc) =	sbr.rel @p0 .LBB2_7-.Ltmp5, $3  }
0x124: {  	[tilespmem:s0+$0x5000] =	vst v0  }
0x125: {  	[tilespmem:s0+$0x5010] =	vst v0;
	_ =	sdelay $0x1  }
0x126: {  	s0 =	sshra.s32 s4, $0x2  }
0x127: {  	[tilespmem:s0+$0x5030] =	vst v0  }
0x128: {  	[tilespmem:s0+$0x5020] =	vst v0  }
0x129: {  	[tilespmem:s0+$0x5000] =	vst v0  }
0x12a: {  	[tilespmem:s0+$0x5010] =	vst v0  }
0x12b: {  	_ =	strace $0x9000004D  }
0x12c: {  	_ =	strace $0x8000004E  }
0x12d: {  	[spmem:s8] =	stream.linear.scatter [tilespmem:s26], [sflag:$0x9], $0x2000, $0x200038;
	[tilespmem:$0x1F000] =	vst v63  }
0x12e: {  	_ =	swait.ge [sflag:s24], $0x2000  }
0x12f: {  	[sflag:s24] =	ssyncset.done $0x0  }
0x130: {  	[sflag:s24] =	ssyncadd.s32 $0xFFFFE000  }
0x131: {  	[spmem:s10] =	stream.linear.scatter [tilespmem:s26], [sflag:$0x9], $0x2000, $0x200038;
	[tilespmem:$0x1F000] =	vst v63  }
0x132: {  	_ =	swait.ge [sflag:s24], $0x2000  }
0x133: {  	[sflag:s24] =	ssyncset.done $0x0  }
0x134: {  	[sflag:s24] =	ssyncadd.s32 $0xFFFFE000  }
0x135: {  	[spmem:s11] =	stream.linear.scatter [tilespmem:s26], [sflag:$0x9], $0x2000, $0x200038;
	[tilespmem:$0x1F000] =	vst v63  }
0x136: {  	_ =	swait.ge [sflag:s24], $0x2000  }
0x137: {  	[sflag:s24] =	ssyncset.done $0x0  }
0x138: {  	[sflag:s24] =	ssyncadd.s32 $0xFFFFE000  }
0x139: {  	[spmem:s12] =	stream.linear.scatter [tilespmem:s26], [sflag:$0x9], $0x2000, $0x200038;
	[tilespmem:$0x1F000] =	vst v63  }
0x13a: {  	_ =	swait.ge [sflag:s24], $0x2000  }
0x13b: {  	[sflag:s24] =	ssyncset.done $0x0  }
0x13c: {  	[sflag:s24] =	ssyncadd.s32 $0xFFFFE000  }
0x13d: {  	[spmem:s13] =	stream.linear.scatter [tilespmem:s26], [sflag:$0x9], $0x2000, $0x200038;
	[tilespmem:$0x1F000] =	vst v63  }
0x13e: {  	_ =	swait.ge [sflag:s24], $0x2000  }
0x13f: {  	[sflag:s24] =	ssyncset.done $0x0  }
0x140: {  	[sflag:s24] =	ssyncadd.s32 $0xFFFFE000  }
0x141: {  	[bflag:$0x0] =	sbarrier.arrive $0xFFFF  }
0x142: {  	_ =	strace $0x9000004E  }
0x143: {  	s22 =	simm.s32 $0x0;
	_ =	strace $0x8000004F  }
0x144: {  	[tilespmem:s26], [sflag:$0x1] =	stream.indirect.gather [hbm4b:s5+s28], $0x40, s22, s28, $0x2000b8;
	[tilespmem:$0x1F000] =	vst v63  }
0x145: {  	s1 =	simm.s32 $0x7000  }
0x146: {  	[tilespmem:s1], [sflag:$0x2] =	stream.indirect.gather [hbm4b:s5+s28], $0x40, s28, s28, $0x2000b8;
	[tilespmem:$0x1F000] =	vst v63  }
0x147: {  	s4 =	simm.s32 $0x100  }
0x148: {  	[tilespmem:s31], [sflag:$0x3] =	stream.indirect.gather [hbm4b:s5+s28], $0x40, s4, s28, $0x2000b8;
	[tilespmem:$0x1F000] =	vst v63  }
0x149: {  	s7 =	simm.s32 $0x180;
	s1 =	simm.s32 $0xB000  }
0x14a: {  	[tilespmem:s1], [sflag:$0x4] =	stream.indirect.gather [hbm4b:s5+s28], $0x40, s7, s28, $0x2000b8;
	[tilespmem:$0x1F000] =	vst v63  }
0x14b: {  	s9 =	simm.s32 $0x200  }
0x14c: {  	[tilespmem:s6], [sflag:$0x5] =	stream.indirect.gather [hbm4b:s5+s28], $0x40, s9, s28, $0x2000b8;
	[tilespmem:$0x1F000] =	vst v63  }
0x14d: {  	s14 =	simm.s32 $0x280;
	s16 =	simm.s32 $0xF000  }
0x14e: {  	[tilespmem:s16], [sflag:$0x6] =	stream.indirect.gather [hbm4b:s5+s28], $0x40, s14, s28, $0x2000b8;
	[tilespmem:$0x1F000] =	vst v63  }
0x14f: {  	s23 =	simm.s32 $0x300  }
0x150: {  	[tilespmem:s15], [sflag:$0x7] =	stream.indirect.gather [hbm4b:s5+s28], $0x40, s23, s28, $0x2000b8;
	[tilespmem:$0x1F000] =	vst v63  }
0x151: {  	s25 =	simm.s32 $0x380  }
0x152: {  	[tilespmem:s17], [sflag:$0x8] =	stream.indirect.gather [hbm4b:s5+s28], $0x40, s25, s28, $0x2000b8;
	[tilespmem:$0x1F000] =	vst v63  }
.LBB2_9:
0x153: {  	_ =	swait.ge [sflag:s18], $0x2000  }
0x154: {  	s0 =	sshra.s32 s22, $0x2;
	[sflag:s18] =	ssyncset.done $0x0  }
0x155: {  	s1 =	sadd.s32 $0x2800, s0;
	[sflag:s18] =	ssyncadd.s32 $0xFFFFE000  }
0x156: {  	[spmem:s3] =	stream.indirect.scatter.add.f32 [tilespmem:s26], [sflag:$0x9], $0x40, s1, s28, $0x2000b8;
	[tilespmem:$0x1F000] =	vst v63  }
0x157: {  	_ =	swait.ge [sflag:s24], $0x2000  }
0x158: {  	p0 =	seq.s32 s22, $0x9000;
	[sflag:s24] =	ssyncset.done $0x0  }
0x159: {  	s1 =	simm.s32 @p0 $0x2;
	[sflag:s24] =	ssyncadd.s32 $0xFFFFE000  }
0x15a: {  	s7 =	sshra.s32 @p0 s22, $0x2;
	_ =	swait.ge @p0 [sflag:s1], $0x2000  }
0x15b: {  	s9 =	simm.s32 @p0 $0x80;
	s4 =	simm.s32 @p0 $0x7000;
	[sflag:s1] =	ssyncset.done @p0 $0x0  }
0x15c: {  	s25 =	simm.s32 @p0 $0x9;
	[sflag:s1] =	ssyncadd.s32 @p0 $0xFFFFE000;
	s1 =	sadd.s32 @p0 $0x2880, s7  }
0x15d: {  	[spmem:s3] =	stream.indirect.scatter.add.f32 @p0 [tilespmem:s4], [sflag:$0x9], $0x40, s1, s9, $0x2000b8;
	[tilespmem:$0x1F000] =	vst v63  }
0x15e: {  	_ =	swait.ge @p0 [sflag:s25], $0x2000  }
0x15f: {  	s23 =	sshra.s32 @!p0 s22, $0x2;
	s14 =	simm.s32 @!p0 $0x5000;
	[sflag:s25] =	ssyncset.done @p0 $0x0  }
0x160: {  	s4 =	sadd.s32 @!p0 $0x400, s23;
	s1 =	simm.s32 @!p0 $0x80;
	[sflag:s25] =	ssyncadd.s32 @p0 $0xFFFFE000  }
0x161: {  	[tilespmem:s14], [sflag:$0x1] =	stream.indirect.gather @!p0 [hbm4b:s5+s1], $0x40, s4, s1, $0x2000b8;
	[tilespmem:$0x1F000] =	vst v63  }
0x162: {  	s4 =	simm.s32 @!p0 $0x2  }
0x163: {  	_ =	swait.ge @!p0 [sflag:s4], $0x2000  }
0x164: {  	s16 =	simm.s32 @!p0 $0x7000;
	[sflag:s4] =	ssyncset.done @!p0 $0x0  }
0x165: {  	s14 =	simm.s32 @!p0 $0x9;
	[sflag:s4] =	ssyncadd.s32 @!p0 $0xFFFFE000;
	s4 =	sadd.s32 @!p0 $0x2880, s23  }
0x166: {  	[spmem:s3] =	stream.indirect.scatter.add.f32 @!p0 [tilespmem:s16], [sflag:$0x9], $0x40, s4, s1, $0x2000b8;
	[tilespmem:$0x1F000] =	vst v63  }
0x167: {  	_ =	swait.ge @!p0 [sflag:s14], $0x2000  }
0x168: {  	[sflag:s14] =	ssyncset.done @!p0 $0x0  }
0x169: {  	s4 =	sadd.s32 @!p0 $0x480, s23;
	[sflag:s14] =	ssyncadd.s32 @!p0 $0xFFFFE000  }
0x16a: {  	[tilespmem:s16], [sflag:$0x2] =	stream.indirect.gather @!p0 [hbm4b:s5+s1], $0x40, s4, s1, $0x2000b8;
	[tilespmem:$0x1F000] =	vst v63  }
0x16b: {  	_ =	swait.ge [sflag:s19], $0x2000  }
0x16c: {  	[sflag:s19] =	ssyncset.done $0x0  }
0x16d: {  	s16 =	sadd.s32 $0x2900, s0;
	[sflag:s19] =	ssyncadd.s32 $0xFFFFE000  }
0x16e: {  	[spmem:s3] =	stream.indirect.scatter.add.f32 [tilespmem:s31], [sflag:$0x9], $0x40, s16, s28, $0x2000b8;
	[tilespmem:$0x1F000] =	vst v63  }
0x16f: {  	_ =	swait.ge [sflag:s24], $0x2000  }
0x170: {  	[sflag:s24] =	ssyncset.done $0x0  }
0x171: {  	s4 =	simm.s32 @p0 $0x4;
	[sflag:s24] =	ssyncadd.s32 $0xFFFFE000  }
0x172: {  	_ =	swait.ge @p0 [sflag:s4], $0x2000  }
0x173: {  	[sflag:s4] =	ssyncset.done @p0 $0x0  }
0x174: {  	s16 =	simm.s32 @p0 $0xB000;
	[sflag:s4] =	ssyncadd.s32 @p0 $0xFFFFE000;
	s4 =	sadd.s32 @p0 $0x2980, s7  }
0x175: {  	[spmem:s3] =	stream.indirect.scatter.add.f32 @p0 [tilespmem:s16], [sflag:$0x9], $0x40, s4, s9, $0x2000b8;
	[tilespmem:$0x1F000] =	vst v63  }
0x176: {  	_ =	swait.ge @p0 [sflag:s25], $0x2000  }
0x177: {  	[sflag:s25] =	ssyncset.done @p0 $0x0  }
0x178: {  	s4 =	sadd.s32 @!p0 $0x500, s23;
	s16 =	simm.s32 @!p0 $0x9000;
	[sflag:s25] =	ssyncadd.s32 @p0 $0xFFFFE000  }
0x179: {  	[tilespmem:s16], [sflag:$0x3] =	stream.indirect.gather @!p0 [hbm4b:s5+s1], $0x40, s4, s1, $0x2000b8;
	[tilespmem:$0x1F000] =	vst v63  }
0x17a: {  	s4 =	simm.s32 @!p0 $0x4  }
0x17b: {  	_ =	swait.ge @!p0 [sflag:s4], $0x2000  }
0x17c: {  	[sflag:s4] =	ssyncset.done @!p0 $0x0  }
0x17d: {  	s16 =	simm.s32 @!p0 $0xB000;
	[sflag:s4] =	ssyncadd.s32 @!p0 $0xFFFFE000;
	s4 =	sadd.s32 @!p0 $0x2980, s23  }
0x17e: {  	[spmem:s3] =	stream.indirect.scatter.add.f32 @!p0 [tilespmem:s16], [sflag:$0x9], $0x40, s4, s1, $0x2000b8;
	[tilespmem:$0x1F000] =	vst v63  }
0x17f: {  	_ =	swait.ge @!p0 [sflag:s14], $0x2000  }
0x180: {  	[sflag:s14] =	ssyncset.done @!p0 $0x0  }
0x181: {  	s4 =	sadd.s32 @!p0 $0x580, s23;
	[sflag:s14] =	ssyncadd.s32 @!p0 $0xFFFFE000  }
0x182: {  	[tilespmem:s16], [sflag:$0x4] =	stream.indirect.gather @!p0 [hbm4b:s5+s1], $0x40, s4, s1, $0x2000b8;
	[tilespmem:$0x1F000] =	vst v63  }
0x183: {  	_ =	swait.ge [sflag:s29], $0x2000  }
0x184: {  	[sflag:s29] =	ssyncset.done $0x0  }
0x185: {  	s16 =	sadd.s32 $0x2A00, s0;
	[sflag:s29] =	ssyncadd.s32 $0xFFFFE000  }
0x186: {  	[spmem:s3] =	stream.indirect.scatter.add.f32 [tilespmem:s6], [sflag:$0x9], $0x40, s16, s28, $0x2000b8;
	[tilespmem:$0x1F000] =	vst v63  }
0x187: {  	_ =	swait.ge [sflag:s24], $0x2000  }
0x188: {  	[sflag:s24] =	ssyncset.done $0x0  }
0x189: {  	s4 =	simm.s32 @p0 $0x6;
	[sflag:s24] =	ssyncadd.s32 $0xFFFFE000  }
0x18a: {  	_ =	swait.ge @p0 [sflag:s4], $0x2000  }
0x18b: {  	[sflag:s4] =	ssyncset.done @p0 $0x0  }
0x18c: {  	[sflag:s4] =	ssyncadd.s32 @p0 $0xFFFFE000;
	s4 =	sadd.s32 @p0 $0x2A80, s7;
	s7 =	simm.s32 @p0 $0xF000  }
0x18d: {  	[spmem:s3] =	stream.indirect.scatter.add.f32 @p0 [tilespmem:s7], [sflag:$0x9], $0x40, s4, s9, $0x2000b8;
	[tilespmem:$0x1F000] =	vst v63  }
0x18e: {  	_ =	swait.ge @p0 [sflag:s25], $0x2000  }
0x18f: {  	[sflag:s25] =	ssyncset.done @p0 $0x0  }
0x190: {  	s4 =	sadd.s32 @!p0 $0x600, s23;
	s7 =	simm.s32 @!p0 $0xD000;
	[sflag:s25] =	ssyncadd.s32 @p0 $0xFFFFE000  }
0x191: {  	[tilespmem:s7], [sflag:$0x5] =	stream.indirect.gather @!p0 [hbm4b:s5+s1], $0x40, s4, s1, $0x2000b8;
	[tilespmem:$0x1F000] =	vst v63  }
0x192: {  	s4 =	simm.s32 @!p0 $0x6  }
0x193: {  	_ =	swait.ge @!p0 [sflag:s4], $0x2000  }
0x194: {  	[sflag:s4] =	ssyncset.done @!p0 $0x0  }
0x195: {  	s7 =	simm.s32 @!p0 $0xF000;
	[sflag:s4] =	ssyncadd.s32 @!p0 $0xFFFFE000;
	s4 =	sadd.s32 @!p0 $0x2A80, s23  }
0x196: {  	[spmem:s3] =	stream.indirect.scatter.add.f32 @!p0 [tilespmem:s7], [sflag:$0x9], $0x40, s4, s1, $0x2000b8;
	[tilespmem:$0x1F000] =	vst v63  }
0x197: {  	_ =	swait.ge @!p0 [sflag:s14], $0x2000  }
0x198: {  	[sflag:s14] =	ssyncset.done @!p0 $0x0  }
0x199: {  	s4 =	sadd.s32 @!p0 $0x680, s23;
	[sflag:s14] =	ssyncadd.s32 @!p0 $0xFFFFE000  }
0x19a: {  	[tilespmem:s7], [sflag:$0x6] =	stream.indirect.gather @!p0 [hbm4b:s5+s1], $0x40, s4, s1, $0x2000b8;
	[tilespmem:$0x1F000] =	vst v63  }
0x19b: {  	_ =	swait.ge [sflag:s20], $0x2000  }
0x19c: {  	[sflag:s20] =	ssyncset.done $0x0  }
.Ltmp6:
0x19d: {  	s25 =	sadd.s32 $0x2B00, s0;
	[sflag:s20] =	ssyncadd.s32 $0xFFFFE000;
	(pc) =	sbr.rel @p0 .LBB2_11-.Ltmp6, $4  }
0x19e: {  	[spmem:s3] =	stream.indirect.scatter.add.f32 [tilespmem:s15], [sflag:$0x9], $0x40, s25, s28, $0x2000b8;
	[tilespmem:$0x1F000] =	vst v63  }
0x19f: {  	_ =	swait.ge [sflag:s24], $0x2000  }
0x1a0: {  	[sflag:s24] =	ssyncset.done $0x0  }
0x1a1: {  	s1 =	sadd.s32 $0x2B80, s0;
	[sflag:s24] =	ssyncadd.s32 $0xFFFFE000  }
0x1a2: {  	s4 =	sadd.s32 $0x700, s0  }
0x1a3: {  	[tilespmem:s15], [sflag:$0x7] =	stream.indirect.gather [hbm4b:s5+s28], $0x40, s4, s28, $0x2000b8;
	[tilespmem:$0x1F000] =	vst v63  }
0x1a4: {  	_ =	swait.ge [sflag:s30], $0x2000  }
0x1a5: {  	[sflag:s30] =	ssyncset.done $0x0  }
0x1a6: {  	[sflag:s30] =	ssyncadd.s32 $0xFFFFE000  }
0x1a7: {  	[spmem:s3] =	stream.indirect.scatter.add.f32 [tilespmem:s17], [sflag:$0x9], $0x40, s1, s28, $0x2000b8;
	[tilespmem:$0x1F000] =	vst v63  }
.Ltmp7:
0x1a8: {  	_ = 	snop;
	(pc) =	sbr.rel .LBB2_9-.Ltmp7, $4  }
0x1a9: {  	_ =	swait.ge [sflag:s24], $0x2000  }
0x1aa: {  	[sflag:s24] =	ssyncset.done $0x0  }
0x1ab: {  	s25 =	sadd.s32 $0x780, s0;
	s22 =	sadd.s32 $0x1000, s22;
	[sflag:s24] =	ssyncadd.s32 $0xFFFFE000  }
0x1ac: {  	[tilespmem:s17], [sflag:$0x8] =	stream.indirect.gather [hbm4b:s5+s28], $0x40, s25, s28, $0x2000b8;
	[tilespmem:$0x1F000] =	vst v63  }
.LBB2_12:
0x1ad: {  	_ =	sfence.sel $0x180000  }
0x1ae: {  	[bflag:$0x0] =	sbarrier.arrive $0xFFFF  }
0x1af: {  	_ =	strace $0x90000047  }
0x1b0: {  	s0 =	stileid.u32;
	[bflag:$0x2] =	sbarrier.arrive $0xFFFF  }
0x1b1: {  	p0 =	sne.s32 s0, $0x0;
	s0 =	rddreg [dreg:$0x3]  }
0x1b2: {  	s0 =	sadd.s32 @!p0 $0x100000, s0  }
0x1b3: {  	[sflag:s0] =	ssyncadd.tile.s32 @!p0 $0x1;
	_ =	shalt  }
.Lfunc_end2:
_tile_overlayer_lowered:
.L_overlay_start_2:
0x1b4: {  	(tag) =	ssettag $0x2  }
0x1b5: {  	s0 =	rddreg [dreg:$0x0];
	s2 =	stileid.u32  }
0x1b6: {  	s1 =	rddreg [dreg:$0x1];
	p0 =	sne.s32 s2, $0x0  }
0x1b7: {  	s3 =	rddreg [dreg:$0x2];
	[bflag:$0x3] =	sbarrier.arrive $0xFFFF;
	s2 =	simm.s32 @!p0 $0x1C09  }
0x1b8: {  	[timem:s3], [sflag:s2] =	dma.local @!p0 [hbm:s0], s1  }
0x1b9: {  	s0 =	simm.s32 @!p0 $0x9  }
0x1ba: {  	_ =	swait.ge @!p0 [sflag:s0], s1  }
0x1bb: {  	s1 =	ssub.s32 @!p0 $0x0, s1;
	[sflag:s0] =	ssyncset.done @!p0 $0x0  }
0x1bc: {  	[sflag:s0] =	ssyncadd.s32 @!p0 s1  }
0x1bd: {  	[bflag:$0x3] =	sbarrier.arrive $0xFFFF  }
0x1be: {  	_ =	shalt  }

</sc_bundles>
